<compile_context>
chip_gen: v7x
topology: tpu7x:2x2x1
jax: 0.10.2.dev20260603
libtpu: 0.0.44.dev20260713+nightly
codegen_flags: <defaults>
</compile_context>

<pallas_src>
import functools

import jax
import jax.numpy as jnp
from jax import lax
from jax.experimental import pallas as pl
from jax.experimental.pallas import tpu as pltpu
from jax.experimental.pallas import tpu_sc as plsc

B = 16384
E = 64
P = 10
N = 50
W = 64
NC = 2
NS = 16
NW = NC * NS
BPW = B // NW
CHUNK = 8
NCHUNK = BPW // CHUNK


def _sc_scores_body(wids_hbm, cent_hbm, out_e_hbm, scores_hbm,
                    cent_v, idx_v0, idx_v1, rows_v0, rows_v1, scores_v,
                    sem0, sem1):
    idx_v = (idx_v0, idx_v1)
    rows_v = (rows_v0, rows_v1)
    sem = (sem0, sem1)
    wid = lax.axis_index("s") * NC + lax.axis_index("c")
    base = wid * BPW

    pltpu.sync_copy(cent_hbm.at[pl.ds(base, BPW), :], cent_v)

    iota = lax.iota(jnp.int32, 16)

    def fire(c, q):
        eb = base + c * CHUNK
        pltpu.sync_copy(wids_hbm.at[pl.ds(eb * W, CHUNK * W)], idx_v[q])
        pltpu.async_copy(out_e_hbm.at[idx_v[q]], rows_v[q], sem[q])

    def compute(c, q):
        lbase = c * CHUNK
        eb = base + lbase
        pltpu.make_async_copy(out_e_hbm.at[idx_v[q]], rows_v[q], sem[q]).wait()

        def elem_body(j, inner):
            l = lbase + j
            row0 = j * W
            vrow = [cent_v[l, pl.ds(k * 16, 16)] for k in range(4)]
            for g in range(4):
                accv = jnp.zeros((16,), jnp.float32)
                for t in range(16):
                    w = g * 16 + t
                    p = None
                    for k in range(4):
                        u = rows_v[q][row0 + w, pl.ds(k * 16, 16)]
                        uk = u * vrow[k]
                        p = uk if p is None else p + uk
                    s = jnp.sum(p)
                    accv = jnp.where(iota == t, s, accv)
                scores_v[j, pl.ds(g * 16, 16)] = accv
            return inner

        lax.fori_loop(0, CHUNK, elem_body, 0)
        pltpu.sync_copy(scores_v, scores_hbm.at[pl.ds(eb, CHUNK), :])

    fire(0, 0)

    def pair_body(h, carry):
        c = h * 2
        fire(c + 1, 1)
        compute(c, 0)

        @pl.when(h + 1 < NCHUNK // 2)
        def _():
            fire(c + 2, 0)
        compute(c + 1, 1)
        return carry

    lax.fori_loop(0, NCHUNK // 2, pair_body, 0)


def _make_sc_scores():
    mesh = plsc.VectorSubcoreMesh(
        core_axis_name="c", subcore_axis_name="s",
        num_cores=NC, num_subcores=NS)
    return pl.kernel(
        _sc_scores_body,
        out_type=jax.ShapeDtypeStruct((B, W), jnp.float32),
        mesh=mesh,
        compiler_params=pltpu.CompilerParams(
            needs_layout_passes=False, use_tc_tiling_on_sc=False),
        scratch_types=[
            pltpu.VMEM((BPW, E), jnp.float32),
            pltpu.VMEM((CHUNK * W,), jnp.int32),
            pltpu.VMEM((CHUNK * W,), jnp.int32),
            pltpu.VMEM((CHUNK * W, E), jnp.float32),
            pltpu.VMEM((CHUNK * W, E), jnp.float32),
            pltpu.VMEM((CHUNK, W), jnp.float32),
            pltpu.SemaphoreType.DMA,
            pltpu.SemaphoreType.DMA,
        ],
    )


def _tc_loss_body(s_ref, o_ref):
    s = s_ref[...]
    col = lax.broadcasted_iota(jnp.int32, s.shape, 1)
    x = jnp.where(col < P, s, -s)
    ls = jax.nn.log_sigmoid(x)
    ls = jnp.where(col < P + N, ls, 0.0)
    o_ref[...] = -jnp.sum(ls, axis=1)


def _tc_loss(scores):
    blk = 2048
    return pl.pallas_call(
        _tc_loss_body,
        grid=(B // blk,),
        in_specs=[pl.BlockSpec((blk, W), lambda i: (i, 0))],
        out_specs=pl.BlockSpec((blk,), lambda i: (i,)),
        out_shape=jax.ShapeDtypeStruct((B,), jnp.float32),
    )(scores)


@jax.jit
def kernel(center_word, target_word, negative_word, in_embed, out_embed):
    npad = W - P - N
    pad = (jnp.arange(B, dtype=jnp.int32)[:, None] * npad
           + jnp.arange(npad, dtype=jnp.int32)[None, :]) % (B * npad)
    wids = jnp.concatenate(
        [target_word.astype(jnp.int32),
         negative_word.astype(jnp.int32), pad], axis=1).reshape(-1)
    cent = jnp.take(in_embed, center_word.astype(jnp.int32), axis=0,
                    mode="clip")
    scores = _make_sc_scores()(wids, cent, out_embed)
    return _tc_loss(scores)

# --- scband reference (transcript-rebuilt; emitter-appended) ---
"""Pipeline reference for scband-sgns-16088947491552 (READ-ONLY COPY).

The authoritative reference and input builder live on the scoring server;
editing this copy changes nothing except your own understanding.
"""

import jax, jax.numpy as jnp
import numpy as np

B = 16384
V = 1000000
E = 64
P = 10
N = 50

def setup_inputs(seed: int = 0) -> dict:
    key = jax.random.key(seed)
    k0, k1, k2, k3, k4 = jax.random.split(key, 5)
    center_word = jax.random.randint(k0, (B,), 0, V)
    target_word = jax.random.randint(k1, (B, P), 0, V)
    negative_word = jax.random.randint(k2, (B, N), 0, V)
    init_scale = 0.5 / E
    in_embed = jax.random.uniform(k3, (V, E), dtype=jnp.float32, minval=-init_scale, maxval=init_scale)
    out_embed = jax.random.uniform(k4, (V, E), dtype=jnp.float32, minval=-init_scale, maxval=init_scale)
    return {"center_word": center_word, "target_word": target_word, "negative_word": negative_word, "in_embed": in_embed, "out_embed": out_embed}

def reference(center_word, target_word, negative_word, in_embed, out_embed):
    emb_v = jnp.take(in_embed, center_word, axis=0)          # [B, E]
    emb_u = jnp.take(out_embed, target_word, axis=0)         # [B, P, E]
    emb_neg = jnp.take(out_embed, negative_word, axis=0)     # [B, N, E]
    # bmm(emb_u, emb_v.unsqueeze(2)).squeeze(2)
    pos_score = jnp.einsum('bpe,be->bp', emb_u, emb_v)       # [B, P]
    neg_score = jnp.einsum('bne,be->bn', emb_neg, emb_v)     # [B, N]
    log_pos = jax.nn.log_sigmoid(pos_score).sum(axis=1)      # [B]
    log_neg = jax.nn.log_sigmoid(-1.0 * neg_score).sum(axis=1)  # [B]
    loss = log_pos + log_neg
    return -loss

if __name__ == "__main__":
    import jax
    _d = setup_inputs()
    print(jax.jit(kernel)(*tuple(_d.values())))

</pallas_src>

<mosaic_0001>
#map = affine_map<(d0, d1) -> (0)>
#map1 = affine_map<(d0, d1) -> (0, 0)>
module attributes {stable_mosaic.version = 14 : i64} {
  func.func @_sc_scores_body(%arg0: i32, %arg1: i32, %arg2: memref<1048576xi32, #tpu.memory_space<hbm>>, %arg3: memref<16384x64xf32, #tpu.memory_space<hbm>>, %arg4: memref<1000000x64xf32, #tpu.memory_space<hbm>>, %arg5: memref<16384x64xf32, #tpu.memory_space<hbm>>, %arg6: memref<512x64xf32, #tpu.memory_space<vmem>>, %arg7: memref<512xi32, #tpu.memory_space<vmem>>, %arg8: memref<512xi32, #tpu.memory_space<vmem>>, %arg9: memref<512x64xf32, #tpu.memory_space<vmem>>, %arg10: memref<512x64xf32, #tpu.memory_space<vmem>>, %arg11: memref<8x64xf32, #tpu.memory_space<vmem>>, %arg12: memref<!tpu.dma_semaphore, #tpu.memory_space<semaphore_mem>>, %arg13: memref<!tpu.dma_semaphore, #tpu.memory_space<semaphore_mem>>) attributes {dimension_semantics = [#tpu.dimension_semantics<core_parallel>, #tpu.dimension_semantics<subcore_parallel>], iteration_bounds = array<i64: 2, 16>, scalar_prefetch = 0 : i64, scratch_operands = 8 : i64, tpu.core_type = #tpu.core_type<sc_vector_subcore>, window_params = [{transform_indices = #map}, {transform_indices = #map1}, {transform_indices = #map1}, {transform_indices = #map1}]} {
    %mul3A = arith.constant 2 : i32
    %mul3A_0 = arith.muli %arg1, %mul3A : i32
    %add3A = arith.addi %mul3A_0, %arg0 : i32
    %mul3A_1 = arith.constant 512 : i32
    %mul3A_2 = arith.muli %add3A, %mul3A_1 : i32
    "tpu.region"() ({
      %run_scoped3A = tpu.sem_alloc : memref<!tpu.dma_semaphore, #tpu.memory_space<semaphore_mem>>
      %dma_start3A_14 = arith.constant 0 : i32
      %dma_start3A_15 = tpu.memref_slice %arg3[%mul3A_2, %dma_start3A_14] : memref<16384x64xf32, #tpu.memory_space<hbm>> -> memref<512x64xf32, #tpu.memory_space<hbm>>
      %dma_start3A_16 = arith.constant 0 : i32
      %dma_start3A_17 = tpu.memref_slice %arg3[%mul3A_2, %dma_start3A_16] : memref<16384x64xf32, #tpu.memory_space<hbm>> -> memref<512x64xf32, #tpu.memory_space<hbm>>
      tpu.enqueue_dma source(%dma_start3A_17 : memref<512x64xf32, #tpu.memory_space<hbm>>) target(%arg6 : memref<512x64xf32, #tpu.memory_space<vmem>>) target_semaphore(%run_scoped3A : memref<!tpu.dma_semaphore, #tpu.memory_space<semaphore_mem>>)
      %dma_wait3A = arith.constant 0 : i32
      %dma_wait3A_18 = tpu.memref_slice %arg3[%mul3A_2, %dma_wait3A] : memref<16384x64xf32, #tpu.memory_space<hbm>> -> memref<512x64xf32, #tpu.memory_space<hbm>>
      %dma_wait3A_19 = arith.constant 0 : i32
      %dma_wait3A_20 = tpu.memref_slice %arg3[%mul3A_2, %dma_wait3A_19] : memref<16384x64xf32, #tpu.memory_space<hbm>> -> memref<512x64xf32, #tpu.memory_space<hbm>>
      tpu.wait_dma2 semaphore(%run_scoped3A : memref<!tpu.dma_semaphore, #tpu.memory_space<semaphore_mem>>) src(%dma_wait3A_20 : memref<512x64xf32, #tpu.memory_space<hbm>>) dst(%arg6 : memref<512x64xf32, #tpu.memory_space<vmem>>)
      tpu.yield
    }) : () -> ()
    %iota3A = tpu.iota {dimensions = array<i32: 0>} : vector<16xi32>
    %add3A_3 = arith.constant 0 : i32
    %add3A_4 = arith.addi %mul3A_2, %add3A_3 : i32
    %mul3A_5 = arith.constant 64 : i32
    %mul3A_6 = arith.muli %add3A_4, %mul3A_5 : i32
    "tpu.region"() ({
      %run_scoped3A = tpu.sem_alloc : memref<!tpu.dma_semaphore, #tpu.memory_space<semaphore_mem>>
      %dma_start3A_14 = tpu.memref_slice %arg2[%mul3A_6] : memref<1048576xi32, #tpu.memory_space<hbm>> -> memref<512xi32, #tpu.memory_space<hbm>>
      %dma_start3A_15 = tpu.memref_slice %arg2[%mul3A_6] : memref<1048576xi32, #tpu.memory_space<hbm>> -> memref<512xi32, #tpu.memory_space<hbm>>
      tpu.enqueue_dma source(%dma_start3A_15 : memref<512xi32, #tpu.memory_space<hbm>>) target(%arg7 : memref<512xi32, #tpu.memory_space<vmem>>) target_semaphore(%run_scoped3A : memref<!tpu.dma_semaphore, #tpu.memory_space<semaphore_mem>>)
      %dma_wait3A = tpu.memref_slice %arg2[%mul3A_6] : memref<1048576xi32, #tpu.memory_space<hbm>> -> memref<512xi32, #tpu.memory_space<hbm>>
      %dma_wait3A_16 = tpu.memref_slice %arg2[%mul3A_6] : memref<1048576xi32, #tpu.memory_space<hbm>> -> memref<512xi32, #tpu.memory_space<hbm>>
      tpu.wait_dma2 semaphore(%run_scoped3A : memref<!tpu.dma_semaphore, #tpu.memory_space<semaphore_mem>>) src(%dma_wait3A_16 : memref<512xi32, #tpu.memory_space<hbm>>) dst(%arg7 : memref<512xi32, #tpu.memory_space<vmem>>)
      tpu.yield
    }) : () -> ()
    %dma_start3A = arith.constant 0 : i32
    %dma_start3A_7 = arith.constant 0 : i32
    %dma_start3A_8 = tpu.memref_slice %arg4[%dma_start3A, %dma_start3A_7] : memref<1000000x64xf32, #tpu.memory_space<hbm>> -> memref<1000000x64xf32, #tpu.memory_space<hbm>>
    tpu.enqueue_indirect_dma source(%dma_start3A_8 : memref<1000000x64xf32, #tpu.memory_space<hbm>>) target(%arg9 : memref<512x64xf32, #tpu.memory_space<vmem>>) offsets(%arg7 : memref<512xi32, #tpu.memory_space<vmem>>) semaphore(%arg12 : memref<!tpu.dma_semaphore, #tpu.memory_space<semaphore_mem>>)
    %scan3A = arith.constant 0 : i32
    %scan3A_9 = arith.constant 0 : i32
    %scan3A_10 = arith.constant 32 : i32
    %scan3A_11 = arith.addi %scan3A_9, %scan3A_10 : i32
    %scan3A_12 = arith.constant 1 : i32
    scf.for %scan3A_14 = %scan3A_9 to %scan3A_11 step %scan3A_12  : i32 {
      %mul3A_15 = arith.constant 2 : i32
      %mul3A_16 = arith.muli %scan3A_14, %mul3A_15 : i32
      %add3A_17 = arith.constant 1 : i32
      %add3A_18 = arith.addi %mul3A_16, %add3A_17 : i32
      %mul3A_19 = arith.constant 8 : i32
      %mul3A_20 = arith.muli %add3A_18, %mul3A_19 : i32
      %add3A_21 = arith.addi %mul3A_2, %mul3A_20 : i32
      %mul3A_22 = arith.constant 64 : i32
      %mul3A_23 = arith.muli %add3A_21, %mul3A_22 : i32
      "tpu.region"() ({
        %run_scoped3A = tpu.sem_alloc : memref<!tpu.dma_semaphore, #tpu.memory_space<semaphore_mem>>
        %dma_start3A_56 = tpu.memref_slice %arg2[%mul3A_23] : memref<1048576xi32, #tpu.memory_space<hbm>> -> memref<512xi32, #tpu.memory_space<hbm>>
        %dma_start3A_57 = tpu.memref_slice %arg2[%mul3A_23] : memref<1048576xi32, #tpu.memory_space<hbm>> -> memref<512xi32, #tpu.memory_space<hbm>>
        tpu.enqueue_dma source(%dma_start3A_57 : memref<512xi32, #tpu.memory_space<hbm>>) target(%arg8 : memref<512xi32, #tpu.memory_space<vmem>>) target_semaphore(%run_scoped3A : memref<!tpu.dma_semaphore, #tpu.memory_space<semaphore_mem>>)
        %dma_wait3A_58 = tpu.memref_slice %arg2[%mul3A_23] : memref<1048576xi32, #tpu.memory_space<hbm>> -> memref<512xi32, #tpu.memory_space<hbm>>
        %dma_wait3A_59 = tpu.memref_slice %arg2[%mul3A_23] : memref<1048576xi32, #tpu.memory_space<hbm>> -> memref<512xi32, #tpu.memory_space<hbm>>
        tpu.wait_dma2 semaphore(%run_scoped3A : memref<!tpu.dma_semaphore, #tpu.memory_space<semaphore_mem>>) src(%dma_wait3A_59 : memref<512xi32, #tpu.memory_space<hbm>>) dst(%arg8 : memref<512xi32, #tpu.memory_space<vmem>>)
        tpu.yield
      }) : () -> ()
      %dma_start3A_24 = arith.constant 0 : i32
      %dma_start3A_25 = arith.constant 0 : i32
      %dma_start3A_26 = tpu.memref_slice %arg4[%dma_start3A_24, %dma_start3A_25] : memref<1000000x64xf32, #tpu.memory_space<hbm>> -> memref<1000000x64xf32, #tpu.memory_space<hbm>>
      tpu.enqueue_indirect_dma source(%dma_start3A_26 : memref<1000000x64xf32, #tpu.memory_space<hbm>>) target(%arg10 : memref<512x64xf32, #tpu.memory_space<vmem>>) offsets(%arg8 : memref<512xi32, #tpu.memory_space<vmem>>) semaphore(%arg13 : memref<!tpu.dma_semaphore, #tpu.memory_space<semaphore_mem>>)
      %mul3A_27 = arith.constant 8 : i32
      %mul3A_28 = arith.muli %mul3A_16, %mul3A_27 : i32
      %add3A_29 = arith.addi %mul3A_2, %mul3A_28 : i32
      %dma_wait3A = arith.constant 0 : i32
      %dma_wait3A_30 = arith.constant 0 : i32
      %dma_wait3A_31 = tpu.memref_slice %arg4[%dma_wait3A, %dma_wait3A_30] : memref<1000000x64xf32, #tpu.memory_space<hbm>> -> memref<1000000x64xf32, #tpu.memory_space<hbm>>
      tpu.wait_indirect_dma semaphore(%arg12 : memref<!tpu.dma_semaphore, #tpu.memory_space<semaphore_mem>>) src(%dma_wait3A_31 : memref<1000000x64xf32, #tpu.memory_space<hbm>>) dst(%arg9 : memref<512x64xf32, #tpu.memory_space<vmem>>)
      %scan3A_32 = arith.constant 0 : i32
      %scan3A_33 = arith.constant 0 : i32
      %scan3A_34 = arith.constant 8 : i32
      %scan3A_35 = arith.addi %scan3A_33, %scan3A_34 : i32
      %scan3A_36 = arith.constant 1 : i32
      scf.for %scan3A_56 = %scan3A_33 to %scan3A_35 step %scan3A_36  : i32 {
        %add3A_57 = arith.addi %mul3A_28, %scan3A_56 : i32
        %mul3A_58 = arith.constant 64 : i32
        %mul3A_59 = arith.muli %scan3A_56, %mul3A_58 : i32
        %get3A = arith.index_cast %add3A_57 : i32 to index
        %get3A_60 = arith.constant 0 : index
        %get3A_61 = tpu.vector_load %arg6[%get3A, %get3A_60] {strides = array<i32>} : memref<512x64xf32, #tpu.memory_space<vmem>>, vector<16xf32>,
        %get3A_62 = arith.index_cast %add3A_57 : i32 to index
        %get3A_63 = arith.constant 16 : index
        %get3A_64 = tpu.vector_load %arg6[%get3A_62, %get3A_63] {strides = array<i32>} : memref<512x64xf32, #tpu.memory_space<vmem>>, vector<16xf32>,
        %get3A_65 = arith.index_cast %add3A_57 : i32 to index
        %get3A_66 = arith.constant 32 : index
        %get3A_67 = tpu.vector_load %arg6[%get3A_65, %get3A_66] {strides = array<i32>} : memref<512x64xf32, #tpu.memory_space<vmem>>, vector<16xf32>,
        %get3A_68 = arith.index_cast %add3A_57 : i32 to index
        %get3A_69 = arith.constant 48 : index
        %get3A_70 = tpu.vector_load %arg6[%get3A_68, %get3A_69] {strides = array<i32>} : memref<512x64xf32, #tpu.memory_space<vmem>>, vector<16xf32>,
        %broadcast_in_dim3A = arith.constant 0.000000e+00 : f32
        %broadcast_in_dim3A_71 = vector.broadcast %broadcast_in_dim3A : f32 to vector<16xf32>
        %add3A_72 = arith.constant 0 : i32
        %add3A_73 = arith.addi %mul3A_59, %add3A_72 : i32
        %get3A_74 = arith.index_cast %add3A_73 : i32 to index
        %get3A_75 = arith.constant 0 : index
        %get3A_76 = tpu.vector_load %arg9[%get3A_74, %get3A_75] {strides = array<i32>} : memref<512x64xf32, #tpu.memory_space<vmem>>, vector<16xf32>,
        %mul3A_77 = arith.mulf %get3A_76, %get3A_61 : vector<16xf32>
        %add3A_78 = arith.constant 0 : i32
        %add3A_79 = arith.addi %mul3A_59, %add3A_78 : i32
        %get3A_80 = arith.index_cast %add3A_79 : i32 to index
        %get3A_81 = arith.constant 16 : index
        %get3A_82 = tpu.vector_load %arg9[%get3A_80, %get3A_81] {strides = array<i32>} : memref<512x64xf32, #tpu.memory_space<vmem>>, vector<16xf32>,
        %mul3A_83 = arith.mulf %get3A_82, %get3A_64 : vector<16xf32>
        %add3A_84 = arith.addf %mul3A_77, %mul3A_83 : vector<16xf32>
        %add3A_85 = arith.constant 0 : i32
        %add3A_86 = arith.addi %mul3A_59, %add3A_85 : i32
        %get3A_87 = arith.index_cast %add3A_86 : i32 to index
        %get3A_88 = arith.constant 32 : index
        %get3A_89 = tpu.vector_load %arg9[%get3A_87, %get3A_88] {strides = array<i32>} : memref<512x64xf32, #tpu.memory_space<vmem>>, vector<16xf32>,
        %mul3A_90 = arith.mulf %get3A_89, %get3A_67 : vector<16xf32>
        %add3A_91 = arith.addf %add3A_84, %mul3A_90 : vector<16xf32>
        %add3A_92 = arith.constant 0 : i32
        %add3A_93 = arith.addi %mul3A_59, %add3A_92 : i32
        %get3A_94 = arith.index_cast %add3A_93 : i32 to index
        %get3A_95 = arith.constant 48 : index
        %get3A_96 = tpu.vector_load %arg9[%get3A_94, %get3A_95] {strides = array<i32>} : memref<512x64xf32, #tpu.memory_space<vmem>>, vector<16xf32>,
        %mul3A_97 = arith.mulf %get3A_96, %get3A_70 : vector<16xf32>
        %add3A_98 = arith.addf %add3A_91, %mul3A_97 : vector<16xf32>
        %reduce_sum3A = arith.constant true
        %reduce_sum3A_99 = vector.broadcast %reduce_sum3A : i1 to vector<16xi1>
        %reduce_sum3A_100 = tpu.scan <sum>, %add3A_98 masked %reduce_sum3A_99 : vector<16xf32>, vector<16xi1> -> vector<16xf32>
        %reduce_sum3A_101 = vector.extract %reduce_sum3A_100[15] : f32 from vector<16xf32>
        %eq3A = arith.constant 0 : i32
        %eq3A_102 = vector.broadcast %eq3A : i32 to vector<16xi32>
        %eq3A_103 = arith.cmpi eq, %iota3A, %eq3A_102 : vector<16xi32>
        %broadcast_in_dim3A_104 = vector.broadcast %reduce_sum3A_101 : f32 to vector<16xf32>
        %select_n3A = arith.select %eq3A_103, %broadcast_in_dim3A_104, %broadcast_in_dim3A_71 : vector<16xi1>, vector<16xf32>
        %add3A_105 = arith.constant 1 : i32
        %add3A_106 = arith.addi %mul3A_59, %add3A_105 : i32
        %get3A_107 = arith.index_cast %add3A_106 : i32 to index
        %get3A_108 = arith.constant 0 : index
        %get3A_109 = tpu.vector_load %arg9[%get3A_107, %get3A_108] {strides = array<i32>} : memref<512x64xf32, #tpu.memory_space<vmem>>, vector<16xf32>,
        %mul3A_110 = arith.mulf %get3A_109, %get3A_61 : vector<16xf32>
        %add3A_111 = arith.constant 1 : i32
        %add3A_112 = arith.addi %mul3A_59, %add3A_111 : i32
        %get3A_113 = arith.index_cast %add3A_112 : i32 to index
        %get3A_114 = arith.constant 16 : index
        %get3A_115 = tpu.vector_load %arg9[%get3A_113, %get3A_114] {strides = array<i32>} : memref<512x64xf32, #tpu.memory_space<vmem>>, vector<16xf32>,
        %mul3A_116 = arith.mulf %get3A_115, %get3A_64 : vector<16xf32>
        %add3A_117 = arith.addf %mul3A_110, %mul3A_116 : vector<16xf32>
        %add3A_118 = arith.constant 1 : i32
        %add3A_119 = arith.addi %mul3A_59, %add3A_118 : i32
        %get3A_120 = arith.index_cast %add3A_119 : i32 to index
        %get3A_121 = arith.constant 32 : index
        %get3A_122 = tpu.vector_load %arg9[%get3A_120, %get3A_121] {strides = array<i32>} : memref<512x64xf32, #tpu.memory_space<vmem>>, vector<16xf32>,
        %mul3A_123 = arith.mulf %get3A_122, %get3A_67 : vector<16xf32>
        %add3A_124 = arith.addf %add3A_117, %mul3A_123 : vector<16xf32>
        %add3A_125 = arith.constant 1 : i32
        %add3A_126 = arith.addi %mul3A_59, %add3A_125 : i32
        %get3A_127 = arith.index_cast %add3A_126 : i32 to index
        %get3A_128 = arith.constant 48 : index
        %get3A_129 = tpu.vector_load %arg9[%get3A_127, %get3A_128] {strides = array<i32>} : memref<512x64xf32, #tpu.memory_space<vmem>>, vector<16xf32>,
        %mul3A_130 = arith.mulf %get3A_129, %get3A_70 : vector<16xf32>
        %add3A_131 = arith.addf %add3A_124, %mul3A_130 : vector<16xf32>
        %reduce_sum3A_132 = arith.constant true
        %reduce_sum3A_133 = vector.broadcast %reduce_sum3A_132 : i1 to vector<16xi1>
        %reduce_sum3A_134 = tpu.scan <sum>, %add3A_131 masked %reduce_sum3A_133 : vector<16xf32>, vector<16xi1> -> vector<16xf32>
        %reduce_sum3A_135 = vector.extract %reduce_sum3A_134[15] : f32 from vector<16xf32>
        %eq3A_136 = arith.constant 1 : i32
        %eq3A_137 = vector.broadcast %eq3A_136 : i32 to vector<16xi32>
        %eq3A_138 = arith.cmpi eq, %iota3A, %eq3A_137 : vector<16xi32>
        %broadcast_in_dim3A_139 = vector.broadcast %reduce_sum3A_135 : f32 to vector<16xf32>
        %select_n3A_140 = arith.select %eq3A_138, %broadcast_in_dim3A_139, %select_n3A : vector<16xi1>, vector<16xf32>
        %add3A_141 = arith.constant 2 : i32
        %add3A_142 = arith.addi %mul3A_59, %add3A_141 : i32
        %get3A_143 = arith.index_cast %add3A_142 : i32 to index
        %get3A_144 = arith.constant 0 : index
        %get3A_145 = tpu.vector_load %arg9[%get3A_143, %get3A_144] {strides = array<i32>} : memref<512x64xf32, #tpu.memory_space<vmem>>, vector<16xf32>,
        %mul3A_146 = arith.mulf %get3A_145, %get3A_61 : vector<16xf32>
        %add3A_147 = arith.constant 2 : i32
        %add3A_148 = arith.addi %mul3A_59, %add3A_147 : i32
        %get3A_149 = arith.index_cast %add3A_148 : i32 to index
        %get3A_150 = arith.constant 16 : index
        %get3A_151 = tpu.vector_load %arg9[%get3A_149, %get3A_150] {strides = array<i32>} : memref<512x64xf32, #tpu.memory_space<vmem>>, vector<16xf32>,
        %mul3A_152 = arith.mulf %get3A_151, %get3A_64 : vector<16xf32>
        %add3A_153 = arith.addf %mul3A_146, %mul3A_152 : vector<16xf32>
        %add3A_154 = arith.constant 2 : i32
        %add3A_155 = arith.addi %mul3A_59, %add3A_154 : i32
        %get3A_156 = arith.index_cast %add3A_155 : i32 to index
        %get3A_157 = arith.constant 32 : index
        %get3A_158 = tpu.vector_load %arg9[%get3A_156, %get3A_157] {strides = array<i32>} : memref<512x64xf32, #tpu.memory_space<vmem>>, vector<16xf32>,
        %mul3A_159 = arith.mulf %get3A_158, %get3A_67 : vector<16xf32>
        %add3A_160 = arith.addf %add3A_153, %mul3A_159 : vector<16xf32>
        %add3A_161 = arith.constant 2 : i32
        %add3A_162 = arith.addi %mul3A_59, %add3A_161 : i32
        %get3A_163 = arith.index_cast %add3A_162 : i32 to index
        %get3A_164 = arith.constant 48 : index
        %get3A_165 = tpu.vector_load %arg9[%get3A_163, %get3A_164] {strides = array<i32>} : memref<512x64xf32, #tpu.memory_space<vmem>>, vector<16xf32>,
        %mul3A_166 = arith.mulf %get3A_165, %get3A_70 : vector<16xf32>
        %add3A_167 = arith.addf %add3A_160, %mul3A_166 : vector<16xf32>
        %reduce_sum3A_168 = arith.constant true
        %reduce_sum3A_169 = vector.broadcast %reduce_sum3A_168 : i1 to vector<16xi1>
        %reduce_sum3A_170 = tpu.scan <sum>, %add3A_167 masked %reduce_sum3A_169 : vector<16xf32>, vector<16xi1> -> vector<16xf32>
        %reduce_sum3A_171 = vector.extract %reduce_sum3A_170[15] : f32 from vector<16xf32>
        %eq3A_172 = arith.constant 2 : i32
        %eq3A_173 = vector.broadcast %eq3A_172 : i32 to vector<16xi32>
        %eq3A_174 = arith.cmpi eq, %iota3A, %eq3A_173 : vector<16xi32>
        %broadcast_in_dim3A_175 = vector.broadcast %reduce_sum3A_171 : f32 to vector<16xf32>
        %select_n3A_176 = arith.select %eq3A_174, %broadcast_in_dim3A_175, %select_n3A_140 : vector<16xi1>, vector<16xf32>
        %add3A_177 = arith.constant 3 : i32
        %add3A_178 = arith.addi %mul3A_59, %add3A_177 : i32
        %get3A_179 = arith.index_cast %add3A_178 : i32 to index
        %get3A_180 = arith.constant 0 : index
        %get3A_181 = tpu.vector_load %arg9[%get3A_179, %get3A_180] {strides = array<i32>} : memref<512x64xf32, #tpu.memory_space<vmem>>, vector<16xf32>,
        %mul3A_182 = arith.mulf %get3A_181, %get3A_61 : vector<16xf32>
        %add3A_183 = arith.constant 3 : i32
        %add3A_184 = arith.addi %mul3A_59, %add3A_183 : i32
        %get3A_185 = arith.index_cast %add3A_184 : i32 to index
        %get3A_186 = arith.constant 16 : index
        %get3A_187 = tpu.vector_load %arg9[%get3A_185, %get3A_186] {strides = array<i32>} : memref<512x64xf32, #tpu.memory_space<vmem>>, vector<16xf32>,
        %mul3A_188 = arith.mulf %get3A_187, %get3A_64 : vector<16xf32>
        %add3A_189 = arith.addf %mul3A_182, %mul3A_188 : vector<16xf32>
        %add3A_190 = arith.constant 3 : i32
        %add3A_191 = arith.addi %mul3A_59, %add3A_190 : i32
        %get3A_192 = arith.index_cast %add3A_191 : i32 to index
        %get3A_193 = arith.constant 32 : index
        %get3A_194 = tpu.vector_load %arg9[%get3A_192, %get3A_193] {strides = array<i32>} : memref<512x64xf32, #tpu.memory_space<vmem>>, vector<16xf32>,
        %mul3A_195 = arith.mulf %get3A_194, %get3A_67 : vector<16xf32>
        %add3A_196 = arith.addf %add3A_189, %mul3A_195 : vector<16xf32>
        %add3A_197 = arith.constant 3 : i32
        %add3A_198 = arith.addi %mul3A_59, %add3A_197 : i32
        %get3A_199 = arith.index_cast %add3A_198 : i32 to index
        %get3A_200 = arith.constant 48 : index
        %get3A_201 = tpu.vector_load %arg9[%get3A_199, %get3A_200] {strides = array<i32>} : memref<512x64xf32, #tpu.memory_space<vmem>>, vector<16xf32>,
        %mul3A_202 = arith.mulf %get3A_201, %get3A_70 : vector<16xf32>
        %add3A_203 = arith.addf %add3A_196, %mul3A_202 : vector<16xf32>
        %reduce_sum3A_204 = arith.constant true
        %reduce_sum3A_205 = vector.broadcast %reduce_sum3A_204 : i1 to vector<16xi1>
        %reduce_sum3A_206 = tpu.scan <sum>, %add3A_203 masked %reduce_sum3A_205 : vector<16xf32>, vector<16xi1> -> vector<16xf32>
        %reduce_sum3A_207 = vector.extract %reduce_sum3A_206[15] : f32 from vector<16xf32>
        %eq3A_208 = arith.constant 3 : i32
        %eq3A_209 = vector.broadcast %eq3A_208 : i32 to vector<16xi32>
        %eq3A_210 = arith.cmpi eq, %iota3A, %eq3A_209 : vector<16xi32>
        %broadcast_in_dim3A_211 = vector.broadcast %reduce_sum3A_207 : f32 to vector<16xf32>
        %select_n3A_212 = arith.select %eq3A_210, %broadcast_in_dim3A_211, %select_n3A_176 : vector<16xi1>, vector<16xf32>
        %add3A_213 = arith.constant 4 : i32
        %add3A_214 = arith.addi %mul3A_59, %add3A_213 : i32
        %get3A_215 = arith.index_cast %add3A_214 : i32 to index
        %get3A_216 = arith.constant 0 : index
        %get3A_217 = tpu.vector_load %arg9[%get3A_215, %get3A_216] {strides = array<i32>} : memref<512x64xf32, #tpu.memory_space<vmem>>, vector<16xf32>,
        %mul3A_218 = arith.mulf %get3A_217, %get3A_61 : vector<16xf32>
        %add3A_219 = arith.constant 4 : i32
        %add3A_220 = arith.addi %mul3A_59, %add3A_219 : i32
        %get3A_221 = arith.index_cast %add3A_220 : i32 to index
        %get3A_222 = arith.constant 16 : index
        %get3A_223 = tpu.vector_load %arg9[%get3A_221, %get3A_222] {strides = array<i32>} : memref<512x64xf32, #tpu.memory_space<vmem>>, vector<16xf32>,
        %mul3A_224 = arith.mulf %get3A_223, %get3A_64 : vector<16xf32>
        %add3A_225 = arith.addf %mul3A_218, %mul3A_224 : vector<16xf32>
        %add3A_226 = arith.constant 4 : i32
        %add3A_227 = arith.addi %mul3A_59, %add3A_226 : i32
        %get3A_228 = arith.index_cast %add3A_227 : i32 to index
        %get3A_229 = arith.constant 32 : index
        %get3A_230 = tpu.vector_load %arg9[%get3A_228, %get3A_229] {strides = array<i32>} : memref<512x64xf32, #tpu.memory_space<vmem>>, vector<16xf32>,
        %mul3A_231 = arith.mulf %get3A_230, %get3A_67 : vector<16xf32>
        %add3A_232 = arith.addf %add3A_225, %mul3A_231 : vector<16xf32>
        %add3A_233 = arith.constant 4 : i32
        %add3A_234 = arith.addi %mul3A_59, %add3A_233 : i32
        %get3A_235 = arith.index_cast %add3A_234 : i32 to index
        %get3A_236 = arith.constant 48 : index
        %get3A_237 = tpu.vector_load %arg9[%get3A_235, %get3A_236] {strides = array<i32>} : memref<512x64xf32, #tpu.memory_space<vmem>>, vector<16xf32>,
        %mul3A_238 = arith.mulf %get3A_237, %get3A_70 : vector<16xf32>
        %add3A_239 = arith.addf %add3A_232, %mul3A_238 : vector<16xf32>
        %reduce_sum3A_240 = arith.constant true
        %reduce_sum3A_241 = vector.broadcast %reduce_sum3A_240 : i1 to vector<16xi1>
        %reduce_sum3A_242 = tpu.scan <sum>, %add3A_239 masked %reduce_sum3A_241 : vector<16xf32>, vector<16xi1> -> vector<16xf32>
        %reduce_sum3A_243 = vector.extract %reduce_sum3A_242[15] : f32 from vector<16xf32>
        %eq3A_244 = arith.constant 4 : i32
        %eq3A_245 = vector.broadcast %eq3A_244 : i32 to vector<16xi32>
        %eq3A_246 = arith.cmpi eq, %iota3A, %eq3A_245 : vector<16xi32>
        %broadcast_in_dim3A_247 = vector.broadcast %reduce_sum3A_243 : f32 to vector<16xf32>
        %select_n3A_248 = arith.select %eq3A_246, %broadcast_in_dim3A_247, %select_n3A_212 : vector<16xi1>, vector<16xf32>
        %add3A_249 = arith.constant 5 : i32
        %add3A_250 = arith.addi %mul3A_59, %add3A_249 : i32
        %get3A_251 = arith.index_cast %add3A_250 : i32 to index
        %get3A_252 = arith.constant 0 : index
        %get3A_253 = tpu.vector_load %arg9[%get3A_251, %get3A_252] {strides = array<i32>} : memref<512x64xf32, #tpu.memory_space<vmem>>, vector<16xf32>,
        %mul3A_254 = arith.mulf %get3A_253, %get3A_61 : vector<16xf32>
        %add3A_255 = arith.constant 5 : i32
        %add3A_256 = arith.addi %mul3A_59, %add3A_255 : i32
        %get3A_257 = arith.index_cast %add3A_256 : i32 to index
        %get3A_258 = arith.constant 16 : index
        %get3A_259 = tpu.vector_load %arg9[%get3A_257, %get3A_258] {strides = array<i32>} : memref<512x64xf32, #tpu.memory_space<vmem>>, vector<16xf32>,
        %mul3A_260 = arith.mulf %get3A_259, %get3A_64 : vector<16xf32>
        %add3A_261 = arith.addf %mul3A_254, %mul3A_260 : vector<16xf32>
        %add3A_262 = arith.constant 5 : i32
        %add3A_263 = arith.addi %mul3A_59, %add3A_262 : i32
        %get3A_264 = arith.index_cast %add3A_263 : i32 to index
        %get3A_265 = arith.constant 32 : index
        %get3A_266 = tpu.vector_load %arg9[%get3A_264, %get3A_265] {strides = array<i32>} : memref<512x64xf32, #tpu.memory_space<vmem>>, vector<16xf32>,
        %mul3A_267 = arith.mulf %get3A_266, %get3A_67 : vector<16xf32>
        %add3A_268 = arith.addf %add3A_261, %mul3A_267 : vector<16xf32>
        %add3A_269 = arith.constant 5 : i32
        %add3A_270 = arith.addi %mul3A_59, %add3A_269 : i32
        %get3A_271 = arith.index_cast %add3A_270 : i32 to index
        %get3A_272 = arith.constant 48 : index
        %get3A_273 = tpu.vector_load %arg9[%get3A_271, %get3A_272] {strides = array<i32>} : memref<512x64xf32, #tpu.memory_space<vmem>>, vector<16xf32>,
        %mul3A_274 = arith.mulf %get3A_273, %get3A_70 : vector<16xf32>
        %add3A_275 = arith.addf %add3A_268, %mul3A_274 : vector<16xf32>
        %reduce_sum3A_276 = arith.constant true
        %reduce_sum3A_277 = vector.broadcast %reduce_sum3A_276 : i1 to vector<16xi1>
        %reduce_sum3A_278 = tpu.scan <sum>, %add3A_275 masked %reduce_sum3A_277 : vector<16xf32>, vector<16xi1> -> vector<16xf32>
        %reduce_sum3A_279 = vector.extract %reduce_sum3A_278[15] : f32 from vector<16xf32>
        %eq3A_280 = arith.constant 5 : i32
        %eq3A_281 = vector.broadcast %eq3A_280 : i32 to vector<16xi32>
        %eq3A_282 = arith.cmpi eq, %iota3A, %eq3A_281 : vector<16xi32>
        %broadcast_in_dim3A_283 = vector.broadcast %reduce_sum3A_279 : f32 to vector<16xf32>
        %select_n3A_284 = arith.select %eq3A_282, %broadcast_in_dim3A_283, %select_n3A_248 : vector<16xi1>, vector<16xf32>
        %add3A_285 = arith.constant 6 : i32
        %add3A_286 = arith.addi %mul3A_59, %add3A_285 : i32
        %get3A_287 = arith.index_cast %add3A_286 : i32 to index
        %get3A_288 = arith.constant 0 : index
        %get3A_289 = tpu.vector_load %arg9[%get3A_287, %get3A_288] {strides = array<i32>} : memref<512x64xf32, #tpu.memory_space<vmem>>, vector<16xf32>,
        %mul3A_290 = arith.mulf %get3A_289, %get3A_61 : vector<16xf32>
        %add3A_291 = arith.constant 6 : i32
        %add3A_292 = arith.addi %mul3A_59, %add3A_291 : i32
        %get3A_293 = arith.index_cast %add3A_292 : i32 to index
        %get3A_294 = arith.constant 16 : index
        %get3A_295 = tpu.vector_load %arg9[%get3A_293, %get3A_294] {strides = array<i32>} : memref<512x64xf32, #tpu.memory_space<vmem>>, vector<16xf32>,
        %mul3A_296 = arith.mulf %get3A_295, %get3A_64 : vector<16xf32>
        %add3A_297 = arith.addf %mul3A_290, %mul3A_296 : vector<16xf32>
        %add3A_298 = arith.constant 6 : i32
        %add3A_299 = arith.addi %mul3A_59, %add3A_298 : i32
        %get3A_300 = arith.index_cast %add3A_299 : i32 to index
        %get3A_301 = arith.constant 32 : index
        %get3A_302 = tpu.vector_load %arg9[%get3A_300, %get3A_301] {strides = array<i32>} : memref<512x64xf32, #tpu.memory_space<vmem>>, vector<16xf32>,
        %mul3A_303 = arith.mulf %get3A_302, %get3A_67 : vector<16xf32>
        %add3A_304 = arith.addf %add3A_297, %mul3A_303 : vector<16xf32>
        %add3A_305 = arith.constant 6 : i32
        %add3A_306 = arith.addi %mul3A_59, %add3A_305 : i32
        %get3A_307 = arith.index_cast %add3A_306 : i32 to index
        %get3A_308 = arith.constant 48 : index
        %get3A_309 = tpu.vector_load %arg9[%get3A_307, %get3A_308] {strides = array<i32>} : memref<512x64xf32, #tpu.memory_space<vmem>>, vector<16xf32>,
        %mul3A_310 = arith.mulf %get3A_309, %get3A_70 : vector<16xf32>
        %add3A_311 = arith.addf %add3A_304, %mul3A_310 : vector<16xf32>
        %reduce_sum3A_312 = arith.constant true
        %reduce_sum3A_313 = vector.broadcast %reduce_sum3A_312 : i1 to vector<16xi1>
        %reduce_sum3A_314 = tpu.scan <sum>, %add3A_311 masked %reduce_sum3A_313 : vector<16xf32>, vector<16xi1> -> vector<16xf32>
        %reduce_sum3A_315 = vector.extract %reduce_sum3A_314[15] : f32 from vector<16xf32>
        %eq3A_316 = arith.constant 6 : i32
        %eq3A_317 = vector.broadcast %eq3A_316 : i32 to vector<16xi32>
        %eq3A_318 = arith.cmpi eq, %iota3A, %eq3A_317 : vector<16xi32>
        %broadcast_in_dim3A_319 = vector.broadcast %reduce_sum3A_315 : f32 to vector<16xf32>
        %select_n3A_320 = arith.select %eq3A_318, %broadcast_in_dim3A_319, %select_n3A_284 : vector<16xi1>, vector<16xf32>
        %add3A_321 = arith.constant 7 : i32
        %add3A_322 = arith.addi %mul3A_59, %add3A_321 : i32
        %get3A_323 = arith.index_cast %add3A_322 : i32 to index
        %get3A_324 = arith.constant 0 : index
        %get3A_325 = tpu.vector_load %arg9[%get3A_323, %get3A_324] {strides = array<i32>} : memref<512x64xf32, #tpu.memory_space<vmem>>, vector<16xf32>,
        %mul3A_326 = arith.mulf %get3A_325, %get3A_61 : vector<16xf32>
        %add3A_327 = arith.constant 7 : i32
        %add3A_328 = arith.addi %mul3A_59, %add3A_327 : i32
        %get3A_329 = arith.index_cast %add3A_328 : i32 to index
        %get3A_330 = arith.constant 16 : index
        %get3A_331 = tpu.vector_load %arg9[%get3A_329, %get3A_330] {strides = array<i32>} : memref<512x64xf32, #tpu.memory_space<vmem>>, vector<16xf32>,
        %mul3A_332 = arith.mulf %get3A_331, %get3A_64 : vector<16xf32>
        %add3A_333 = arith.addf %mul3A_326, %mul3A_332 : vector<16xf32>
        %add3A_334 = arith.constant 7 : i32
        %add3A_335 = arith.addi %mul3A_59, %add3A_334 : i32
        %get3A_336 = arith.index_cast %add3A_335 : i32 to index
        %get3A_337 = arith.constant 32 : index
        %get3A_338 = tpu.vector_load %arg9[%get3A_336, %get3A_337] {strides = array<i32>} : memref<512x64xf32, #tpu.memory_space<vmem>>, vector<16xf32>,
        %mul3A_339 = arith.mulf %get3A_338, %get3A_67 : vector<16xf32>
        %add3A_340 = arith.addf %add3A_333, %mul3A_339 : vector<16xf32>
        %add3A_341 = arith.constant 7 : i32
        %add3A_342 = arith.addi %mul3A_59, %add3A_341 : i32
        %get3A_343 = arith.index_cast %add3A_342 : i32 to index
        %get3A_344 = arith.constant 48 : index
        %get3A_345 = tpu.vector_load %arg9[%get3A_343, %get3A_344] {strides = array<i32>} : memref<512x64xf32, #tpu.memory_space<vmem>>, vector<16xf32>,
        %mul3A_346 = arith.mulf %get3A_345, %get3A_70 : vector<16xf32>
        %add3A_347 = arith.addf %add3A_340, %mul3A_346 : vector<16xf32>
        %reduce_sum3A_348 = arith.constant true
        %reduce_sum3A_349 = vector.broadcast %reduce_sum3A_348 : i1 to vector<16xi1>
        %reduce_sum3A_350 = tpu.scan <sum>, %add3A_347 masked %reduce_sum3A_349 : vector<16xf32>, vector<16xi1> -> vector<16xf32>
        %reduce_sum3A_351 = vector.extract %reduce_sum3A_350[15] : f32 from vector<16xf32>
        %eq3A_352 = arith.constant 7 : i32
        %eq3A_353 = vector.broadcast %eq3A_352 : i32 to vector<16xi32>
        %eq3A_354 = arith.cmpi eq, %iota3A, %eq3A_353 : vector<16xi32>
        %broadcast_in_dim3A_355 = vector.broadcast %reduce_sum3A_351 : f32 to vector<16xf32>
        %select_n3A_356 = arith.select %eq3A_354, %broadcast_in_dim3A_355, %select_n3A_320 : vector<16xi1>, vector<16xf32>
        %add3A_357 = arith.constant 8 : i32
        %add3A_358 = arith.addi %mul3A_59, %add3A_357 : i32
        %get3A_359 = arith.index_cast %add3A_358 : i32 to index
        %get3A_360 = arith.constant 0 : index
        %get3A_361 = tpu.vector_load %arg9[%get3A_359, %get3A_360] {strides = array<i32>} : memref<512x64xf32, #tpu.memory_space<vmem>>, vector<16xf32>,
        %mul3A_362 = arith.mulf %get3A_361, %get3A_61 : vector<16xf32>
        %add3A_363 = arith.constant 8 : i32
        %add3A_364 = arith.addi %mul3A_59, %add3A_363 : i32
        %get3A_365 = arith.index_cast %add3A_364 : i32 to index
        %get3A_366 = arith.constant 16 : index
        %get3A_367 = tpu.vector_load %arg9[%get3A_365, %get3A_366] {strides = array<i32>} : memref<512x64xf32, #tpu.memory_space<vmem>>, vector<16xf32>,
        %mul3A_368 = arith.mulf %get3A_367, %get3A_64 : vector<16xf32>
        %add3A_369 = arith.addf %mul3A_362, %mul3A_368 : vector<16xf32>
        %add3A_370 = arith.constant 8 : i32
        %add3A_371 = arith.addi %mul3A_59, %add3A_370 : i32
        %get3A_372 = arith.index_cast %add3A_371 : i32 to index
        %get3A_373 = arith.constant 32 : index
        %get3A_374 = tpu.vector_load %arg9[%get3A_372, %get3A_373] {strides = array<i32>} : memref<512x64xf32, #tpu.memory_space<vmem>>, vector<16xf32>,
        %mul3A_375 = arith.mulf %get3A_374, %get3A_67 : vector<16xf32>
        %add3A_376 = arith.addf %add3A_369, %mul3A_375 : vector<16xf32>
        %add3A_377 = arith.constant 8 : i32
        %add3A_378 = arith.addi %mul3A_59, %add3A_377 : i32
        %get3A_379 = arith.index_cast %add3A_378 : i32 to index
        %get3A_380 = arith.constant 48 : index
        %get3A_381 = tpu.vector_load %arg9[%get3A_379, %get3A_380] {strides = array<i32>} : memref<512x64xf32, #tpu.memory_space<vmem>>, vector<16xf32>,
        %mul3A_382 = arith.mulf %get3A_381, %get3A_70 : vector<16xf32>
        %add3A_383 = arith.addf %add3A_376, %mul3A_382 : vector<16xf32>
        %reduce_sum3A_384 = arith.constant true
        %reduce_sum3A_385 = vector.broadcast %reduce_sum3A_384 : i1 to vector<16xi1>
        %reduce_sum3A_386 = tpu.scan <sum>, %add3A_383 masked %reduce_sum3A_385 : vector<16xf32>, vector<16xi1> -> vector<16xf32>
        %reduce_sum3A_387 = vector.extract %reduce_sum3A_386[15] : f32 from vector<16xf32>
        %eq3A_388 = arith.constant 8 : i32
        %eq3A_389 = vector.broadcast %eq3A_388 : i32 to vector<16xi32>
        %eq3A_390 = arith.cmpi eq, %iota3A, %eq3A_389 : vector<16xi32>
        %broadcast_in_dim3A_391 = vector.broadcast %reduce_sum3A_387 : f32 to vector<16xf32>
        %select_n3A_392 = arith.select %eq3A_390, %broadcast_in_dim3A_391, %select_n3A_356 : vector<16xi1>, vector<16xf32>
        %add3A_393 = arith.constant 9 : i32
        %add3A_394 = arith.addi %mul3A_59, %add3A_393 : i32
        %get3A_395 = arith.index_cast %add3A_394 : i32 to index
        %get3A_396 = arith.constant 0 : index
        %get3A_397 = tpu.vector_load %arg9[%get3A_395, %get3A_396] {strides = array<i32>} : memref<512x64xf32, #tpu.memory_space<vmem>>, vector<16xf32>,
        %mul3A_398 = arith.mulf %get3A_397, %get3A_61 : vector<16xf32>
        %add3A_399 = arith.constant 9 : i32
        %add3A_400 = arith.addi %mul3A_59, %add3A_399 : i32
        %get3A_401 = arith.index_cast %add3A_400 : i32 to index
        %get3A_402 = arith.constant 16 : index
        %get3A_403 = tpu.vector_load %arg9[%get3A_401, %get3A_402] {strides = array<i32>} : memref<512x64xf32, #tpu.memory_space<vmem>>, vector<16xf32>,
        %mul3A_404 = arith.mulf %get3A_403, %get3A_64 : vector<16xf32>
        %add3A_405 = arith.addf %mul3A_398, %mul3A_404 : vector<16xf32>
        %add3A_406 = arith.constant 9 : i32
        %add3A_407 = arith.addi %mul3A_59, %add3A_406 : i32
        %get3A_408 = arith.index_cast %add3A_407 : i32 to index
        %get3A_409 = arith.constant 32 : index
        %get3A_410 = tpu.vector_load %arg9[%get3A_408, %get3A_409] {strides = array<i32>} : memref<512x64xf32, #tpu.memory_space<vmem>>, vector<16xf32>,
        %mul3A_411 = arith.mulf %get3A_410, %get3A_67 : vector<16xf32>
        %add3A_412 = arith.addf %add3A_405, %mul3A_411 : vector<16xf32>
        %add3A_413 = arith.constant 9 : i32
        %add3A_414 = arith.addi %mul3A_59, %add3A_413 : i32
        %get3A_415 = arith.index_cast %add3A_414 : i32 to index
        %get3A_416 = arith.constant 48 : index
        %get3A_417 = tpu.vector_load %arg9[%get3A_415, %get3A_416] {strides = array<i32>} : memref<512x64xf32, #tpu.memory_space<vmem>>, vector<16xf32>,
        %mul3A_418 = arith.mulf %get3A_417, %get3A_70 : vector<16xf32>
        %add3A_419 = arith.addf %add3A_412, %mul3A_418 : vector<16xf32>
        %reduce_sum3A_420 = arith.constant true
        %reduce_sum3A_421 = vector.broadcast %reduce_sum3A_420 : i1 to vector<16xi1>
        %reduce_sum3A_422 = tpu.scan <sum>, %add3A_419 masked %reduce_sum3A_421 : vector<16xf32>, vector<16xi1> -> vector<16xf32>
        %reduce_sum3A_423 = vector.extract %reduce_sum3A_422[15] : f32 from vector<16xf32>
        %eq3A_424 = arith.constant 9 : i32
        %eq3A_425 = vector.broadcast %eq3A_424 : i32 to vector<16xi32>
        %eq3A_426 = arith.cmpi eq, %iota3A, %eq3A_425 : vector<16xi32>
        %broadcast_in_dim3A_427 = vector.broadcast %reduce_sum3A_423 : f32 to vector<16xf32>
        %select_n3A_428 = arith.select %eq3A_426, %broadcast_in_dim3A_427, %select_n3A_392 : vector<16xi1>, vector<16xf32>
        %add3A_429 = arith.constant 10 : i32
        %add3A_430 = arith.addi %mul3A_59, %add3A_429 : i32
        %get3A_431 = arith.index_cast %add3A_430 : i32 to index
        %get3A_432 = arith.constant 0 : index
        %get3A_433 = tpu.vector_load %arg9[%get3A_431, %get3A_432] {strides = array<i32>} : memref<512x64xf32, #tpu.memory_space<vmem>>, vector<16xf32>,
        %mul3A_434 = arith.mulf %get3A_433, %get3A_61 : vector<16xf32>
        %add3A_435 = arith.constant 10 : i32
        %add3A_436 = arith.addi %mul3A_59, %add3A_435 : i32
        %get3A_437 = arith.index_cast %add3A_436 : i32 to index
        %get3A_438 = arith.constant 16 : index
        %get3A_439 = tpu.vector_load %arg9[%get3A_437, %get3A_438] {strides = array<i32>} : memref<512x64xf32, #tpu.memory_space<vmem>>, vector<16xf32>,
        %mul3A_440 = arith.mulf %get3A_439, %get3A_64 : vector<16xf32>
        %add3A_441 = arith.addf %mul3A_434, %mul3A_440 : vector<16xf32>
        %add3A_442 = arith.constant 10 : i32
        %add3A_443 = arith.addi %mul3A_59, %add3A_442 : i32
        %get3A_444 = arith.index_cast %add3A_443 : i32 to index
        %get3A_445 = arith.constant 32 : index
        %get3A_446 = tpu.vector_load %arg9[%get3A_444, %get3A_445] {strides = array<i32>} : memref<512x64xf32, #tpu.memory_space<vmem>>, vector<16xf32>,
        %mul3A_447 = arith.mulf %get3A_446, %get3A_67 : vector<16xf32>
        %add3A_448 = arith.addf %add3A_441, %mul3A_447 : vector<16xf32>
        %add3A_449 = arith.constant 10 : i32
        %add3A_450 = arith.addi %mul3A_59, %add3A_449 : i32
        %get3A_451 = arith.index_cast %add3A_450 : i32 to index
        %get3A_452 = arith.constant 48 : index
        %get3A_453 = tpu.vector_load %arg9[%get3A_451, %get3A_452] {strides = array<i32>} : memref<512x64xf32, #tpu.memory_space<vmem>>, vector<16xf32>,
        %mul3A_454 = arith.mulf %get3A_453, %get3A_70 : vector<16xf32>
        %add3A_455 = arith.addf %add3A_448, %mul3A_454 : vector<16xf32>
        %reduce_sum3A_456 = arith.constant true
        %reduce_sum3A_457 = vector.broadcast %reduce_sum3A_456 : i1 to vector<16xi1>
        %reduce_sum3A_458 = tpu.scan <sum>, %add3A_455 masked %reduce_sum3A_457 : vector<16xf32>, vector<16xi1> -> vector<16xf32>
        %reduce_sum3A_459 = vector.extract %reduce_sum3A_458[15] : f32 from vector<16xf32>
        %eq3A_460 = arith.constant 10 : i32
        %eq3A_461 = vector.broadcast %eq3A_460 : i32 to vector<16xi32>
        %eq3A_462 = arith.cmpi eq, %iota3A, %eq3A_461 : vector<16xi32>
        %broadcast_in_dim3A_463 = vector.broadcast %reduce_sum3A_459 : f32 to vector<16xf32>
        %select_n3A_464 = arith.select %eq3A_462, %broadcast_in_dim3A_463, %select_n3A_428 : vector<16xi1>, vector<16xf32>
        %add3A_465 = arith.constant 11 : i32
        %add3A_466 = arith.addi %mul3A_59, %add3A_465 : i32
        %get3A_467 = arith.index_cast %add3A_466 : i32 to index
        %get3A_468 = arith.constant 0 : index
        %get3A_469 = tpu.vector_load %arg9[%get3A_467, %get3A_468] {strides = array<i32>} : memref<512x64xf32, #tpu.memory_space<vmem>>, vector<16xf32>,
        %mul3A_470 = arith.mulf %get3A_469, %get3A_61 : vector<16xf32>
        %add3A_471 = arith.constant 11 : i32
        %add3A_472 = arith.addi %mul3A_59, %add3A_471 : i32
        %get3A_473 = arith.index_cast %add3A_472 : i32 to index
        %get3A_474 = arith.constant 16 : index
        %get3A_475 = tpu.vector_load %arg9[%get3A_473, %get3A_474] {strides = array<i32>} : memref<512x64xf32, #tpu.memory_space<vmem>>, vector<16xf32>,
        %mul3A_476 = arith.mulf %get3A_475, %get3A_64 : vector<16xf32>
        %add3A_477 = arith.addf %mul3A_470, %mul3A_476 : vector<16xf32>
        %add3A_478 = arith.constant 11 : i32
        %add3A_479 = arith.addi %mul3A_59, %add3A_478 : i32
        %get3A_480 = arith.index_cast %add3A_479 : i32 to index
        %get3A_481 = arith.constant 32 : index
        %get3A_482 = tpu.vector_load %arg9[%get3A_480, %get3A_481] {strides = array<i32>} : memref<512x64xf32, #tpu.memory_space<vmem>>, vector<16xf32>,
        %mul3A_483 = arith.mulf %get3A_482, %get3A_67 : vector<16xf32>
        %add3A_484 = arith.addf %add3A_477, %mul3A_483 : vector<16xf32>
        %add3A_485 = arith.constant 11 : i32
        %add3A_486 = arith.addi %mul3A_59, %add3A_485 : i32
        %get3A_487 = arith.index_cast %add3A_486 : i32 to index
        %get3A_488 = arith.constant 48 : index
        %get3A_489 = tpu.vector_load %arg9[%get3A_487, %get3A_488] {strides = array<i32>} : memref<512x64xf32, #tpu.memory_space<vmem>>, vector<16xf32>,
        %mul3A_490 = arith.mulf %get3A_489, %get3A_70 : vector<16xf32>
        %add3A_491 = arith.addf %add3A_484, %mul3A_490 : vector<16xf32>
        %reduce_sum3A_492 = arith.constant true
        %reduce_sum3A_493 = vector.broadcast %reduce_sum3A_492 : i1 to vector<16xi1>
        %reduce_sum3A_494 = tpu.scan <sum>, %add3A_491 masked %reduce_sum3A_493 : vector<16xf32>, vector<16xi1> -> vector<16xf32>
        %reduce_sum3A_495 = vector.extract %reduce_sum3A_494[15] : f32 from vector<16xf32>
        %eq3A_496 = arith.constant 11 : i32
        %eq3A_497 = vector.broadcast %eq3A_496 : i32 to vector<16xi32>
        %eq3A_498 = arith.cmpi eq, %iota3A, %eq3A_497 : vector<16xi32>
        %broadcast_in_dim3A_499 = vector.broadcast %reduce_sum3A_495 : f32 to vector<16xf32>
        %select_n3A_500 = arith.select %eq3A_498, %broadcast_in_dim3A_499, %select_n3A_464 : vector<16xi1>, vector<16xf32>
        %add3A_501 = arith.constant 12 : i32
        %add3A_502 = arith.addi %mul3A_59, %add3A_501 : i32
        %get3A_503 = arith.index_cast %add3A_502 : i32 to index
        %get3A_504 = arith.constant 0 : index
        %get3A_505 = tpu.vector_load %arg9[%get3A_503, %get3A_504] {strides = array<i32>} : memref<512x64xf32, #tpu.memory_space<vmem>>, vector<16xf32>,
        %mul3A_506 = arith.mulf %get3A_505, %get3A_61 : vector<16xf32>
        %add3A_507 = arith.constant 12 : i32
        %add3A_508 = arith.addi %mul3A_59, %add3A_507 : i32
        %get3A_509 = arith.index_cast %add3A_508 : i32 to index
        %get3A_510 = arith.constant 16 : index
        %get3A_511 = tpu.vector_load %arg9[%get3A_509, %get3A_510] {strides = array<i32>} : memref<512x64xf32, #tpu.memory_space<vmem>>, vector<16xf32>,
        %mul3A_512 = arith.mulf %get3A_511, %get3A_64 : vector<16xf32>
        %add3A_513 = arith.addf %mul3A_506, %mul3A_512 : vector<16xf32>
        %add3A_514 = arith.constant 12 : i32
        %add3A_515 = arith.addi %mul3A_59, %add3A_514 : i32
        %get3A_516 = arith.index_cast %add3A_515 : i32 to index
        %get3A_517 = arith.constant 32 : index
        %get3A_518 = tpu.vector_load %arg9[%get3A_516, %get3A_517] {strides = array<i32>} : memref<512x64xf32, #tpu.memory_space<vmem>>, vector<16xf32>,
        %mul3A_519 = arith.mulf %get3A_518, %get3A_67 : vector<16xf32>
        %add3A_520 = arith.addf %add3A_513, %mul3A_519 : vector<16xf32>
        %add3A_521 = arith.constant 12 : i32
        %add3A_522 = arith.addi %mul3A_59, %add3A_521 : i32
        %get3A_523 = arith.index_cast %add3A_522 : i32 to index
        %get3A_524 = arith.constant 48 : index
        %get3A_525 = tpu.vector_load %arg9[%get3A_523, %get3A_524] {strides = array<i32>} : memref<512x64xf32, #tpu.memory_space<vmem>>, vector<16xf32>,
        %mul3A_526 = arith.mulf %get3A_525, %get3A_70 : vector<16xf32>
        %add3A_527 = arith.addf %add3A_520, %mul3A_526 : vector<16xf32>
        %reduce_sum3A_528 = arith.constant true
        %reduce_sum3A_529 = vector.broadcast %reduce_sum3A_528 : i1 to vector<16xi1>
        %reduce_sum3A_530 = tpu.scan <sum>, %add3A_527 masked %reduce_sum3A_529 : vector<16xf32>, vector<16xi1> -> vector<16xf32>
        %reduce_sum3A_531 = vector.extract %reduce_sum3A_530[15] : f32 from vector<16xf32>
        %eq3A_532 = arith.constant 12 : i32
        %eq3A_533 = vector.broadcast %eq3A_532 : i32 to vector<16xi32>
        %eq3A_534 = arith.cmpi eq, %iota3A, %eq3A_533 : vector<16xi32>
        %broadcast_in_dim3A_535 = vector.broadcast %reduce_sum3A_531 : f32 to vector<16xf32>
        %select_n3A_536 = arith.select %eq3A_534, %broadcast_in_dim3A_535, %select_n3A_500 : vector<16xi1>, vector<16xf32>
        %add3A_537 = arith.constant 13 : i32
        %add3A_538 = arith.addi %mul3A_59, %add3A_537 : i32
        %get3A_539 = arith.index_cast %add3A_538 : i32 to index
        %get3A_540 = arith.constant 0 : index
        %get3A_541 = tpu.vector_load %arg9[%get3A_539, %get3A_540] {strides = array<i32>} : memref<512x64xf32, #tpu.memory_space<vmem>>, vector<16xf32>,
        %mul3A_542 = arith.mulf %get3A_541, %get3A_61 : vector<16xf32>
        %add3A_543 = arith.constant 13 : i32
        %add3A_544 = arith.addi %mul3A_59, %add3A_543 : i32
        %get3A_545 = arith.index_cast %add3A_544 : i32 to index
        %get3A_546 = arith.constant 16 : index
        %get3A_547 = tpu.vector_load %arg9[%get3A_545, %get3A_546] {strides = array<i32>} : memref<512x64xf32, #tpu.memory_space<vmem>>, vector<16xf32>,
        %mul3A_548 = arith.mulf %get3A_547, %get3A_64 : vector<16xf32>
        %add3A_549 = arith.addf %mul3A_542, %mul3A_548 : vector<16xf32>
        %add3A_550 = arith.constant 13 : i32
        %add3A_551 = arith.addi %mul3A_59, %add3A_550 : i32
        %get3A_552 = arith.index_cast %add3A_551 : i32 to index
        %get3A_553 = arith.constant 32 : index
        %get3A_554 = tpu.vector_load %arg9[%get3A_552, %get3A_553] {strides = array<i32>} : memref<512x64xf32, #tpu.memory_space<vmem>>, vector<16xf32>,
        %mul3A_555 = arith.mulf %get3A_554, %get3A_67 : vector<16xf32>
        %add3A_556 = arith.addf %add3A_549, %mul3A_555 : vector<16xf32>
        %add3A_557 = arith.constant 13 : i32
        %add3A_558 = arith.addi %mul3A_59, %add3A_557 : i32
        %get3A_559 = arith.index_cast %add3A_558 : i32 to index
        %get3A_560 = arith.constant 48 : index
        %get3A_561 = tpu.vector_load %arg9[%get3A_559, %get3A_560] {strides = array<i32>} : memref<512x64xf32, #tpu.memory_space<vmem>>, vector<16xf32>,
        %mul3A_562 = arith.mulf %get3A_561, %get3A_70 : vector<16xf32>
        %add3A_563 = arith.addf %add3A_556, %mul3A_562 : vector<16xf32>
        %reduce_sum3A_564 = arith.constant true
        %reduce_sum3A_565 = vector.broadcast %reduce_sum3A_564 : i1 to vector<16xi1>
        %reduce_sum3A_566 = tpu.scan <sum>, %add3A_563 masked %reduce_sum3A_565 : vector<16xf32>, vector<16xi1> -> vector<16xf32>
        %reduce_sum3A_567 = vector.extract %reduce_sum3A_566[15] : f32 from vector<16xf32>
        %eq3A_568 = arith.constant 13 : i32
        %eq3A_569 = vector.broadcast %eq3A_568 : i32 to vector<16xi32>
        %eq3A_570 = arith.cmpi eq, %iota3A, %eq3A_569 : vector<16xi32>
        %broadcast_in_dim3A_571 = vector.broadcast %reduce_sum3A_567 : f32 to vector<16xf32>
        %select_n3A_572 = arith.select %eq3A_570, %broadcast_in_dim3A_571, %select_n3A_536 : vector<16xi1>, vector<16xf32>
        %add3A_573 = arith.constant 14 : i32
        %add3A_574 = arith.addi %mul3A_59, %add3A_573 : i32
        %get3A_575 = arith.index_cast %add3A_574 : i32 to index
        %get3A_576 = arith.constant 0 : index
        %get3A_577 = tpu.vector_load %arg9[%get3A_575, %get3A_576] {strides = array<i32>} : memref<512x64xf32, #tpu.memory_space<vmem>>, vector<16xf32>,
        %mul3A_578 = arith.mulf %get3A_577, %get3A_61 : vector<16xf32>
        %add3A_579 = arith.constant 14 : i32
        %add3A_580 = arith.addi %mul3A_59, %add3A_579 : i32
        %get3A_581 = arith.index_cast %add3A_580 : i32 to index
        %get3A_582 = arith.constant 16 : index
        %get3A_583 = tpu.vector_load %arg9[%get3A_581, %get3A_582] {strides = array<i32>} : memref<512x64xf32, #tpu.memory_space<vmem>>, vector<16xf32>,
        %mul3A_584 = arith.mulf %get3A_583, %get3A_64 : vector<16xf32>
        %add3A_585 = arith.addf %mul3A_578, %mul3A_584 : vector<16xf32>
        %add3A_586 = arith.constant 14 : i32
        %add3A_587 = arith.addi %mul3A_59, %add3A_586 : i32
        %get3A_588 = arith.index_cast %add3A_587 : i32 to index
        %get3A_589 = arith.constant 32 : index
        %get3A_590 = tpu.vector_load %arg9[%get3A_588, %get3A_589] {strides = array<i32>} : memref<512x64xf32, #tpu.memory_space<vmem>>, vector<16xf32>,
        %mul3A_591 = arith.mulf %get3A_590, %get3A_67 : vector<16xf32>
        %add3A_592 = arith.addf %add3A_585, %mul3A_591 : vector<16xf32>
        %add3A_593 = arith.constant 14 : i32
        %add3A_594 = arith.addi %mul3A_59, %add3A_593 : i32
        %get3A_595 = arith.index_cast %add3A_594 : i32 to index
        %get3A_596 = arith.constant 48 : index
        %get3A_597 = tpu.vector_load %arg9[%get3A_595, %get3A_596] {strides = array<i32>} : memref<512x64xf32, #tpu.memory_space<vmem>>, vector<16xf32>,
        %mul3A_598 = arith.mulf %get3A_597, %get3A_70 : vector<16xf32>
        %add3A_599 = arith.addf %add3A_592, %mul3A_598 : vector<16xf32>
        %reduce_sum3A_600 = arith.constant true
        %reduce_sum3A_601 = vector.broadcast %reduce_sum3A_600 : i1 to vector<16xi1>
        %reduce_sum3A_602 = tpu.scan <sum>, %add3A_599 masked %reduce_sum3A_601 : vector<16xf32>, vector<16xi1> -> vector<16xf32>
        %reduce_sum3A_603 = vector.extract %reduce_sum3A_602[15] : f32 from vector<16xf32>
        %eq3A_604 = arith.constant 14 : i32
        %eq3A_605 = vector.broadcast %eq3A_604 : i32 to vector<16xi32>
        %eq3A_606 = arith.cmpi eq, %iota3A, %eq3A_605 : vector<16xi32>
        %broadcast_in_dim3A_607 = vector.broadcast %reduce_sum3A_603 : f32 to vector<16xf32>
        %select_n3A_608 = arith.select %eq3A_606, %broadcast_in_dim3A_607, %select_n3A_572 : vector<16xi1>, vector<16xf32>
        %add3A_609 = arith.constant 15 : i32
        %add3A_610 = arith.addi %mul3A_59, %add3A_609 : i32
        %get3A_611 = arith.index_cast %add3A_610 : i32 to index
        %get3A_612 = arith.constant 0 : index
        %get3A_613 = tpu.vector_load %arg9[%get3A_611, %get3A_612] {strides = array<i32>} : memref<512x64xf32, #tpu.memory_space<vmem>>, vector<16xf32>,
        %mul3A_614 = arith.mulf %get3A_613, %get3A_61 : vector<16xf32>
        %add3A_615 = arith.constant 15 : i32
        %add3A_616 = arith.addi %mul3A_59, %add3A_615 : i32
        %get3A_617 = arith.index_cast %add3A_616 : i32 to index
        %get3A_618 = arith.constant 16 : index
        %get3A_619 = tpu.vector_load %arg9[%get3A_617, %get3A_618] {strides = array<i32>} : memref<512x64xf32, #tpu.memory_space<vmem>>, vector<16xf32>,
        %mul3A_620 = arith.mulf %get3A_619, %get3A_64 : vector<16xf32>
        %add3A_621 = arith.addf %mul3A_614, %mul3A_620 : vector<16xf32>
        %add3A_622 = arith.constant 15 : i32
        %add3A_623 = arith.addi %mul3A_59, %add3A_622 : i32
        %get3A_624 = arith.index_cast %add3A_623 : i32 to index
        %get3A_625 = arith.constant 32 : index
        %get3A_626 = tpu.vector_load %arg9[%get3A_624, %get3A_625] {strides = array<i32>} : memref<512x64xf32, #tpu.memory_space<vmem>>, vector<16xf32>,
        %mul3A_627 = arith.mulf %get3A_626, %get3A_67 : vector<16xf32>
        %add3A_628 = arith.addf %add3A_621, %mul3A_627 : vector<16xf32>
        %add3A_629 = arith.constant 15 : i32
        %add3A_630 = arith.addi %mul3A_59, %add3A_629 : i32
        %get3A_631 = arith.index_cast %add3A_630 : i32 to index
        %get3A_632 = arith.constant 48 : index
        %get3A_633 = tpu.vector_load %arg9[%get3A_631, %get3A_632] {strides = array<i32>} : memref<512x64xf32, #tpu.memory_space<vmem>>, vector<16xf32>,
        %mul3A_634 = arith.mulf %get3A_633, %get3A_70 : vector<16xf32>
        %add3A_635 = arith.addf %add3A_628, %mul3A_634 : vector<16xf32>
        %reduce_sum3A_636 = arith.constant true
        %reduce_sum3A_637 = vector.broadcast %reduce_sum3A_636 : i1 to vector<16xi1>
        %reduce_sum3A_638 = tpu.scan <sum>, %add3A_635 masked %reduce_sum3A_637 : vector<16xf32>, vector<16xi1> -> vector<16xf32>
        %reduce_sum3A_639 = vector.extract %reduce_sum3A_638[15] : f32 from vector<16xf32>
        %eq3A_640 = arith.constant 15 : i32
        %eq3A_641 = vector.broadcast %eq3A_640 : i32 to vector<16xi32>
        %eq3A_642 = arith.cmpi eq, %iota3A, %eq3A_641 : vector<16xi32>
        %broadcast_in_dim3A_643 = vector.broadcast %reduce_sum3A_639 : f32 to vector<16xf32>
        %select_n3A_644 = arith.select %eq3A_642, %broadcast_in_dim3A_643, %select_n3A_608 : vector<16xi1>, vector<16xf32>
        %swap3A = arith.index_cast %scan3A_56 : i32 to index
        %swap3A_645 = arith.constant 0 : index
        %swap3A_646 = tpu.vector_load %arg11[%swap3A, %swap3A_645] {strides = array<i32>} : memref<8x64xf32, #tpu.memory_space<vmem>>, vector<16xf32>,
        tpu.vector_store %arg11[%swap3A, %swap3A_645], %select_n3A_644 {strides = array<i32>} : memref<8x64xf32, #tpu.memory_space<vmem>>, vector<16xf32>,
        %broadcast_in_dim3A_647 = arith.constant 0.000000e+00 : f32
        %broadcast_in_dim3A_648 = vector.broadcast %broadcast_in_dim3A_647 : f32 to vector<16xf32>
        %add3A_649 = arith.constant 16 : i32
        %add3A_650 = arith.addi %mul3A_59, %add3A_649 : i32
        %get3A_651 = arith.index_cast %add3A_650 : i32 to index
        %get3A_652 = arith.constant 0 : index
        %get3A_653 = tpu.vector_load %arg9[%get3A_651, %get3A_652] {strides = array<i32>} : memref<512x64xf32, #tpu.memory_space<vmem>>, vector<16xf32>,
        %mul3A_654 = arith.mulf %get3A_653, %get3A_61 : vector<16xf32>
        %add3A_655 = arith.constant 16 : i32
        %add3A_656 = arith.addi %mul3A_59, %add3A_655 : i32
        %get3A_657 = arith.index_cast %add3A_656 : i32 to index
        %get3A_658 = arith.constant 16 : index
        %get3A_659 = tpu.vector_load %arg9[%get3A_657, %get3A_658] {strides = array<i32>} : memref<512x64xf32, #tpu.memory_space<vmem>>, vector<16xf32>,
        %mul3A_660 = arith.mulf %get3A_659, %get3A_64 : vector<16xf32>
        %add3A_661 = arith.addf %mul3A_654, %mul3A_660 : vector<16xf32>
        %add3A_662 = arith.constant 16 : i32
        %add3A_663 = arith.addi %mul3A_59, %add3A_662 : i32
        %get3A_664 = arith.index_cast %add3A_663 : i32 to index
        %get3A_665 = arith.constant 32 : index
        %get3A_666 = tpu.vector_load %arg9[%get3A_664, %get3A_665] {strides = array<i32>} : memref<512x64xf32, #tpu.memory_space<vmem>>, vector<16xf32>,
        %mul3A_667 = arith.mulf %get3A_666, %get3A_67 : vector<16xf32>
        %add3A_668 = arith.addf %add3A_661, %mul3A_667 : vector<16xf32>
        %add3A_669 = arith.constant 16 : i32
        %add3A_670 = arith.addi %mul3A_59, %add3A_669 : i32
        %get3A_671 = arith.index_cast %add3A_670 : i32 to index
        %get3A_672 = arith.constant 48 : index
        %get3A_673 = tpu.vector_load %arg9[%get3A_671, %get3A_672] {strides = array<i32>} : memref<512x64xf32, #tpu.memory_space<vmem>>, vector<16xf32>,
        %mul3A_674 = arith.mulf %get3A_673, %get3A_70 : vector<16xf32>
        %add3A_675 = arith.addf %add3A_668, %mul3A_674 : vector<16xf32>
        %reduce_sum3A_676 = arith.constant true
        %reduce_sum3A_677 = vector.broadcast %reduce_sum3A_676 : i1 to vector<16xi1>
        %reduce_sum3A_678 = tpu.scan <sum>, %add3A_675 masked %reduce_sum3A_677 : vector<16xf32>, vector<16xi1> -> vector<16xf32>
        %reduce_sum3A_679 = vector.extract %reduce_sum3A_678[15] : f32 from vector<16xf32>
        %eq3A_680 = arith.constant 0 : i32
        %eq3A_681 = vector.broadcast %eq3A_680 : i32 to vector<16xi32>
        %eq3A_682 = arith.cmpi eq, %iota3A, %eq3A_681 : vector<16xi32>
        %broadcast_in_dim3A_683 = vector.broadcast %reduce_sum3A_679 : f32 to vector<16xf32>
        %select_n3A_684 = arith.select %eq3A_682, %broadcast_in_dim3A_683, %broadcast_in_dim3A_648 : vector<16xi1>, vector<16xf32>
        %add3A_685 = arith.constant 17 : i32
        %add3A_686 = arith.addi %mul3A_59, %add3A_685 : i32
        %get3A_687 = arith.index_cast %add3A_686 : i32 to index
        %get3A_688 = arith.constant 0 : index
        %get3A_689 = tpu.vector_load %arg9[%get3A_687, %get3A_688] {strides = array<i32>} : memref<512x64xf32, #tpu.memory_space<vmem>>, vector<16xf32>,
        %mul3A_690 = arith.mulf %get3A_689, %get3A_61 : vector<16xf32>
        %add3A_691 = arith.constant 17 : i32
        %add3A_692 = arith.addi %mul3A_59, %add3A_691 : i32
        %get3A_693 = arith.index_cast %add3A_692 : i32 to index
        %get3A_694 = arith.constant 16 : index
        %get3A_695 = tpu.vector_load %arg9[%get3A_693, %get3A_694] {strides = array<i32>} : memref<512x64xf32, #tpu.memory_space<vmem>>, vector<16xf32>,
        %mul3A_696 = arith.mulf %get3A_695, %get3A_64 : vector<16xf32>
        %add3A_697 = arith.addf %mul3A_690, %mul3A_696 : vector<16xf32>
        %add3A_698 = arith.constant 17 : i32
        %add3A_699 = arith.addi %mul3A_59, %add3A_698 : i32
        %get3A_700 = arith.index_cast %add3A_699 : i32 to index
        %get3A_701 = arith.constant 32 : index
        %get3A_702 = tpu.vector_load %arg9[%get3A_700, %get3A_701] {strides = array<i32>} : memref<512x64xf32, #tpu.memory_space<vmem>>, vector<16xf32>,
        %mul3A_703 = arith.mulf %get3A_702, %get3A_67 : vector<16xf32>
        %add3A_704 = arith.addf %add3A_697, %mul3A_703 : vector<16xf32>
        %add3A_705 = arith.constant 17 : i32
        %add3A_706 = arith.addi %mul3A_59, %add3A_705 : i32
        %get3A_707 = arith.index_cast %add3A_706 : i32 to index
        %get3A_708 = arith.constant 48 : index
        %get3A_709 = tpu.vector_load %arg9[%get3A_707, %get3A_708] {strides = array<i32>} : memref<512x64xf32, #tpu.memory_space<vmem>>, vector<16xf32>,
        %mul3A_710 = arith.mulf %get3A_709, %get3A_70 : vector<16xf32>
        %add3A_711 = arith.addf %add3A_704, %mul3A_710 : vector<16xf32>
        %reduce_sum3A_712 = arith.constant true
        %reduce_sum3A_713 = vector.broadcast %reduce_sum3A_712 : i1 to vector<16xi1>
        %reduce_sum3A_714 = tpu.scan <sum>, %add3A_711 masked %reduce_sum3A_713 : vector<16xf32>, vector<16xi1> -> vector<16xf32>
        %reduce_sum3A_715 = vector.extract %reduce_sum3A_714[15] : f32 from vector<16xf32>
        %eq3A_716 = arith.constant 1 : i32
        %eq3A_717 = vector.broadcast %eq3A_716 : i32 to vector<16xi32>
        %eq3A_718 = arith.cmpi eq, %iota3A, %eq3A_717 : vector<16xi32>
        %broadcast_in_dim3A_719 = vector.broadcast %reduce_sum3A_715 : f32 to vector<16xf32>
        %select_n3A_720 = arith.select %eq3A_718, %broadcast_in_dim3A_719, %select_n3A_684 : vector<16xi1>, vector<16xf32>
        %add3A_721 = arith.constant 18 : i32
        %add3A_722 = arith.addi %mul3A_59, %add3A_721 : i32
        %get3A_723 = arith.index_cast %add3A_722 : i32 to index
        %get3A_724 = arith.constant 0 : index
        %get3A_725 = tpu.vector_load %arg9[%get3A_723, %get3A_724] {strides = array<i32>} : memref<512x64xf32, #tpu.memory_space<vmem>>, vector<16xf32>,
        %mul3A_726 = arith.mulf %get3A_725, %get3A_61 : vector<16xf32>
        %add3A_727 = arith.constant 18 : i32
        %add3A_728 = arith.addi %mul3A_59, %add3A_727 : i32
        %get3A_729 = arith.index_cast %add3A_728 : i32 to index
        %get3A_730 = arith.constant 16 : index
        %get3A_731 = tpu.vector_load %arg9[%get3A_729, %get3A_730] {strides = array<i32>} : memref<512x64xf32, #tpu.memory_space<vmem>>, vector<16xf32>,
        %mul3A_732 = arith.mulf %get3A_731, %get3A_64 : vector<16xf32>
        %add3A_733 = arith.addf %mul3A_726, %mul3A_732 : vector<16xf32>
        %add3A_734 = arith.constant 18 : i32
        %add3A_735 = arith.addi %mul3A_59, %add3A_734 : i32
        %get3A_736 = arith.index_cast %add3A_735 : i32 to index
        %get3A_737 = arith.constant 32 : index
        %get3A_738 = tpu.vector_load %arg9[%get3A_736, %get3A_737] {strides = array<i32>} : memref<512x64xf32, #tpu.memory_space<vmem>>, vector<16xf32>,
        %mul3A_739 = arith.mulf %get3A_738, %get3A_67 : vector<16xf32>
        %add3A_740 = arith.addf %add3A_733, %mul3A_739 : vector<16xf32>
        %add3A_741 = arith.constant 18 : i32
        %add3A_742 = arith.addi %mul3A_59, %add3A_741 : i32
        %get3A_743 = arith.index_cast %add3A_742 : i32 to index
        %get3A_744 = arith.constant 48 : index
        %get3A_745 = tpu.vector_load %arg9[%get3A_743, %get3A_744] {strides = array<i32>} : memref<512x64xf32, #tpu.memory_space<vmem>>, vector<16xf32>,
        %mul3A_746 = arith.mulf %get3A_745, %get3A_70 : vector<16xf32>
        %add3A_747 = arith.addf %add3A_740, %mul3A_746 : vector<16xf32>
        %reduce_sum3A_748 = arith.constant true
        %reduce_sum3A_749 = vector.broadcast %reduce_sum3A_748 : i1 to vector<16xi1>
        %reduce_sum3A_750 = tpu.scan <sum>, %add3A_747 masked %reduce_sum3A_749 : vector<16xf32>, vector<16xi1> -> vector<16xf32>
        %reduce_sum3A_751 = vector.extract %reduce_sum3A_750[15] : f32 from vector<16xf32>
        %eq3A_752 = arith.constant 2 : i32
        %eq3A_753 = vector.broadcast %eq3A_752 : i32 to vector<16xi32>
        %eq3A_754 = arith.cmpi eq, %iota3A, %eq3A_753 : vector<16xi32>
        %broadcast_in_dim3A_755 = vector.broadcast %reduce_sum3A_751 : f32 to vector<16xf32>
        %select_n3A_756 = arith.select %eq3A_754, %broadcast_in_dim3A_755, %select_n3A_720 : vector<16xi1>, vector<16xf32>
        %add3A_757 = arith.constant 19 : i32
        %add3A_758 = arith.addi %mul3A_59, %add3A_757 : i32
        %get3A_759 = arith.index_cast %add3A_758 : i32 to index
        %get3A_760 = arith.constant 0 : index
        %get3A_761 = tpu.vector_load %arg9[%get3A_759, %get3A_760] {strides = array<i32>} : memref<512x64xf32, #tpu.memory_space<vmem>>, vector<16xf32>,
        %mul3A_762 = arith.mulf %get3A_761, %get3A_61 : vector<16xf32>
        %add3A_763 = arith.constant 19 : i32
        %add3A_764 = arith.addi %mul3A_59, %add3A_763 : i32
        %get3A_765 = arith.index_cast %add3A_764 : i32 to index
        %get3A_766 = arith.constant 16 : index
        %get3A_767 = tpu.vector_load %arg9[%get3A_765, %get3A_766] {strides = array<i32>} : memref<512x64xf32, #tpu.memory_space<vmem>>, vector<16xf32>,
        %mul3A_768 = arith.mulf %get3A_767, %get3A_64 : vector<16xf32>
        %add3A_769 = arith.addf %mul3A_762, %mul3A_768 : vector<16xf32>
        %add3A_770 = arith.constant 19 : i32
        %add3A_771 = arith.addi %mul3A_59, %add3A_770 : i32
        %get3A_772 = arith.index_cast %add3A_771 : i32 to index
        %get3A_773 = arith.constant 32 : index
        %get3A_774 = tpu.vector_load %arg9[%get3A_772, %get3A_773] {strides = array<i32>} : memref<512x64xf32, #tpu.memory_space<vmem>>, vector<16xf32>,
        %mul3A_775 = arith.mulf %get3A_774, %get3A_67 : vector<16xf32>
        %add3A_776 = arith.addf %add3A_769, %mul3A_775 : vector<16xf32>
        %add3A_777 = arith.constant 19 : i32
        %add3A_778 = arith.addi %mul3A_59, %add3A_777 : i32
        %get3A_779 = arith.index_cast %add3A_778 : i32 to index
        %get3A_780 = arith.constant 48 : index
        %get3A_781 = tpu.vector_load %arg9[%get3A_779, %get3A_780] {strides = array<i32>} : memref<512x64xf32, #tpu.memory_space<vmem>>, vector<16xf32>,
        %mul3A_782 = arith.mulf %get3A_781, %get3A_70 : vector<16xf32>
        %add3A_783 = arith.addf %add3A_776, %mul3A_782 : vector<16xf32>
        %reduce_sum3A_784 = arith.constant true
        %reduce_sum3A_785 = vector.broadcast %reduce_sum3A_784 : i1 to vector<16xi1>
        %reduce_sum3A_786 = tpu.scan <sum>, %add3A_783 masked %reduce_sum3A_785 : vector<16xf32>, vector<16xi1> -> vector<16xf32>
        %reduce_sum3A_787 = vector.extract %reduce_sum3A_786[15] : f32 from vector<16xf32>
        %eq3A_788 = arith.constant 3 : i32
        %eq3A_789 = vector.broadcast %eq3A_788 : i32 to vector<16xi32>
        %eq3A_790 = arith.cmpi eq, %iota3A, %eq3A_789 : vector<16xi32>
        %broadcast_in_dim3A_791 = vector.broadcast %reduce_sum3A_787 : f32 to vector<16xf32>
        %select_n3A_792 = arith.select %eq3A_790, %broadcast_in_dim3A_791, %select_n3A_756 : vector<16xi1>, vector<16xf32>
        %add3A_793 = arith.constant 20 : i32
        %add3A_794 = arith.addi %mul3A_59, %add3A_793 : i32
        %get3A_795 = arith.index_cast %add3A_794 : i32 to index
        %get3A_796 = arith.constant 0 : index
        %get3A_797 = tpu.vector_load %arg9[%get3A_795, %get3A_796] {strides = array<i32>} : memref<512x64xf32, #tpu.memory_space<vmem>>, vector<16xf32>,
        %mul3A_798 = arith.mulf %get3A_797, %get3A_61 : vector<16xf32>
        %add3A_799 = arith.constant 20 : i32
        %add3A_800 = arith.addi %mul3A_59, %add3A_799 : i32
        %get3A_801 = arith.index_cast %add3A_800 : i32 to index
        %get3A_802 = arith.constant 16 : index
        %get3A_803 = tpu.vector_load %arg9[%get3A_801, %get3A_802] {strides = array<i32>} : memref<512x64xf32, #tpu.memory_space<vmem>>, vector<16xf32>,
        %mul3A_804 = arith.mulf %get3A_803, %get3A_64 : vector<16xf32>
        %add3A_805 = arith.addf %mul3A_798, %mul3A_804 : vector<16xf32>
        %add3A_806 = arith.constant 20 : i32
        %add3A_807 = arith.addi %mul3A_59, %add3A_806 : i32
        %get3A_808 = arith.index_cast %add3A_807 : i32 to index
        %get3A_809 = arith.constant 32 : index
        %get3A_810 = tpu.vector_load %arg9[%get3A_808, %get3A_809] {strides = array<i32>} : memref<512x64xf32, #tpu.memory_space<vmem>>, vector<16xf32>,
        %mul3A_811 = arith.mulf %get3A_810, %get3A_67 : vector<16xf32>
        %add3A_812 = arith.addf %add3A_805, %mul3A_811 : vector<16xf32>
        %add3A_813 = arith.constant 20 : i32
        %add3A_814 = arith.addi %mul3A_59, %add3A_813 : i32
        %get3A_815 = arith.index_cast %add3A_814 : i32 to index
        %get3A_816 = arith.constant 48 : index
        %get3A_817 = tpu.vector_load %arg9[%get3A_815, %get3A_816] {strides = array<i32>} : memref<512x64xf32, #tpu.memory_space<vmem>>, vector<16xf32>,
        %mul3A_818 = arith.mulf %get3A_817, %get3A_70 : vector<16xf32>
        %add3A_819 = arith.addf %add3A_812, %mul3A_818 : vector<16xf32>
        %reduce_sum3A_820 = arith.constant true
        %reduce_sum3A_821 = vector.broadcast %reduce_sum3A_820 : i1 to vector<16xi1>
        %reduce_sum3A_822 = tpu.scan <sum>, %add3A_819 masked %reduce_sum3A_821 : vector<16xf32>, vector<16xi1> -> vector<16xf32>
        %reduce_sum3A_823 = vector.extract %reduce_sum3A_822[15] : f32 from vector<16xf32>
        %eq3A_824 = arith.constant 4 : i32
        %eq3A_825 = vector.broadcast %eq3A_824 : i32 to vector<16xi32>
        %eq3A_826 = arith.cmpi eq, %iota3A, %eq3A_825 : vector<16xi32>
        %broadcast_in_dim3A_827 = vector.broadcast %reduce_sum3A_823 : f32 to vector<16xf32>
        %select_n3A_828 = arith.select %eq3A_826, %broadcast_in_dim3A_827, %select_n3A_792 : vector<16xi1>, vector<16xf32>
        %add3A_829 = arith.constant 21 : i32
        %add3A_830 = arith.addi %mul3A_59, %add3A_829 : i32
        %get3A_831 = arith.index_cast %add3A_830 : i32 to index
        %get3A_832 = arith.constant 0 : index
        %get3A_833 = tpu.vector_load %arg9[%get3A_831, %get3A_832] {strides = array<i32>} : memref<512x64xf32, #tpu.memory_space<vmem>>, vector<16xf32>,
        %mul3A_834 = arith.mulf %get3A_833, %get3A_61 : vector<16xf32>
        %add3A_835 = arith.constant 21 : i32
        %add3A_836 = arith.addi %mul3A_59, %add3A_835 : i32
        %get3A_837 = arith.index_cast %add3A_836 : i32 to index
        %get3A_838 = arith.constant 16 : index
        %get3A_839 = tpu.vector_load %arg9[%get3A_837, %get3A_838] {strides = array<i32>} : memref<512x64xf32, #tpu.memory_space<vmem>>, vector<16xf32>,
        %mul3A_840 = arith.mulf %get3A_839, %get3A_64 : vector<16xf32>
        %add3A_841 = arith.addf %mul3A_834, %mul3A_840 : vector<16xf32>
        %add3A_842 = arith.constant 21 : i32
        %add3A_843 = arith.addi %mul3A_59, %add3A_842 : i32
        %get3A_844 = arith.index_cast %add3A_843 : i32 to index
        %get3A_845 = arith.constant 32 : index
        %get3A_846 = tpu.vector_load %arg9[%get3A_844, %get3A_845] {strides = array<i32>} : memref<512x64xf32, #tpu.memory_space<vmem>>, vector<16xf32>,
        %mul3A_847 = arith.mulf %get3A_846, %get3A_67 : vector<16xf32>
        %add3A_848 = arith.addf %add3A_841, %mul3A_847 : vector<16xf32>
        %add3A_849 = arith.constant 21 : i32
        %add3A_850 = arith.addi %mul3A_59, %add3A_849 : i32
        %get3A_851 = arith.index_cast %add3A_850 : i32 to index
        %get3A_852 = arith.constant 48 : index
        %get3A_853 = tpu.vector_load %arg9[%get3A_851, %get3A_852] {strides = array<i32>} : memref<512x64xf32, #tpu.memory_space<vmem>>, vector<16xf32>,
        %mul3A_854 = arith.mulf %get3A_853, %get3A_70 : vector<16xf32>
        %add3A_855 = arith.addf %add3A_848, %mul3A_854 : vector<16xf32>
        %reduce_sum3A_856 = arith.constant true
        %reduce_sum3A_857 = vector.broadcast %reduce_sum3A_856 : i1 to vector<16xi1>
        %reduce_sum3A_858 = tpu.scan <sum>, %add3A_855 masked %reduce_sum3A_857 : vector<16xf32>, vector<16xi1> -> vector<16xf32>
        %reduce_sum3A_859 = vector.extract %reduce_sum3A_858[15] : f32 from vector<16xf32>
        %eq3A_860 = arith.constant 5 : i32
        %eq3A_861 = vector.broadcast %eq3A_860 : i32 to vector<16xi32>
        %eq3A_862 = arith.cmpi eq, %iota3A, %eq3A_861 : vector<16xi32>
        %broadcast_in_dim3A_863 = vector.broadcast %reduce_sum3A_859 : f32 to vector<16xf32>
        %select_n3A_864 = arith.select %eq3A_862, %broadcast_in_dim3A_863, %select_n3A_828 : vector<16xi1>, vector<16xf32>
        %add3A_865 = arith.constant 22 : i32
        %add3A_866 = arith.addi %mul3A_59, %add3A_865 : i32
        %get3A_867 = arith.index_cast %add3A_866 : i32 to index
        %get3A_868 = arith.constant 0 : index
        %get3A_869 = tpu.vector_load %arg9[%get3A_867, %get3A_868] {strides = array<i32>} : memref<512x64xf32, #tpu.memory_space<vmem>>, vector<16xf32>,
        %mul3A_870 = arith.mulf %get3A_869, %get3A_61 : vector<16xf32>
        %add3A_871 = arith.constant 22 : i32
        %add3A_872 = arith.addi %mul3A_59, %add3A_871 : i32
        %get3A_873 = arith.index_cast %add3A_872 : i32 to index
        %get3A_874 = arith.constant 16 : index
        %get3A_875 = tpu.vector_load %arg9[%get3A_873, %get3A_874] {strides = array<i32>} : memref<512x64xf32, #tpu.memory_space<vmem>>, vector<16xf32>,
        %mul3A_876 = arith.mulf %get3A_875, %get3A_64 : vector<16xf32>
        %add3A_877 = arith.addf %mul3A_870, %mul3A_876 : vector<16xf32>
        %add3A_878 = arith.constant 22 : i32
        %add3A_879 = arith.addi %mul3A_59, %add3A_878 : i32
        %get3A_880 = arith.index_cast %add3A_879 : i32 to index
        %get3A_881 = arith.constant 32 : index
        %get3A_882 = tpu.vector_load %arg9[%get3A_880, %get3A_881] {strides = array<i32>} : memref<512x64xf32, #tpu.memory_space<vmem>>, vector<16xf32>,
        %mul3A_883 = arith.mulf %get3A_882, %get3A_67 : vector<16xf32>
        %add3A_884 = arith.addf %add3A_877, %mul3A_883 : vector<16xf32>
        %add3A_885 = arith.constant 22 : i32
        %add3A_886 = arith.addi %mul3A_59, %add3A_885 : i32
        %get3A_887 = arith.index_cast %add3A_886 : i32 to index
        %get3A_888 = arith.constant 48 : index
        %get3A_889 = tpu.vector_load %arg9[%get3A_887, %get3A_888] {strides = array<i32>} : memref<512x64xf32, #tpu.memory_space<vmem>>, vector<16xf32>,
        %mul3A_890 = arith.mulf %get3A_889, %get3A_70 : vector<16xf32>
        %add3A_891 = arith.addf %add3A_884, %mul3A_890 : vector<16xf32>
        %reduce_sum3A_892 = arith.constant true
        %reduce_sum3A_893 = vector.broadcast %reduce_sum3A_892 : i1 to vector<16xi1>
        %reduce_sum3A_894 = tpu.scan <sum>, %add3A_891 masked %reduce_sum3A_893 : vector<16xf32>, vector<16xi1> -> vector<16xf32>
        %reduce_sum3A_895 = vector.extract %reduce_sum3A_894[15] : f32 from vector<16xf32>
        %eq3A_896 = arith.constant 6 : i32
        %eq3A_897 = vector.broadcast %eq3A_896 : i32 to vector<16xi32>
        %eq3A_898 = arith.cmpi eq, %iota3A, %eq3A_897 : vector<16xi32>
        %broadcast_in_dim3A_899 = vector.broadcast %reduce_sum3A_895 : f32 to vector<16xf32>
        %select_n3A_900 = arith.select %eq3A_898, %broadcast_in_dim3A_899, %select_n3A_864 : vector<16xi1>, vector<16xf32>
        %add3A_901 = arith.constant 23 : i32
        %add3A_902 = arith.addi %mul3A_59, %add3A_901 : i32
        %get3A_903 = arith.index_cast %add3A_902 : i32 to index
        %get3A_904 = arith.constant 0 : index
        %get3A_905 = tpu.vector_load %arg9[%get3A_903, %get3A_904] {strides = array<i32>} : memref<512x64xf32, #tpu.memory_space<vmem>>, vector<16xf32>,
        %mul3A_906 = arith.mulf %get3A_905, %get3A_61 : vector<16xf32>
        %add3A_907 = arith.constant 23 : i32
        %add3A_908 = arith.addi %mul3A_59, %add3A_907 : i32
        %get3A_909 = arith.index_cast %add3A_908 : i32 to index
        %get3A_910 = arith.constant 16 : index
        %get3A_911 = tpu.vector_load %arg9[%get3A_909, %get3A_910] {strides = array<i32>} : memref<512x64xf32, #tpu.memory_space<vmem>>, vector<16xf32>,
        %mul3A_912 = arith.mulf %get3A_911, %get3A_64 : vector<16xf32>
        %add3A_913 = arith.addf %mul3A_906, %mul3A_912 : vector<16xf32>
        %add3A_914 = arith.constant 23 : i32
        %add3A_915 = arith.addi %mul3A_59, %add3A_914 : i32
        %get3A_916 = arith.index_cast %add3A_915 : i32 to index
        %get3A_917 = arith.constant 32 : index
        %get3A_918 = tpu.vector_load %arg9[%get3A_916, %get3A_917] {strides = array<i32>} : memref<512x64xf32, #tpu.memory_space<vmem>>, vector<16xf32>,
        %mul3A_919 = arith.mulf %get3A_918, %get3A_67 : vector<16xf32>
        %add3A_920 = arith.addf %add3A_913, %mul3A_919 : vector<16xf32>
        %add3A_921 = arith.constant 23 : i32
        %add3A_922 = arith.addi %mul3A_59, %add3A_921 : i32
        %get3A_923 = arith.index_cast %add3A_922 : i32 to index
        %get3A_924 = arith.constant 48 : index
        %get3A_925 = tpu.vector_load %arg9[%get3A_923, %get3A_924] {strides = array<i32>} : memref<512x64xf32, #tpu.memory_space<vmem>>, vector<16xf32>,
        %mul3A_926 = arith.mulf %get3A_925, %get3A_70 : vector<16xf32>
        %add3A_927 = arith.addf %add3A_920, %mul3A_926 : vector<16xf32>
        %reduce_sum3A_928 = arith.constant true
        %reduce_sum3A_929 = vector.broadcast %reduce_sum3A_928 : i1 to vector<16xi1>
        %reduce_sum3A_930 = tpu.scan <sum>, %add3A_927 masked %reduce_sum3A_929 : vector<16xf32>, vector<16xi1> -> vector<16xf32>
        %reduce_sum3A_931 = vector.extract %reduce_sum3A_930[15] : f32 from vector<16xf32>
        %eq3A_932 = arith.constant 7 : i32
        %eq3A_933 = vector.broadcast %eq3A_932 : i32 to vector<16xi32>
        %eq3A_934 = arith.cmpi eq, %iota3A, %eq3A_933 : vector<16xi32>
        %broadcast_in_dim3A_935 = vector.broadcast %reduce_sum3A_931 : f32 to vector<16xf32>
        %select_n3A_936 = arith.select %eq3A_934, %broadcast_in_dim3A_935, %select_n3A_900 : vector<16xi1>, vector<16xf32>
        %add3A_937 = arith.constant 24 : i32
        %add3A_938 = arith.addi %mul3A_59, %add3A_937 : i32
        %get3A_939 = arith.index_cast %add3A_938 : i32 to index
        %get3A_940 = arith.constant 0 : index
        %get3A_941 = tpu.vector_load %arg9[%get3A_939, %get3A_940] {strides = array<i32>} : memref<512x64xf32, #tpu.memory_space<vmem>>, vector<16xf32>,
        %mul3A_942 = arith.mulf %get3A_941, %get3A_61 : vector<16xf32>
        %add3A_943 = arith.constant 24 : i32
        %add3A_944 = arith.addi %mul3A_59, %add3A_943 : i32
        %get3A_945 = arith.index_cast %add3A_944 : i32 to index
        %get3A_946 = arith.constant 16 : index
        %get3A_947 = tpu.vector_load %arg9[%get3A_945, %get3A_946] {strides = array<i32>} : memref<512x64xf32, #tpu.memory_space<vmem>>, vector<16xf32>,
        %mul3A_948 = arith.mulf %get3A_947, %get3A_64 : vector<16xf32>
        %add3A_949 = arith.addf %mul3A_942, %mul3A_948 : vector<16xf32>
        %add3A_950 = arith.constant 24 : i32
        %add3A_951 = arith.addi %mul3A_59, %add3A_950 : i32
        %get3A_952 = arith.index_cast %add3A_951 : i32 to index
        %get3A_953 = arith.constant 32 : index
        %get3A_954 = tpu.vector_load %arg9[%get3A_952, %get3A_953] {strides = array<i32>} : memref<512x64xf32, #tpu.memory_space<vmem>>, vector<16xf32>,
        %mul3A_955 = arith.mulf %get3A_954, %get3A_67 : vector<16xf32>
        %add3A_956 = arith.addf %add3A_949, %mul3A_955 : vector<16xf32>
        %add3A_957 = arith.constant 24 : i32
        %add3A_958 = arith.addi %mul3A_59, %add3A_957 : i32
        %get3A_959 = arith.index_cast %add3A_958 : i32 to index
        %get3A_960 = arith.constant 48 : index
        %get3A_961 = tpu.vector_load %arg9[%get3A_959, %get3A_960] {strides = array<i32>} : memref<512x64xf32, #tpu.memory_space<vmem>>, vector<16xf32>,
        %mul3A_962 = arith.mulf %get3A_961, %get3A_70 : vector<16xf32>
        %add3A_963 = arith.addf %add3A_956, %mul3A_962 : vector<16xf32>
        %reduce_sum3A_964 = arith.constant true
        %reduce_sum3A_965 = vector.broadcast %reduce_sum3A_964 : i1 to vector<16xi1>
        %reduce_sum3A_966 = tpu.scan <sum>, %add3A_963 masked %reduce_sum3A_965 : vector<16xf32>, vector<16xi1> -> vector<16xf32>
        %reduce_sum3A_967 = vector.extract %reduce_sum3A_966[15] : f32 from vector<16xf32>
        %eq3A_968 = arith.constant 8 : i32
        %eq3A_969 = vector.broadcast %eq3A_968 : i32 to vector<16xi32>
        %eq3A_970 = arith.cmpi eq, %iota3A, %eq3A_969 : vector<16xi32>
        %broadcast_in_dim3A_971 = vector.broadcast %reduce_sum3A_967 : f32 to vector<16xf32>
        %select_n3A_972 = arith.select %eq3A_970, %broadcast_in_dim3A_971, %select_n3A_936 : vector<16xi1>, vector<16xf32>
        %add3A_973 = arith.constant 25 : i32
        %add3A_974 = arith.addi %mul3A_59, %add3A_973 : i32
        %get3A_975 = arith.index_cast %add3A_974 : i32 to index
        %get3A_976 = arith.constant 0 : index
        %get3A_977 = tpu.vector_load %arg9[%get3A_975, %get3A_976] {strides = array<i32>} : memref<512x64xf32, #tpu.memory_space<vmem>>, vector<16xf32>,
        %mul3A_978 = arith.mulf %get3A_977, %get3A_61 : vector<16xf32>
        %add3A_979 = arith.constant 25 : i32
        %add3A_980 = arith.addi %mul3A_59, %add3A_979 : i32
        %get3A_981 = arith.index_cast %add3A_980 : i32 to index
        %get3A_982 = arith.constant 16 : index
        %get3A_983 = tpu.vector_load %arg9[%get3A_981, %get3A_982] {strides = array<i32>} : memref<512x64xf32, #tpu.memory_space<vmem>>, vector<16xf32>,
        %mul3A_984 = arith.mulf %get3A_983, %get3A_64 : vector<16xf32>
        %add3A_985 = arith.addf %mul3A_978, %mul3A_984 : vector<16xf32>
        %add3A_986 = arith.constant 25 : i32
        %add3A_987 = arith.addi %mul3A_59, %add3A_986 : i32
        %get3A_988 = arith.index_cast %add3A_987 : i32 to index
        %get3A_989 = arith.constant 32 : index
        %get3A_990 = tpu.vector_load %arg9[%get3A_988, %get3A_989] {strides = array<i32>} : memref<512x64xf32, #tpu.memory_space<vmem>>, vector<16xf32>,
        %mul3A_991 = arith.mulf %get3A_990, %get3A_67 : vector<16xf32>
        %add3A_992 = arith.addf %add3A_985, %mul3A_991 : vector<16xf32>
        %add3A_993 = arith.constant 25 : i32
        %add3A_994 = arith.addi %mul3A_59, %add3A_993 : i32
        %get3A_995 = arith.index_cast %add3A_994 : i32 to index
        %get3A_996 = arith.constant 48 : index
        %get3A_997 = tpu.vector_load %arg9[%get3A_995, %get3A_996] {strides = array<i32>} : memref<512x64xf32, #tpu.memory_space<vmem>>, vector<16xf32>,
        %mul3A_998 = arith.mulf %get3A_997, %get3A_70 : vector<16xf32>
        %add3A_999 = arith.addf %add3A_992, %mul3A_998 : vector<16xf32>
        %reduce_sum3A_1000 = arith.constant true
        %reduce_sum3A_1001 = vector.broadcast %reduce_sum3A_1000 : i1 to vector<16xi1>
        %reduce_sum3A_1002 = tpu.scan <sum>, %add3A_999 masked %reduce_sum3A_1001 : vector<16xf32>, vector<16xi1> -> vector<16xf32>
        %reduce_sum3A_1003 = vector.extract %reduce_sum3A_1002[15] : f32 from vector<16xf32>
        %eq3A_1004 = arith.constant 9 : i32
        %eq3A_1005 = vector.broadcast %eq3A_1004 : i32 to vector<16xi32>
        %eq3A_1006 = arith.cmpi eq, %iota3A, %eq3A_1005 : vector<16xi32>
        %broadcast_in_dim3A_1007 = vector.broadcast %reduce_sum3A_1003 : f32 to vector<16xf32>
        %select_n3A_1008 = arith.select %eq3A_1006, %broadcast_in_dim3A_1007, %select_n3A_972 : vector<16xi1>, vector<16xf32>
        %add3A_1009 = arith.constant 26 : i32
        %add3A_1010 = arith.addi %mul3A_59, %add3A_1009 : i32
        %get3A_1011 = arith.index_cast %add3A_1010 : i32 to index
        %get3A_1012 = arith.constant 0 : index
        %get3A_1013 = tpu.vector_load %arg9[%get3A_1011, %get3A_1012] {strides = array<i32>} : memref<512x64xf32, #tpu.memory_space<vmem>>, vector<16xf32>,
        %mul3A_1014 = arith.mulf %get3A_1013, %get3A_61 : vector<16xf32>
        %add3A_1015 = arith.constant 26 : i32
        %add3A_1016 = arith.addi %mul3A_59, %add3A_1015 : i32
        %get3A_1017 = arith.index_cast %add3A_1016 : i32 to index
        %get3A_1018 = arith.constant 16 : index
        %get3A_1019 = tpu.vector_load %arg9[%get3A_1017, %get3A_1018] {strides = array<i32>} : memref<512x64xf32, #tpu.memory_space<vmem>>, vector<16xf32>,
        %mul3A_1020 = arith.mulf %get3A_1019, %get3A_64 : vector<16xf32>
        %add3A_1021 = arith.addf %mul3A_1014, %mul3A_1020 : vector<16xf32>
        %add3A_1022 = arith.constant 26 : i32
        %add3A_1023 = arith.addi %mul3A_59, %add3A_1022 : i32
        %get3A_1024 = arith.index_cast %add3A_1023 : i32 to index
        %get3A_1025 = arith.constant 32 : index
        %get3A_1026 = tpu.vector_load %arg9[%get3A_1024, %get3A_1025] {strides = array<i32>} : memref<512x64xf32, #tpu.memory_space<vmem>>, vector<16xf32>,
        %mul3A_1027 = arith.mulf %get3A_1026, %get3A_67 : vector<16xf32>
        %add3A_1028 = arith.addf %add3A_1021, %mul3A_1027 : vector<16xf32>
        %add3A_1029 = arith.constant 26 : i32
        %add3A_1030 = arith.addi %mul3A_59, %add3A_1029 : i32
        %get3A_1031 = arith.index_cast %add3A_1030 : i32 to index
        %get3A_1032 = arith.constant 48 : index
        %get3A_1033 = tpu.vector_load %arg9[%get3A_1031, %get3A_1032] {strides = array<i32>} : memref<512x64xf32, #tpu.memory_space<vmem>>, vector<16xf32>,
        %mul3A_1034 = arith.mulf %get3A_1033, %get3A_70 : vector<16xf32>
        %add3A_1035 = arith.addf %add3A_1028, %mul3A_1034 : vector<16xf32>
        %reduce_sum3A_1036 = arith.constant true
        %reduce_sum3A_1037 = vector.broadcast %reduce_sum3A_1036 : i1 to vector<16xi1>
        %reduce_sum3A_1038 = tpu.scan <sum>, %add3A_1035 masked %reduce_sum3A_1037 : vector<16xf32>, vector<16xi1> -> vector<16xf32>
        %reduce_sum3A_1039 = vector.extract %reduce_sum3A_1038[15] : f32 from vector<16xf32>
        %eq3A_1040 = arith.constant 10 : i32
        %eq3A_1041 = vector.broadcast %eq3A_1040 : i32 to vector<16xi32>
        %eq3A_1042 = arith.cmpi eq, %iota3A, %eq3A_1041 : vector<16xi32>
        %broadcast_in_dim3A_1043 = vector.broadcast %reduce_sum3A_1039 : f32 to vector<16xf32>
        %select_n3A_1044 = arith.select %eq3A_1042, %broadcast_in_dim3A_1043, %select_n3A_1008 : vector<16xi1>, vector<16xf32>
        %add3A_1045 = arith.constant 27 : i32
        %add3A_1046 = arith.addi %mul3A_59, %add3A_1045 : i32
        %get3A_1047 = arith.index_cast %add3A_1046 : i32 to index
        %get3A_1048 = arith.constant 0 : index
        %get3A_1049 = tpu.vector_load %arg9[%get3A_1047, %get3A_1048] {strides = array<i32>} : memref<512x64xf32, #tpu.memory_space<vmem>>, vector<16xf32>,
        %mul3A_1050 = arith.mulf %get3A_1049, %get3A_61 : vector<16xf32>
        %add3A_1051 = arith.constant 27 : i32
        %add3A_1052 = arith.addi %mul3A_59, %add3A_1051 : i32
        %get3A_1053 = arith.index_cast %add3A_1052 : i32 to index
        %get3A_1054 = arith.constant 16 : index
        %get3A_1055 = tpu.vector_load %arg9[%get3A_1053, %get3A_1054] {strides = array<i32>} : memref<512x64xf32, #tpu.memory_space<vmem>>, vector<16xf32>,
        %mul3A_1056 = arith.mulf %get3A_1055, %get3A_64 : vector<16xf32>
        %add3A_1057 = arith.addf %mul3A_1050, %mul3A_1056 : vector<16xf32>
        %add3A_1058 = arith.constant 27 : i32
        %add3A_1059 = arith.addi %mul3A_59, %add3A_1058 : i32
        %get3A_1060 = arith.index_cast %add3A_1059 : i32 to index
        %get3A_1061 = arith.constant 32 : index
        %get3A_1062 = tpu.vector_load %arg9[%get3A_1060, %get3A_1061] {strides = array<i32>} : memref<512x64xf32, #tpu.memory_space<vmem>>, vector<16xf32>,
        %mul3A_1063 = arith.mulf %get3A_1062, %get3A_67 : vector<16xf32>
        %add3A_1064 = arith.addf %add3A_1057, %mul3A_1063 : vector<16xf32>
        %add3A_1065 = arith.constant 27 : i32
        %add3A_1066 = arith.addi %mul3A_59, %add3A_1065 : i32
        %get3A_1067 = arith.index_cast %add3A_1066 : i32 to index
        %get3A_1068 = arith.constant 48 : index
        %get3A_1069 = tpu.vector_load %arg9[%get3A_1067, %get3A_1068] {strides = array<i32>} : memref<512x64xf32, #tpu.memory_space<vmem>>, vector<16xf32>,
        %mul3A_1070 = arith.mulf %get3A_1069, %get3A_70 : vector<16xf32>
        %add3A_1071 = arith.addf %add3A_1064, %mul3A_1070 : vector<16xf32>
        %reduce_sum3A_1072 = arith.constant true
        %reduce_sum3A_1073 = vector.broadcast %reduce_sum3A_1072 : i1 to vector<16xi1>
        %reduce_sum3A_1074 = tpu.scan <sum>, %add3A_1071 masked %reduce_sum3A_1073 : vector<16xf32>, vector<16xi1> -> vector<16xf32>
        %reduce_sum3A_1075 = vector.extract %reduce_sum3A_1074[15] : f32 from vector<16xf32>
        %eq3A_1076 = arith.constant 11 : i32
        %eq3A_1077 = vector.broadcast %eq3A_1076 : i32 to vector<16xi32>
        %eq3A_1078 = arith.cmpi eq, %iota3A, %eq3A_1077 : vector<16xi32>
        %broadcast_in_dim3A_1079 = vector.broadcast %reduce_sum3A_1075 : f32 to vector<16xf32>
        %select_n3A_1080 = arith.select %eq3A_1078, %broadcast_in_dim3A_1079, %select_n3A_1044 : vector<16xi1>, vector<16xf32>
        %add3A_1081 = arith.constant 28 : i32
        %add3A_1082 = arith.addi %mul3A_59, %add3A_1081 : i32
        %get3A_1083 = arith.index_cast %add3A_1082 : i32 to index
        %get3A_1084 = arith.constant 0 : index
        %get3A_1085 = tpu.vector_load %arg9[%get3A_1083, %get3A_1084] {strides = array<i32>} : memref<512x64xf32, #tpu.memory_space<vmem>>, vector<16xf32>,
        %mul3A_1086 = arith.mulf %get3A_1085, %get3A_61 : vector<16xf32>
        %add3A_1087 = arith.constant 28 : i32
        %add3A_1088 = arith.addi %mul3A_59, %add3A_1087 : i32
        %get3A_1089 = arith.index_cast %add3A_1088 : i32 to index
        %get3A_1090 = arith.constant 16 : index
        %get3A_1091 = tpu.vector_load %arg9[%get3A_1089, %get3A_1090] {strides = array<i32>} : memref<512x64xf32, #tpu.memory_space<vmem>>, vector<16xf32>,
        %mul3A_1092 = arith.mulf %get3A_1091, %get3A_64 : vector<16xf32>
        %add3A_1093 = arith.addf %mul3A_1086, %mul3A_1092 : vector<16xf32>
        %add3A_1094 = arith.constant 28 : i32
        %add3A_1095 = arith.addi %mul3A_59, %add3A_1094 : i32
        %get3A_1096 = arith.index_cast %add3A_1095 : i32 to index
        %get3A_1097 = arith.constant 32 : index
        %get3A_1098 = tpu.vector_load %arg9[%get3A_1096, %get3A_1097] {strides = array<i32>} : memref<512x64xf32, #tpu.memory_space<vmem>>, vector<16xf32>,
        %mul3A_1099 = arith.mulf %get3A_1098, %get3A_67 : vector<16xf32>
        %add3A_1100 = arith.addf %add3A_1093, %mul3A_1099 : vector<16xf32>
        %add3A_1101 = arith.constant 28 : i32
        %add3A_1102 = arith.addi %mul3A_59, %add3A_1101 : i32
        %get3A_1103 = arith.index_cast %add3A_1102 : i32 to index
        %get3A_1104 = arith.constant 48 : index
        %get3A_1105 = tpu.vector_load %arg9[%get3A_1103, %get3A_1104] {strides = array<i32>} : memref<512x64xf32, #tpu.memory_space<vmem>>, vector<16xf32>,
        %mul3A_1106 = arith.mulf %get3A_1105, %get3A_70 : vector<16xf32>
        %add3A_1107 = arith.addf %add3A_1100, %mul3A_1106 : vector<16xf32>
        %reduce_sum3A_1108 = arith.constant true
        %reduce_sum3A_1109 = vector.broadcast %reduce_sum3A_1108 : i1 to vector<16xi1>
        %reduce_sum3A_1110 = tpu.scan <sum>, %add3A_1107 masked %reduce_sum3A_1109 : vector<16xf32>, vector<16xi1> -> vector<16xf32>
        %reduce_sum3A_1111 = vector.extract %reduce_sum3A_1110[15] : f32 from vector<16xf32>
        %eq3A_1112 = arith.constant 12 : i32
        %eq3A_1113 = vector.broadcast %eq3A_1112 : i32 to vector<16xi32>
        %eq3A_1114 = arith.cmpi eq, %iota3A, %eq3A_1113 : vector<16xi32>
        %broadcast_in_dim3A_1115 = vector.broadcast %reduce_sum3A_1111 : f32 to vector<16xf32>
        %select_n3A_1116 = arith.select %eq3A_1114, %broadcast_in_dim3A_1115, %select_n3A_1080 : vector<16xi1>, vector<16xf32>
        %add3A_1117 = arith.constant 29 : i32
        %add3A_1118 = arith.addi %mul3A_59, %add3A_1117 : i32
        %get3A_1119 = arith.index_cast %add3A_1118 : i32 to index
        %get3A_1120 = arith.constant 0 : index
        %get3A_1121 = tpu.vector_load %arg9[%get3A_1119, %get3A_1120] {strides = array<i32>} : memref<512x64xf32, #tpu.memory_space<vmem>>, vector<16xf32>,
        %mul3A_1122 = arith.mulf %get3A_1121, %get3A_61 : vector<16xf32>
        %add3A_1123 = arith.constant 29 : i32
        %add3A_1124 = arith.addi %mul3A_59, %add3A_1123 : i32
        %get3A_1125 = arith.index_cast %add3A_1124 : i32 to index
        %get3A_1126 = arith.constant 16 : index
        %get3A_1127 = tpu.vector_load %arg9[%get3A_1125, %get3A_1126] {strides = array<i32>} : memref<512x64xf32, #tpu.memory_space<vmem>>, vector<16xf32>,
        %mul3A_1128 = arith.mulf %get3A_1127, %get3A_64 : vector<16xf32>
        %add3A_1129 = arith.addf %mul3A_1122, %mul3A_1128 : vector<16xf32>
        %add3A_1130 = arith.constant 29 : i32
        %add3A_1131 = arith.addi %mul3A_59, %add3A_1130 : i32
        %get3A_1132 = arith.index_cast %add3A_1131 : i32 to index
        %get3A_1133 = arith.constant 32 : index
        %get3A_1134 = tpu.vector_load %arg9[%get3A_1132, %get3A_1133] {strides = array<i32>} : memref<512x64xf32, #tpu.memory_space<vmem>>, vector<16xf32>,
        %mul3A_1135 = arith.mulf %get3A_1134, %get3A_67 : vector<16xf32>
        %add3A_1136 = arith.addf %add3A_1129, %mul3A_1135 : vector<16xf32>
        %add3A_1137 = arith.constant 29 : i32
        %add3A_1138 = arith.addi %mul3A_59, %add3A_1137 : i32
        %get3A_1139 = arith.index_cast %add3A_1138 : i32 to index
        %get3A_1140 = arith.constant 48 : index
        %get3A_1141 = tpu.vector_load %arg9[%get3A_1139, %get3A_1140] {strides = array<i32>} : memref<512x64xf32, #tpu.memory_space<vmem>>, vector<16xf32>,
        %mul3A_1142 = arith.mulf %get3A_1141, %get3A_70 : vector<16xf32>
        %add3A_1143 = arith.addf %add3A_1136, %mul3A_1142 : vector<16xf32>
        %reduce_sum3A_1144 = arith.constant true
        %reduce_sum3A_1145 = vector.broadcast %reduce_sum3A_1144 : i1 to vector<16xi1>
        %reduce_sum3A_1146 = tpu.scan <sum>, %add3A_1143 masked %reduce_sum3A_1145 : vector<16xf32>, vector<16xi1> -> vector<16xf32>
        %reduce_sum3A_1147 = vector.extract %reduce_sum3A_1146[15] : f32 from vector<16xf32>
        %eq3A_1148 = arith.constant 13 : i32
        %eq3A_1149 = vector.broadcast %eq3A_1148 : i32 to vector<16xi32>
        %eq3A_1150 = arith.cmpi eq, %iota3A, %eq3A_1149 : vector<16xi32>
        %broadcast_in_dim3A_1151 = vector.broadcast %reduce_sum3A_1147 : f32 to vector<16xf32>
        %select_n3A_1152 = arith.select %eq3A_1150, %broadcast_in_dim3A_1151, %select_n3A_1116 : vector<16xi1>, vector<16xf32>
        %add3A_1153 = arith.constant 30 : i32
        %add3A_1154 = arith.addi %mul3A_59, %add3A_1153 : i32
        %get3A_1155 = arith.index_cast %add3A_1154 : i32 to index
        %get3A_1156 = arith.constant 0 : index
        %get3A_1157 = tpu.vector_load %arg9[%get3A_1155, %get3A_1156] {strides = array<i32>} : memref<512x64xf32, #tpu.memory_space<vmem>>, vector<16xf32>,
        %mul3A_1158 = arith.mulf %get3A_1157, %get3A_61 : vector<16xf32>
        %add3A_1159 = arith.constant 30 : i32
        %add3A_1160 = arith.addi %mul3A_59, %add3A_1159 : i32
        %get3A_1161 = arith.index_cast %add3A_1160 : i32 to index
        %get3A_1162 = arith.constant 16 : index
        %get3A_1163 = tpu.vector_load %arg9[%get3A_1161, %get3A_1162] {strides = array<i32>} : memref<512x64xf32, #tpu.memory_space<vmem>>, vector<16xf32>,
        %mul3A_1164 = arith.mulf %get3A_1163, %get3A_64 : vector<16xf32>
        %add3A_1165 = arith.addf %mul3A_1158, %mul3A_1164 : vector<16xf32>
        %add3A_1166 = arith.constant 30 : i32
        %add3A_1167 = arith.addi %mul3A_59, %add3A_1166 : i32
        %get3A_1168 = arith.index_cast %add3A_1167 : i32 to index
        %get3A_1169 = arith.constant 32 : index
        %get3A_1170 = tpu.vector_load %arg9[%get3A_1168, %get3A_1169] {strides = array<i32>} : memref<512x64xf32, #tpu.memory_space<vmem>>, vector<16xf32>,
        %mul3A_1171 = arith.mulf %get3A_1170, %get3A_67 : vector<16xf32>
        %add3A_1172 = arith.addf %add3A_1165, %mul3A_1171 : vector<16xf32>
        %add3A_1173 = arith.constant 30 : i32
        %add3A_1174 = arith.addi %mul3A_59, %add3A_1173 : i32
        %get3A_1175 = arith.index_cast %add3A_1174 : i32 to index
        %get3A_1176 = arith.constant 48 : index
        %get3A_1177 = tpu.vector_load %arg9[%get3A_1175, %get3A_1176] {strides = array<i32>} : memref<512x64xf32, #tpu.memory_space<vmem>>, vector<16xf32>,
        %mul3A_1178 = arith.mulf %get3A_1177, %get3A_70 : vector<16xf32>
        %add3A_1179 = arith.addf %add3A_1172, %mul3A_1178 : vector<16xf32>
        %reduce_sum3A_1180 = arith.constant true
        %reduce_sum3A_1181 = vector.broadcast %reduce_sum3A_1180 : i1 to vector<16xi1>
        %reduce_sum3A_1182 = tpu.scan <sum>, %add3A_1179 masked %reduce_sum3A_1181 : vector<16xf32>, vector<16xi1> -> vector<16xf32>
        %reduce_sum3A_1183 = vector.extract %reduce_sum3A_1182[15] : f32 from vector<16xf32>
        %eq3A_1184 = arith.constant 14 : i32
        %eq3A_1185 = vector.broadcast %eq3A_1184 : i32 to vector<16xi32>
        %eq3A_1186 = arith.cmpi eq, %iota3A, %eq3A_1185 : vector<16xi32>
        %broadcast_in_dim3A_1187 = vector.broadcast %reduce_sum3A_1183 : f32 to vector<16xf32>
        %select_n3A_1188 = arith.select %eq3A_1186, %broadcast_in_dim3A_1187, %select_n3A_1152 : vector<16xi1>, vector<16xf32>
        %add3A_1189 = arith.constant 31 : i32
        %add3A_1190 = arith.addi %mul3A_59, %add3A_1189 : i32
        %get3A_1191 = arith.index_cast %add3A_1190 : i32 to index
        %get3A_1192 = arith.constant 0 : index
        %get3A_1193 = tpu.vector_load %arg9[%get3A_1191, %get3A_1192] {strides = array<i32>} : memref<512x64xf32, #tpu.memory_space<vmem>>, vector<16xf32>,
        %mul3A_1194 = arith.mulf %get3A_1193, %get3A_61 : vector<16xf32>
        %add3A_1195 = arith.constant 31 : i32
        %add3A_1196 = arith.addi %mul3A_59, %add3A_1195 : i32
        %get3A_1197 = arith.index_cast %add3A_1196 : i32 to index
        %get3A_1198 = arith.constant 16 : index
        %get3A_1199 = tpu.vector_load %arg9[%get3A_1197, %get3A_1198] {strides = array<i32>} : memref<512x64xf32, #tpu.memory_space<vmem>>, vector<16xf32>,
        %mul3A_1200 = arith.mulf %get3A_1199, %get3A_64 : vector<16xf32>
        %add3A_1201 = arith.addf %mul3A_1194, %mul3A_1200 : vector<16xf32>
        %add3A_1202 = arith.constant 31 : i32
        %add3A_1203 = arith.addi %mul3A_59, %add3A_1202 : i32
        %get3A_1204 = arith.index_cast %add3A_1203 : i32 to index
        %get3A_1205 = arith.constant 32 : index
        %get3A_1206 = tpu.vector_load %arg9[%get3A_1204, %get3A_1205] {strides = array<i32>} : memref<512x64xf32, #tpu.memory_space<vmem>>, vector<16xf32>,
        %mul3A_1207 = arith.mulf %get3A_1206, %get3A_67 : vector<16xf32>
        %add3A_1208 = arith.addf %add3A_1201, %mul3A_1207 : vector<16xf32>
        %add3A_1209 = arith.constant 31 : i32
        %add3A_1210 = arith.addi %mul3A_59, %add3A_1209 : i32
        %get3A_1211 = arith.index_cast %add3A_1210 : i32 to index
        %get3A_1212 = arith.constant 48 : index
        %get3A_1213 = tpu.vector_load %arg9[%get3A_1211, %get3A_1212] {strides = array<i32>} : memref<512x64xf32, #tpu.memory_space<vmem>>, vector<16xf32>,
        %mul3A_1214 = arith.mulf %get3A_1213, %get3A_70 : vector<16xf32>
        %add3A_1215 = arith.addf %add3A_1208, %mul3A_1214 : vector<16xf32>
        %reduce_sum3A_1216 = arith.constant true
        %reduce_sum3A_1217 = vector.broadcast %reduce_sum3A_1216 : i1 to vector<16xi1>
        %reduce_sum3A_1218 = tpu.scan <sum>, %add3A_1215 masked %reduce_sum3A_1217 : vector<16xf32>, vector<16xi1> -> vector<16xf32>
        %reduce_sum3A_1219 = vector.extract %reduce_sum3A_1218[15] : f32 from vector<16xf32>
        %eq3A_1220 = arith.constant 15 : i32
        %eq3A_1221 = vector.broadcast %eq3A_1220 : i32 to vector<16xi32>
        %eq3A_1222 = arith.cmpi eq, %iota3A, %eq3A_1221 : vector<16xi32>
        %broadcast_in_dim3A_1223 = vector.broadcast %reduce_sum3A_1219 : f32 to vector<16xf32>
        %select_n3A_1224 = arith.select %eq3A_1222, %broadcast_in_dim3A_1223, %select_n3A_1188 : vector<16xi1>, vector<16xf32>
        %swap3A_1225 = arith.index_cast %scan3A_56 : i32 to index
        %swap3A_1226 = arith.constant 16 : index
        %swap3A_1227 = tpu.vector_load %arg11[%swap3A_1225, %swap3A_1226] {strides = array<i32>} : memref<8x64xf32, #tpu.memory_space<vmem>>, vector<16xf32>,
        tpu.vector_store %arg11[%swap3A_1225, %swap3A_1226], %select_n3A_1224 {strides = array<i32>} : memref<8x64xf32, #tpu.memory_space<vmem>>, vector<16xf32>,
        %broadcast_in_dim3A_1228 = arith.constant 0.000000e+00 : f32
        %broadcast_in_dim3A_1229 = vector.broadcast %broadcast_in_dim3A_1228 : f32 to vector<16xf32>
        %add3A_1230 = arith.constant 32 : i32
        %add3A_1231 = arith.addi %mul3A_59, %add3A_1230 : i32
        %get3A_1232 = arith.index_cast %add3A_1231 : i32 to index
        %get3A_1233 = arith.constant 0 : index
        %get3A_1234 = tpu.vector_load %arg9[%get3A_1232, %get3A_1233] {strides = array<i32>} : memref<512x64xf32, #tpu.memory_space<vmem>>, vector<16xf32>,
        %mul3A_1235 = arith.mulf %get3A_1234, %get3A_61 : vector<16xf32>
        %add3A_1236 = arith.constant 32 : i32
        %add3A_1237 = arith.addi %mul3A_59, %add3A_1236 : i32
        %get3A_1238 = arith.index_cast %add3A_1237 : i32 to index
        %get3A_1239 = arith.constant 16 : index
        %get3A_1240 = tpu.vector_load %arg9[%get3A_1238, %get3A_1239] {strides = array<i32>} : memref<512x64xf32, #tpu.memory_space<vmem>>, vector<16xf32>,
        %mul3A_1241 = arith.mulf %get3A_1240, %get3A_64 : vector<16xf32>
        %add3A_1242 = arith.addf %mul3A_1235, %mul3A_1241 : vector<16xf32>
        %add3A_1243 = arith.constant 32 : i32
        %add3A_1244 = arith.addi %mul3A_59, %add3A_1243 : i32
        %get3A_1245 = arith.index_cast %add3A_1244 : i32 to index
        %get3A_1246 = arith.constant 32 : index
        %get3A_1247 = tpu.vector_load %arg9[%get3A_1245, %get3A_1246] {strides = array<i32>} : memref<512x64xf32, #tpu.memory_space<vmem>>, vector<16xf32>,
        %mul3A_1248 = arith.mulf %get3A_1247, %get3A_67 : vector<16xf32>
        %add3A_1249 = arith.addf %add3A_1242, %mul3A_1248 : vector<16xf32>
        %add3A_1250 = arith.constant 32 : i32
        %add3A_1251 = arith.addi %mul3A_59, %add3A_1250 : i32
        %get3A_1252 = arith.index_cast %add3A_1251 : i32 to index
        %get3A_1253 = arith.constant 48 : index
        %get3A_1254 = tpu.vector_load %arg9[%get3A_1252, %get3A_1253] {strides = array<i32>} : memref<512x64xf32, #tpu.memory_space<vmem>>, vector<16xf32>,
        %mul3A_1255 = arith.mulf %get3A_1254, %get3A_70 : vector<16xf32>
        %add3A_1256 = arith.addf %add3A_1249, %mul3A_1255 : vector<16xf32>
        %reduce_sum3A_1257 = arith.constant true
        %reduce_sum3A_1258 = vector.broadcast %reduce_sum3A_1257 : i1 to vector<16xi1>
        %reduce_sum3A_1259 = tpu.scan <sum>, %add3A_1256 masked %reduce_sum3A_1258 : vector<16xf32>, vector<16xi1> -> vector<16xf32>
        %reduce_sum3A_1260 = vector.extract %reduce_sum3A_1259[15] : f32 from vector<16xf32>
        %eq3A_1261 = arith.constant 0 : i32
        %eq3A_1262 = vector.broadcast %eq3A_1261 : i32 to vector<16xi32>
        %eq3A_1263 = arith.cmpi eq, %iota3A, %eq3A_1262 : vector<16xi32>
        %broadcast_in_dim3A_1264 = vector.broadcast %reduce_sum3A_1260 : f32 to vector<16xf32>
        %select_n3A_1265 = arith.select %eq3A_1263, %broadcast_in_dim3A_1264, %broadcast_in_dim3A_1229 : vector<16xi1>, vector<16xf32>
        %add3A_1266 = arith.constant 33 : i32
        %add3A_1267 = arith.addi %mul3A_59, %add3A_1266 : i32
        %get3A_1268 = arith.index_cast %add3A_1267 : i32 to index
        %get3A_1269 = arith.constant 0 : index
        %get3A_1270 = tpu.vector_load %arg9[%get3A_1268, %get3A_1269] {strides = array<i32>} : memref<512x64xf32, #tpu.memory_space<vmem>>, vector<16xf32>,
        %mul3A_1271 = arith.mulf %get3A_1270, %get3A_61 : vector<16xf32>
        %add3A_1272 = arith.constant 33 : i32
        %add3A_1273 = arith.addi %mul3A_59, %add3A_1272 : i32
        %get3A_1274 = arith.index_cast %add3A_1273 : i32 to index
        %get3A_1275 = arith.constant 16 : index
        %get3A_1276 = tpu.vector_load %arg9[%get3A_1274, %get3A_1275] {strides = array<i32>} : memref<512x64xf32, #tpu.memory_space<vmem>>, vector<16xf32>,
        %mul3A_1277 = arith.mulf %get3A_1276, %get3A_64 : vector<16xf32>
        %add3A_1278 = arith.addf %mul3A_1271, %mul3A_1277 : vector<16xf32>
        %add3A_1279 = arith.constant 33 : i32
        %add3A_1280 = arith.addi %mul3A_59, %add3A_1279 : i32
        %get3A_1281 = arith.index_cast %add3A_1280 : i32 to index
        %get3A_1282 = arith.constant 32 : index
        %get3A_1283 = tpu.vector_load %arg9[%get3A_1281, %get3A_1282] {strides = array<i32>} : memref<512x64xf32, #tpu.memory_space<vmem>>, vector<16xf32>,
        %mul3A_1284 = arith.mulf %get3A_1283, %get3A_67 : vector<16xf32>
        %add3A_1285 = arith.addf %add3A_1278, %mul3A_1284 : vector<16xf32>
        %add3A_1286 = arith.constant 33 : i32
        %add3A_1287 = arith.addi %mul3A_59, %add3A_1286 : i32
        %get3A_1288 = arith.index_cast %add3A_1287 : i32 to index
        %get3A_1289 = arith.constant 48 : index
        %get3A_1290 = tpu.vector_load %arg9[%get3A_1288, %get3A_1289] {strides = array<i32>} : memref<512x64xf32, #tpu.memory_space<vmem>>, vector<16xf32>,
        %mul3A_1291 = arith.mulf %get3A_1290, %get3A_70 : vector<16xf32>
        %add3A_1292 = arith.addf %add3A_1285, %mul3A_1291 : vector<16xf32>
        %reduce_sum3A_1293 = arith.constant true
        %reduce_sum3A_1294 = vector.broadcast %reduce_sum3A_1293 : i1 to vector<16xi1>
        %reduce_sum3A_1295 = tpu.scan <sum>, %add3A_1292 masked %reduce_sum3A_1294 : vector<16xf32>, vector<16xi1> -> vector<16xf32>
        %reduce_sum3A_1296 = vector.extract %reduce_sum3A_1295[15] : f32 from vector<16xf32>
        %eq3A_1297 = arith.constant 1 : i32
        %eq3A_1298 = vector.broadcast %eq3A_1297 : i32 to vector<16xi32>
        %eq3A_1299 = arith.cmpi eq, %iota3A, %eq3A_1298 : vector<16xi32>
        %broadcast_in_dim3A_1300 = vector.broadcast %reduce_sum3A_1296 : f32 to vector<16xf32>
        %select_n3A_1301 = arith.select %eq3A_1299, %broadcast_in_dim3A_1300, %select_n3A_1265 : vector<16xi1>, vector<16xf32>
        %add3A_1302 = arith.constant 34 : i32
        %add3A_1303 = arith.addi %mul3A_59, %add3A_1302 : i32
        %get3A_1304 = arith.index_cast %add3A_1303 : i32 to index
        %get3A_1305 = arith.constant 0 : index
        %get3A_1306 = tpu.vector_load %arg9[%get3A_1304, %get3A_1305] {strides = array<i32>} : memref<512x64xf32, #tpu.memory_space<vmem>>, vector<16xf32>,
        %mul3A_1307 = arith.mulf %get3A_1306, %get3A_61 : vector<16xf32>
        %add3A_1308 = arith.constant 34 : i32
        %add3A_1309 = arith.addi %mul3A_59, %add3A_1308 : i32
        %get3A_1310 = arith.index_cast %add3A_1309 : i32 to index
        %get3A_1311 = arith.constant 16 : index
        %get3A_1312 = tpu.vector_load %arg9[%get3A_1310, %get3A_1311] {strides = array<i32>} : memref<512x64xf32, #tpu.memory_space<vmem>>, vector<16xf32>,
        %mul3A_1313 = arith.mulf %get3A_1312, %get3A_64 : vector<16xf32>
        %add3A_1314 = arith.addf %mul3A_1307, %mul3A_1313 : vector<16xf32>
        %add3A_1315 = arith.constant 34 : i32
        %add3A_1316 = arith.addi %mul3A_59, %add3A_1315 : i32
        %get3A_1317 = arith.index_cast %add3A_1316 : i32 to index
        %get3A_1318 = arith.constant 32 : index
        %get3A_1319 = tpu.vector_load %arg9[%get3A_1317, %get3A_1318] {strides = array<i32>} : memref<512x64xf32, #tpu.memory_space<vmem>>, vector<16xf32>,
        %mul3A_1320 = arith.mulf %get3A_1319, %get3A_67 : vector<16xf32>
        %add3A_1321 = arith.addf %add3A_1314, %mul3A_1320 : vector<16xf32>
        %add3A_1322 = arith.constant 34 : i32
        %add3A_1323 = arith.addi %mul3A_59, %add3A_1322 : i32
        %get3A_1324 = arith.index_cast %add3A_1323 : i32 to index
        %get3A_1325 = arith.constant 48 : index
        %get3A_1326 = tpu.vector_load %arg9[%get3A_1324, %get3A_1325] {strides = array<i32>} : memref<512x64xf32, #tpu.memory_space<vmem>>, vector<16xf32>,
        %mul3A_1327 = arith.mulf %get3A_1326, %get3A_70 : vector<16xf32>
        %add3A_1328 = arith.addf %add3A_1321, %mul3A_1327 : vector<16xf32>
        %reduce_sum3A_1329 = arith.constant true
        %reduce_sum3A_1330 = vector.broadcast %reduce_sum3A_1329 : i1 to vector<16xi1>
        %reduce_sum3A_1331 = tpu.scan <sum>, %add3A_1328 masked %reduce_sum3A_1330 : vector<16xf32>, vector<16xi1> -> vector<16xf32>
        %reduce_sum3A_1332 = vector.extract %reduce_sum3A_1331[15] : f32 from vector<16xf32>
        %eq3A_1333 = arith.constant 2 : i32
        %eq3A_1334 = vector.broadcast %eq3A_1333 : i32 to vector<16xi32>
        %eq3A_1335 = arith.cmpi eq, %iota3A, %eq3A_1334 : vector<16xi32>
        %broadcast_in_dim3A_1336 = vector.broadcast %reduce_sum3A_1332 : f32 to vector<16xf32>
        %select_n3A_1337 = arith.select %eq3A_1335, %broadcast_in_dim3A_1336, %select_n3A_1301 : vector<16xi1>, vector<16xf32>
        %add3A_1338 = arith.constant 35 : i32
        %add3A_1339 = arith.addi %mul3A_59, %add3A_1338 : i32
        %get3A_1340 = arith.index_cast %add3A_1339 : i32 to index
        %get3A_1341 = arith.constant 0 : index
        %get3A_1342 = tpu.vector_load %arg9[%get3A_1340, %get3A_1341] {strides = array<i32>} : memref<512x64xf32, #tpu.memory_space<vmem>>, vector<16xf32>,
        %mul3A_1343 = arith.mulf %get3A_1342, %get3A_61 : vector<16xf32>
        %add3A_1344 = arith.constant 35 : i32
        %add3A_1345 = arith.addi %mul3A_59, %add3A_1344 : i32
        %get3A_1346 = arith.index_cast %add3A_1345 : i32 to index
        %get3A_1347 = arith.constant 16 : index
        %get3A_1348 = tpu.vector_load %arg9[%get3A_1346, %get3A_1347] {strides = array<i32>} : memref<512x64xf32, #tpu.memory_space<vmem>>, vector<16xf32>,
        %mul3A_1349 = arith.mulf %get3A_1348, %get3A_64 : vector<16xf32>
        %add3A_1350 = arith.addf %mul3A_1343, %mul3A_1349 : vector<16xf32>
        %add3A_1351 = arith.constant 35 : i32
        %add3A_1352 = arith.addi %mul3A_59, %add3A_1351 : i32
        %get3A_1353 = arith.index_cast %add3A_1352 : i32 to index
        %get3A_1354 = arith.constant 32 : index
        %get3A_1355 = tpu.vector_load %arg9[%get3A_1353, %get3A_1354] {strides = array<i32>} : memref<512x64xf32, #tpu.memory_space<vmem>>, vector<16xf32>,
        %mul3A_1356 = arith.mulf %get3A_1355, %get3A_67 : vector<16xf32>
        %add3A_1357 = arith.addf %add3A_1350, %mul3A_1356 : vector<16xf32>
        %add3A_1358 = arith.constant 35 : i32
        %add3A_1359 = arith.addi %mul3A_59, %add3A_1358 : i32
        %get3A_1360 = arith.index_cast %add3A_1359 : i32 to index
        %get3A_1361 = arith.constant 48 : index
        %get3A_1362 = tpu.vector_load %arg9[%get3A_1360, %get3A_1361] {strides = array<i32>} : memref<512x64xf32, #tpu.memory_space<vmem>>, vector<16xf32>,
        %mul3A_1363 = arith.mulf %get3A_1362, %get3A_70 : vector<16xf32>
        %add3A_1364 = arith.addf %add3A_1357, %mul3A_1363 : vector<16xf32>
        %reduce_sum3A_1365 = arith.constant true
        %reduce_sum3A_1366 = vector.broadcast %reduce_sum3A_1365 : i1 to vector<16xi1>
        %reduce_sum3A_1367 = tpu.scan <sum>, %add3A_1364 masked %reduce_sum3A_1366 : vector<16xf32>, vector<16xi1> -> vector<16xf32>
        %reduce_sum3A_1368 = vector.extract %reduce_sum3A_1367[15] : f32 from vector<16xf32>
        %eq3A_1369 = arith.constant 3 : i32
        %eq3A_1370 = vector.broadcast %eq3A_1369 : i32 to vector<16xi32>
        %eq3A_1371 = arith.cmpi eq, %iota3A, %eq3A_1370 : vector<16xi32>
        %broadcast_in_dim3A_1372 = vector.broadcast %reduce_sum3A_1368 : f32 to vector<16xf32>
        %select_n3A_1373 = arith.select %eq3A_1371, %broadcast_in_dim3A_1372, %select_n3A_1337 : vector<16xi1>, vector<16xf32>
        %add3A_1374 = arith.constant 36 : i32
        %add3A_1375 = arith.addi %mul3A_59, %add3A_1374 : i32
        %get3A_1376 = arith.index_cast %add3A_1375 : i32 to index
        %get3A_1377 = arith.constant 0 : index
        %get3A_1378 = tpu.vector_load %arg9[%get3A_1376, %get3A_1377] {strides = array<i32>} : memref<512x64xf32, #tpu.memory_space<vmem>>, vector<16xf32>,
        %mul3A_1379 = arith.mulf %get3A_1378, %get3A_61 : vector<16xf32>
        %add3A_1380 = arith.constant 36 : i32
        %add3A_1381 = arith.addi %mul3A_59, %add3A_1380 : i32
        %get3A_1382 = arith.index_cast %add3A_1381 : i32 to index
        %get3A_1383 = arith.constant 16 : index
        %get3A_1384 = tpu.vector_load %arg9[%get3A_1382, %get3A_1383] {strides = array<i32>} : memref<512x64xf32, #tpu.memory_space<vmem>>, vector<16xf32>,
        %mul3A_1385 = arith.mulf %get3A_1384, %get3A_64 : vector<16xf32>
        %add3A_1386 = arith.addf %mul3A_1379, %mul3A_1385 : vector<16xf32>
        %add3A_1387 = arith.constant 36 : i32
        %add3A_1388 = arith.addi %mul3A_59, %add3A_1387 : i32
        %get3A_1389 = arith.index_cast %add3A_1388 : i32 to index
        %get3A_1390 = arith.constant 32 : index
        %get3A_1391 = tpu.vector_load %arg9[%get3A_1389, %get3A_1390] {strides = array<i32>} : memref<512x64xf32, #tpu.memory_space<vmem>>, vector<16xf32>,
        %mul3A_1392 = arith.mulf %get3A_1391, %get3A_67 : vector<16xf32>
        %add3A_1393 = arith.addf %add3A_1386, %mul3A_1392 : vector<16xf32>
        %add3A_1394 = arith.constant 36 : i32
        %add3A_1395 = arith.addi %mul3A_59, %add3A_1394 : i32
        %get3A_1396 = arith.index_cast %add3A_1395 : i32 to index
        %get3A_1397 = arith.constant 48 : index
        %get3A_1398 = tpu.vector_load %arg9[%get3A_1396, %get3A_1397] {strides = array<i32>} : memref<512x64xf32, #tpu.memory_space<vmem>>, vector<16xf32>,
        %mul3A_1399 = arith.mulf %get3A_1398, %get3A_70 : vector<16xf32>
        %add3A_1400 = arith.addf %add3A_1393, %mul3A_1399 : vector<16xf32>
        %reduce_sum3A_1401 = arith.constant true
        %reduce_sum3A_1402 = vector.broadcast %reduce_sum3A_1401 : i1 to vector<16xi1>
        %reduce_sum3A_1403 = tpu.scan <sum>, %add3A_1400 masked %reduce_sum3A_1402 : vector<16xf32>, vector<16xi1> -> vector<16xf32>
        %reduce_sum3A_1404 = vector.extract %reduce_sum3A_1403[15] : f32 from vector<16xf32>
        %eq3A_1405 = arith.constant 4 : i32
        %eq3A_1406 = vector.broadcast %eq3A_1405 : i32 to vector<16xi32>
        %eq3A_1407 = arith.cmpi eq, %iota3A, %eq3A_1406 : vector<16xi32>
        %broadcast_in_dim3A_1408 = vector.broadcast %reduce_sum3A_1404 : f32 to vector<16xf32>
        %select_n3A_1409 = arith.select %eq3A_1407, %broadcast_in_dim3A_1408, %select_n3A_1373 : vector<16xi1>, vector<16xf32>
        %add3A_1410 = arith.constant 37 : i32
        %add3A_1411 = arith.addi %mul3A_59, %add3A_1410 : i32
        %get3A_1412 = arith.index_cast %add3A_1411 : i32 to index
        %get3A_1413 = arith.constant 0 : index
        %get3A_1414 = tpu.vector_load %arg9[%get3A_1412, %get3A_1413] {strides = array<i32>} : memref<512x64xf32, #tpu.memory_space<vmem>>, vector<16xf32>,
        %mul3A_1415 = arith.mulf %get3A_1414, %get3A_61 : vector<16xf32>
        %add3A_1416 = arith.constant 37 : i32
        %add3A_1417 = arith.addi %mul3A_59, %add3A_1416 : i32
        %get3A_1418 = arith.index_cast %add3A_1417 : i32 to index
        %get3A_1419 = arith.constant 16 : index
        %get3A_1420 = tpu.vector_load %arg9[%get3A_1418, %get3A_1419] {strides = array<i32>} : memref<512x64xf32, #tpu.memory_space<vmem>>, vector<16xf32>,
        %mul3A_1421 = arith.mulf %get3A_1420, %get3A_64 : vector<16xf32>
        %add3A_1422 = arith.addf %mul3A_1415, %mul3A_1421 : vector<16xf32>
        %add3A_1423 = arith.constant 37 : i32
        %add3A_1424 = arith.addi %mul3A_59, %add3A_1423 : i32
        %get3A_1425 = arith.index_cast %add3A_1424 : i32 to index
        %get3A_1426 = arith.constant 32 : index
        %get3A_1427 = tpu.vector_load %arg9[%get3A_1425, %get3A_1426] {strides = array<i32>} : memref<512x64xf32, #tpu.memory_space<vmem>>, vector<16xf32>,
        %mul3A_1428 = arith.mulf %get3A_1427, %get3A_67 : vector<16xf32>
        %add3A_1429 = arith.addf %add3A_1422, %mul3A_1428 : vector<16xf32>
        %add3A_1430 = arith.constant 37 : i32
        %add3A_1431 = arith.addi %mul3A_59, %add3A_1430 : i32
        %get3A_1432 = arith.index_cast %add3A_1431 : i32 to index
        %get3A_1433 = arith.constant 48 : index
        %get3A_1434 = tpu.vector_load %arg9[%get3A_1432, %get3A_1433] {strides = array<i32>} : memref<512x64xf32, #tpu.memory_space<vmem>>, vector<16xf32>,
        %mul3A_1435 = arith.mulf %get3A_1434, %get3A_70 : vector<16xf32>
        %add3A_1436 = arith.addf %add3A_1429, %mul3A_1435 : vector<16xf32>
        %reduce_sum3A_1437 = arith.constant true
        %reduce_sum3A_1438 = vector.broadcast %reduce_sum3A_1437 : i1 to vector<16xi1>
        %reduce_sum3A_1439 = tpu.scan <sum>, %add3A_1436 masked %reduce_sum3A_1438 : vector<16xf32>, vector<16xi1> -> vector<16xf32>
        %reduce_sum3A_1440 = vector.extract %reduce_sum3A_1439[15] : f32 from vector<16xf32>
        %eq3A_1441 = arith.constant 5 : i32
        %eq3A_1442 = vector.broadcast %eq3A_1441 : i32 to vector<16xi32>
        %eq3A_1443 = arith.cmpi eq, %iota3A, %eq3A_1442 : vector<16xi32>
        %broadcast_in_dim3A_1444 = vector.broadcast %reduce_sum3A_1440 : f32 to vector<16xf32>
        %select_n3A_1445 = arith.select %eq3A_1443, %broadcast_in_dim3A_1444, %select_n3A_1409 : vector<16xi1>, vector<16xf32>
        %add3A_1446 = arith.constant 38 : i32
        %add3A_1447 = arith.addi %mul3A_59, %add3A_1446 : i32
        %get3A_1448 = arith.index_cast %add3A_1447 : i32 to index
        %get3A_1449 = arith.constant 0 : index
        %get3A_1450 = tpu.vector_load %arg9[%get3A_1448, %get3A_1449] {strides = array<i32>} : memref<512x64xf32, #tpu.memory_space<vmem>>, vector<16xf32>,
        %mul3A_1451 = arith.mulf %get3A_1450, %get3A_61 : vector<16xf32>
        %add3A_1452 = arith.constant 38 : i32
        %add3A_1453 = arith.addi %mul3A_59, %add3A_1452 : i32
        %get3A_1454 = arith.index_cast %add3A_1453 : i32 to index
        %get3A_1455 = arith.constant 16 : index
        %get3A_1456 = tpu.vector_load %arg9[%get3A_1454, %get3A_1455] {strides = array<i32>} : memref<512x64xf32, #tpu.memory_space<vmem>>, vector<16xf32>,
        %mul3A_1457 = arith.mulf %get3A_1456, %get3A_64 : vector<16xf32>
        %add3A_1458 = arith.addf %mul3A_1451, %mul3A_1457 : vector<16xf32>
        %add3A_1459 = arith.constant 38 : i32
        %add3A_1460 = arith.addi %mul3A_59, %add3A_1459 : i32
        %get3A_1461 = arith.index_cast %add3A_1460 : i32 to index
        %get3A_1462 = arith.constant 32 : index
        %get3A_1463 = tpu.vector_load %arg9[%get3A_1461, %get3A_1462] {strides = array<i32>} : memref<512x64xf32, #tpu.memory_space<vmem>>, vector<16xf32>,
        %mul3A_1464 = arith.mulf %get3A_1463, %get3A_67 : vector<16xf32>
        %add3A_1465 = arith.addf %add3A_1458, %mul3A_1464 : vector<16xf32>
        %add3A_1466 = arith.constant 38 : i32
        %add3A_1467 = arith.addi %mul3A_59, %add3A_1466 : i32
        %get3A_1468 = arith.index_cast %add3A_1467 : i32 to index
        %get3A_1469 = arith.constant 48 : index
        %get3A_1470 = tpu.vector_load %arg9[%get3A_1468, %get3A_1469] {strides = array<i32>} : memref<512x64xf32, #tpu.memory_space<vmem>>, vector<16xf32>,
        %mul3A_1471 = arith.mulf %get3A_1470, %get3A_70 : vector<16xf32>
        %add3A_1472 = arith.addf %add3A_1465, %mul3A_1471 : vector<16xf32>
        %reduce_sum3A_1473 = arith.constant true
        %reduce_sum3A_1474 = vector.broadcast %reduce_sum3A_1473 : i1 to vector<16xi1>
        %reduce_sum3A_1475 = tpu.scan <sum>, %add3A_1472 masked %reduce_sum3A_1474 : vector<16xf32>, vector<16xi1> -> vector<16xf32>
        %reduce_sum3A_1476 = vector.extract %reduce_sum3A_1475[15] : f32 from vector<16xf32>
        %eq3A_1477 = arith.constant 6 : i32
        %eq3A_1478 = vector.broadcast %eq3A_1477 : i32 to vector<16xi32>
        %eq3A_1479 = arith.cmpi eq, %iota3A, %eq3A_1478 : vector<16xi32>
        %broadcast_in_dim3A_1480 = vector.broadcast %reduce_sum3A_1476 : f32 to vector<16xf32>
        %select_n3A_1481 = arith.select %eq3A_1479, %broadcast_in_dim3A_1480, %select_n3A_1445 : vector<16xi1>, vector<16xf32>
        %add3A_1482 = arith.constant 39 : i32
        %add3A_1483 = arith.addi %mul3A_59, %add3A_1482 : i32
        %get3A_1484 = arith.index_cast %add3A_1483 : i32 to index
        %get3A_1485 = arith.constant 0 : index
        %get3A_1486 = tpu.vector_load %arg9[%get3A_1484, %get3A_1485] {strides = array<i32>} : memref<512x64xf32, #tpu.memory_space<vmem>>, vector<16xf32>,
        %mul3A_1487 = arith.mulf %get3A_1486, %get3A_61 : vector<16xf32>
        %add3A_1488 = arith.constant 39 : i32
        %add3A_1489 = arith.addi %mul3A_59, %add3A_1488 : i32
        %get3A_1490 = arith.index_cast %add3A_1489 : i32 to index
        %get3A_1491 = arith.constant 16 : index
        %get3A_1492 = tpu.vector_load %arg9[%get3A_1490, %get3A_1491] {strides = array<i32>} : memref<512x64xf32, #tpu.memory_space<vmem>>, vector<16xf32>,
        %mul3A_1493 = arith.mulf %get3A_1492, %get3A_64 : vector<16xf32>
        %add3A_1494 = arith.addf %mul3A_1487, %mul3A_1493 : vector<16xf32>
        %add3A_1495 = arith.constant 39 : i32
        %add3A_1496 = arith.addi %mul3A_59, %add3A_1495 : i32
        %get3A_1497 = arith.index_cast %add3A_1496 : i32 to index
        %get3A_1498 = arith.constant 32 : index
        %get3A_1499 = tpu.vector_load %arg9[%get3A_1497, %get3A_1498] {strides = array<i32>} : memref<512x64xf32, #tpu.memory_space<vmem>>, vector<16xf32>,
        %mul3A_1500 = arith.mulf %get3A_1499, %get3A_67 : vector<16xf32>
        %add3A_1501 = arith.addf %add3A_1494, %mul3A_1500 : vector<16xf32>
        %add3A_1502 = arith.constant 39 : i32
        %add3A_1503 = arith.addi %mul3A_59, %add3A_1502 : i32
        %get3A_1504 = arith.index_cast %add3A_1503 : i32 to index
        %get3A_1505 = arith.constant 48 : index
        %get3A_1506 = tpu.vector_load %arg9[%get3A_1504, %get3A_1505] {strides = array<i32>} : memref<512x64xf32, #tpu.memory_space<vmem>>, vector<16xf32>,
        %mul3A_1507 = arith.mulf %get3A_1506, %get3A_70 : vector<16xf32>
        %add3A_1508 = arith.addf %add3A_1501, %mul3A_1507 : vector<16xf32>
        %reduce_sum3A_1509 = arith.constant true
        %reduce_sum3A_1510 = vector.broadcast %reduce_sum3A_1509 : i1 to vector<16xi1>
        %reduce_sum3A_1511 = tpu.scan <sum>, %add3A_1508 masked %reduce_sum3A_1510 : vector<16xf32>, vector<16xi1> -> vector<16xf32>
        %reduce_sum3A_1512 = vector.extract %reduce_sum3A_1511[15] : f32 from vector<16xf32>
        %eq3A_1513 = arith.constant 7 : i32
        %eq3A_1514 = vector.broadcast %eq3A_1513 : i32 to vector<16xi32>
        %eq3A_1515 = arith.cmpi eq, %iota3A, %eq3A_1514 : vector<16xi32>
        %broadcast_in_dim3A_1516 = vector.broadcast %reduce_sum3A_1512 : f32 to vector<16xf32>
        %select_n3A_1517 = arith.select %eq3A_1515, %broadcast_in_dim3A_1516, %select_n3A_1481 : vector<16xi1>, vector<16xf32>
        %add3A_1518 = arith.constant 40 : i32
        %add3A_1519 = arith.addi %mul3A_59, %add3A_1518 : i32
        %get3A_1520 = arith.index_cast %add3A_1519 : i32 to index
        %get3A_1521 = arith.constant 0 : index
        %get3A_1522 = tpu.vector_load %arg9[%get3A_1520, %get3A_1521] {strides = array<i32>} : memref<512x64xf32, #tpu.memory_space<vmem>>, vector<16xf32>,
        %mul3A_1523 = arith.mulf %get3A_1522, %get3A_61 : vector<16xf32>
        %add3A_1524 = arith.constant 40 : i32
        %add3A_1525 = arith.addi %mul3A_59, %add3A_1524 : i32
        %get3A_1526 = arith.index_cast %add3A_1525 : i32 to index
        %get3A_1527 = arith.constant 16 : index
        %get3A_1528 = tpu.vector_load %arg9[%get3A_1526, %get3A_1527] {strides = array<i32>} : memref<512x64xf32, #tpu.memory_space<vmem>>, vector<16xf32>,
        %mul3A_1529 = arith.mulf %get3A_1528, %get3A_64 : vector<16xf32>
        %add3A_1530 = arith.addf %mul3A_1523, %mul3A_1529 : vector<16xf32>
        %add3A_1531 = arith.constant 40 : i32
        %add3A_1532 = arith.addi %mul3A_59, %add3A_1531 : i32
        %get3A_1533 = arith.index_cast %add3A_1532 : i32 to index
        %get3A_1534 = arith.constant 32 : index
        %get3A_1535 = tpu.vector_load %arg9[%get3A_1533, %get3A_1534] {strides = array<i32>} : memref<512x64xf32, #tpu.memory_space<vmem>>, vector<16xf32>,
        %mul3A_1536 = arith.mulf %get3A_1535, %get3A_67 : vector<16xf32>
        %add3A_1537 = arith.addf %add3A_1530, %mul3A_1536 : vector<16xf32>
        %add3A_1538 = arith.constant 40 : i32
        %add3A_1539 = arith.addi %mul3A_59, %add3A_1538 : i32
        %get3A_1540 = arith.index_cast %add3A_1539 : i32 to index
        %get3A_1541 = arith.constant 48 : index
        %get3A_1542 = tpu.vector_load %arg9[%get3A_1540, %get3A_1541] {strides = array<i32>} : memref<512x64xf32, #tpu.memory_space<vmem>>, vector<16xf32>,
        %mul3A_1543 = arith.mulf %get3A_1542, %get3A_70 : vector<16xf32>
        %add3A_1544 = arith.addf %add3A_1537, %mul3A_1543 : vector<16xf32>
        %reduce_sum3A_1545 = arith.constant true
        %reduce_sum3A_1546 = vector.broadcast %reduce_sum3A_1545 : i1 to vector<16xi1>
        %reduce_sum3A_1547 = tpu.scan <sum>, %add3A_1544 masked %reduce_sum3A_1546 : vector<16xf32>, vector<16xi1> -> vector<16xf32>
        %reduce_sum3A_1548 = vector.extract %reduce_sum3A_1547[15] : f32 from vector<16xf32>
        %eq3A_1549 = arith.constant 8 : i32
        %eq3A_1550 = vector.broadcast %eq3A_1549 : i32 to vector<16xi32>
        %eq3A_1551 = arith.cmpi eq, %iota3A, %eq3A_1550 : vector<16xi32>
        %broadcast_in_dim3A_1552 = vector.broadcast %reduce_sum3A_1548 : f32 to vector<16xf32>
        %select_n3A_1553 = arith.select %eq3A_1551, %broadcast_in_dim3A_1552, %select_n3A_1517 : vector<16xi1>, vector<16xf32>
        %add3A_1554 = arith.constant 41 : i32
        %add3A_1555 = arith.addi %mul3A_59, %add3A_1554 : i32
        %get3A_1556 = arith.index_cast %add3A_1555 : i32 to index
        %get3A_1557 = arith.constant 0 : index
        %get3A_1558 = tpu.vector_load %arg9[%get3A_1556, %get3A_1557] {strides = array<i32>} : memref<512x64xf32, #tpu.memory_space<vmem>>, vector<16xf32>,
        %mul3A_1559 = arith.mulf %get3A_1558, %get3A_61 : vector<16xf32>
        %add3A_1560 = arith.constant 41 : i32
        %add3A_1561 = arith.addi %mul3A_59, %add3A_1560 : i32
        %get3A_1562 = arith.index_cast %add3A_1561 : i32 to index
        %get3A_1563 = arith.constant 16 : index
        %get3A_1564 = tpu.vector_load %arg9[%get3A_1562, %get3A_1563] {strides = array<i32>} : memref<512x64xf32, #tpu.memory_space<vmem>>, vector<16xf32>,
        %mul3A_1565 = arith.mulf %get3A_1564, %get3A_64 : vector<16xf32>
        %add3A_1566 = arith.addf %mul3A_1559, %mul3A_1565 : vector<16xf32>
        %add3A_1567 = arith.constant 41 : i32
        %add3A_1568 = arith.addi %mul3A_59, %add3A_1567 : i32
        %get3A_1569 = arith.index_cast %add3A_1568 : i32 to index
        %get3A_1570 = arith.constant 32 : index
        %get3A_1571 = tpu.vector_load %arg9[%get3A_1569, %get3A_1570] {strides = array<i32>} : memref<512x64xf32, #tpu.memory_space<vmem>>, vector<16xf32>,
        %mul3A_1572 = arith.mulf %get3A_1571, %get3A_67 : vector<16xf32>
        %add3A_1573 = arith.addf %add3A_1566, %mul3A_1572 : vector<16xf32>
        %add3A_1574 = arith.constant 41 : i32
        %add3A_1575 = arith.addi %mul3A_59, %add3A_1574 : i32
        %get3A_1576 = arith.index_cast %add3A_1575 : i32 to index
        %get3A_1577 = arith.constant 48 : index
        %get3A_1578 = tpu.vector_load %arg9[%get3A_1576, %get3A_1577] {strides = array<i32>} : memref<512x64xf32, #tpu.memory_space<vmem>>, vector<16xf32>,
        %mul3A_1579 = arith.mulf %get3A_1578, %get3A_70 : vector<16xf32>
        %add3A_1580 = arith.addf %add3A_1573, %mul3A_1579 : vector<16xf32>
        %reduce_sum3A_1581 = arith.constant true
        %reduce_sum3A_1582 = vector.broadcast %reduce_sum3A_1581 : i1 to vector<16xi1>
        %reduce_sum3A_1583 = tpu.scan <sum>, %add3A_1580 masked %reduce_sum3A_1582 : vector<16xf32>, vector<16xi1> -> vector<16xf32>
        %reduce_sum3A_1584 = vector.extract %reduce_sum3A_1583[15] : f32 from vector<16xf32>
        %eq3A_1585 = arith.constant 9 : i32
        %eq3A_1586 = vector.broadcast %eq3A_1585 : i32 to vector<16xi32>
        %eq3A_1587 = arith.cmpi eq, %iota3A, %eq3A_1586 : vector<16xi32>
        %broadcast_in_dim3A_1588 = vector.broadcast %reduce_sum3A_1584 : f32 to vector<16xf32>
        %select_n3A_1589 = arith.select %eq3A_1587, %broadcast_in_dim3A_1588, %select_n3A_1553 : vector<16xi1>, vector<16xf32>
        %add3A_1590 = arith.constant 42 : i32
        %add3A_1591 = arith.addi %mul3A_59, %add3A_1590 : i32
        %get3A_1592 = arith.index_cast %add3A_1591 : i32 to index
        %get3A_1593 = arith.constant 0 : index
        %get3A_1594 = tpu.vector_load %arg9[%get3A_1592, %get3A_1593] {strides = array<i32>} : memref<512x64xf32, #tpu.memory_space<vmem>>, vector<16xf32>,
        %mul3A_1595 = arith.mulf %get3A_1594, %get3A_61 : vector<16xf32>
        %add3A_1596 = arith.constant 42 : i32
        %add3A_1597 = arith.addi %mul3A_59, %add3A_1596 : i32
        %get3A_1598 = arith.index_cast %add3A_1597 : i32 to index
        %get3A_1599 = arith.constant 16 : index
        %get3A_1600 = tpu.vector_load %arg9[%get3A_1598, %get3A_1599] {strides = array<i32>} : memref<512x64xf32, #tpu.memory_space<vmem>>, vector<16xf32>,
        %mul3A_1601 = arith.mulf %get3A_1600, %get3A_64 : vector<16xf32>
        %add3A_1602 = arith.addf %mul3A_1595, %mul3A_1601 : vector<16xf32>
        %add3A_1603 = arith.constant 42 : i32
        %add3A_1604 = arith.addi %mul3A_59, %add3A_1603 : i32
        %get3A_1605 = arith.index_cast %add3A_1604 : i32 to index
        %get3A_1606 = arith.constant 32 : index
        %get3A_1607 = tpu.vector_load %arg9[%get3A_1605, %get3A_1606] {strides = array<i32>} : memref<512x64xf32, #tpu.memory_space<vmem>>, vector<16xf32>,
        %mul3A_1608 = arith.mulf %get3A_1607, %get3A_67 : vector<16xf32>
        %add3A_1609 = arith.addf %add3A_1602, %mul3A_1608 : vector<16xf32>
        %add3A_1610 = arith.constant 42 : i32
        %add3A_1611 = arith.addi %mul3A_59, %add3A_1610 : i32
        %get3A_1612 = arith.index_cast %add3A_1611 : i32 to index
        %get3A_1613 = arith.constant 48 : index
        %get3A_1614 = tpu.vector_load %arg9[%get3A_1612, %get3A_1613] {strides = array<i32>} : memref<512x64xf32, #tpu.memory_space<vmem>>, vector<16xf32>,
        %mul3A_1615 = arith.mulf %get3A_1614, %get3A_70 : vector<16xf32>
        %add3A_1616 = arith.addf %add3A_1609, %mul3A_1615 : vector<16xf32>
        %reduce_sum3A_1617 = arith.constant true
        %reduce_sum3A_1618 = vector.broadcast %reduce_sum3A_1617 : i1 to vector<16xi1>
        %reduce_sum3A_1619 = tpu.scan <sum>, %add3A_1616 masked %reduce_sum3A_1618 : vector<16xf32>, vector<16xi1> -> vector<16xf32>
        %reduce_sum3A_1620 = vector.extract %reduce_sum3A_1619[15] : f32 from vector<16xf32>
        %eq3A_1621 = arith.constant 10 : i32
        %eq3A_1622 = vector.broadcast %eq3A_1621 : i32 to vector<16xi32>
        %eq3A_1623 = arith.cmpi eq, %iota3A, %eq3A_1622 : vector<16xi32>
        %broadcast_in_dim3A_1624 = vector.broadcast %reduce_sum3A_1620 : f32 to vector<16xf32>
        %select_n3A_1625 = arith.select %eq3A_1623, %broadcast_in_dim3A_1624, %select_n3A_1589 : vector<16xi1>, vector<16xf32>
        %add3A_1626 = arith.constant 43 : i32
        %add3A_1627 = arith.addi %mul3A_59, %add3A_1626 : i32
        %get3A_1628 = arith.index_cast %add3A_1627 : i32 to index
        %get3A_1629 = arith.constant 0 : index
        %get3A_1630 = tpu.vector_load %arg9[%get3A_1628, %get3A_1629] {strides = array<i32>} : memref<512x64xf32, #tpu.memory_space<vmem>>, vector<16xf32>,
        %mul3A_1631 = arith.mulf %get3A_1630, %get3A_61 : vector<16xf32>
        %add3A_1632 = arith.constant 43 : i32
        %add3A_1633 = arith.addi %mul3A_59, %add3A_1632 : i32
        %get3A_1634 = arith.index_cast %add3A_1633 : i32 to index
        %get3A_1635 = arith.constant 16 : index
        %get3A_1636 = tpu.vector_load %arg9[%get3A_1634, %get3A_1635] {strides = array<i32>} : memref<512x64xf32, #tpu.memory_space<vmem>>, vector<16xf32>,
        %mul3A_1637 = arith.mulf %get3A_1636, %get3A_64 : vector<16xf32>
        %add3A_1638 = arith.addf %mul3A_1631, %mul3A_1637 : vector<16xf32>
        %add3A_1639 = arith.constant 43 : i32
        %add3A_1640 = arith.addi %mul3A_59, %add3A_1639 : i32
        %get3A_1641 = arith.index_cast %add3A_1640 : i32 to index
        %get3A_1642 = arith.constant 32 : index
        %get3A_1643 = tpu.vector_load %arg9[%get3A_1641, %get3A_1642] {strides = array<i32>} : memref<512x64xf32, #tpu.memory_space<vmem>>, vector<16xf32>,
        %mul3A_1644 = arith.mulf %get3A_1643, %get3A_67 : vector<16xf32>
        %add3A_1645 = arith.addf %add3A_1638, %mul3A_1644 : vector<16xf32>
        %add3A_1646 = arith.constant 43 : i32
        %add3A_1647 = arith.addi %mul3A_59, %add3A_1646 : i32
        %get3A_1648 = arith.index_cast %add3A_1647 : i32 to index
        %get3A_1649 = arith.constant 48 : index
        %get3A_1650 = tpu.vector_load %arg9[%get3A_1648, %get3A_1649] {strides = array<i32>} : memref<512x64xf32, #tpu.memory_space<vmem>>, vector<16xf32>,
        %mul3A_1651 = arith.mulf %get3A_1650, %get3A_70 : vector<16xf32>
        %add3A_1652 = arith.addf %add3A_1645, %mul3A_1651 : vector<16xf32>
        %reduce_sum3A_1653 = arith.constant true
        %reduce_sum3A_1654 = vector.broadcast %reduce_sum3A_1653 : i1 to vector<16xi1>
        %reduce_sum3A_1655 = tpu.scan <sum>, %add3A_1652 masked %reduce_sum3A_1654 : vector<16xf32>, vector<16xi1> -> vector<16xf32>
        %reduce_sum3A_1656 = vector.extract %reduce_sum3A_1655[15] : f32 from vector<16xf32>
        %eq3A_1657 = arith.constant 11 : i32
        %eq3A_1658 = vector.broadcast %eq3A_1657 : i32 to vector<16xi32>
        %eq3A_1659 = arith.cmpi eq, %iota3A, %eq3A_1658 : vector<16xi32>
        %broadcast_in_dim3A_1660 = vector.broadcast %reduce_sum3A_1656 : f32 to vector<16xf32>
        %select_n3A_1661 = arith.select %eq3A_1659, %broadcast_in_dim3A_1660, %select_n3A_1625 : vector<16xi1>, vector<16xf32>
        %add3A_1662 = arith.constant 44 : i32
        %add3A_1663 = arith.addi %mul3A_59, %add3A_1662 : i32
        %get3A_1664 = arith.index_cast %add3A_1663 : i32 to index
        %get3A_1665 = arith.constant 0 : index
        %get3A_1666 = tpu.vector_load %arg9[%get3A_1664, %get3A_1665] {strides = array<i32>} : memref<512x64xf32, #tpu.memory_space<vmem>>, vector<16xf32>,
        %mul3A_1667 = arith.mulf %get3A_1666, %get3A_61 : vector<16xf32>
        %add3A_1668 = arith.constant 44 : i32
        %add3A_1669 = arith.addi %mul3A_59, %add3A_1668 : i32
        %get3A_1670 = arith.index_cast %add3A_1669 : i32 to index
        %get3A_1671 = arith.constant 16 : index
        %get3A_1672 = tpu.vector_load %arg9[%get3A_1670, %get3A_1671] {strides = array<i32>} : memref<512x64xf32, #tpu.memory_space<vmem>>, vector<16xf32>,
        %mul3A_1673 = arith.mulf %get3A_1672, %get3A_64 : vector<16xf32>
        %add3A_1674 = arith.addf %mul3A_1667, %mul3A_1673 : vector<16xf32>
        %add3A_1675 = arith.constant 44 : i32
        %add3A_1676 = arith.addi %mul3A_59, %add3A_1675 : i32
        %get3A_1677 = arith.index_cast %add3A_1676 : i32 to index
        %get3A_1678 = arith.constant 32 : index
        %get3A_1679 = tpu.vector_load %arg9[%get3A_1677, %get3A_1678] {strides = array<i32>} : memref<512x64xf32, #tpu.memory_space<vmem>>, vector<16xf32>,
        %mul3A_1680 = arith.mulf %get3A_1679, %get3A_67 : vector<16xf32>
        %add3A_1681 = arith.addf %add3A_1674, %mul3A_1680 : vector<16xf32>
        %add3A_1682 = arith.constant 44 : i32
        %add3A_1683 = arith.addi %mul3A_59, %add3A_1682 : i32
        %get3A_1684 = arith.index_cast %add3A_1683 : i32 to index
        %get3A_1685 = arith.constant 48 : index
        %get3A_1686 = tpu.vector_load %arg9[%get3A_1684, %get3A_1685] {strides = array<i32>} : memref<512x64xf32, #tpu.memory_space<vmem>>, vector<16xf32>,
        %mul3A_1687 = arith.mulf %get3A_1686, %get3A_70 : vector<16xf32>
        %add3A_1688 = arith.addf %add3A_1681, %mul3A_1687 : vector<16xf32>
        %reduce_sum3A_1689 = arith.constant true
        %reduce_sum3A_1690 = vector.broadcast %reduce_sum3A_1689 : i1 to vector<16xi1>
        %reduce_sum3A_1691 = tpu.scan <sum>, %add3A_1688 masked %reduce_sum3A_1690 : vector<16xf32>, vector<16xi1> -> vector<16xf32>
        %reduce_sum3A_1692 = vector.extract %reduce_sum3A_1691[15] : f32 from vector<16xf32>
        %eq3A_1693 = arith.constant 12 : i32
        %eq3A_1694 = vector.broadcast %eq3A_1693 : i32 to vector<16xi32>
        %eq3A_1695 = arith.cmpi eq, %iota3A, %eq3A_1694 : vector<16xi32>
        %broadcast_in_dim3A_1696 = vector.broadcast %reduce_sum3A_1692 : f32 to vector<16xf32>
        %select_n3A_1697 = arith.select %eq3A_1695, %broadcast_in_dim3A_1696, %select_n3A_1661 : vector<16xi1>, vector<16xf32>
        %add3A_1698 = arith.constant 45 : i32
        %add3A_1699 = arith.addi %mul3A_59, %add3A_1698 : i32
        %get3A_1700 = arith.index_cast %add3A_1699 : i32 to index
        %get3A_1701 = arith.constant 0 : index
        %get3A_1702 = tpu.vector_load %arg9[%get3A_1700, %get3A_1701] {strides = array<i32>} : memref<512x64xf32, #tpu.memory_space<vmem>>, vector<16xf32>,
        %mul3A_1703 = arith.mulf %get3A_1702, %get3A_61 : vector<16xf32>
        %add3A_1704 = arith.constant 45 : i32
        %add3A_1705 = arith.addi %mul3A_59, %add3A_1704 : i32
        %get3A_1706 = arith.index_cast %add3A_1705 : i32 to index
        %get3A_1707 = arith.constant 16 : index
        %get3A_1708 = tpu.vector_load %arg9[%get3A_1706, %get3A_1707] {strides = array<i32>} : memref<512x64xf32, #tpu.memory_space<vmem>>, vector<16xf32>,
        %mul3A_1709 = arith.mulf %get3A_1708, %get3A_64 : vector<16xf32>
        %add3A_1710 = arith.addf %mul3A_1703, %mul3A_1709 : vector<16xf32>
        %add3A_1711 = arith.constant 45 : i32
        %add3A_1712 = arith.addi %mul3A_59, %add3A_1711 : i32
        %get3A_1713 = arith.index_cast %add3A_1712 : i32 to index
        %get3A_1714 = arith.constant 32 : index
        %get3A_1715 = tpu.vector_load %arg9[%get3A_1713, %get3A_1714] {strides = array<i32>} : memref<512x64xf32, #tpu.memory_space<vmem>>, vector<16xf32>,
        %mul3A_1716 = arith.mulf %get3A_1715, %get3A_67 : vector<16xf32>
        %add3A_1717 = arith.addf %add3A_1710, %mul3A_1716 : vector<16xf32>
        %add3A_1718 = arith.constant 45 : i32
        %add3A_1719 = arith.addi %mul3A_59, %add3A_1718 : i32
        %get3A_1720 = arith.index_cast %add3A_1719 : i32 to index
        %get3A_1721 = arith.constant 48 : index
        %get3A_1722 = tpu.vector_load %arg9[%get3A_1720, %get3A_1721] {strides = array<i32>} : memref<512x64xf32, #tpu.memory_space<vmem>>, vector<16xf32>,
        %mul3A_1723 = arith.mulf %get3A_1722, %get3A_70 : vector<16xf32>
        %add3A_1724 = arith.addf %add3A_1717, %mul3A_1723 : vector<16xf32>
        %reduce_sum3A_1725 = arith.constant true
        %reduce_sum3A_1726 = vector.broadcast %reduce_sum3A_1725 : i1 to vector<16xi1>
        %reduce_sum3A_1727 = tpu.scan <sum>, %add3A_1724 masked %reduce_sum3A_1726 : vector<16xf32>, vector<16xi1> -> vector<16xf32>
        %reduce_sum3A_1728 = vector.extract %reduce_sum3A_1727[15] : f32 from vector<16xf32>
        %eq3A_1729 = arith.constant 13 : i32
        %eq3A_1730 = vector.broadcast %eq3A_1729 : i32 to vector<16xi32>
        %eq3A_1731 = arith.cmpi eq, %iota3A, %eq3A_1730 : vector<16xi32>
        %broadcast_in_dim3A_1732 = vector.broadcast %reduce_sum3A_1728 : f32 to vector<16xf32>
        %select_n3A_1733 = arith.select %eq3A_1731, %broadcast_in_dim3A_1732, %select_n3A_1697 : vector<16xi1>, vector<16xf32>
        %add3A_1734 = arith.constant 46 : i32
        %add3A_1735 = arith.addi %mul3A_59, %add3A_1734 : i32
        %get3A_1736 = arith.index_cast %add3A_1735 : i32 to index
        %get3A_1737 = arith.constant 0 : index
        %get3A_1738 = tpu.vector_load %arg9[%get3A_1736, %get3A_1737] {strides = array<i32>} : memref<512x64xf32, #tpu.memory_space<vmem>>, vector<16xf32>,
        %mul3A_1739 = arith.mulf %get3A_1738, %get3A_61 : vector<16xf32>
        %add3A_1740 = arith.constant 46 : i32
        %add3A_1741 = arith.addi %mul3A_59, %add3A_1740 : i32
        %get3A_1742 = arith.index_cast %add3A_1741 : i32 to index
        %get3A_1743 = arith.constant 16 : index
        %get3A_1744 = tpu.vector_load %arg9[%get3A_1742, %get3A_1743] {strides = array<i32>} : memref<512x64xf32, #tpu.memory_space<vmem>>, vector<16xf32>,
        %mul3A_1745 = arith.mulf %get3A_1744, %get3A_64 : vector<16xf32>
        %add3A_1746 = arith.addf %mul3A_1739, %mul3A_1745 : vector<16xf32>
        %add3A_1747 = arith.constant 46 : i32
        %add3A_1748 = arith.addi %mul3A_59, %add3A_1747 : i32
        %get3A_1749 = arith.index_cast %add3A_1748 : i32 to index
        %get3A_1750 = arith.constant 32 : index
        %get3A_1751 = tpu.vector_load %arg9[%get3A_1749, %get3A_1750] {strides = array<i32>} : memref<512x64xf32, #tpu.memory_space<vmem>>, vector<16xf32>,
        %mul3A_1752 = arith.mulf %get3A_1751, %get3A_67 : vector<16xf32>
        %add3A_1753 = arith.addf %add3A_1746, %mul3A_1752 : vector<16xf32>
        %add3A_1754 = arith.constant 46 : i32
        %add3A_1755 = arith.addi %mul3A_59, %add3A_1754 : i32
        %get3A_1756 = arith.index_cast %add3A_1755 : i32 to index
        %get3A_1757 = arith.constant 48 : index
        %get3A_1758 = tpu.vector_load %arg9[%get3A_1756, %get3A_1757] {strides = array<i32>} : memref<512x64xf32, #tpu.memory_space<vmem>>, vector<16xf32>,
        %mul3A_1759 = arith.mulf %get3A_1758, %get3A_70 : vector<16xf32>
        %add3A_1760 = arith.addf %add3A_1753, %mul3A_1759 : vector<16xf32>
        %reduce_sum3A_1761 = arith.constant true
        %reduce_sum3A_1762 = vector.broadcast %reduce_sum3A_1761 : i1 to vector<16xi1>
        %reduce_sum3A_1763 = tpu.scan <sum>, %add3A_1760 masked %reduce_sum3A_1762 : vector<16xf32>, vector<16xi1> -> vector<16xf32>
        %reduce_sum3A_1764 = vector.extract %reduce_sum3A_1763[15] : f32 from vector<16xf32>
        %eq3A_1765 = arith.constant 14 : i32
        %eq3A_1766 = vector.broadcast %eq3A_1765 : i32 to vector<16xi32>
        %eq3A_1767 = arith.cmpi eq, %iota3A, %eq3A_1766 : vector<16xi32>
        %broadcast_in_dim3A_1768 = vector.broadcast %reduce_sum3A_1764 : f32 to vector<16xf32>
        %select_n3A_1769 = arith.select %eq3A_1767, %broadcast_in_dim3A_1768, %select_n3A_1733 : vector<16xi1>, vector<16xf32>
        %add3A_1770 = arith.constant 47 : i32
        %add3A_1771 = arith.addi %mul3A_59, %add3A_1770 : i32
        %get3A_1772 = arith.index_cast %add3A_1771 : i32 to index
        %get3A_1773 = arith.constant 0 : index
        %get3A_1774 = tpu.vector_load %arg9[%get3A_1772, %get3A_1773] {strides = array<i32>} : memref<512x64xf32, #tpu.memory_space<vmem>>, vector<16xf32>,
        %mul3A_1775 = arith.mulf %get3A_1774, %get3A_61 : vector<16xf32>
        %add3A_1776 = arith.constant 47 : i32
        %add3A_1777 = arith.addi %mul3A_59, %add3A_1776 : i32
        %get3A_1778 = arith.index_cast %add3A_1777 : i32 to index
        %get3A_1779 = arith.constant 16 : index
        %get3A_1780 = tpu.vector_load %arg9[%get3A_1778, %get3A_1779] {strides = array<i32>} : memref<512x64xf32, #tpu.memory_space<vmem>>, vector<16xf32>,
        %mul3A_1781 = arith.mulf %get3A_1780, %get3A_64 : vector<16xf32>
        %add3A_1782 = arith.addf %mul3A_1775, %mul3A_1781 : vector<16xf32>
        %add3A_1783 = arith.constant 47 : i32
        %add3A_1784 = arith.addi %mul3A_59, %add3A_1783 : i32
        %get3A_1785 = arith.index_cast %add3A_1784 : i32 to index
        %get3A_1786 = arith.constant 32 : index
        %get3A_1787 = tpu.vector_load %arg9[%get3A_1785, %get3A_1786] {strides = array<i32>} : memref<512x64xf32, #tpu.memory_space<vmem>>, vector<16xf32>,
        %mul3A_1788 = arith.mulf %get3A_1787, %get3A_67 : vector<16xf32>
        %add3A_1789 = arith.addf %add3A_1782, %mul3A_1788 : vector<16xf32>
        %add3A_1790 = arith.constant 47 : i32
        %add3A_1791 = arith.addi %mul3A_59, %add3A_1790 : i32
        %get3A_1792 = arith.index_cast %add3A_1791 : i32 to index
        %get3A_1793 = arith.constant 48 : index
        %get3A_1794 = tpu.vector_load %arg9[%get3A_1792, %get3A_1793] {strides = array<i32>} : memref<512x64xf32, #tpu.memory_space<vmem>>, vector<16xf32>,
        %mul3A_1795 = arith.mulf %get3A_1794, %get3A_70 : vector<16xf32>
        %add3A_1796 = arith.addf %add3A_1789, %mul3A_1795 : vector<16xf32>
        %reduce_sum3A_1797 = arith.constant true
        %reduce_sum3A_1798 = vector.broadcast %reduce_sum3A_1797 : i1 to vector<16xi1>
        %reduce_sum3A_1799 = tpu.scan <sum>, %add3A_1796 masked %reduce_sum3A_1798 : vector<16xf32>, vector<16xi1> -> vector<16xf32>
        %reduce_sum3A_1800 = vector.extract %reduce_sum3A_1799[15] : f32 from vector<16xf32>
        %eq3A_1801 = arith.constant 15 : i32
        %eq3A_1802 = vector.broadcast %eq3A_1801 : i32 to vector<16xi32>
        %eq3A_1803 = arith.cmpi eq, %iota3A, %eq3A_1802 : vector<16xi32>
        %broadcast_in_dim3A_1804 = vector.broadcast %reduce_sum3A_1800 : f32 to vector<16xf32>
        %select_n3A_1805 = arith.select %eq3A_1803, %broadcast_in_dim3A_1804, %select_n3A_1769 : vector<16xi1>, vector<16xf32>
        %swap3A_1806 = arith.index_cast %scan3A_56 : i32 to index
        %swap3A_1807 = arith.constant 32 : index
        %swap3A_1808 = tpu.vector_load %arg11[%swap3A_1806, %swap3A_1807] {strides = array<i32>} : memref<8x64xf32, #tpu.memory_space<vmem>>, vector<16xf32>,
        tpu.vector_store %arg11[%swap3A_1806, %swap3A_1807], %select_n3A_1805 {strides = array<i32>} : memref<8x64xf32, #tpu.memory_space<vmem>>, vector<16xf32>,
        %broadcast_in_dim3A_1809 = arith.constant 0.000000e+00 : f32
        %broadcast_in_dim3A_1810 = vector.broadcast %broadcast_in_dim3A_1809 : f32 to vector<16xf32>
        %add3A_1811 = arith.constant 48 : i32
        %add3A_1812 = arith.addi %mul3A_59, %add3A_1811 : i32
        %get3A_1813 = arith.index_cast %add3A_1812 : i32 to index
        %get3A_1814 = arith.constant 0 : index
        %get3A_1815 = tpu.vector_load %arg9[%get3A_1813, %get3A_1814] {strides = array<i32>} : memref<512x64xf32, #tpu.memory_space<vmem>>, vector<16xf32>,
        %mul3A_1816 = arith.mulf %get3A_1815, %get3A_61 : vector<16xf32>
        %add3A_1817 = arith.constant 48 : i32
        %add3A_1818 = arith.addi %mul3A_59, %add3A_1817 : i32
        %get3A_1819 = arith.index_cast %add3A_1818 : i32 to index
        %get3A_1820 = arith.constant 16 : index
        %get3A_1821 = tpu.vector_load %arg9[%get3A_1819, %get3A_1820] {strides = array<i32>} : memref<512x64xf32, #tpu.memory_space<vmem>>, vector<16xf32>,
        %mul3A_1822 = arith.mulf %get3A_1821, %get3A_64 : vector<16xf32>
        %add3A_1823 = arith.addf %mul3A_1816, %mul3A_1822 : vector<16xf32>
        %add3A_1824 = arith.constant 48 : i32
        %add3A_1825 = arith.addi %mul3A_59, %add3A_1824 : i32
        %get3A_1826 = arith.index_cast %add3A_1825 : i32 to index
        %get3A_1827 = arith.constant 32 : index
        %get3A_1828 = tpu.vector_load %arg9[%get3A_1826, %get3A_1827] {strides = array<i32>} : memref<512x64xf32, #tpu.memory_space<vmem>>, vector<16xf32>,
        %mul3A_1829 = arith.mulf %get3A_1828, %get3A_67 : vector<16xf32>
        %add3A_1830 = arith.addf %add3A_1823, %mul3A_1829 : vector<16xf32>
        %add3A_1831 = arith.constant 48 : i32
        %add3A_1832 = arith.addi %mul3A_59, %add3A_1831 : i32
        %get3A_1833 = arith.index_cast %add3A_1832 : i32 to index
        %get3A_1834 = arith.constant 48 : index
        %get3A_1835 = tpu.vector_load %arg9[%get3A_1833, %get3A_1834] {strides = array<i32>} : memref<512x64xf32, #tpu.memory_space<vmem>>, vector<16xf32>,
        %mul3A_1836 = arith.mulf %get3A_1835, %get3A_70 : vector<16xf32>
        %add3A_1837 = arith.addf %add3A_1830, %mul3A_1836 : vector<16xf32>
        %reduce_sum3A_1838 = arith.constant true
        %reduce_sum3A_1839 = vector.broadcast %reduce_sum3A_1838 : i1 to vector<16xi1>
        %reduce_sum3A_1840 = tpu.scan <sum>, %add3A_1837 masked %reduce_sum3A_1839 : vector<16xf32>, vector<16xi1> -> vector<16xf32>
        %reduce_sum3A_1841 = vector.extract %reduce_sum3A_1840[15] : f32 from vector<16xf32>
        %eq3A_1842 = arith.constant 0 : i32
        %eq3A_1843 = vector.broadcast %eq3A_1842 : i32 to vector<16xi32>
        %eq3A_1844 = arith.cmpi eq, %iota3A, %eq3A_1843 : vector<16xi32>
        %broadcast_in_dim3A_1845 = vector.broadcast %reduce_sum3A_1841 : f32 to vector<16xf32>
        %select_n3A_1846 = arith.select %eq3A_1844, %broadcast_in_dim3A_1845, %broadcast_in_dim3A_1810 : vector<16xi1>, vector<16xf32>
        %add3A_1847 = arith.constant 49 : i32
        %add3A_1848 = arith.addi %mul3A_59, %add3A_1847 : i32
        %get3A_1849 = arith.index_cast %add3A_1848 : i32 to index
        %get3A_1850 = arith.constant 0 : index
        %get3A_1851 = tpu.vector_load %arg9[%get3A_1849, %get3A_1850] {strides = array<i32>} : memref<512x64xf32, #tpu.memory_space<vmem>>, vector<16xf32>,
        %mul3A_1852 = arith.mulf %get3A_1851, %get3A_61 : vector<16xf32>
        %add3A_1853 = arith.constant 49 : i32
        %add3A_1854 = arith.addi %mul3A_59, %add3A_1853 : i32
        %get3A_1855 = arith.index_cast %add3A_1854 : i32 to index
        %get3A_1856 = arith.constant 16 : index
        %get3A_1857 = tpu.vector_load %arg9[%get3A_1855, %get3A_1856] {strides = array<i32>} : memref<512x64xf32, #tpu.memory_space<vmem>>, vector<16xf32>,
        %mul3A_1858 = arith.mulf %get3A_1857, %get3A_64 : vector<16xf32>
        %add3A_1859 = arith.addf %mul3A_1852, %mul3A_1858 : vector<16xf32>
        %add3A_1860 = arith.constant 49 : i32
        %add3A_1861 = arith.addi %mul3A_59, %add3A_1860 : i32
        %get3A_1862 = arith.index_cast %add3A_1861 : i32 to index
        %get3A_1863 = arith.constant 32 : index
        %get3A_1864 = tpu.vector_load %arg9[%get3A_1862, %get3A_1863] {strides = array<i32>} : memref<512x64xf32, #tpu.memory_space<vmem>>, vector<16xf32>,
        %mul3A_1865 = arith.mulf %get3A_1864, %get3A_67 : vector<16xf32>
        %add3A_1866 = arith.addf %add3A_1859, %mul3A_1865 : vector<16xf32>
        %add3A_1867 = arith.constant 49 : i32
        %add3A_1868 = arith.addi %mul3A_59, %add3A_1867 : i32
        %get3A_1869 = arith.index_cast %add3A_1868 : i32 to index
        %get3A_1870 = arith.constant 48 : index
        %get3A_1871 = tpu.vector_load %arg9[%get3A_1869, %get3A_1870] {strides = array<i32>} : memref<512x64xf32, #tpu.memory_space<vmem>>, vector<16xf32>,
        %mul3A_1872 = arith.mulf %get3A_1871, %get3A_70 : vector<16xf32>
        %add3A_1873 = arith.addf %add3A_1866, %mul3A_1872 : vector<16xf32>
        %reduce_sum3A_1874 = arith.constant true
        %reduce_sum3A_1875 = vector.broadcast %reduce_sum3A_1874 : i1 to vector<16xi1>
        %reduce_sum3A_1876 = tpu.scan <sum>, %add3A_1873 masked %reduce_sum3A_1875 : vector<16xf32>, vector<16xi1> -> vector<16xf32>
        %reduce_sum3A_1877 = vector.extract %reduce_sum3A_1876[15] : f32 from vector<16xf32>
        %eq3A_1878 = arith.constant 1 : i32
        %eq3A_1879 = vector.broadcast %eq3A_1878 : i32 to vector<16xi32>
        %eq3A_1880 = arith.cmpi eq, %iota3A, %eq3A_1879 : vector<16xi32>
        %broadcast_in_dim3A_1881 = vector.broadcast %reduce_sum3A_1877 : f32 to vector<16xf32>
        %select_n3A_1882 = arith.select %eq3A_1880, %broadcast_in_dim3A_1881, %select_n3A_1846 : vector<16xi1>, vector<16xf32>
        %add3A_1883 = arith.constant 50 : i32
        %add3A_1884 = arith.addi %mul3A_59, %add3A_1883 : i32
        %get3A_1885 = arith.index_cast %add3A_1884 : i32 to index
        %get3A_1886 = arith.constant 0 : index
        %get3A_1887 = tpu.vector_load %arg9[%get3A_1885, %get3A_1886] {strides = array<i32>} : memref<512x64xf32, #tpu.memory_space<vmem>>, vector<16xf32>,
        %mul3A_1888 = arith.mulf %get3A_1887, %get3A_61 : vector<16xf32>
        %add3A_1889 = arith.constant 50 : i32
        %add3A_1890 = arith.addi %mul3A_59, %add3A_1889 : i32
        %get3A_1891 = arith.index_cast %add3A_1890 : i32 to index
        %get3A_1892 = arith.constant 16 : index
        %get3A_1893 = tpu.vector_load %arg9[%get3A_1891, %get3A_1892] {strides = array<i32>} : memref<512x64xf32, #tpu.memory_space<vmem>>, vector<16xf32>,
        %mul3A_1894 = arith.mulf %get3A_1893, %get3A_64 : vector<16xf32>
        %add3A_1895 = arith.addf %mul3A_1888, %mul3A_1894 : vector<16xf32>
        %add3A_1896 = arith.constant 50 : i32
        %add3A_1897 = arith.addi %mul3A_59, %add3A_1896 : i32
        %get3A_1898 = arith.index_cast %add3A_1897 : i32 to index
        %get3A_1899 = arith.constant 32 : index
        %get3A_1900 = tpu.vector_load %arg9[%get3A_1898, %get3A_1899] {strides = array<i32>} : memref<512x64xf32, #tpu.memory_space<vmem>>, vector<16xf32>,
        %mul3A_1901 = arith.mulf %get3A_1900, %get3A_67 : vector<16xf32>
        %add3A_1902 = arith.addf %add3A_1895, %mul3A_1901 : vector<16xf32>
        %add3A_1903 = arith.constant 50 : i32
        %add3A_1904 = arith.addi %mul3A_59, %add3A_1903 : i32
        %get3A_1905 = arith.index_cast %add3A_1904 : i32 to index
        %get3A_1906 = arith.constant 48 : index
        %get3A_1907 = tpu.vector_load %arg9[%get3A_1905, %get3A_1906] {strides = array<i32>} : memref<512x64xf32, #tpu.memory_space<vmem>>, vector<16xf32>,
        %mul3A_1908 = arith.mulf %get3A_1907, %get3A_70 : vector<16xf32>
        %add3A_1909 = arith.addf %add3A_1902, %mul3A_1908 : vector<16xf32>
        %reduce_sum3A_1910 = arith.constant true
        %reduce_sum3A_1911 = vector.broadcast %reduce_sum3A_1910 : i1 to vector<16xi1>
        %reduce_sum3A_1912 = tpu.scan <sum>, %add3A_1909 masked %reduce_sum3A_1911 : vector<16xf32>, vector<16xi1> -> vector<16xf32>
        %reduce_sum3A_1913 = vector.extract %reduce_sum3A_1912[15] : f32 from vector<16xf32>
        %eq3A_1914 = arith.constant 2 : i32
        %eq3A_1915 = vector.broadcast %eq3A_1914 : i32 to vector<16xi32>
        %eq3A_1916 = arith.cmpi eq, %iota3A, %eq3A_1915 : vector<16xi32>
        %broadcast_in_dim3A_1917 = vector.broadcast %reduce_sum3A_1913 : f32 to vector<16xf32>
        %select_n3A_1918 = arith.select %eq3A_1916, %broadcast_in_dim3A_1917, %select_n3A_1882 : vector<16xi1>, vector<16xf32>
        %add3A_1919 = arith.constant 51 : i32
        %add3A_1920 = arith.addi %mul3A_59, %add3A_1919 : i32
        %get3A_1921 = arith.index_cast %add3A_1920 : i32 to index
        %get3A_1922 = arith.constant 0 : index
        %get3A_1923 = tpu.vector_load %arg9[%get3A_1921, %get3A_1922] {strides = array<i32>} : memref<512x64xf32, #tpu.memory_space<vmem>>, vector<16xf32>,
        %mul3A_1924 = arith.mulf %get3A_1923, %get3A_61 : vector<16xf32>
        %add3A_1925 = arith.constant 51 : i32
        %add3A_1926 = arith.addi %mul3A_59, %add3A_1925 : i32
        %get3A_1927 = arith.index_cast %add3A_1926 : i32 to index
        %get3A_1928 = arith.constant 16 : index
        %get3A_1929 = tpu.vector_load %arg9[%get3A_1927, %get3A_1928] {strides = array<i32>} : memref<512x64xf32, #tpu.memory_space<vmem>>, vector<16xf32>,
        %mul3A_1930 = arith.mulf %get3A_1929, %get3A_64 : vector<16xf32>
        %add3A_1931 = arith.addf %mul3A_1924, %mul3A_1930 : vector<16xf32>
        %add3A_1932 = arith.constant 51 : i32
        %add3A_1933 = arith.addi %mul3A_59, %add3A_1932 : i32
        %get3A_1934 = arith.index_cast %add3A_1933 : i32 to index
        %get3A_1935 = arith.constant 32 : index
        %get3A_1936 = tpu.vector_load %arg9[%get3A_1934, %get3A_1935] {strides = array<i32>} : memref<512x64xf32, #tpu.memory_space<vmem>>, vector<16xf32>,
        %mul3A_1937 = arith.mulf %get3A_1936, %get3A_67 : vector<16xf32>
        %add3A_1938 = arith.addf %add3A_1931, %mul3A_1937 : vector<16xf32>
        %add3A_1939 = arith.constant 51 : i32
        %add3A_1940 = arith.addi %mul3A_59, %add3A_1939 : i32
        %get3A_1941 = arith.index_cast %add3A_1940 : i32 to index
        %get3A_1942 = arith.constant 48 : index
        %get3A_1943 = tpu.vector_load %arg9[%get3A_1941, %get3A_1942] {strides = array<i32>} : memref<512x64xf32, #tpu.memory_space<vmem>>, vector<16xf32>,
        %mul3A_1944 = arith.mulf %get3A_1943, %get3A_70 : vector<16xf32>
        %add3A_1945 = arith.addf %add3A_1938, %mul3A_1944 : vector<16xf32>
        %reduce_sum3A_1946 = arith.constant true
        %reduce_sum3A_1947 = vector.broadcast %reduce_sum3A_1946 : i1 to vector<16xi1>
        %reduce_sum3A_1948 = tpu.scan <sum>, %add3A_1945 masked %reduce_sum3A_1947 : vector<16xf32>, vector<16xi1> -> vector<16xf32>
        %reduce_sum3A_1949 = vector.extract %reduce_sum3A_1948[15] : f32 from vector<16xf32>
        %eq3A_1950 = arith.constant 3 : i32
        %eq3A_1951 = vector.broadcast %eq3A_1950 : i32 to vector<16xi32>
        %eq3A_1952 = arith.cmpi eq, %iota3A, %eq3A_1951 : vector<16xi32>
        %broadcast_in_dim3A_1953 = vector.broadcast %reduce_sum3A_1949 : f32 to vector<16xf32>
        %select_n3A_1954 = arith.select %eq3A_1952, %broadcast_in_dim3A_1953, %select_n3A_1918 : vector<16xi1>, vector<16xf32>
        %add3A_1955 = arith.constant 52 : i32
        %add3A_1956 = arith.addi %mul3A_59, %add3A_1955 : i32
        %get3A_1957 = arith.index_cast %add3A_1956 : i32 to index
        %get3A_1958 = arith.constant 0 : index
        %get3A_1959 = tpu.vector_load %arg9[%get3A_1957, %get3A_1958] {strides = array<i32>} : memref<512x64xf32, #tpu.memory_space<vmem>>, vector<16xf32>,
        %mul3A_1960 = arith.mulf %get3A_1959, %get3A_61 : vector<16xf32>
        %add3A_1961 = arith.constant 52 : i32
        %add3A_1962 = arith.addi %mul3A_59, %add3A_1961 : i32
        %get3A_1963 = arith.index_cast %add3A_1962 : i32 to index
        %get3A_1964 = arith.constant 16 : index
        %get3A_1965 = tpu.vector_load %arg9[%get3A_1963, %get3A_1964] {strides = array<i32>} : memref<512x64xf32, #tpu.memory_space<vmem>>, vector<16xf32>,
        %mul3A_1966 = arith.mulf %get3A_1965, %get3A_64 : vector<16xf32>
        %add3A_1967 = arith.addf %mul3A_1960, %mul3A_1966 : vector<16xf32>
        %add3A_1968 = arith.constant 52 : i32
        %add3A_1969 = arith.addi %mul3A_59, %add3A_1968 : i32
        %get3A_1970 = arith.index_cast %add3A_1969 : i32 to index
        %get3A_1971 = arith.constant 32 : index
        %get3A_1972 = tpu.vector_load %arg9[%get3A_1970, %get3A_1971] {strides = array<i32>} : memref<512x64xf32, #tpu.memory_space<vmem>>, vector<16xf32>,
        %mul3A_1973 = arith.mulf %get3A_1972, %get3A_67 : vector<16xf32>
        %add3A_1974 = arith.addf %add3A_1967, %mul3A_1973 : vector<16xf32>
        %add3A_1975 = arith.constant 52 : i32
        %add3A_1976 = arith.addi %mul3A_59, %add3A_1975 : i32
        %get3A_1977 = arith.index_cast %add3A_1976 : i32 to index
        %get3A_1978 = arith.constant 48 : index
        %get3A_1979 = tpu.vector_load %arg9[%get3A_1977, %get3A_1978] {strides = array<i32>} : memref<512x64xf32, #tpu.memory_space<vmem>>, vector<16xf32>,
        %mul3A_1980 = arith.mulf %get3A_1979, %get3A_70 : vector<16xf32>
        %add3A_1981 = arith.addf %add3A_1974, %mul3A_1980 : vector<16xf32>
        %reduce_sum3A_1982 = arith.constant true
        %reduce_sum3A_1983 = vector.broadcast %reduce_sum3A_1982 : i1 to vector<16xi1>
        %reduce_sum3A_1984 = tpu.scan <sum>, %add3A_1981 masked %reduce_sum3A_1983 : vector<16xf32>, vector<16xi1> -> vector<16xf32>
        %reduce_sum3A_1985 = vector.extract %reduce_sum3A_1984[15] : f32 from vector<16xf32>
        %eq3A_1986 = arith.constant 4 : i32
        %eq3A_1987 = vector.broadcast %eq3A_1986 : i32 to vector<16xi32>
        %eq3A_1988 = arith.cmpi eq, %iota3A, %eq3A_1987 : vector<16xi32>
        %broadcast_in_dim3A_1989 = vector.broadcast %reduce_sum3A_1985 : f32 to vector<16xf32>
        %select_n3A_1990 = arith.select %eq3A_1988, %broadcast_in_dim3A_1989, %select_n3A_1954 : vector<16xi1>, vector<16xf32>
        %add3A_1991 = arith.constant 53 : i32
        %add3A_1992 = arith.addi %mul3A_59, %add3A_1991 : i32
        %get3A_1993 = arith.index_cast %add3A_1992 : i32 to index
        %get3A_1994 = arith.constant 0 : index
        %get3A_1995 = tpu.vector_load %arg9[%get3A_1993, %get3A_1994] {strides = array<i32>} : memref<512x64xf32, #tpu.memory_space<vmem>>, vector<16xf32>,
        %mul3A_1996 = arith.mulf %get3A_1995, %get3A_61 : vector<16xf32>
        %add3A_1997 = arith.constant 53 : i32
        %add3A_1998 = arith.addi %mul3A_59, %add3A_1997 : i32
        %get3A_1999 = arith.index_cast %add3A_1998 : i32 to index
        %get3A_2000 = arith.constant 16 : index
        %get3A_2001 = tpu.vector_load %arg9[%get3A_1999, %get3A_2000] {strides = array<i32>} : memref<512x64xf32, #tpu.memory_space<vmem>>, vector<16xf32>,
        %mul3A_2002 = arith.mulf %get3A_2001, %get3A_64 : vector<16xf32>
        %add3A_2003 = arith.addf %mul3A_1996, %mul3A_2002 : vector<16xf32>
        %add3A_2004 = arith.constant 53 : i32
        %add3A_2005 = arith.addi %mul3A_59, %add3A_2004 : i32
        %get3A_2006 = arith.index_cast %add3A_2005 : i32 to index
        %get3A_2007 = arith.constant 32 : index
        %get3A_2008 = tpu.vector_load %arg9[%get3A_2006, %get3A_2007] {strides = array<i32>} : memref<512x64xf32, #tpu.memory_space<vmem>>, vector<16xf32>,
        %mul3A_2009 = arith.mulf %get3A_2008, %get3A_67 : vector<16xf32>
        %add3A_2010 = arith.addf %add3A_2003, %mul3A_2009 : vector<16xf32>
        %add3A_2011 = arith.constant 53 : i32
        %add3A_2012 = arith.addi %mul3A_59, %add3A_2011 : i32
        %get3A_2013 = arith.index_cast %add3A_2012 : i32 to index
        %get3A_2014 = arith.constant 48 : index
        %get3A_2015 = tpu.vector_load %arg9[%get3A_2013, %get3A_2014] {strides = array<i32>} : memref<512x64xf32, #tpu.memory_space<vmem>>, vector<16xf32>,
        %mul3A_2016 = arith.mulf %get3A_2015, %get3A_70 : vector<16xf32>
        %add3A_2017 = arith.addf %add3A_2010, %mul3A_2016 : vector<16xf32>
        %reduce_sum3A_2018 = arith.constant true
        %reduce_sum3A_2019 = vector.broadcast %reduce_sum3A_2018 : i1 to vector<16xi1>
        %reduce_sum3A_2020 = tpu.scan <sum>, %add3A_2017 masked %reduce_sum3A_2019 : vector<16xf32>, vector<16xi1> -> vector<16xf32>
        %reduce_sum3A_2021 = vector.extract %reduce_sum3A_2020[15] : f32 from vector<16xf32>
        %eq3A_2022 = arith.constant 5 : i32
        %eq3A_2023 = vector.broadcast %eq3A_2022 : i32 to vector<16xi32>
        %eq3A_2024 = arith.cmpi eq, %iota3A, %eq3A_2023 : vector<16xi32>
        %broadcast_in_dim3A_2025 = vector.broadcast %reduce_sum3A_2021 : f32 to vector<16xf32>
        %select_n3A_2026 = arith.select %eq3A_2024, %broadcast_in_dim3A_2025, %select_n3A_1990 : vector<16xi1>, vector<16xf32>
        %add3A_2027 = arith.constant 54 : i32
        %add3A_2028 = arith.addi %mul3A_59, %add3A_2027 : i32
        %get3A_2029 = arith.index_cast %add3A_2028 : i32 to index
        %get3A_2030 = arith.constant 0 : index
        %get3A_2031 = tpu.vector_load %arg9[%get3A_2029, %get3A_2030] {strides = array<i32>} : memref<512x64xf32, #tpu.memory_space<vmem>>, vector<16xf32>,
        %mul3A_2032 = arith.mulf %get3A_2031, %get3A_61 : vector<16xf32>
        %add3A_2033 = arith.constant 54 : i32
        %add3A_2034 = arith.addi %mul3A_59, %add3A_2033 : i32
        %get3A_2035 = arith.index_cast %add3A_2034 : i32 to index
        %get3A_2036 = arith.constant 16 : index
        %get3A_2037 = tpu.vector_load %arg9[%get3A_2035, %get3A_2036] {strides = array<i32>} : memref<512x64xf32, #tpu.memory_space<vmem>>, vector<16xf32>,
        %mul3A_2038 = arith.mulf %get3A_2037, %get3A_64 : vector<16xf32>
        %add3A_2039 = arith.addf %mul3A_2032, %mul3A_2038 : vector<16xf32>
        %add3A_2040 = arith.constant 54 : i32
        %add3A_2041 = arith.addi %mul3A_59, %add3A_2040 : i32
        %get3A_2042 = arith.index_cast %add3A_2041 : i32 to index
        %get3A_2043 = arith.constant 32 : index
        %get3A_2044 = tpu.vector_load %arg9[%get3A_2042, %get3A_2043] {strides = array<i32>} : memref<512x64xf32, #tpu.memory_space<vmem>>, vector<16xf32>,
        %mul3A_2045 = arith.mulf %get3A_2044, %get3A_67 : vector<16xf32>
        %add3A_2046 = arith.addf %add3A_2039, %mul3A_2045 : vector<16xf32>
        %add3A_2047 = arith.constant 54 : i32
        %add3A_2048 = arith.addi %mul3A_59, %add3A_2047 : i32
        %get3A_2049 = arith.index_cast %add3A_2048 : i32 to index
        %get3A_2050 = arith.constant 48 : index
        %get3A_2051 = tpu.vector_load %arg9[%get3A_2049, %get3A_2050] {strides = array<i32>} : memref<512x64xf32, #tpu.memory_space<vmem>>, vector<16xf32>,
        %mul3A_2052 = arith.mulf %get3A_2051, %get3A_70 : vector<16xf32>
        %add3A_2053 = arith.addf %add3A_2046, %mul3A_2052 : vector<16xf32>
        %reduce_sum3A_2054 = arith.constant true
        %reduce_sum3A_2055 = vector.broadcast %reduce_sum3A_2054 : i1 to vector<16xi1>
        %reduce_sum3A_2056 = tpu.scan <sum>, %add3A_2053 masked %reduce_sum3A_2055 : vector<16xf32>, vector<16xi1> -> vector<16xf32>
        %reduce_sum3A_2057 = vector.extract %reduce_sum3A_2056[15] : f32 from vector<16xf32>
        %eq3A_2058 = arith.constant 6 : i32
        %eq3A_2059 = vector.broadcast %eq3A_2058 : i32 to vector<16xi32>
        %eq3A_2060 = arith.cmpi eq, %iota3A, %eq3A_2059 : vector<16xi32>
        %broadcast_in_dim3A_2061 = vector.broadcast %reduce_sum3A_2057 : f32 to vector<16xf32>
        %select_n3A_2062 = arith.select %eq3A_2060, %broadcast_in_dim3A_2061, %select_n3A_2026 : vector<16xi1>, vector<16xf32>
        %add3A_2063 = arith.constant 55 : i32
        %add3A_2064 = arith.addi %mul3A_59, %add3A_2063 : i32
        %get3A_2065 = arith.index_cast %add3A_2064 : i32 to index
        %get3A_2066 = arith.constant 0 : index
        %get3A_2067 = tpu.vector_load %arg9[%get3A_2065, %get3A_2066] {strides = array<i32>} : memref<512x64xf32, #tpu.memory_space<vmem>>, vector<16xf32>,
        %mul3A_2068 = arith.mulf %get3A_2067, %get3A_61 : vector<16xf32>
        %add3A_2069 = arith.constant 55 : i32
        %add3A_2070 = arith.addi %mul3A_59, %add3A_2069 : i32
        %get3A_2071 = arith.index_cast %add3A_2070 : i32 to index
        %get3A_2072 = arith.constant 16 : index
        %get3A_2073 = tpu.vector_load %arg9[%get3A_2071, %get3A_2072] {strides = array<i32>} : memref<512x64xf32, #tpu.memory_space<vmem>>, vector<16xf32>,
        %mul3A_2074 = arith.mulf %get3A_2073, %get3A_64 : vector<16xf32>
        %add3A_2075 = arith.addf %mul3A_2068, %mul3A_2074 : vector<16xf32>
        %add3A_2076 = arith.constant 55 : i32
        %add3A_2077 = arith.addi %mul3A_59, %add3A_2076 : i32
        %get3A_2078 = arith.index_cast %add3A_2077 : i32 to index
        %get3A_2079 = arith.constant 32 : index
        %get3A_2080 = tpu.vector_load %arg9[%get3A_2078, %get3A_2079] {strides = array<i32>} : memref<512x64xf32, #tpu.memory_space<vmem>>, vector<16xf32>,
        %mul3A_2081 = arith.mulf %get3A_2080, %get3A_67 : vector<16xf32>
        %add3A_2082 = arith.addf %add3A_2075, %mul3A_2081 : vector<16xf32>
        %add3A_2083 = arith.constant 55 : i32
        %add3A_2084 = arith.addi %mul3A_59, %add3A_2083 : i32
        %get3A_2085 = arith.index_cast %add3A_2084 : i32 to index
        %get3A_2086 = arith.constant 48 : index
        %get3A_2087 = tpu.vector_load %arg9[%get3A_2085, %get3A_2086] {strides = array<i32>} : memref<512x64xf32, #tpu.memory_space<vmem>>, vector<16xf32>,
        %mul3A_2088 = arith.mulf %get3A_2087, %get3A_70 : vector<16xf32>
        %add3A_2089 = arith.addf %add3A_2082, %mul3A_2088 : vector<16xf32>
        %reduce_sum3A_2090 = arith.constant true
        %reduce_sum3A_2091 = vector.broadcast %reduce_sum3A_2090 : i1 to vector<16xi1>
        %reduce_sum3A_2092 = tpu.scan <sum>, %add3A_2089 masked %reduce_sum3A_2091 : vector<16xf32>, vector<16xi1> -> vector<16xf32>
        %reduce_sum3A_2093 = vector.extract %reduce_sum3A_2092[15] : f32 from vector<16xf32>
        %eq3A_2094 = arith.constant 7 : i32
        %eq3A_2095 = vector.broadcast %eq3A_2094 : i32 to vector<16xi32>
        %eq3A_2096 = arith.cmpi eq, %iota3A, %eq3A_2095 : vector<16xi32>
        %broadcast_in_dim3A_2097 = vector.broadcast %reduce_sum3A_2093 : f32 to vector<16xf32>
        %select_n3A_2098 = arith.select %eq3A_2096, %broadcast_in_dim3A_2097, %select_n3A_2062 : vector<16xi1>, vector<16xf32>
        %add3A_2099 = arith.constant 56 : i32
        %add3A_2100 = arith.addi %mul3A_59, %add3A_2099 : i32
        %get3A_2101 = arith.index_cast %add3A_2100 : i32 to index
        %get3A_2102 = arith.constant 0 : index
        %get3A_2103 = tpu.vector_load %arg9[%get3A_2101, %get3A_2102] {strides = array<i32>} : memref<512x64xf32, #tpu.memory_space<vmem>>, vector<16xf32>,
        %mul3A_2104 = arith.mulf %get3A_2103, %get3A_61 : vector<16xf32>
        %add3A_2105 = arith.constant 56 : i32
        %add3A_2106 = arith.addi %mul3A_59, %add3A_2105 : i32
        %get3A_2107 = arith.index_cast %add3A_2106 : i32 to index
        %get3A_2108 = arith.constant 16 : index
        %get3A_2109 = tpu.vector_load %arg9[%get3A_2107, %get3A_2108] {strides = array<i32>} : memref<512x64xf32, #tpu.memory_space<vmem>>, vector<16xf32>,
        %mul3A_2110 = arith.mulf %get3A_2109, %get3A_64 : vector<16xf32>
        %add3A_2111 = arith.addf %mul3A_2104, %mul3A_2110 : vector<16xf32>
        %add3A_2112 = arith.constant 56 : i32
        %add3A_2113 = arith.addi %mul3A_59, %add3A_2112 : i32
        %get3A_2114 = arith.index_cast %add3A_2113 : i32 to index
        %get3A_2115 = arith.constant 32 : index
        %get3A_2116 = tpu.vector_load %arg9[%get3A_2114, %get3A_2115] {strides = array<i32>} : memref<512x64xf32, #tpu.memory_space<vmem>>, vector<16xf32>,
        %mul3A_2117 = arith.mulf %get3A_2116, %get3A_67 : vector<16xf32>
        %add3A_2118 = arith.addf %add3A_2111, %mul3A_2117 : vector<16xf32>
        %add3A_2119 = arith.constant 56 : i32
        %add3A_2120 = arith.addi %mul3A_59, %add3A_2119 : i32
        %get3A_2121 = arith.index_cast %add3A_2120 : i32 to index
        %get3A_2122 = arith.constant 48 : index
        %get3A_2123 = tpu.vector_load %arg9[%get3A_2121, %get3A_2122] {strides = array<i32>} : memref<512x64xf32, #tpu.memory_space<vmem>>, vector<16xf32>,
        %mul3A_2124 = arith.mulf %get3A_2123, %get3A_70 : vector<16xf32>
        %add3A_2125 = arith.addf %add3A_2118, %mul3A_2124 : vector<16xf32>
        %reduce_sum3A_2126 = arith.constant true
        %reduce_sum3A_2127 = vector.broadcast %reduce_sum3A_2126 : i1 to vector<16xi1>
        %reduce_sum3A_2128 = tpu.scan <sum>, %add3A_2125 masked %reduce_sum3A_2127 : vector<16xf32>, vector<16xi1> -> vector<16xf32>
        %reduce_sum3A_2129 = vector.extract %reduce_sum3A_2128[15] : f32 from vector<16xf32>
        %eq3A_2130 = arith.constant 8 : i32
        %eq3A_2131 = vector.broadcast %eq3A_2130 : i32 to vector<16xi32>
        %eq3A_2132 = arith.cmpi eq, %iota3A, %eq3A_2131 : vector<16xi32>
        %broadcast_in_dim3A_2133 = vector.broadcast %reduce_sum3A_2129 : f32 to vector<16xf32>
        %select_n3A_2134 = arith.select %eq3A_2132, %broadcast_in_dim3A_2133, %select_n3A_2098 : vector<16xi1>, vector<16xf32>
        %add3A_2135 = arith.constant 57 : i32
        %add3A_2136 = arith.addi %mul3A_59, %add3A_2135 : i32
        %get3A_2137 = arith.index_cast %add3A_2136 : i32 to index
        %get3A_2138 = arith.constant 0 : index
        %get3A_2139 = tpu.vector_load %arg9[%get3A_2137, %get3A_2138] {strides = array<i32>} : memref<512x64xf32, #tpu.memory_space<vmem>>, vector<16xf32>,
        %mul3A_2140 = arith.mulf %get3A_2139, %get3A_61 : vector<16xf32>
        %add3A_2141 = arith.constant 57 : i32
        %add3A_2142 = arith.addi %mul3A_59, %add3A_2141 : i32
        %get3A_2143 = arith.index_cast %add3A_2142 : i32 to index
        %get3A_2144 = arith.constant 16 : index
        %get3A_2145 = tpu.vector_load %arg9[%get3A_2143, %get3A_2144] {strides = array<i32>} : memref<512x64xf32, #tpu.memory_space<vmem>>, vector<16xf32>,
        %mul3A_2146 = arith.mulf %get3A_2145, %get3A_64 : vector<16xf32>
        %add3A_2147 = arith.addf %mul3A_2140, %mul3A_2146 : vector<16xf32>
        %add3A_2148 = arith.constant 57 : i32
        %add3A_2149 = arith.addi %mul3A_59, %add3A_2148 : i32
        %get3A_2150 = arith.index_cast %add3A_2149 : i32 to index
        %get3A_2151 = arith.constant 32 : index
        %get3A_2152 = tpu.vector_load %arg9[%get3A_2150, %get3A_2151] {strides = array<i32>} : memref<512x64xf32, #tpu.memory_space<vmem>>, vector<16xf32>,
        %mul3A_2153 = arith.mulf %get3A_2152, %get3A_67 : vector<16xf32>
        %add3A_2154 = arith.addf %add3A_2147, %mul3A_2153 : vector<16xf32>
        %add3A_2155 = arith.constant 57 : i32
        %add3A_2156 = arith.addi %mul3A_59, %add3A_2155 : i32
        %get3A_2157 = arith.index_cast %add3A_2156 : i32 to index
        %get3A_2158 = arith.constant 48 : index
        %get3A_2159 = tpu.vector_load %arg9[%get3A_2157, %get3A_2158] {strides = array<i32>} : memref<512x64xf32, #tpu.memory_space<vmem>>, vector<16xf32>,
        %mul3A_2160 = arith.mulf %get3A_2159, %get3A_70 : vector<16xf32>
        %add3A_2161 = arith.addf %add3A_2154, %mul3A_2160 : vector<16xf32>
        %reduce_sum3A_2162 = arith.constant true
        %reduce_sum3A_2163 = vector.broadcast %reduce_sum3A_2162 : i1 to vector<16xi1>
        %reduce_sum3A_2164 = tpu.scan <sum>, %add3A_2161 masked %reduce_sum3A_2163 : vector<16xf32>, vector<16xi1> -> vector<16xf32>
        %reduce_sum3A_2165 = vector.extract %reduce_sum3A_2164[15] : f32 from vector<16xf32>
        %eq3A_2166 = arith.constant 9 : i32
        %eq3A_2167 = vector.broadcast %eq3A_2166 : i32 to vector<16xi32>
        %eq3A_2168 = arith.cmpi eq, %iota3A, %eq3A_2167 : vector<16xi32>
        %broadcast_in_dim3A_2169 = vector.broadcast %reduce_sum3A_2165 : f32 to vector<16xf32>
        %select_n3A_2170 = arith.select %eq3A_2168, %broadcast_in_dim3A_2169, %select_n3A_2134 : vector<16xi1>, vector<16xf32>
        %add3A_2171 = arith.constant 58 : i32
        %add3A_2172 = arith.addi %mul3A_59, %add3A_2171 : i32
        %get3A_2173 = arith.index_cast %add3A_2172 : i32 to index
        %get3A_2174 = arith.constant 0 : index
        %get3A_2175 = tpu.vector_load %arg9[%get3A_2173, %get3A_2174] {strides = array<i32>} : memref<512x64xf32, #tpu.memory_space<vmem>>, vector<16xf32>,
        %mul3A_2176 = arith.mulf %get3A_2175, %get3A_61 : vector<16xf32>
        %add3A_2177 = arith.constant 58 : i32
        %add3A_2178 = arith.addi %mul3A_59, %add3A_2177 : i32
        %get3A_2179 = arith.index_cast %add3A_2178 : i32 to index
        %get3A_2180 = arith.constant 16 : index
        %get3A_2181 = tpu.vector_load %arg9[%get3A_2179, %get3A_2180] {strides = array<i32>} : memref<512x64xf32, #tpu.memory_space<vmem>>, vector<16xf32>,
        %mul3A_2182 = arith.mulf %get3A_2181, %get3A_64 : vector<16xf32>
        %add3A_2183 = arith.addf %mul3A_2176, %mul3A_2182 : vector<16xf32>
        %add3A_2184 = arith.constant 58 : i32
        %add3A_2185 = arith.addi %mul3A_59, %add3A_2184 : i32
        %get3A_2186 = arith.index_cast %add3A_2185 : i32 to index
        %get3A_2187 = arith.constant 32 : index
        %get3A_2188 = tpu.vector_load %arg9[%get3A_2186, %get3A_2187] {strides = array<i32>} : memref<512x64xf32, #tpu.memory_space<vmem>>, vector<16xf32>,
        %mul3A_2189 = arith.mulf %get3A_2188, %get3A_67 : vector<16xf32>
        %add3A_2190 = arith.addf %add3A_2183, %mul3A_2189 : vector<16xf32>
        %add3A_2191 = arith.constant 58 : i32
        %add3A_2192 = arith.addi %mul3A_59, %add3A_2191 : i32
        %get3A_2193 = arith.index_cast %add3A_2192 : i32 to index
        %get3A_2194 = arith.constant 48 : index
        %get3A_2195 = tpu.vector_load %arg9[%get3A_2193, %get3A_2194] {strides = array<i32>} : memref<512x64xf32, #tpu.memory_space<vmem>>, vector<16xf32>,
        %mul3A_2196 = arith.mulf %get3A_2195, %get3A_70 : vector<16xf32>
        %add3A_2197 = arith.addf %add3A_2190, %mul3A_2196 : vector<16xf32>
        %reduce_sum3A_2198 = arith.constant true
        %reduce_sum3A_2199 = vector.broadcast %reduce_sum3A_2198 : i1 to vector<16xi1>
        %reduce_sum3A_2200 = tpu.scan <sum>, %add3A_2197 masked %reduce_sum3A_2199 : vector<16xf32>, vector<16xi1> -> vector<16xf32>
        %reduce_sum3A_2201 = vector.extract %reduce_sum3A_2200[15] : f32 from vector<16xf32>
        %eq3A_2202 = arith.constant 10 : i32
        %eq3A_2203 = vector.broadcast %eq3A_2202 : i32 to vector<16xi32>
        %eq3A_2204 = arith.cmpi eq, %iota3A, %eq3A_2203 : vector<16xi32>
        %broadcast_in_dim3A_2205 = vector.broadcast %reduce_sum3A_2201 : f32 to vector<16xf32>
        %select_n3A_2206 = arith.select %eq3A_2204, %broadcast_in_dim3A_2205, %select_n3A_2170 : vector<16xi1>, vector<16xf32>
        %add3A_2207 = arith.constant 59 : i32
        %add3A_2208 = arith.addi %mul3A_59, %add3A_2207 : i32
        %get3A_2209 = arith.index_cast %add3A_2208 : i32 to index
        %get3A_2210 = arith.constant 0 : index
        %get3A_2211 = tpu.vector_load %arg9[%get3A_2209, %get3A_2210] {strides = array<i32>} : memref<512x64xf32, #tpu.memory_space<vmem>>, vector<16xf32>,
        %mul3A_2212 = arith.mulf %get3A_2211, %get3A_61 : vector<16xf32>
        %add3A_2213 = arith.constant 59 : i32
        %add3A_2214 = arith.addi %mul3A_59, %add3A_2213 : i32
        %get3A_2215 = arith.index_cast %add3A_2214 : i32 to index
        %get3A_2216 = arith.constant 16 : index
        %get3A_2217 = tpu.vector_load %arg9[%get3A_2215, %get3A_2216] {strides = array<i32>} : memref<512x64xf32, #tpu.memory_space<vmem>>, vector<16xf32>,
        %mul3A_2218 = arith.mulf %get3A_2217, %get3A_64 : vector<16xf32>
        %add3A_2219 = arith.addf %mul3A_2212, %mul3A_2218 : vector<16xf32>
        %add3A_2220 = arith.constant 59 : i32
        %add3A_2221 = arith.addi %mul3A_59, %add3A_2220 : i32
        %get3A_2222 = arith.index_cast %add3A_2221 : i32 to index
        %get3A_2223 = arith.constant 32 : index
        %get3A_2224 = tpu.vector_load %arg9[%get3A_2222, %get3A_2223] {strides = array<i32>} : memref<512x64xf32, #tpu.memory_space<vmem>>, vector<16xf32>,
        %mul3A_2225 = arith.mulf %get3A_2224, %get3A_67 : vector<16xf32>
        %add3A_2226 = arith.addf %add3A_2219, %mul3A_2225 : vector<16xf32>
        %add3A_2227 = arith.constant 59 : i32
        %add3A_2228 = arith.addi %mul3A_59, %add3A_2227 : i32
        %get3A_2229 = arith.index_cast %add3A_2228 : i32 to index
        %get3A_2230 = arith.constant 48 : index
        %get3A_2231 = tpu.vector_load %arg9[%get3A_2229, %get3A_2230] {strides = array<i32>} : memref<512x64xf32, #tpu.memory_space<vmem>>, vector<16xf32>,
        %mul3A_2232 = arith.mulf %get3A_2231, %get3A_70 : vector<16xf32>
        %add3A_2233 = arith.addf %add3A_2226, %mul3A_2232 : vector<16xf32>
        %reduce_sum3A_2234 = arith.constant true
        %reduce_sum3A_2235 = vector.broadcast %reduce_sum3A_2234 : i1 to vector<16xi1>
        %reduce_sum3A_2236 = tpu.scan <sum>, %add3A_2233 masked %reduce_sum3A_2235 : vector<16xf32>, vector<16xi1> -> vector<16xf32>
        %reduce_sum3A_2237 = vector.extract %reduce_sum3A_2236[15] : f32 from vector<16xf32>
        %eq3A_2238 = arith.constant 11 : i32
        %eq3A_2239 = vector.broadcast %eq3A_2238 : i32 to vector<16xi32>
        %eq3A_2240 = arith.cmpi eq, %iota3A, %eq3A_2239 : vector<16xi32>
        %broadcast_in_dim3A_2241 = vector.broadcast %reduce_sum3A_2237 : f32 to vector<16xf32>
        %select_n3A_2242 = arith.select %eq3A_2240, %broadcast_in_dim3A_2241, %select_n3A_2206 : vector<16xi1>, vector<16xf32>
        %add3A_2243 = arith.constant 60 : i32
        %add3A_2244 = arith.addi %mul3A_59, %add3A_2243 : i32
        %get3A_2245 = arith.index_cast %add3A_2244 : i32 to index
        %get3A_2246 = arith.constant 0 : index
        %get3A_2247 = tpu.vector_load %arg9[%get3A_2245, %get3A_2246] {strides = array<i32>} : memref<512x64xf32, #tpu.memory_space<vmem>>, vector<16xf32>,
        %mul3A_2248 = arith.mulf %get3A_2247, %get3A_61 : vector<16xf32>
        %add3A_2249 = arith.constant 60 : i32
        %add3A_2250 = arith.addi %mul3A_59, %add3A_2249 : i32
        %get3A_2251 = arith.index_cast %add3A_2250 : i32 to index
        %get3A_2252 = arith.constant 16 : index
        %get3A_2253 = tpu.vector_load %arg9[%get3A_2251, %get3A_2252] {strides = array<i32>} : memref<512x64xf32, #tpu.memory_space<vmem>>, vector<16xf32>,
        %mul3A_2254 = arith.mulf %get3A_2253, %get3A_64 : vector<16xf32>
        %add3A_2255 = arith.addf %mul3A_2248, %mul3A_2254 : vector<16xf32>
        %add3A_2256 = arith.constant 60 : i32
        %add3A_2257 = arith.addi %mul3A_59, %add3A_2256 : i32
        %get3A_2258 = arith.index_cast %add3A_2257 : i32 to index
        %get3A_2259 = arith.constant 32 : index
        %get3A_2260 = tpu.vector_load %arg9[%get3A_2258, %get3A_2259] {strides = array<i32>} : memref<512x64xf32, #tpu.memory_space<vmem>>, vector<16xf32>,
        %mul3A_2261 = arith.mulf %get3A_2260, %get3A_67 : vector<16xf32>
        %add3A_2262 = arith.addf %add3A_2255, %mul3A_2261 : vector<16xf32>
        %add3A_2263 = arith.constant 60 : i32
        %add3A_2264 = arith.addi %mul3A_59, %add3A_2263 : i32
        %get3A_2265 = arith.index_cast %add3A_2264 : i32 to index
        %get3A_2266 = arith.constant 48 : index
        %get3A_2267 = tpu.vector_load %arg9[%get3A_2265, %get3A_2266] {strides = array<i32>} : memref<512x64xf32, #tpu.memory_space<vmem>>, vector<16xf32>,
        %mul3A_2268 = arith.mulf %get3A_2267, %get3A_70 : vector<16xf32>
        %add3A_2269 = arith.addf %add3A_2262, %mul3A_2268 : vector<16xf32>
        %reduce_sum3A_2270 = arith.constant true
        %reduce_sum3A_2271 = vector.broadcast %reduce_sum3A_2270 : i1 to vector<16xi1>
        %reduce_sum3A_2272 = tpu.scan <sum>, %add3A_2269 masked %reduce_sum3A_2271 : vector<16xf32>, vector<16xi1> -> vector<16xf32>
        %reduce_sum3A_2273 = vector.extract %reduce_sum3A_2272[15] : f32 from vector<16xf32>
        %eq3A_2274 = arith.constant 12 : i32
        %eq3A_2275 = vector.broadcast %eq3A_2274 : i32 to vector<16xi32>
        %eq3A_2276 = arith.cmpi eq, %iota3A, %eq3A_2275 : vector<16xi32>
        %broadcast_in_dim3A_2277 = vector.broadcast %reduce_sum3A_2273 : f32 to vector<16xf32>
        %select_n3A_2278 = arith.select %eq3A_2276, %broadcast_in_dim3A_2277, %select_n3A_2242 : vector<16xi1>, vector<16xf32>
        %add3A_2279 = arith.constant 61 : i32
        %add3A_2280 = arith.addi %mul3A_59, %add3A_2279 : i32
        %get3A_2281 = arith.index_cast %add3A_2280 : i32 to index
        %get3A_2282 = arith.constant 0 : index
        %get3A_2283 = tpu.vector_load %arg9[%get3A_2281, %get3A_2282] {strides = array<i32>} : memref<512x64xf32, #tpu.memory_space<vmem>>, vector<16xf32>,
        %mul3A_2284 = arith.mulf %get3A_2283, %get3A_61 : vector<16xf32>
        %add3A_2285 = arith.constant 61 : i32
        %add3A_2286 = arith.addi %mul3A_59, %add3A_2285 : i32
        %get3A_2287 = arith.index_cast %add3A_2286 : i32 to index
        %get3A_2288 = arith.constant 16 : index
        %get3A_2289 = tpu.vector_load %arg9[%get3A_2287, %get3A_2288] {strides = array<i32>} : memref<512x64xf32, #tpu.memory_space<vmem>>, vector<16xf32>,
        %mul3A_2290 = arith.mulf %get3A_2289, %get3A_64 : vector<16xf32>
        %add3A_2291 = arith.addf %mul3A_2284, %mul3A_2290 : vector<16xf32>
        %add3A_2292 = arith.constant 61 : i32
        %add3A_2293 = arith.addi %mul3A_59, %add3A_2292 : i32
        %get3A_2294 = arith.index_cast %add3A_2293 : i32 to index
        %get3A_2295 = arith.constant 32 : index
        %get3A_2296 = tpu.vector_load %arg9[%get3A_2294, %get3A_2295] {strides = array<i32>} : memref<512x64xf32, #tpu.memory_space<vmem>>, vector<16xf32>,
        %mul3A_2297 = arith.mulf %get3A_2296, %get3A_67 : vector<16xf32>
        %add3A_2298 = arith.addf %add3A_2291, %mul3A_2297 : vector<16xf32>
        %add3A_2299 = arith.constant 61 : i32
        %add3A_2300 = arith.addi %mul3A_59, %add3A_2299 : i32
        %get3A_2301 = arith.index_cast %add3A_2300 : i32 to index
        %get3A_2302 = arith.constant 48 : index
        %get3A_2303 = tpu.vector_load %arg9[%get3A_2301, %get3A_2302] {strides = array<i32>} : memref<512x64xf32, #tpu.memory_space<vmem>>, vector<16xf32>,
        %mul3A_2304 = arith.mulf %get3A_2303, %get3A_70 : vector<16xf32>
        %add3A_2305 = arith.addf %add3A_2298, %mul3A_2304 : vector<16xf32>
        %reduce_sum3A_2306 = arith.constant true
        %reduce_sum3A_2307 = vector.broadcast %reduce_sum3A_2306 : i1 to vector<16xi1>
        %reduce_sum3A_2308 = tpu.scan <sum>, %add3A_2305 masked %reduce_sum3A_2307 : vector<16xf32>, vector<16xi1> -> vector<16xf32>
        %reduce_sum3A_2309 = vector.extract %reduce_sum3A_2308[15] : f32 from vector<16xf32>
        %eq3A_2310 = arith.constant 13 : i32
        %eq3A_2311 = vector.broadcast %eq3A_2310 : i32 to vector<16xi32>
        %eq3A_2312 = arith.cmpi eq, %iota3A, %eq3A_2311 : vector<16xi32>
        %broadcast_in_dim3A_2313 = vector.broadcast %reduce_sum3A_2309 : f32 to vector<16xf32>
        %select_n3A_2314 = arith.select %eq3A_2312, %broadcast_in_dim3A_2313, %select_n3A_2278 : vector<16xi1>, vector<16xf32>
        %add3A_2315 = arith.constant 62 : i32
        %add3A_2316 = arith.addi %mul3A_59, %add3A_2315 : i32
        %get3A_2317 = arith.index_cast %add3A_2316 : i32 to index
        %get3A_2318 = arith.constant 0 : index
        %get3A_2319 = tpu.vector_load %arg9[%get3A_2317, %get3A_2318] {strides = array<i32>} : memref<512x64xf32, #tpu.memory_space<vmem>>, vector<16xf32>,
        %mul3A_2320 = arith.mulf %get3A_2319, %get3A_61 : vector<16xf32>
        %add3A_2321 = arith.constant 62 : i32
        %add3A_2322 = arith.addi %mul3A_59, %add3A_2321 : i32
        %get3A_2323 = arith.index_cast %add3A_2322 : i32 to index
        %get3A_2324 = arith.constant 16 : index
        %get3A_2325 = tpu.vector_load %arg9[%get3A_2323, %get3A_2324] {strides = array<i32>} : memref<512x64xf32, #tpu.memory_space<vmem>>, vector<16xf32>,
        %mul3A_2326 = arith.mulf %get3A_2325, %get3A_64 : vector<16xf32>
        %add3A_2327 = arith.addf %mul3A_2320, %mul3A_2326 : vector<16xf32>
        %add3A_2328 = arith.constant 62 : i32
        %add3A_2329 = arith.addi %mul3A_59, %add3A_2328 : i32
        %get3A_2330 = arith.index_cast %add3A_2329 : i32 to index
        %get3A_2331 = arith.constant 32 : index
        %get3A_2332 = tpu.vector_load %arg9[%get3A_2330, %get3A_2331] {strides = array<i32>} : memref<512x64xf32, #tpu.memory_space<vmem>>, vector<16xf32>,
        %mul3A_2333 = arith.mulf %get3A_2332, %get3A_67 : vector<16xf32>
        %add3A_2334 = arith.addf %add3A_2327, %mul3A_2333 : vector<16xf32>
        %add3A_2335 = arith.constant 62 : i32
        %add3A_2336 = arith.addi %mul3A_59, %add3A_2335 : i32
        %get3A_2337 = arith.index_cast %add3A_2336 : i32 to index
        %get3A_2338 = arith.constant 48 : index
        %get3A_2339 = tpu.vector_load %arg9[%get3A_2337, %get3A_2338] {strides = array<i32>} : memref<512x64xf32, #tpu.memory_space<vmem>>, vector<16xf32>,
        %mul3A_2340 = arith.mulf %get3A_2339, %get3A_70 : vector<16xf32>
        %add3A_2341 = arith.addf %add3A_2334, %mul3A_2340 : vector<16xf32>
        %reduce_sum3A_2342 = arith.constant true
        %reduce_sum3A_2343 = vector.broadcast %reduce_sum3A_2342 : i1 to vector<16xi1>
        %reduce_sum3A_2344 = tpu.scan <sum>, %add3A_2341 masked %reduce_sum3A_2343 : vector<16xf32>, vector<16xi1> -> vector<16xf32>
        %reduce_sum3A_2345 = vector.extract %reduce_sum3A_2344[15] : f32 from vector<16xf32>
        %eq3A_2346 = arith.constant 14 : i32
        %eq3A_2347 = vector.broadcast %eq3A_2346 : i32 to vector<16xi32>
        %eq3A_2348 = arith.cmpi eq, %iota3A, %eq3A_2347 : vector<16xi32>
        %broadcast_in_dim3A_2349 = vector.broadcast %reduce_sum3A_2345 : f32 to vector<16xf32>
        %select_n3A_2350 = arith.select %eq3A_2348, %broadcast_in_dim3A_2349, %select_n3A_2314 : vector<16xi1>, vector<16xf32>
        %add3A_2351 = arith.constant 63 : i32
        %add3A_2352 = arith.addi %mul3A_59, %add3A_2351 : i32
        %get3A_2353 = arith.index_cast %add3A_2352 : i32 to index
        %get3A_2354 = arith.constant 0 : index
        %get3A_2355 = tpu.vector_load %arg9[%get3A_2353, %get3A_2354] {strides = array<i32>} : memref<512x64xf32, #tpu.memory_space<vmem>>, vector<16xf32>,
        %mul3A_2356 = arith.mulf %get3A_2355, %get3A_61 : vector<16xf32>
        %add3A_2357 = arith.constant 63 : i32
        %add3A_2358 = arith.addi %mul3A_59, %add3A_2357 : i32
        %get3A_2359 = arith.index_cast %add3A_2358 : i32 to index
        %get3A_2360 = arith.constant 16 : index
        %get3A_2361 = tpu.vector_load %arg9[%get3A_2359, %get3A_2360] {strides = array<i32>} : memref<512x64xf32, #tpu.memory_space<vmem>>, vector<16xf32>,
        %mul3A_2362 = arith.mulf %get3A_2361, %get3A_64 : vector<16xf32>
        %add3A_2363 = arith.addf %mul3A_2356, %mul3A_2362 : vector<16xf32>
        %add3A_2364 = arith.constant 63 : i32
        %add3A_2365 = arith.addi %mul3A_59, %add3A_2364 : i32
        %get3A_2366 = arith.index_cast %add3A_2365 : i32 to index
        %get3A_2367 = arith.constant 32 : index
        %get3A_2368 = tpu.vector_load %arg9[%get3A_2366, %get3A_2367] {strides = array<i32>} : memref<512x64xf32, #tpu.memory_space<vmem>>, vector<16xf32>,
        %mul3A_2369 = arith.mulf %get3A_2368, %get3A_67 : vector<16xf32>
        %add3A_2370 = arith.addf %add3A_2363, %mul3A_2369 : vector<16xf32>
        %add3A_2371 = arith.constant 63 : i32
        %add3A_2372 = arith.addi %mul3A_59, %add3A_2371 : i32
        %get3A_2373 = arith.index_cast %add3A_2372 : i32 to index
        %get3A_2374 = arith.constant 48 : index
        %get3A_2375 = tpu.vector_load %arg9[%get3A_2373, %get3A_2374] {strides = array<i32>} : memref<512x64xf32, #tpu.memory_space<vmem>>, vector<16xf32>,
        %mul3A_2376 = arith.mulf %get3A_2375, %get3A_70 : vector<16xf32>
        %add3A_2377 = arith.addf %add3A_2370, %mul3A_2376 : vector<16xf32>
        %reduce_sum3A_2378 = arith.constant true
        %reduce_sum3A_2379 = vector.broadcast %reduce_sum3A_2378 : i1 to vector<16xi1>
        %reduce_sum3A_2380 = tpu.scan <sum>, %add3A_2377 masked %reduce_sum3A_2379 : vector<16xf32>, vector<16xi1> -> vector<16xf32>
        %reduce_sum3A_2381 = vector.extract %reduce_sum3A_2380[15] : f32 from vector<16xf32>
        %eq3A_2382 = arith.constant 15 : i32
        %eq3A_2383 = vector.broadcast %eq3A_2382 : i32 to vector<16xi32>
        %eq3A_2384 = arith.cmpi eq, %iota3A, %eq3A_2383 : vector<16xi32>
        %broadcast_in_dim3A_2385 = vector.broadcast %reduce_sum3A_2381 : f32 to vector<16xf32>
        %select_n3A_2386 = arith.select %eq3A_2384, %broadcast_in_dim3A_2385, %select_n3A_2350 : vector<16xi1>, vector<16xf32>
        %swap3A_2387 = arith.index_cast %scan3A_56 : i32 to index
        %swap3A_2388 = arith.constant 48 : index
        %swap3A_2389 = tpu.vector_load %arg11[%swap3A_2387, %swap3A_2388] {strides = array<i32>} : memref<8x64xf32, #tpu.memory_space<vmem>>, vector<16xf32>,
        tpu.vector_store %arg11[%swap3A_2387, %swap3A_2388], %select_n3A_2386 {strides = array<i32>} : memref<8x64xf32, #tpu.memory_space<vmem>>, vector<16xf32>,
      }
      %scan3A_37 = arith.constant 8 : i32
      "tpu.region"() ({
        %run_scoped3A = tpu.sem_alloc : memref<!tpu.dma_semaphore, #tpu.memory_space<semaphore_mem>>
        %dma_start3A_56 = arith.constant 0 : i32
        %dma_start3A_57 = tpu.memref_slice %arg5[%add3A_29, %dma_start3A_56] : memref<16384x64xf32, #tpu.memory_space<hbm>> -> memref<8x64xf32, #tpu.memory_space<hbm>>
        %dma_start3A_58 = arith.constant 0 : i32
        %dma_start3A_59 = tpu.memref_slice %arg5[%add3A_29, %dma_start3A_58] : memref<16384x64xf32, #tpu.memory_space<hbm>> -> memref<8x64xf32, #tpu.memory_space<hbm>>
        tpu.enqueue_dma source(%arg11 : memref<8x64xf32, #tpu.memory_space<vmem>>) target(%dma_start3A_59 : memref<8x64xf32, #tpu.memory_space<hbm>>) target_semaphore(%run_scoped3A : memref<!tpu.dma_semaphore, #tpu.memory_space<semaphore_mem>>)
        %dma_wait3A_60 = arith.constant 0 : i32
        %dma_wait3A_61 = tpu.memref_slice %arg5[%add3A_29, %dma_wait3A_60] : memref<16384x64xf32, #tpu.memory_space<hbm>> -> memref<8x64xf32, #tpu.memory_space<hbm>>
        %dma_wait3A_62 = arith.constant 0 : i32
        %dma_wait3A_63 = tpu.memref_slice %arg5[%add3A_29, %dma_wait3A_62] : memref<16384x64xf32, #tpu.memory_space<hbm>> -> memref<8x64xf32, #tpu.memory_space<hbm>>
        tpu.wait_dma2 semaphore(%run_scoped3A : memref<!tpu.dma_semaphore, #tpu.memory_space<semaphore_mem>>) src(%arg11 : memref<8x64xf32, #tpu.memory_space<vmem>>) dst(%dma_wait3A_63 : memref<8x64xf32, #tpu.memory_space<hbm>>)
        tpu.yield
      }) : () -> ()
      %add3A_38 = arith.constant 1 : i32
      %add3A_39 = arith.addi %scan3A_14, %add3A_38 : i32
      %lt3A = arith.constant 32 : i32
      %lt3A_40 = arith.cmpi slt, %add3A_39, %lt3A : i32
      %convert_element_type3A = arith.extui %lt3A_40 : i1 to i32
      %cond3A = arith.constant 0 : i32
      %cond3A_41 = arith.cmpi ne, %convert_element_type3A, %cond3A : i32
      scf.if %cond3A_41 {
        %add3A_56 = arith.constant 2 : i32
        %add3A_57 = arith.addi %mul3A_16, %add3A_56 : i32
        %mul3A_58 = arith.constant 8 : i32
        %mul3A_59 = arith.muli %add3A_57, %mul3A_58 : i32
        %add3A_60 = arith.addi %mul3A_2, %mul3A_59 : i32
        %mul3A_61 = arith.constant 64 : i32
        %mul3A_62 = arith.muli %add3A_60, %mul3A_61 : i32
        "tpu.region"() ({
          %run_scoped3A = tpu.sem_alloc : memref<!tpu.dma_semaphore, #tpu.memory_space<semaphore_mem>>
          %dma_start3A_66 = tpu.memref_slice %arg2[%mul3A_62] : memref<1048576xi32, #tpu.memory_space<hbm>> -> memref<512xi32, #tpu.memory_space<hbm>>
          %dma_start3A_67 = tpu.memref_slice %arg2[%mul3A_62] : memref<1048576xi32, #tpu.memory_space<hbm>> -> memref<512xi32, #tpu.memory_space<hbm>>
          tpu.enqueue_dma source(%dma_start3A_67 : memref<512xi32, #tpu.memory_space<hbm>>) target(%arg7 : memref<512xi32, #tpu.memory_space<vmem>>) target_semaphore(%run_scoped3A : memref<!tpu.dma_semaphore, #tpu.memory_space<semaphore_mem>>)
          %dma_wait3A_68 = tpu.memref_slice %arg2[%mul3A_62] : memref<1048576xi32, #tpu.memory_space<hbm>> -> memref<512xi32, #tpu.memory_space<hbm>>
          %dma_wait3A_69 = tpu.memref_slice %arg2[%mul3A_62] : memref<1048576xi32, #tpu.memory_space<hbm>> -> memref<512xi32, #tpu.memory_space<hbm>>
          tpu.wait_dma2 semaphore(%run_scoped3A : memref<!tpu.dma_semaphore, #tpu.memory_space<semaphore_mem>>) src(%dma_wait3A_69 : memref<512xi32, #tpu.memory_space<hbm>>) dst(%arg7 : memref<512xi32, #tpu.memory_space<vmem>>)
          tpu.yield
        }) : () -> ()
        %dma_start3A_63 = arith.constant 0 : i32
        %dma_start3A_64 = arith.constant 0 : i32
        %dma_start3A_65 = tpu.memref_slice %arg4[%dma_start3A_63, %dma_start3A_64] : memref<1000000x64xf32, #tpu.memory_space<hbm>> -> memref<1000000x64xf32, #tpu.memory_space<hbm>>
        tpu.enqueue_indirect_dma source(%dma_start3A_65 : memref<1000000x64xf32, #tpu.memory_space<hbm>>) target(%arg9 : memref<512x64xf32, #tpu.memory_space<vmem>>) offsets(%arg7 : memref<512xi32, #tpu.memory_space<vmem>>) semaphore(%arg12 : memref<!tpu.dma_semaphore, #tpu.memory_space<semaphore_mem>>)
      } else {
      }
      %add3A_42 = arith.constant 1 : i32
      %add3A_43 = arith.addi %mul3A_16, %add3A_42 : i32
      %mul3A_44 = arith.constant 8 : i32
      %mul3A_45 = arith.muli %add3A_43, %mul3A_44 : i32
      %add3A_46 = arith.addi %mul3A_2, %mul3A_45 : i32
      %dma_wait3A_47 = arith.constant 0 : i32
      %dma_wait3A_48 = arith.constant 0 : i32
      %dma_wait3A_49 = tpu.memref_slice %arg4[%dma_wait3A_47, %dma_wait3A_48] : memref<1000000x64xf32, #tpu.memory_space<hbm>> -> memref<1000000x64xf32, #tpu.memory_space<hbm>>
      tpu.wait_indirect_dma semaphore(%arg13 : memref<!tpu.dma_semaphore, #tpu.memory_space<semaphore_mem>>) src(%dma_wait3A_49 : memref<1000000x64xf32, #tpu.memory_space<hbm>>) dst(%arg10 : memref<512x64xf32, #tpu.memory_space<vmem>>)
      %scan3A_50 = arith.constant 0 : i32
      %scan3A_51 = arith.constant 0 : i32
      %scan3A_52 = arith.constant 8 : i32
      %scan3A_53 = arith.addi %scan3A_51, %scan3A_52 : i32
      %scan3A_54 = arith.constant 1 : i32
      scf.for %scan3A_56 = %scan3A_51 to %scan3A_53 step %scan3A_54  : i32 {
        %add3A_57 = arith.addi %mul3A_45, %scan3A_56 : i32
        %mul3A_58 = arith.constant 64 : i32
        %mul3A_59 = arith.muli %scan3A_56, %mul3A_58 : i32
        %get3A = arith.index_cast %add3A_57 : i32 to index
        %get3A_60 = arith.constant 0 : index
        %get3A_61 = tpu.vector_load %arg6[%get3A, %get3A_60] {strides = array<i32>} : memref<512x64xf32, #tpu.memory_space<vmem>>, vector<16xf32>,
        %get3A_62 = arith.index_cast %add3A_57 : i32 to index
        %get3A_63 = arith.constant 16 : index
        %get3A_64 = tpu.vector_load %arg6[%get3A_62, %get3A_63] {strides = array<i32>} : memref<512x64xf32, #tpu.memory_space<vmem>>, vector<16xf32>,
        %get3A_65 = arith.index_cast %add3A_57 : i32 to index
        %get3A_66 = arith.constant 32 : index
        %get3A_67 = tpu.vector_load %arg6[%get3A_65, %get3A_66] {strides = array<i32>} : memref<512x64xf32, #tpu.memory_space<vmem>>, vector<16xf32>,
        %get3A_68 = arith.index_cast %add3A_57 : i32 to index
        %get3A_69 = arith.constant 48 : index
        %get3A_70 = tpu.vector_load %arg6[%get3A_68, %get3A_69] {strides = array<i32>} : memref<512x64xf32, #tpu.memory_space<vmem>>, vector<16xf32>,
        %broadcast_in_dim3A = arith.constant 0.000000e+00 : f32
        %broadcast_in_dim3A_71 = vector.broadcast %broadcast_in_dim3A : f32 to vector<16xf32>
        %add3A_72 = arith.constant 0 : i32
        %add3A_73 = arith.addi %mul3A_59, %add3A_72 : i32
        %get3A_74 = arith.index_cast %add3A_73 : i32 to index
        %get3A_75 = arith.constant 0 : index
        %get3A_76 = tpu.vector_load %arg10[%get3A_74, %get3A_75] {strides = array<i32>} : memref<512x64xf32, #tpu.memory_space<vmem>>, vector<16xf32>,
        %mul3A_77 = arith.mulf %get3A_76, %get3A_61 : vector<16xf32>
        %add3A_78 = arith.constant 0 : i32
        %add3A_79 = arith.addi %mul3A_59, %add3A_78 : i32
        %get3A_80 = arith.index_cast %add3A_79 : i32 to index
        %get3A_81 = arith.constant 16 : index
        %get3A_82 = tpu.vector_load %arg10[%get3A_80, %get3A_81] {strides = array<i32>} : memref<512x64xf32, #tpu.memory_space<vmem>>, vector<16xf32>,
        %mul3A_83 = arith.mulf %get3A_82, %get3A_64 : vector<16xf32>
        %add3A_84 = arith.addf %mul3A_77, %mul3A_83 : vector<16xf32>
        %add3A_85 = arith.constant 0 : i32
        %add3A_86 = arith.addi %mul3A_59, %add3A_85 : i32
        %get3A_87 = arith.index_cast %add3A_86 : i32 to index
        %get3A_88 = arith.constant 32 : index
        %get3A_89 = tpu.vector_load %arg10[%get3A_87, %get3A_88] {strides = array<i32>} : memref<512x64xf32, #tpu.memory_space<vmem>>, vector<16xf32>,
        %mul3A_90 = arith.mulf %get3A_89, %get3A_67 : vector<16xf32>
        %add3A_91 = arith.addf %add3A_84, %mul3A_90 : vector<16xf32>
        %add3A_92 = arith.constant 0 : i32
        %add3A_93 = arith.addi %mul3A_59, %add3A_92 : i32
        %get3A_94 = arith.index_cast %add3A_93 : i32 to index
        %get3A_95 = arith.constant 48 : index
        %get3A_96 = tpu.vector_load %arg10[%get3A_94, %get3A_95] {strides = array<i32>} : memref<512x64xf32, #tpu.memory_space<vmem>>, vector<16xf32>,
        %mul3A_97 = arith.mulf %get3A_96, %get3A_70 : vector<16xf32>
        %add3A_98 = arith.addf %add3A_91, %mul3A_97 : vector<16xf32>
        %reduce_sum3A = arith.constant true
        %reduce_sum3A_99 = vector.broadcast %reduce_sum3A : i1 to vector<16xi1>
        %reduce_sum3A_100 = tpu.scan <sum>, %add3A_98 masked %reduce_sum3A_99 : vector<16xf32>, vector<16xi1> -> vector<16xf32>
        %reduce_sum3A_101 = vector.extract %reduce_sum3A_100[15] : f32 from vector<16xf32>
        %eq3A = arith.constant 0 : i32
        %eq3A_102 = vector.broadcast %eq3A : i32 to vector<16xi32>
        %eq3A_103 = arith.cmpi eq, %iota3A, %eq3A_102 : vector<16xi32>
        %broadcast_in_dim3A_104 = vector.broadcast %reduce_sum3A_101 : f32 to vector<16xf32>
        %select_n3A = arith.select %eq3A_103, %broadcast_in_dim3A_104, %broadcast_in_dim3A_71 : vector<16xi1>, vector<16xf32>
        %add3A_105 = arith.constant 1 : i32
        %add3A_106 = arith.addi %mul3A_59, %add3A_105 : i32
        %get3A_107 = arith.index_cast %add3A_106 : i32 to index
        %get3A_108 = arith.constant 0 : index
        %get3A_109 = tpu.vector_load %arg10[%get3A_107, %get3A_108] {strides = array<i32>} : memref<512x64xf32, #tpu.memory_space<vmem>>, vector<16xf32>,
        %mul3A_110 = arith.mulf %get3A_109, %get3A_61 : vector<16xf32>
        %add3A_111 = arith.constant 1 : i32
        %add3A_112 = arith.addi %mul3A_59, %add3A_111 : i32
        %get3A_113 = arith.index_cast %add3A_112 : i32 to index
        %get3A_114 = arith.constant 16 : index
        %get3A_115 = tpu.vector_load %arg10[%get3A_113, %get3A_114] {strides = array<i32>} : memref<512x64xf32, #tpu.memory_space<vmem>>, vector<16xf32>,
        %mul3A_116 = arith.mulf %get3A_115, %get3A_64 : vector<16xf32>
        %add3A_117 = arith.addf %mul3A_110, %mul3A_116 : vector<16xf32>
        %add3A_118 = arith.constant 1 : i32
        %add3A_119 = arith.addi %mul3A_59, %add3A_118 : i32
        %get3A_120 = arith.index_cast %add3A_119 : i32 to index
        %get3A_121 = arith.constant 32 : index
        %get3A_122 = tpu.vector_load %arg10[%get3A_120, %get3A_121] {strides = array<i32>} : memref<512x64xf32, #tpu.memory_space<vmem>>, vector<16xf32>,
        %mul3A_123 = arith.mulf %get3A_122, %get3A_67 : vector<16xf32>
        %add3A_124 = arith.addf %add3A_117, %mul3A_123 : vector<16xf32>
        %add3A_125 = arith.constant 1 : i32
        %add3A_126 = arith.addi %mul3A_59, %add3A_125 : i32
        %get3A_127 = arith.index_cast %add3A_126 : i32 to index
        %get3A_128 = arith.constant 48 : index
        %get3A_129 = tpu.vector_load %arg10[%get3A_127, %get3A_128] {strides = array<i32>} : memref<512x64xf32, #tpu.memory_space<vmem>>, vector<16xf32>,
        %mul3A_130 = arith.mulf %get3A_129, %get3A_70 : vector<16xf32>
        %add3A_131 = arith.addf %add3A_124, %mul3A_130 : vector<16xf32>
        %reduce_sum3A_132 = arith.constant true
        %reduce_sum3A_133 = vector.broadcast %reduce_sum3A_132 : i1 to vector<16xi1>
        %reduce_sum3A_134 = tpu.scan <sum>, %add3A_131 masked %reduce_sum3A_133 : vector<16xf32>, vector<16xi1> -> vector<16xf32>
        %reduce_sum3A_135 = vector.extract %reduce_sum3A_134[15] : f32 from vector<16xf32>
        %eq3A_136 = arith.constant 1 : i32
        %eq3A_137 = vector.broadcast %eq3A_136 : i32 to vector<16xi32>
        %eq3A_138 = arith.cmpi eq, %iota3A, %eq3A_137 : vector<16xi32>
        %broadcast_in_dim3A_139 = vector.broadcast %reduce_sum3A_135 : f32 to vector<16xf32>
        %select_n3A_140 = arith.select %eq3A_138, %broadcast_in_dim3A_139, %select_n3A : vector<16xi1>, vector<16xf32>
        %add3A_141 = arith.constant 2 : i32
        %add3A_142 = arith.addi %mul3A_59, %add3A_141 : i32
        %get3A_143 = arith.index_cast %add3A_142 : i32 to index
        %get3A_144 = arith.constant 0 : index
        %get3A_145 = tpu.vector_load %arg10[%get3A_143, %get3A_144] {strides = array<i32>} : memref<512x64xf32, #tpu.memory_space<vmem>>, vector<16xf32>,
        %mul3A_146 = arith.mulf %get3A_145, %get3A_61 : vector<16xf32>
        %add3A_147 = arith.constant 2 : i32
        %add3A_148 = arith.addi %mul3A_59, %add3A_147 : i32
        %get3A_149 = arith.index_cast %add3A_148 : i32 to index
        %get3A_150 = arith.constant 16 : index
        %get3A_151 = tpu.vector_load %arg10[%get3A_149, %get3A_150] {strides = array<i32>} : memref<512x64xf32, #tpu.memory_space<vmem>>, vector<16xf32>,
        %mul3A_152 = arith.mulf %get3A_151, %get3A_64 : vector<16xf32>
        %add3A_153 = arith.addf %mul3A_146, %mul3A_152 : vector<16xf32>
        %add3A_154 = arith.constant 2 : i32
        %add3A_155 = arith.addi %mul3A_59, %add3A_154 : i32
        %get3A_156 = arith.index_cast %add3A_155 : i32 to index
        %get3A_157 = arith.constant 32 : index
        %get3A_158 = tpu.vector_load %arg10[%get3A_156, %get3A_157] {strides = array<i32>} : memref<512x64xf32, #tpu.memory_space<vmem>>, vector<16xf32>,
        %mul3A_159 = arith.mulf %get3A_158, %get3A_67 : vector<16xf32>
        %add3A_160 = arith.addf %add3A_153, %mul3A_159 : vector<16xf32>
        %add3A_161 = arith.constant 2 : i32
        %add3A_162 = arith.addi %mul3A_59, %add3A_161 : i32
        %get3A_163 = arith.index_cast %add3A_162 : i32 to index
        %get3A_164 = arith.constant 48 : index
        %get3A_165 = tpu.vector_load %arg10[%get3A_163, %get3A_164] {strides = array<i32>} : memref<512x64xf32, #tpu.memory_space<vmem>>, vector<16xf32>,
        %mul3A_166 = arith.mulf %get3A_165, %get3A_70 : vector<16xf32>
        %add3A_167 = arith.addf %add3A_160, %mul3A_166 : vector<16xf32>
        %reduce_sum3A_168 = arith.constant true
        %reduce_sum3A_169 = vector.broadcast %reduce_sum3A_168 : i1 to vector<16xi1>
        %reduce_sum3A_170 = tpu.scan <sum>, %add3A_167 masked %reduce_sum3A_169 : vector<16xf32>, vector<16xi1> -> vector<16xf32>
        %reduce_sum3A_171 = vector.extract %reduce_sum3A_170[15] : f32 from vector<16xf32>
        %eq3A_172 = arith.constant 2 : i32
        %eq3A_173 = vector.broadcast %eq3A_172 : i32 to vector<16xi32>
        %eq3A_174 = arith.cmpi eq, %iota3A, %eq3A_173 : vector<16xi32>
        %broadcast_in_dim3A_175 = vector.broadcast %reduce_sum3A_171 : f32 to vector<16xf32>
        %select_n3A_176 = arith.select %eq3A_174, %broadcast_in_dim3A_175, %select_n3A_140 : vector<16xi1>, vector<16xf32>
        %add3A_177 = arith.constant 3 : i32
        %add3A_178 = arith.addi %mul3A_59, %add3A_177 : i32
        %get3A_179 = arith.index_cast %add3A_178 : i32 to index
        %get3A_180 = arith.constant 0 : index
        %get3A_181 = tpu.vector_load %arg10[%get3A_179, %get3A_180] {strides = array<i32>} : memref<512x64xf32, #tpu.memory_space<vmem>>, vector<16xf32>,
        %mul3A_182 = arith.mulf %get3A_181, %get3A_61 : vector<16xf32>
        %add3A_183 = arith.constant 3 : i32
        %add3A_184 = arith.addi %mul3A_59, %add3A_183 : i32
        %get3A_185 = arith.index_cast %add3A_184 : i32 to index
        %get3A_186 = arith.constant 16 : index
        %get3A_187 = tpu.vector_load %arg10[%get3A_185, %get3A_186] {strides = array<i32>} : memref<512x64xf32, #tpu.memory_space<vmem>>, vector<16xf32>,
        %mul3A_188 = arith.mulf %get3A_187, %get3A_64 : vector<16xf32>
        %add3A_189 = arith.addf %mul3A_182, %mul3A_188 : vector<16xf32>
        %add3A_190 = arith.constant 3 : i32
        %add3A_191 = arith.addi %mul3A_59, %add3A_190 : i32
        %get3A_192 = arith.index_cast %add3A_191 : i32 to index
        %get3A_193 = arith.constant 32 : index
        %get3A_194 = tpu.vector_load %arg10[%get3A_192, %get3A_193] {strides = array<i32>} : memref<512x64xf32, #tpu.memory_space<vmem>>, vector<16xf32>,
        %mul3A_195 = arith.mulf %get3A_194, %get3A_67 : vector<16xf32>
        %add3A_196 = arith.addf %add3A_189, %mul3A_195 : vector<16xf32>
        %add3A_197 = arith.constant 3 : i32
        %add3A_198 = arith.addi %mul3A_59, %add3A_197 : i32
        %get3A_199 = arith.index_cast %add3A_198 : i32 to index
        %get3A_200 = arith.constant 48 : index
        %get3A_201 = tpu.vector_load %arg10[%get3A_199, %get3A_200] {strides = array<i32>} : memref<512x64xf32, #tpu.memory_space<vmem>>, vector<16xf32>,
        %mul3A_202 = arith.mulf %get3A_201, %get3A_70 : vector<16xf32>
        %add3A_203 = arith.addf %add3A_196, %mul3A_202 : vector<16xf32>
        %reduce_sum3A_204 = arith.constant true
        %reduce_sum3A_205 = vector.broadcast %reduce_sum3A_204 : i1 to vector<16xi1>
        %reduce_sum3A_206 = tpu.scan <sum>, %add3A_203 masked %reduce_sum3A_205 : vector<16xf32>, vector<16xi1> -> vector<16xf32>
        %reduce_sum3A_207 = vector.extract %reduce_sum3A_206[15] : f32 from vector<16xf32>
        %eq3A_208 = arith.constant 3 : i32
        %eq3A_209 = vector.broadcast %eq3A_208 : i32 to vector<16xi32>
        %eq3A_210 = arith.cmpi eq, %iota3A, %eq3A_209 : vector<16xi32>
        %broadcast_in_dim3A_211 = vector.broadcast %reduce_sum3A_207 : f32 to vector<16xf32>
        %select_n3A_212 = arith.select %eq3A_210, %broadcast_in_dim3A_211, %select_n3A_176 : vector<16xi1>, vector<16xf32>
        %add3A_213 = arith.constant 4 : i32
        %add3A_214 = arith.addi %mul3A_59, %add3A_213 : i32
        %get3A_215 = arith.index_cast %add3A_214 : i32 to index
        %get3A_216 = arith.constant 0 : index
        %get3A_217 = tpu.vector_load %arg10[%get3A_215, %get3A_216] {strides = array<i32>} : memref<512x64xf32, #tpu.memory_space<vmem>>, vector<16xf32>,
        %mul3A_218 = arith.mulf %get3A_217, %get3A_61 : vector<16xf32>
        %add3A_219 = arith.constant 4 : i32
        %add3A_220 = arith.addi %mul3A_59, %add3A_219 : i32
        %get3A_221 = arith.index_cast %add3A_220 : i32 to index
        %get3A_222 = arith.constant 16 : index
        %get3A_223 = tpu.vector_load %arg10[%get3A_221, %get3A_222] {strides = array<i32>} : memref<512x64xf32, #tpu.memory_space<vmem>>, vector<16xf32>,
        %mul3A_224 = arith.mulf %get3A_223, %get3A_64 : vector<16xf32>
        %add3A_225 = arith.addf %mul3A_218, %mul3A_224 : vector<16xf32>
        %add3A_226 = arith.constant 4 : i32
        %add3A_227 = arith.addi %mul3A_59, %add3A_226 : i32
        %get3A_228 = arith.index_cast %add3A_227 : i32 to index
        %get3A_229 = arith.constant 32 : index
        %get3A_230 = tpu.vector_load %arg10[%get3A_228, %get3A_229] {strides = array<i32>} : memref<512x64xf32, #tpu.memory_space<vmem>>, vector<16xf32>,
        %mul3A_231 = arith.mulf %get3A_230, %get3A_67 : vector<16xf32>
        %add3A_232 = arith.addf %add3A_225, %mul3A_231 : vector<16xf32>
        %add3A_233 = arith.constant 4 : i32
        %add3A_234 = arith.addi %mul3A_59, %add3A_233 : i32
        %get3A_235 = arith.index_cast %add3A_234 : i32 to index
        %get3A_236 = arith.constant 48 : index
        %get3A_237 = tpu.vector_load %arg10[%get3A_235, %get3A_236] {strides = array<i32>} : memref<512x64xf32, #tpu.memory_space<vmem>>, vector<16xf32>,
        %mul3A_238 = arith.mulf %get3A_237, %get3A_70 : vector<16xf32>
        %add3A_239 = arith.addf %add3A_232, %mul3A_238 : vector<16xf32>
        %reduce_sum3A_240 = arith.constant true
        %reduce_sum3A_241 = vector.broadcast %reduce_sum3A_240 : i1 to vector<16xi1>
        %reduce_sum3A_242 = tpu.scan <sum>, %add3A_239 masked %reduce_sum3A_241 : vector<16xf32>, vector<16xi1> -> vector<16xf32>
        %reduce_sum3A_243 = vector.extract %reduce_sum3A_242[15] : f32 from vector<16xf32>
        %eq3A_244 = arith.constant 4 : i32
        %eq3A_245 = vector.broadcast %eq3A_244 : i32 to vector<16xi32>
        %eq3A_246 = arith.cmpi eq, %iota3A, %eq3A_245 : vector<16xi32>
        %broadcast_in_dim3A_247 = vector.broadcast %reduce_sum3A_243 : f32 to vector<16xf32>
        %select_n3A_248 = arith.select %eq3A_246, %broadcast_in_dim3A_247, %select_n3A_212 : vector<16xi1>, vector<16xf32>
        %add3A_249 = arith.constant 5 : i32
        %add3A_250 = arith.addi %mul3A_59, %add3A_249 : i32
        %get3A_251 = arith.index_cast %add3A_250 : i32 to index
        %get3A_252 = arith.constant 0 : index
        %get3A_253 = tpu.vector_load %arg10[%get3A_251, %get3A_252] {strides = array<i32>} : memref<512x64xf32, #tpu.memory_space<vmem>>, vector<16xf32>,
        %mul3A_254 = arith.mulf %get3A_253, %get3A_61 : vector<16xf32>
        %add3A_255 = arith.constant 5 : i32
        %add3A_256 = arith.addi %mul3A_59, %add3A_255 : i32
        %get3A_257 = arith.index_cast %add3A_256 : i32 to index
        %get3A_258 = arith.constant 16 : index
        %get3A_259 = tpu.vector_load %arg10[%get3A_257, %get3A_258] {strides = array<i32>} : memref<512x64xf32, #tpu.memory_space<vmem>>, vector<16xf32>,
        %mul3A_260 = arith.mulf %get3A_259, %get3A_64 : vector<16xf32>
        %add3A_261 = arith.addf %mul3A_254, %mul3A_260 : vector<16xf32>
        %add3A_262 = arith.constant 5 : i32
        %add3A_263 = arith.addi %mul3A_59, %add3A_262 : i32
        %get3A_264 = arith.index_cast %add3A_263 : i32 to index
        %get3A_265 = arith.constant 32 : index
        %get3A_266 = tpu.vector_load %arg10[%get3A_264, %get3A_265] {strides = array<i32>} : memref<512x64xf32, #tpu.memory_space<vmem>>, vector<16xf32>,
        %mul3A_267 = arith.mulf %get3A_266, %get3A_67 : vector<16xf32>
        %add3A_268 = arith.addf %add3A_261, %mul3A_267 : vector<16xf32>
        %add3A_269 = arith.constant 5 : i32
        %add3A_270 = arith.addi %mul3A_59, %add3A_269 : i32
        %get3A_271 = arith.index_cast %add3A_270 : i32 to index
        %get3A_272 = arith.constant 48 : index
        %get3A_273 = tpu.vector_load %arg10[%get3A_271, %get3A_272] {strides = array<i32>} : memref<512x64xf32, #tpu.memory_space<vmem>>, vector<16xf32>,
        %mul3A_274 = arith.mulf %get3A_273, %get3A_70 : vector<16xf32>
        %add3A_275 = arith.addf %add3A_268, %mul3A_274 : vector<16xf32>
        %reduce_sum3A_276 = arith.constant true
        %reduce_sum3A_277 = vector.broadcast %reduce_sum3A_276 : i1 to vector<16xi1>
        %reduce_sum3A_278 = tpu.scan <sum>, %add3A_275 masked %reduce_sum3A_277 : vector<16xf32>, vector<16xi1> -> vector<16xf32>
        %reduce_sum3A_279 = vector.extract %reduce_sum3A_278[15] : f32 from vector<16xf32>
        %eq3A_280 = arith.constant 5 : i32
        %eq3A_281 = vector.broadcast %eq3A_280 : i32 to vector<16xi32>
        %eq3A_282 = arith.cmpi eq, %iota3A, %eq3A_281 : vector<16xi32>
        %broadcast_in_dim3A_283 = vector.broadcast %reduce_sum3A_279 : f32 to vector<16xf32>
        %select_n3A_284 = arith.select %eq3A_282, %broadcast_in_dim3A_283, %select_n3A_248 : vector<16xi1>, vector<16xf32>
        %add3A_285 = arith.constant 6 : i32
        %add3A_286 = arith.addi %mul3A_59, %add3A_285 : i32
        %get3A_287 = arith.index_cast %add3A_286 : i32 to index
        %get3A_288 = arith.constant 0 : index
        %get3A_289 = tpu.vector_load %arg10[%get3A_287, %get3A_288] {strides = array<i32>} : memref<512x64xf32, #tpu.memory_space<vmem>>, vector<16xf32>,
        %mul3A_290 = arith.mulf %get3A_289, %get3A_61 : vector<16xf32>
        %add3A_291 = arith.constant 6 : i32
        %add3A_292 = arith.addi %mul3A_59, %add3A_291 : i32
        %get3A_293 = arith.index_cast %add3A_292 : i32 to index
        %get3A_294 = arith.constant 16 : index
        %get3A_295 = tpu.vector_load %arg10[%get3A_293, %get3A_294] {strides = array<i32>} : memref<512x64xf32, #tpu.memory_space<vmem>>, vector<16xf32>,
        %mul3A_296 = arith.mulf %get3A_295, %get3A_64 : vector<16xf32>
        %add3A_297 = arith.addf %mul3A_290, %mul3A_296 : vector<16xf32>
        %add3A_298 = arith.constant 6 : i32
        %add3A_299 = arith.addi %mul3A_59, %add3A_298 : i32
        %get3A_300 = arith.index_cast %add3A_299 : i32 to index
        %get3A_301 = arith.constant 32 : index
        %get3A_302 = tpu.vector_load %arg10[%get3A_300, %get3A_301] {strides = array<i32>} : memref<512x64xf32, #tpu.memory_space<vmem>>, vector<16xf32>,
        %mul3A_303 = arith.mulf %get3A_302, %get3A_67 : vector<16xf32>
        %add3A_304 = arith.addf %add3A_297, %mul3A_303 : vector<16xf32>
        %add3A_305 = arith.constant 6 : i32
        %add3A_306 = arith.addi %mul3A_59, %add3A_305 : i32
        %get3A_307 = arith.index_cast %add3A_306 : i32 to index
        %get3A_308 = arith.constant 48 : index
        %get3A_309 = tpu.vector_load %arg10[%get3A_307, %get3A_308] {strides = array<i32>} : memref<512x64xf32, #tpu.memory_space<vmem>>, vector<16xf32>,
        %mul3A_310 = arith.mulf %get3A_309, %get3A_70 : vector<16xf32>
        %add3A_311 = arith.addf %add3A_304, %mul3A_310 : vector<16xf32>
        %reduce_sum3A_312 = arith.constant true
        %reduce_sum3A_313 = vector.broadcast %reduce_sum3A_312 : i1 to vector<16xi1>
        %reduce_sum3A_314 = tpu.scan <sum>, %add3A_311 masked %reduce_sum3A_313 : vector<16xf32>, vector<16xi1> -> vector<16xf32>
        %reduce_sum3A_315 = vector.extract %reduce_sum3A_314[15] : f32 from vector<16xf32>
        %eq3A_316 = arith.constant 6 : i32
        %eq3A_317 = vector.broadcast %eq3A_316 : i32 to vector<16xi32>
        %eq3A_318 = arith.cmpi eq, %iota3A, %eq3A_317 : vector<16xi32>
        %broadcast_in_dim3A_319 = vector.broadcast %reduce_sum3A_315 : f32 to vector<16xf32>
        %select_n3A_320 = arith.select %eq3A_318, %broadcast_in_dim3A_319, %select_n3A_284 : vector<16xi1>, vector<16xf32>
        %add3A_321 = arith.constant 7 : i32
        %add3A_322 = arith.addi %mul3A_59, %add3A_321 : i32
        %get3A_323 = arith.index_cast %add3A_322 : i32 to index
        %get3A_324 = arith.constant 0 : index
        %get3A_325 = tpu.vector_load %arg10[%get3A_323, %get3A_324] {strides = array<i32>} : memref<512x64xf32, #tpu.memory_space<vmem>>, vector<16xf32>,
        %mul3A_326 = arith.mulf %get3A_325, %get3A_61 : vector<16xf32>
        %add3A_327 = arith.constant 7 : i32
        %add3A_328 = arith.addi %mul3A_59, %add3A_327 : i32
        %get3A_329 = arith.index_cast %add3A_328 : i32 to index
        %get3A_330 = arith.constant 16 : index
        %get3A_331 = tpu.vector_load %arg10[%get3A_329, %get3A_330] {strides = array<i32>} : memref<512x64xf32, #tpu.memory_space<vmem>>, vector<16xf32>,
        %mul3A_332 = arith.mulf %get3A_331, %get3A_64 : vector<16xf32>
        %add3A_333 = arith.addf %mul3A_326, %mul3A_332 : vector<16xf32>
        %add3A_334 = arith.constant 7 : i32
        %add3A_335 = arith.addi %mul3A_59, %add3A_334 : i32
        %get3A_336 = arith.index_cast %add3A_335 : i32 to index
        %get3A_337 = arith.constant 32 : index
        %get3A_338 = tpu.vector_load %arg10[%get3A_336, %get3A_337] {strides = array<i32>} : memref<512x64xf32, #tpu.memory_space<vmem>>, vector<16xf32>,
        %mul3A_339 = arith.mulf %get3A_338, %get3A_67 : vector<16xf32>
        %add3A_340 = arith.addf %add3A_333, %mul3A_339 : vector<16xf32>
        %add3A_341 = arith.constant 7 : i32
        %add3A_342 = arith.addi %mul3A_59, %add3A_341 : i32
        %get3A_343 = arith.index_cast %add3A_342 : i32 to index
        %get3A_344 = arith.constant 48 : index
        %get3A_345 = tpu.vector_load %arg10[%get3A_343, %get3A_344] {strides = array<i32>} : memref<512x64xf32, #tpu.memory_space<vmem>>, vector<16xf32>,
        %mul3A_346 = arith.mulf %get3A_345, %get3A_70 : vector<16xf32>
        %add3A_347 = arith.addf %add3A_340, %mul3A_346 : vector<16xf32>
        %reduce_sum3A_348 = arith.constant true
        %reduce_sum3A_349 = vector.broadcast %reduce_sum3A_348 : i1 to vector<16xi1>
        %reduce_sum3A_350 = tpu.scan <sum>, %add3A_347 masked %reduce_sum3A_349 : vector<16xf32>, vector<16xi1> -> vector<16xf32>
        %reduce_sum3A_351 = vector.extract %reduce_sum3A_350[15] : f32 from vector<16xf32>
        %eq3A_352 = arith.constant 7 : i32
        %eq3A_353 = vector.broadcast %eq3A_352 : i32 to vector<16xi32>
        %eq3A_354 = arith.cmpi eq, %iota3A, %eq3A_353 : vector<16xi32>
        %broadcast_in_dim3A_355 = vector.broadcast %reduce_sum3A_351 : f32 to vector<16xf32>
        %select_n3A_356 = arith.select %eq3A_354, %broadcast_in_dim3A_355, %select_n3A_320 : vector<16xi1>, vector<16xf32>
        %add3A_357 = arith.constant 8 : i32
        %add3A_358 = arith.addi %mul3A_59, %add3A_357 : i32
        %get3A_359 = arith.index_cast %add3A_358 : i32 to index
        %get3A_360 = arith.constant 0 : index
        %get3A_361 = tpu.vector_load %arg10[%get3A_359, %get3A_360] {strides = array<i32>} : memref<512x64xf32, #tpu.memory_space<vmem>>, vector<16xf32>,
        %mul3A_362 = arith.mulf %get3A_361, %get3A_61 : vector<16xf32>
        %add3A_363 = arith.constant 8 : i32
        %add3A_364 = arith.addi %mul3A_59, %add3A_363 : i32
        %get3A_365 = arith.index_cast %add3A_364 : i32 to index
        %get3A_366 = arith.constant 16 : index
        %get3A_367 = tpu.vector_load %arg10[%get3A_365, %get3A_366] {strides = array<i32>} : memref<512x64xf32, #tpu.memory_space<vmem>>, vector<16xf32>,
        %mul3A_368 = arith.mulf %get3A_367, %get3A_64 : vector<16xf32>
        %add3A_369 = arith.addf %mul3A_362, %mul3A_368 : vector<16xf32>
        %add3A_370 = arith.constant 8 : i32
        %add3A_371 = arith.addi %mul3A_59, %add3A_370 : i32
        %get3A_372 = arith.index_cast %add3A_371 : i32 to index
        %get3A_373 = arith.constant 32 : index
        %get3A_374 = tpu.vector_load %arg10[%get3A_372, %get3A_373] {strides = array<i32>} : memref<512x64xf32, #tpu.memory_space<vmem>>, vector<16xf32>,
        %mul3A_375 = arith.mulf %get3A_374, %get3A_67 : vector<16xf32>
        %add3A_376 = arith.addf %add3A_369, %mul3A_375 : vector<16xf32>
        %add3A_377 = arith.constant 8 : i32
        %add3A_378 = arith.addi %mul3A_59, %add3A_377 : i32
        %get3A_379 = arith.index_cast %add3A_378 : i32 to index
        %get3A_380 = arith.constant 48 : index
        %get3A_381 = tpu.vector_load %arg10[%get3A_379, %get3A_380] {strides = array<i32>} : memref<512x64xf32, #tpu.memory_space<vmem>>, vector<16xf32>,
        %mul3A_382 = arith.mulf %get3A_381, %get3A_70 : vector<16xf32>
        %add3A_383 = arith.addf %add3A_376, %mul3A_382 : vector<16xf32>
        %reduce_sum3A_384 = arith.constant true
        %reduce_sum3A_385 = vector.broadcast %reduce_sum3A_384 : i1 to vector<16xi1>
        %reduce_sum3A_386 = tpu.scan <sum>, %add3A_383 masked %reduce_sum3A_385 : vector<16xf32>, vector<16xi1> -> vector<16xf32>
        %reduce_sum3A_387 = vector.extract %reduce_sum3A_386[15] : f32 from vector<16xf32>
        %eq3A_388 = arith.constant 8 : i32
        %eq3A_389 = vector.broadcast %eq3A_388 : i32 to vector<16xi32>
        %eq3A_390 = arith.cmpi eq, %iota3A, %eq3A_389 : vector<16xi32>
        %broadcast_in_dim3A_391 = vector.broadcast %reduce_sum3A_387 : f32 to vector<16xf32>
        %select_n3A_392 = arith.select %eq3A_390, %broadcast_in_dim3A_391, %select_n3A_356 : vector<16xi1>, vector<16xf32>
        %add3A_393 = arith.constant 9 : i32
        %add3A_394 = arith.addi %mul3A_59, %add3A_393 : i32
        %get3A_395 = arith.index_cast %add3A_394 : i32 to index
        %get3A_396 = arith.constant 0 : index
        %get3A_397 = tpu.vector_load %arg10[%get3A_395, %get3A_396] {strides = array<i32>} : memref<512x64xf32, #tpu.memory_space<vmem>>, vector<16xf32>,
        %mul3A_398 = arith.mulf %get3A_397, %get3A_61 : vector<16xf32>
        %add3A_399 = arith.constant 9 : i32
        %add3A_400 = arith.addi %mul3A_59, %add3A_399 : i32
        %get3A_401 = arith.index_cast %add3A_400 : i32 to index
        %get3A_402 = arith.constant 16 : index
        %get3A_403 = tpu.vector_load %arg10[%get3A_401, %get3A_402] {strides = array<i32>} : memref<512x64xf32, #tpu.memory_space<vmem>>, vector<16xf32>,
        %mul3A_404 = arith.mulf %get3A_403, %get3A_64 : vector<16xf32>
        %add3A_405 = arith.addf %mul3A_398, %mul3A_404 : vector<16xf32>
        %add3A_406 = arith.constant 9 : i32
        %add3A_407 = arith.addi %mul3A_59, %add3A_406 : i32
        %get3A_408 = arith.index_cast %add3A_407 : i32 to index
        %get3A_409 = arith.constant 32 : index
        %get3A_410 = tpu.vector_load %arg10[%get3A_408, %get3A_409] {strides = array<i32>} : memref<512x64xf32, #tpu.memory_space<vmem>>, vector<16xf32>,
        %mul3A_411 = arith.mulf %get3A_410, %get3A_67 : vector<16xf32>
        %add3A_412 = arith.addf %add3A_405, %mul3A_411 : vector<16xf32>
        %add3A_413 = arith.constant 9 : i32
        %add3A_414 = arith.addi %mul3A_59, %add3A_413 : i32
        %get3A_415 = arith.index_cast %add3A_414 : i32 to index
        %get3A_416 = arith.constant 48 : index
        %get3A_417 = tpu.vector_load %arg10[%get3A_415, %get3A_416] {strides = array<i32>} : memref<512x64xf32, #tpu.memory_space<vmem>>, vector<16xf32>,
        %mul3A_418 = arith.mulf %get3A_417, %get3A_70 : vector<16xf32>
        %add3A_419 = arith.addf %add3A_412, %mul3A_418 : vector<16xf32>
        %reduce_sum3A_420 = arith.constant true
        %reduce_sum3A_421 = vector.broadcast %reduce_sum3A_420 : i1 to vector<16xi1>
        %reduce_sum3A_422 = tpu.scan <sum>, %add3A_419 masked %reduce_sum3A_421 : vector<16xf32>, vector<16xi1> -> vector<16xf32>
        %reduce_sum3A_423 = vector.extract %reduce_sum3A_422[15] : f32 from vector<16xf32>
        %eq3A_424 = arith.constant 9 : i32
        %eq3A_425 = vector.broadcast %eq3A_424 : i32 to vector<16xi32>
        %eq3A_426 = arith.cmpi eq, %iota3A, %eq3A_425 : vector<16xi32>
        %broadcast_in_dim3A_427 = vector.broadcast %reduce_sum3A_423 : f32 to vector<16xf32>
        %select_n3A_428 = arith.select %eq3A_426, %broadcast_in_dim3A_427, %select_n3A_392 : vector<16xi1>, vector<16xf32>
        %add3A_429 = arith.constant 10 : i32
        %add3A_430 = arith.addi %mul3A_59, %add3A_429 : i32
        %get3A_431 = arith.index_cast %add3A_430 : i32 to index
        %get3A_432 = arith.constant 0 : index
        %get3A_433 = tpu.vector_load %arg10[%get3A_431, %get3A_432] {strides = array<i32>} : memref<512x64xf32, #tpu.memory_space<vmem>>, vector<16xf32>,
        %mul3A_434 = arith.mulf %get3A_433, %get3A_61 : vector<16xf32>
        %add3A_435 = arith.constant 10 : i32
        %add3A_436 = arith.addi %mul3A_59, %add3A_435 : i32
        %get3A_437 = arith.index_cast %add3A_436 : i32 to index
        %get3A_438 = arith.constant 16 : index
        %get3A_439 = tpu.vector_load %arg10[%get3A_437, %get3A_438] {strides = array<i32>} : memref<512x64xf32, #tpu.memory_space<vmem>>, vector<16xf32>,
        %mul3A_440 = arith.mulf %get3A_439, %get3A_64 : vector<16xf32>
        %add3A_441 = arith.addf %mul3A_434, %mul3A_440 : vector<16xf32>
        %add3A_442 = arith.constant 10 : i32
        %add3A_443 = arith.addi %mul3A_59, %add3A_442 : i32
        %get3A_444 = arith.index_cast %add3A_443 : i32 to index
        %get3A_445 = arith.constant 32 : index
        %get3A_446 = tpu.vector_load %arg10[%get3A_444, %get3A_445] {strides = array<i32>} : memref<512x64xf32, #tpu.memory_space<vmem>>, vector<16xf32>,
        %mul3A_447 = arith.mulf %get3A_446, %get3A_67 : vector<16xf32>
        %add3A_448 = arith.addf %add3A_441, %mul3A_447 : vector<16xf32>
        %add3A_449 = arith.constant 10 : i32
        %add3A_450 = arith.addi %mul3A_59, %add3A_449 : i32
        %get3A_451 = arith.index_cast %add3A_450 : i32 to index
        %get3A_452 = arith.constant 48 : index
        %get3A_453 = tpu.vector_load %arg10[%get3A_451, %get3A_452] {strides = array<i32>} : memref<512x64xf32, #tpu.memory_space<vmem>>, vector<16xf32>,
        %mul3A_454 = arith.mulf %get3A_453, %get3A_70 : vector<16xf32>
        %add3A_455 = arith.addf %add3A_448, %mul3A_454 : vector<16xf32>
        %reduce_sum3A_456 = arith.constant true
        %reduce_sum3A_457 = vector.broadcast %reduce_sum3A_456 : i1 to vector<16xi1>
        %reduce_sum3A_458 = tpu.scan <sum>, %add3A_455 masked %reduce_sum3A_457 : vector<16xf32>, vector<16xi1> -> vector<16xf32>
        %reduce_sum3A_459 = vector.extract %reduce_sum3A_458[15] : f32 from vector<16xf32>
        %eq3A_460 = arith.constant 10 : i32
        %eq3A_461 = vector.broadcast %eq3A_460 : i32 to vector<16xi32>
        %eq3A_462 = arith.cmpi eq, %iota3A, %eq3A_461 : vector<16xi32>
        %broadcast_in_dim3A_463 = vector.broadcast %reduce_sum3A_459 : f32 to vector<16xf32>
        %select_n3A_464 = arith.select %eq3A_462, %broadcast_in_dim3A_463, %select_n3A_428 : vector<16xi1>, vector<16xf32>
        %add3A_465 = arith.constant 11 : i32
        %add3A_466 = arith.addi %mul3A_59, %add3A_465 : i32
        %get3A_467 = arith.index_cast %add3A_466 : i32 to index
        %get3A_468 = arith.constant 0 : index
        %get3A_469 = tpu.vector_load %arg10[%get3A_467, %get3A_468] {strides = array<i32>} : memref<512x64xf32, #tpu.memory_space<vmem>>, vector<16xf32>,
        %mul3A_470 = arith.mulf %get3A_469, %get3A_61 : vector<16xf32>
        %add3A_471 = arith.constant 11 : i32
        %add3A_472 = arith.addi %mul3A_59, %add3A_471 : i32
        %get3A_473 = arith.index_cast %add3A_472 : i32 to index
        %get3A_474 = arith.constant 16 : index
        %get3A_475 = tpu.vector_load %arg10[%get3A_473, %get3A_474] {strides = array<i32>} : memref<512x64xf32, #tpu.memory_space<vmem>>, vector<16xf32>,
        %mul3A_476 = arith.mulf %get3A_475, %get3A_64 : vector<16xf32>
        %add3A_477 = arith.addf %mul3A_470, %mul3A_476 : vector<16xf32>
        %add3A_478 = arith.constant 11 : i32
        %add3A_479 = arith.addi %mul3A_59, %add3A_478 : i32
        %get3A_480 = arith.index_cast %add3A_479 : i32 to index
        %get3A_481 = arith.constant 32 : index
        %get3A_482 = tpu.vector_load %arg10[%get3A_480, %get3A_481] {strides = array<i32>} : memref<512x64xf32, #tpu.memory_space<vmem>>, vector<16xf32>,
        %mul3A_483 = arith.mulf %get3A_482, %get3A_67 : vector<16xf32>
        %add3A_484 = arith.addf %add3A_477, %mul3A_483 : vector<16xf32>
        %add3A_485 = arith.constant 11 : i32
        %add3A_486 = arith.addi %mul3A_59, %add3A_485 : i32
        %get3A_487 = arith.index_cast %add3A_486 : i32 to index
        %get3A_488 = arith.constant 48 : index
        %get3A_489 = tpu.vector_load %arg10[%get3A_487, %get3A_488] {strides = array<i32>} : memref<512x64xf32, #tpu.memory_space<vmem>>, vector<16xf32>,
        %mul3A_490 = arith.mulf %get3A_489, %get3A_70 : vector<16xf32>
        %add3A_491 = arith.addf %add3A_484, %mul3A_490 : vector<16xf32>
        %reduce_sum3A_492 = arith.constant true
        %reduce_sum3A_493 = vector.broadcast %reduce_sum3A_492 : i1 to vector<16xi1>
        %reduce_sum3A_494 = tpu.scan <sum>, %add3A_491 masked %reduce_sum3A_493 : vector<16xf32>, vector<16xi1> -> vector<16xf32>
        %reduce_sum3A_495 = vector.extract %reduce_sum3A_494[15] : f32 from vector<16xf32>
        %eq3A_496 = arith.constant 11 : i32
        %eq3A_497 = vector.broadcast %eq3A_496 : i32 to vector<16xi32>
        %eq3A_498 = arith.cmpi eq, %iota3A, %eq3A_497 : vector<16xi32>
        %broadcast_in_dim3A_499 = vector.broadcast %reduce_sum3A_495 : f32 to vector<16xf32>
        %select_n3A_500 = arith.select %eq3A_498, %broadcast_in_dim3A_499, %select_n3A_464 : vector<16xi1>, vector<16xf32>
        %add3A_501 = arith.constant 12 : i32
        %add3A_502 = arith.addi %mul3A_59, %add3A_501 : i32
        %get3A_503 = arith.index_cast %add3A_502 : i32 to index
        %get3A_504 = arith.constant 0 : index
        %get3A_505 = tpu.vector_load %arg10[%get3A_503, %get3A_504] {strides = array<i32>} : memref<512x64xf32, #tpu.memory_space<vmem>>, vector<16xf32>,
        %mul3A_506 = arith.mulf %get3A_505, %get3A_61 : vector<16xf32>
        %add3A_507 = arith.constant 12 : i32
        %add3A_508 = arith.addi %mul3A_59, %add3A_507 : i32
        %get3A_509 = arith.index_cast %add3A_508 : i32 to index
        %get3A_510 = arith.constant 16 : index
        %get3A_511 = tpu.vector_load %arg10[%get3A_509, %get3A_510] {strides = array<i32>} : memref<512x64xf32, #tpu.memory_space<vmem>>, vector<16xf32>,
        %mul3A_512 = arith.mulf %get3A_511, %get3A_64 : vector<16xf32>
        %add3A_513 = arith.addf %mul3A_506, %mul3A_512 : vector<16xf32>
        %add3A_514 = arith.constant 12 : i32
        %add3A_515 = arith.addi %mul3A_59, %add3A_514 : i32
        %get3A_516 = arith.index_cast %add3A_515 : i32 to index
        %get3A_517 = arith.constant 32 : index
        %get3A_518 = tpu.vector_load %arg10[%get3A_516, %get3A_517] {strides = array<i32>} : memref<512x64xf32, #tpu.memory_space<vmem>>, vector<16xf32>,
        %mul3A_519 = arith.mulf %get3A_518, %get3A_67 : vector<16xf32>
        %add3A_520 = arith.addf %add3A_513, %mul3A_519 : vector<16xf32>
        %add3A_521 = arith.constant 12 : i32
        %add3A_522 = arith.addi %mul3A_59, %add3A_521 : i32
        %get3A_523 = arith.index_cast %add3A_522 : i32 to index
        %get3A_524 = arith.constant 48 : index
        %get3A_525 = tpu.vector_load %arg10[%get3A_523, %get3A_524] {strides = array<i32>} : memref<512x64xf32, #tpu.memory_space<vmem>>, vector<16xf32>,
        %mul3A_526 = arith.mulf %get3A_525, %get3A_70 : vector<16xf32>
        %add3A_527 = arith.addf %add3A_520, %mul3A_526 : vector<16xf32>
        %reduce_sum3A_528 = arith.constant true
        %reduce_sum3A_529 = vector.broadcast %reduce_sum3A_528 : i1 to vector<16xi1>
        %reduce_sum3A_530 = tpu.scan <sum>, %add3A_527 masked %reduce_sum3A_529 : vector<16xf32>, vector<16xi1> -> vector<16xf32>
        %reduce_sum3A_531 = vector.extract %reduce_sum3A_530[15] : f32 from vector<16xf32>
        %eq3A_532 = arith.constant 12 : i32
        %eq3A_533 = vector.broadcast %eq3A_532 : i32 to vector<16xi32>
        %eq3A_534 = arith.cmpi eq, %iota3A, %eq3A_533 : vector<16xi32>
        %broadcast_in_dim3A_535 = vector.broadcast %reduce_sum3A_531 : f32 to vector<16xf32>
        %select_n3A_536 = arith.select %eq3A_534, %broadcast_in_dim3A_535, %select_n3A_500 : vector<16xi1>, vector<16xf32>
        %add3A_537 = arith.constant 13 : i32
        %add3A_538 = arith.addi %mul3A_59, %add3A_537 : i32
        %get3A_539 = arith.index_cast %add3A_538 : i32 to index
        %get3A_540 = arith.constant 0 : index
        %get3A_541 = tpu.vector_load %arg10[%get3A_539, %get3A_540] {strides = array<i32>} : memref<512x64xf32, #tpu.memory_space<vmem>>, vector<16xf32>,
        %mul3A_542 = arith.mulf %get3A_541, %get3A_61 : vector<16xf32>
        %add3A_543 = arith.constant 13 : i32
        %add3A_544 = arith.addi %mul3A_59, %add3A_543 : i32
        %get3A_545 = arith.index_cast %add3A_544 : i32 to index
        %get3A_546 = arith.constant 16 : index
        %get3A_547 = tpu.vector_load %arg10[%get3A_545, %get3A_546] {strides = array<i32>} : memref<512x64xf32, #tpu.memory_space<vmem>>, vector<16xf32>,
        %mul3A_548 = arith.mulf %get3A_547, %get3A_64 : vector<16xf32>
        %add3A_549 = arith.addf %mul3A_542, %mul3A_548 : vector<16xf32>
        %add3A_550 = arith.constant 13 : i32
        %add3A_551 = arith.addi %mul3A_59, %add3A_550 : i32
        %get3A_552 = arith.index_cast %add3A_551 : i32 to index
        %get3A_553 = arith.constant 32 : index
        %get3A_554 = tpu.vector_load %arg10[%get3A_552, %get3A_553] {strides = array<i32>} : memref<512x64xf32, #tpu.memory_space<vmem>>, vector<16xf32>,
        %mul3A_555 = arith.mulf %get3A_554, %get3A_67 : vector<16xf32>
        %add3A_556 = arith.addf %add3A_549, %mul3A_555 : vector<16xf32>
        %add3A_557 = arith.constant 13 : i32
        %add3A_558 = arith.addi %mul3A_59, %add3A_557 : i32
        %get3A_559 = arith.index_cast %add3A_558 : i32 to index
        %get3A_560 = arith.constant 48 : index
        %get3A_561 = tpu.vector_load %arg10[%get3A_559, %get3A_560] {strides = array<i32>} : memref<512x64xf32, #tpu.memory_space<vmem>>, vector<16xf32>,
        %mul3A_562 = arith.mulf %get3A_561, %get3A_70 : vector<16xf32>
        %add3A_563 = arith.addf %add3A_556, %mul3A_562 : vector<16xf32>
        %reduce_sum3A_564 = arith.constant true
        %reduce_sum3A_565 = vector.broadcast %reduce_sum3A_564 : i1 to vector<16xi1>
        %reduce_sum3A_566 = tpu.scan <sum>, %add3A_563 masked %reduce_sum3A_565 : vector<16xf32>, vector<16xi1> -> vector<16xf32>
        %reduce_sum3A_567 = vector.extract %reduce_sum3A_566[15] : f32 from vector<16xf32>
        %eq3A_568 = arith.constant 13 : i32
        %eq3A_569 = vector.broadcast %eq3A_568 : i32 to vector<16xi32>
        %eq3A_570 = arith.cmpi eq, %iota3A, %eq3A_569 : vector<16xi32>
        %broadcast_in_dim3A_571 = vector.broadcast %reduce_sum3A_567 : f32 to vector<16xf32>
        %select_n3A_572 = arith.select %eq3A_570, %broadcast_in_dim3A_571, %select_n3A_536 : vector<16xi1>, vector<16xf32>
        %add3A_573 = arith.constant 14 : i32
        %add3A_574 = arith.addi %mul3A_59, %add3A_573 : i32
        %get3A_575 = arith.index_cast %add3A_574 : i32 to index
        %get3A_576 = arith.constant 0 : index
        %get3A_577 = tpu.vector_load %arg10[%get3A_575, %get3A_576] {strides = array<i32>} : memref<512x64xf32, #tpu.memory_space<vmem>>, vector<16xf32>,
        %mul3A_578 = arith.mulf %get3A_577, %get3A_61 : vector<16xf32>
        %add3A_579 = arith.constant 14 : i32
        %add3A_580 = arith.addi %mul3A_59, %add3A_579 : i32
        %get3A_581 = arith.index_cast %add3A_580 : i32 to index
        %get3A_582 = arith.constant 16 : index
        %get3A_583 = tpu.vector_load %arg10[%get3A_581, %get3A_582] {strides = array<i32>} : memref<512x64xf32, #tpu.memory_space<vmem>>, vector<16xf32>,
        %mul3A_584 = arith.mulf %get3A_583, %get3A_64 : vector<16xf32>
        %add3A_585 = arith.addf %mul3A_578, %mul3A_584 : vector<16xf32>
        %add3A_586 = arith.constant 14 : i32
        %add3A_587 = arith.addi %mul3A_59, %add3A_586 : i32
        %get3A_588 = arith.index_cast %add3A_587 : i32 to index
        %get3A_589 = arith.constant 32 : index
        %get3A_590 = tpu.vector_load %arg10[%get3A_588, %get3A_589] {strides = array<i32>} : memref<512x64xf32, #tpu.memory_space<vmem>>, vector<16xf32>,
        %mul3A_591 = arith.mulf %get3A_590, %get3A_67 : vector<16xf32>
        %add3A_592 = arith.addf %add3A_585, %mul3A_591 : vector<16xf32>
        %add3A_593 = arith.constant 14 : i32
        %add3A_594 = arith.addi %mul3A_59, %add3A_593 : i32
        %get3A_595 = arith.index_cast %add3A_594 : i32 to index
        %get3A_596 = arith.constant 48 : index
        %get3A_597 = tpu.vector_load %arg10[%get3A_595, %get3A_596] {strides = array<i32>} : memref<512x64xf32, #tpu.memory_space<vmem>>, vector<16xf32>,
        %mul3A_598 = arith.mulf %get3A_597, %get3A_70 : vector<16xf32>
        %add3A_599 = arith.addf %add3A_592, %mul3A_598 : vector<16xf32>
        %reduce_sum3A_600 = arith.constant true
        %reduce_sum3A_601 = vector.broadcast %reduce_sum3A_600 : i1 to vector<16xi1>
        %reduce_sum3A_602 = tpu.scan <sum>, %add3A_599 masked %reduce_sum3A_601 : vector<16xf32>, vector<16xi1> -> vector<16xf32>
        %reduce_sum3A_603 = vector.extract %reduce_sum3A_602[15] : f32 from vector<16xf32>
        %eq3A_604 = arith.constant 14 : i32
        %eq3A_605 = vector.broadcast %eq3A_604 : i32 to vector<16xi32>
        %eq3A_606 = arith.cmpi eq, %iota3A, %eq3A_605 : vector<16xi32>
        %broadcast_in_dim3A_607 = vector.broadcast %reduce_sum3A_603 : f32 to vector<16xf32>
        %select_n3A_608 = arith.select %eq3A_606, %broadcast_in_dim3A_607, %select_n3A_572 : vector<16xi1>, vector<16xf32>
        %add3A_609 = arith.constant 15 : i32
        %add3A_610 = arith.addi %mul3A_59, %add3A_609 : i32
        %get3A_611 = arith.index_cast %add3A_610 : i32 to index
        %get3A_612 = arith.constant 0 : index
        %get3A_613 = tpu.vector_load %arg10[%get3A_611, %get3A_612] {strides = array<i32>} : memref<512x64xf32, #tpu.memory_space<vmem>>, vector<16xf32>,
        %mul3A_614 = arith.mulf %get3A_613, %get3A_61 : vector<16xf32>
        %add3A_615 = arith.constant 15 : i32
        %add3A_616 = arith.addi %mul3A_59, %add3A_615 : i32
        %get3A_617 = arith.index_cast %add3A_616 : i32 to index
        %get3A_618 = arith.constant 16 : index
        %get3A_619 = tpu.vector_load %arg10[%get3A_617, %get3A_618] {strides = array<i32>} : memref<512x64xf32, #tpu.memory_space<vmem>>, vector<16xf32>,
        %mul3A_620 = arith.mulf %get3A_619, %get3A_64 : vector<16xf32>
        %add3A_621 = arith.addf %mul3A_614, %mul3A_620 : vector<16xf32>
        %add3A_622 = arith.constant 15 : i32
        %add3A_623 = arith.addi %mul3A_59, %add3A_622 : i32
        %get3A_624 = arith.index_cast %add3A_623 : i32 to index
        %get3A_625 = arith.constant 32 : index
        %get3A_626 = tpu.vector_load %arg10[%get3A_624, %get3A_625] {strides = array<i32>} : memref<512x64xf32, #tpu.memory_space<vmem>>, vector<16xf32>,
        %mul3A_627 = arith.mulf %get3A_626, %get3A_67 : vector<16xf32>
        %add3A_628 = arith.addf %add3A_621, %mul3A_627 : vector<16xf32>
        %add3A_629 = arith.constant 15 : i32
        %add3A_630 = arith.addi %mul3A_59, %add3A_629 : i32
        %get3A_631 = arith.index_cast %add3A_630 : i32 to index
        %get3A_632 = arith.constant 48 : index
        %get3A_633 = tpu.vector_load %arg10[%get3A_631, %get3A_632] {strides = array<i32>} : memref<512x64xf32, #tpu.memory_space<vmem>>, vector<16xf32>,
        %mul3A_634 = arith.mulf %get3A_633, %get3A_70 : vector<16xf32>
        %add3A_635 = arith.addf %add3A_628, %mul3A_634 : vector<16xf32>
        %reduce_sum3A_636 = arith.constant true
        %reduce_sum3A_637 = vector.broadcast %reduce_sum3A_636 : i1 to vector<16xi1>
        %reduce_sum3A_638 = tpu.scan <sum>, %add3A_635 masked %reduce_sum3A_637 : vector<16xf32>, vector<16xi1> -> vector<16xf32>
        %reduce_sum3A_639 = vector.extract %reduce_sum3A_638[15] : f32 from vector<16xf32>
        %eq3A_640 = arith.constant 15 : i32
        %eq3A_641 = vector.broadcast %eq3A_640 : i32 to vector<16xi32>
        %eq3A_642 = arith.cmpi eq, %iota3A, %eq3A_641 : vector<16xi32>
        %broadcast_in_dim3A_643 = vector.broadcast %reduce_sum3A_639 : f32 to vector<16xf32>
        %select_n3A_644 = arith.select %eq3A_642, %broadcast_in_dim3A_643, %select_n3A_608 : vector<16xi1>, vector<16xf32>
        %swap3A = arith.index_cast %scan3A_56 : i32 to index
        %swap3A_645 = arith.constant 0 : index
        %swap3A_646 = tpu.vector_load %arg11[%swap3A, %swap3A_645] {strides = array<i32>} : memref<8x64xf32, #tpu.memory_space<vmem>>, vector<16xf32>,
        tpu.vector_store %arg11[%swap3A, %swap3A_645], %select_n3A_644 {strides = array<i32>} : memref<8x64xf32, #tpu.memory_space<vmem>>, vector<16xf32>,
        %broadcast_in_dim3A_647 = arith.constant 0.000000e+00 : f32
        %broadcast_in_dim3A_648 = vector.broadcast %broadcast_in_dim3A_647 : f32 to vector<16xf32>
        %add3A_649 = arith.constant 16 : i32
        %add3A_650 = arith.addi %mul3A_59, %add3A_649 : i32
        %get3A_651 = arith.index_cast %add3A_650 : i32 to index
        %get3A_652 = arith.constant 0 : index
        %get3A_653 = tpu.vector_load %arg10[%get3A_651, %get3A_652] {strides = array<i32>} : memref<512x64xf32, #tpu.memory_space<vmem>>, vector<16xf32>,
        %mul3A_654 = arith.mulf %get3A_653, %get3A_61 : vector<16xf32>
        %add3A_655 = arith.constant 16 : i32
        %add3A_656 = arith.addi %mul3A_59, %add3A_655 : i32
        %get3A_657 = arith.index_cast %add3A_656 : i32 to index
        %get3A_658 = arith.constant 16 : index
        %get3A_659 = tpu.vector_load %arg10[%get3A_657, %get3A_658] {strides = array<i32>} : memref<512x64xf32, #tpu.memory_space<vmem>>, vector<16xf32>,
        %mul3A_660 = arith.mulf %get3A_659, %get3A_64 : vector<16xf32>
        %add3A_661 = arith.addf %mul3A_654, %mul3A_660 : vector<16xf32>
        %add3A_662 = arith.constant 16 : i32
        %add3A_663 = arith.addi %mul3A_59, %add3A_662 : i32
        %get3A_664 = arith.index_cast %add3A_663 : i32 to index
        %get3A_665 = arith.constant 32 : index
        %get3A_666 = tpu.vector_load %arg10[%get3A_664, %get3A_665] {strides = array<i32>} : memref<512x64xf32, #tpu.memory_space<vmem>>, vector<16xf32>,
        %mul3A_667 = arith.mulf %get3A_666, %get3A_67 : vector<16xf32>
        %add3A_668 = arith.addf %add3A_661, %mul3A_667 : vector<16xf32>
        %add3A_669 = arith.constant 16 : i32
        %add3A_670 = arith.addi %mul3A_59, %add3A_669 : i32
        %get3A_671 = arith.index_cast %add3A_670 : i32 to index
        %get3A_672 = arith.constant 48 : index
        %get3A_673 = tpu.vector_load %arg10[%get3A_671, %get3A_672] {strides = array<i32>} : memref<512x64xf32, #tpu.memory_space<vmem>>, vector<16xf32>,
        %mul3A_674 = arith.mulf %get3A_673, %get3A_70 : vector<16xf32>
        %add3A_675 = arith.addf %add3A_668, %mul3A_674 : vector<16xf32>
        %reduce_sum3A_676 = arith.constant true
        %reduce_sum3A_677 = vector.broadcast %reduce_sum3A_676 : i1 to vector<16xi1>
        %reduce_sum3A_678 = tpu.scan <sum>, %add3A_675 masked %reduce_sum3A_677 : vector<16xf32>, vector<16xi1> -> vector<16xf32>
        %reduce_sum3A_679 = vector.extract %reduce_sum3A_678[15] : f32 from vector<16xf32>
        %eq3A_680 = arith.constant 0 : i32
        %eq3A_681 = vector.broadcast %eq3A_680 : i32 to vector<16xi32>
        %eq3A_682 = arith.cmpi eq, %iota3A, %eq3A_681 : vector<16xi32>
        %broadcast_in_dim3A_683 = vector.broadcast %reduce_sum3A_679 : f32 to vector<16xf32>
        %select_n3A_684 = arith.select %eq3A_682, %broadcast_in_dim3A_683, %broadcast_in_dim3A_648 : vector<16xi1>, vector<16xf32>
        %add3A_685 = arith.constant 17 : i32
        %add3A_686 = arith.addi %mul3A_59, %add3A_685 : i32
        %get3A_687 = arith.index_cast %add3A_686 : i32 to index
        %get3A_688 = arith.constant 0 : index
        %get3A_689 = tpu.vector_load %arg10[%get3A_687, %get3A_688] {strides = array<i32>} : memref<512x64xf32, #tpu.memory_space<vmem>>, vector<16xf32>,
        %mul3A_690 = arith.mulf %get3A_689, %get3A_61 : vector<16xf32>
        %add3A_691 = arith.constant 17 : i32
        %add3A_692 = arith.addi %mul3A_59, %add3A_691 : i32
        %get3A_693 = arith.index_cast %add3A_692 : i32 to index
        %get3A_694 = arith.constant 16 : index
        %get3A_695 = tpu.vector_load %arg10[%get3A_693, %get3A_694] {strides = array<i32>} : memref<512x64xf32, #tpu.memory_space<vmem>>, vector<16xf32>,
        %mul3A_696 = arith.mulf %get3A_695, %get3A_64 : vector<16xf32>
        %add3A_697 = arith.addf %mul3A_690, %mul3A_696 : vector<16xf32>
        %add3A_698 = arith.constant 17 : i32
        %add3A_699 = arith.addi %mul3A_59, %add3A_698 : i32
        %get3A_700 = arith.index_cast %add3A_699 : i32 to index
        %get3A_701 = arith.constant 32 : index
        %get3A_702 = tpu.vector_load %arg10[%get3A_700, %get3A_701] {strides = array<i32>} : memref<512x64xf32, #tpu.memory_space<vmem>>, vector<16xf32>,
        %mul3A_703 = arith.mulf %get3A_702, %get3A_67 : vector<16xf32>
        %add3A_704 = arith.addf %add3A_697, %mul3A_703 : vector<16xf32>
        %add3A_705 = arith.constant 17 : i32
        %add3A_706 = arith.addi %mul3A_59, %add3A_705 : i32
        %get3A_707 = arith.index_cast %add3A_706 : i32 to index
        %get3A_708 = arith.constant 48 : index
        %get3A_709 = tpu.vector_load %arg10[%get3A_707, %get3A_708] {strides = array<i32>} : memref<512x64xf32, #tpu.memory_space<vmem>>, vector<16xf32>,
        %mul3A_710 = arith.mulf %get3A_709, %get3A_70 : vector<16xf32>
        %add3A_711 = arith.addf %add3A_704, %mul3A_710 : vector<16xf32>
        %reduce_sum3A_712 = arith.constant true
        %reduce_sum3A_713 = vector.broadcast %reduce_sum3A_712 : i1 to vector<16xi1>
        %reduce_sum3A_714 = tpu.scan <sum>, %add3A_711 masked %reduce_sum3A_713 : vector<16xf32>, vector<16xi1> -> vector<16xf32>
        %reduce_sum3A_715 = vector.extract %reduce_sum3A_714[15] : f32 from vector<16xf32>
        %eq3A_716 = arith.constant 1 : i32
        %eq3A_717 = vector.broadcast %eq3A_716 : i32 to vector<16xi32>
        %eq3A_718 = arith.cmpi eq, %iota3A, %eq3A_717 : vector<16xi32>
        %broadcast_in_dim3A_719 = vector.broadcast %reduce_sum3A_715 : f32 to vector<16xf32>
        %select_n3A_720 = arith.select %eq3A_718, %broadcast_in_dim3A_719, %select_n3A_684 : vector<16xi1>, vector<16xf32>
        %add3A_721 = arith.constant 18 : i32
        %add3A_722 = arith.addi %mul3A_59, %add3A_721 : i32
        %get3A_723 = arith.index_cast %add3A_722 : i32 to index
        %get3A_724 = arith.constant 0 : index
        %get3A_725 = tpu.vector_load %arg10[%get3A_723, %get3A_724] {strides = array<i32>} : memref<512x64xf32, #tpu.memory_space<vmem>>, vector<16xf32>,
        %mul3A_726 = arith.mulf %get3A_725, %get3A_61 : vector<16xf32>
        %add3A_727 = arith.constant 18 : i32
        %add3A_728 = arith.addi %mul3A_59, %add3A_727 : i32
        %get3A_729 = arith.index_cast %add3A_728 : i32 to index
        %get3A_730 = arith.constant 16 : index
        %get3A_731 = tpu.vector_load %arg10[%get3A_729, %get3A_730] {strides = array<i32>} : memref<512x64xf32, #tpu.memory_space<vmem>>, vector<16xf32>,
        %mul3A_732 = arith.mulf %get3A_731, %get3A_64 : vector<16xf32>
        %add3A_733 = arith.addf %mul3A_726, %mul3A_732 : vector<16xf32>
        %add3A_734 = arith.constant 18 : i32
        %add3A_735 = arith.addi %mul3A_59, %add3A_734 : i32
        %get3A_736 = arith.index_cast %add3A_735 : i32 to index
        %get3A_737 = arith.constant 32 : index
        %get3A_738 = tpu.vector_load %arg10[%get3A_736, %get3A_737] {strides = array<i32>} : memref<512x64xf32, #tpu.memory_space<vmem>>, vector<16xf32>,
        %mul3A_739 = arith.mulf %get3A_738, %get3A_67 : vector<16xf32>
        %add3A_740 = arith.addf %add3A_733, %mul3A_739 : vector<16xf32>
        %add3A_741 = arith.constant 18 : i32
        %add3A_742 = arith.addi %mul3A_59, %add3A_741 : i32
        %get3A_743 = arith.index_cast %add3A_742 : i32 to index
        %get3A_744 = arith.constant 48 : index
        %get3A_745 = tpu.vector_load %arg10[%get3A_743, %get3A_744] {strides = array<i32>} : memref<512x64xf32, #tpu.memory_space<vmem>>, vector<16xf32>,
        %mul3A_746 = arith.mulf %get3A_745, %get3A_70 : vector<16xf32>
        %add3A_747 = arith.addf %add3A_740, %mul3A_746 : vector<16xf32>
        %reduce_sum3A_748 = arith.constant true
        %reduce_sum3A_749 = vector.broadcast %reduce_sum3A_748 : i1 to vector<16xi1>
        %reduce_sum3A_750 = tpu.scan <sum>, %add3A_747 masked %reduce_sum3A_749 : vector<16xf32>, vector<16xi1> -> vector<16xf32>
        %reduce_sum3A_751 = vector.extract %reduce_sum3A_750[15] : f32 from vector<16xf32>
        %eq3A_752 = arith.constant 2 : i32
        %eq3A_753 = vector.broadcast %eq3A_752 : i32 to vector<16xi32>
        %eq3A_754 = arith.cmpi eq, %iota3A, %eq3A_753 : vector<16xi32>
        %broadcast_in_dim3A_755 = vector.broadcast %reduce_sum3A_751 : f32 to vector<16xf32>
        %select_n3A_756 = arith.select %eq3A_754, %broadcast_in_dim3A_755, %select_n3A_720 : vector<16xi1>, vector<16xf32>
        %add3A_757 = arith.constant 19 : i32
        %add3A_758 = arith.addi %mul3A_59, %add3A_757 : i32
        %get3A_759 = arith.index_cast %add3A_758 : i32 to index
        %get3A_760 = arith.constant 0 : index
        %get3A_761 = tpu.vector_load %arg10[%get3A_759, %get3A_760] {strides = array<i32>} : memref<512x64xf32, #tpu.memory_space<vmem>>, vector<16xf32>,
        %mul3A_762 = arith.mulf %get3A_761, %get3A_61 : vector<16xf32>
        %add3A_763 = arith.constant 19 : i32
        %add3A_764 = arith.addi %mul3A_59, %add3A_763 : i32
        %get3A_765 = arith.index_cast %add3A_764 : i32 to index
        %get3A_766 = arith.constant 16 : index
        %get3A_767 = tpu.vector_load %arg10[%get3A_765, %get3A_766] {strides = array<i32>} : memref<512x64xf32, #tpu.memory_space<vmem>>, vector<16xf32>,
        %mul3A_768 = arith.mulf %get3A_767, %get3A_64 : vector<16xf32>
        %add3A_769 = arith.addf %mul3A_762, %mul3A_768 : vector<16xf32>
        %add3A_770 = arith.constant 19 : i32
        %add3A_771 = arith.addi %mul3A_59, %add3A_770 : i32
        %get3A_772 = arith.index_cast %add3A_771 : i32 to index
        %get3A_773 = arith.constant 32 : index
        %get3A_774 = tpu.vector_load %arg10[%get3A_772, %get3A_773] {strides = array<i32>} : memref<512x64xf32, #tpu.memory_space<vmem>>, vector<16xf32>,
        %mul3A_775 = arith.mulf %get3A_774, %get3A_67 : vector<16xf32>
        %add3A_776 = arith.addf %add3A_769, %mul3A_775 : vector<16xf32>
        %add3A_777 = arith.constant 19 : i32
        %add3A_778 = arith.addi %mul3A_59, %add3A_777 : i32
        %get3A_779 = arith.index_cast %add3A_778 : i32 to index
        %get3A_780 = arith.constant 48 : index
        %get3A_781 = tpu.vector_load %arg10[%get3A_779, %get3A_780] {strides = array<i32>} : memref<512x64xf32, #tpu.memory_space<vmem>>, vector<16xf32>,
        %mul3A_782 = arith.mulf %get3A_781, %get3A_70 : vector<16xf32>
        %add3A_783 = arith.addf %add3A_776, %mul3A_782 : vector<16xf32>
        %reduce_sum3A_784 = arith.constant true
        %reduce_sum3A_785 = vector.broadcast %reduce_sum3A_784 : i1 to vector<16xi1>
        %reduce_sum3A_786 = tpu.scan <sum>, %add3A_783 masked %reduce_sum3A_785 : vector<16xf32>, vector<16xi1> -> vector<16xf32>
        %reduce_sum3A_787 = vector.extract %reduce_sum3A_786[15] : f32 from vector<16xf32>
        %eq3A_788 = arith.constant 3 : i32
        %eq3A_789 = vector.broadcast %eq3A_788 : i32 to vector<16xi32>
        %eq3A_790 = arith.cmpi eq, %iota3A, %eq3A_789 : vector<16xi32>
        %broadcast_in_dim3A_791 = vector.broadcast %reduce_sum3A_787 : f32 to vector<16xf32>
        %select_n3A_792 = arith.select %eq3A_790, %broadcast_in_dim3A_791, %select_n3A_756 : vector<16xi1>, vector<16xf32>
        %add3A_793 = arith.constant 20 : i32
        %add3A_794 = arith.addi %mul3A_59, %add3A_793 : i32
        %get3A_795 = arith.index_cast %add3A_794 : i32 to index
        %get3A_796 = arith.constant 0 : index
        %get3A_797 = tpu.vector_load %arg10[%get3A_795, %get3A_796] {strides = array<i32>} : memref<512x64xf32, #tpu.memory_space<vmem>>, vector<16xf32>,
        %mul3A_798 = arith.mulf %get3A_797, %get3A_61 : vector<16xf32>
        %add3A_799 = arith.constant 20 : i32
        %add3A_800 = arith.addi %mul3A_59, %add3A_799 : i32
        %get3A_801 = arith.index_cast %add3A_800 : i32 to index
        %get3A_802 = arith.constant 16 : index
        %get3A_803 = tpu.vector_load %arg10[%get3A_801, %get3A_802] {strides = array<i32>} : memref<512x64xf32, #tpu.memory_space<vmem>>, vector<16xf32>,
        %mul3A_804 = arith.mulf %get3A_803, %get3A_64 : vector<16xf32>
        %add3A_805 = arith.addf %mul3A_798, %mul3A_804 : vector<16xf32>
        %add3A_806 = arith.constant 20 : i32
        %add3A_807 = arith.addi %mul3A_59, %add3A_806 : i32
        %get3A_808 = arith.index_cast %add3A_807 : i32 to index
        %get3A_809 = arith.constant 32 : index
        %get3A_810 = tpu.vector_load %arg10[%get3A_808, %get3A_809] {strides = array<i32>} : memref<512x64xf32, #tpu.memory_space<vmem>>, vector<16xf32>,
        %mul3A_811 = arith.mulf %get3A_810, %get3A_67 : vector<16xf32>
        %add3A_812 = arith.addf %add3A_805, %mul3A_811 : vector<16xf32>
        %add3A_813 = arith.constant 20 : i32
        %add3A_814 = arith.addi %mul3A_59, %add3A_813 : i32
        %get3A_815 = arith.index_cast %add3A_814 : i32 to index
        %get3A_816 = arith.constant 48 : index
        %get3A_817 = tpu.vector_load %arg10[%get3A_815, %get3A_816] {strides = array<i32>} : memref<512x64xf32, #tpu.memory_space<vmem>>, vector<16xf32>,
        %mul3A_818 = arith.mulf %get3A_817, %get3A_70 : vector<16xf32>
        %add3A_819 = arith.addf %add3A_812, %mul3A_818 : vector<16xf32>
        %reduce_sum3A_820 = arith.constant true
        %reduce_sum3A_821 = vector.broadcast %reduce_sum3A_820 : i1 to vector<16xi1>
        %reduce_sum3A_822 = tpu.scan <sum>, %add3A_819 masked %reduce_sum3A_821 : vector<16xf32>, vector<16xi1> -> vector<16xf32>
        %reduce_sum3A_823 = vector.extract %reduce_sum3A_822[15] : f32 from vector<16xf32>
        %eq3A_824 = arith.constant 4 : i32
        %eq3A_825 = vector.broadcast %eq3A_824 : i32 to vector<16xi32>
        %eq3A_826 = arith.cmpi eq, %iota3A, %eq3A_825 : vector<16xi32>
        %broadcast_in_dim3A_827 = vector.broadcast %reduce_sum3A_823 : f32 to vector<16xf32>
        %select_n3A_828 = arith.select %eq3A_826, %broadcast_in_dim3A_827, %select_n3A_792 : vector<16xi1>, vector<16xf32>
        %add3A_829 = arith.constant 21 : i32
        %add3A_830 = arith.addi %mul3A_59, %add3A_829 : i32
        %get3A_831 = arith.index_cast %add3A_830 : i32 to index
        %get3A_832 = arith.constant 0 : index
        %get3A_833 = tpu.vector_load %arg10[%get3A_831, %get3A_832] {strides = array<i32>} : memref<512x64xf32, #tpu.memory_space<vmem>>, vector<16xf32>,
        %mul3A_834 = arith.mulf %get3A_833, %get3A_61 : vector<16xf32>
        %add3A_835 = arith.constant 21 : i32
        %add3A_836 = arith.addi %mul3A_59, %add3A_835 : i32
        %get3A_837 = arith.index_cast %add3A_836 : i32 to index
        %get3A_838 = arith.constant 16 : index
        %get3A_839 = tpu.vector_load %arg10[%get3A_837, %get3A_838] {strides = array<i32>} : memref<512x64xf32, #tpu.memory_space<vmem>>, vector<16xf32>,
        %mul3A_840 = arith.mulf %get3A_839, %get3A_64 : vector<16xf32>
        %add3A_841 = arith.addf %mul3A_834, %mul3A_840 : vector<16xf32>
        %add3A_842 = arith.constant 21 : i32
        %add3A_843 = arith.addi %mul3A_59, %add3A_842 : i32
        %get3A_844 = arith.index_cast %add3A_843 : i32 to index
        %get3A_845 = arith.constant 32 : index
        %get3A_846 = tpu.vector_load %arg10[%get3A_844, %get3A_845] {strides = array<i32>} : memref<512x64xf32, #tpu.memory_space<vmem>>, vector<16xf32>,
        %mul3A_847 = arith.mulf %get3A_846, %get3A_67 : vector<16xf32>
        %add3A_848 = arith.addf %add3A_841, %mul3A_847 : vector<16xf32>
        %add3A_849 = arith.constant 21 : i32
        %add3A_850 = arith.addi %mul3A_59, %add3A_849 : i32
        %get3A_851 = arith.index_cast %add3A_850 : i32 to index
        %get3A_852 = arith.constant 48 : index
        %get3A_853 = tpu.vector_load %arg10[%get3A_851, %get3A_852] {strides = array<i32>} : memref<512x64xf32, #tpu.memory_space<vmem>>, vector<16xf32>,
        %mul3A_854 = arith.mulf %get3A_853, %get3A_70 : vector<16xf32>
        %add3A_855 = arith.addf %add3A_848, %mul3A_854 : vector<16xf32>
        %reduce_sum3A_856 = arith.constant true
        %reduce_sum3A_857 = vector.broadcast %reduce_sum3A_856 : i1 to vector<16xi1>
        %reduce_sum3A_858 = tpu.scan <sum>, %add3A_855 masked %reduce_sum3A_857 : vector<16xf32>, vector<16xi1> -> vector<16xf32>
        %reduce_sum3A_859 = vector.extract %reduce_sum3A_858[15] : f32 from vector<16xf32>
        %eq3A_860 = arith.constant 5 : i32
        %eq3A_861 = vector.broadcast %eq3A_860 : i32 to vector<16xi32>
        %eq3A_862 = arith.cmpi eq, %iota3A, %eq3A_861 : vector<16xi32>
        %broadcast_in_dim3A_863 = vector.broadcast %reduce_sum3A_859 : f32 to vector<16xf32>
        %select_n3A_864 = arith.select %eq3A_862, %broadcast_in_dim3A_863, %select_n3A_828 : vector<16xi1>, vector<16xf32>
        %add3A_865 = arith.constant 22 : i32
        %add3A_866 = arith.addi %mul3A_59, %add3A_865 : i32
        %get3A_867 = arith.index_cast %add3A_866 : i32 to index
        %get3A_868 = arith.constant 0 : index
        %get3A_869 = tpu.vector_load %arg10[%get3A_867, %get3A_868] {strides = array<i32>} : memref<512x64xf32, #tpu.memory_space<vmem>>, vector<16xf32>,
        %mul3A_870 = arith.mulf %get3A_869, %get3A_61 : vector<16xf32>
        %add3A_871 = arith.constant 22 : i32
        %add3A_872 = arith.addi %mul3A_59, %add3A_871 : i32
        %get3A_873 = arith.index_cast %add3A_872 : i32 to index
        %get3A_874 = arith.constant 16 : index
        %get3A_875 = tpu.vector_load %arg10[%get3A_873, %get3A_874] {strides = array<i32>} : memref<512x64xf32, #tpu.memory_space<vmem>>, vector<16xf32>,
        %mul3A_876 = arith.mulf %get3A_875, %get3A_64 : vector<16xf32>
        %add3A_877 = arith.addf %mul3A_870, %mul3A_876 : vector<16xf32>
        %add3A_878 = arith.constant 22 : i32
        %add3A_879 = arith.addi %mul3A_59, %add3A_878 : i32
        %get3A_880 = arith.index_cast %add3A_879 : i32 to index
        %get3A_881 = arith.constant 32 : index
        %get3A_882 = tpu.vector_load %arg10[%get3A_880, %get3A_881] {strides = array<i32>} : memref<512x64xf32, #tpu.memory_space<vmem>>, vector<16xf32>,
        %mul3A_883 = arith.mulf %get3A_882, %get3A_67 : vector<16xf32>
        %add3A_884 = arith.addf %add3A_877, %mul3A_883 : vector<16xf32>
        %add3A_885 = arith.constant 22 : i32
        %add3A_886 = arith.addi %mul3A_59, %add3A_885 : i32
        %get3A_887 = arith.index_cast %add3A_886 : i32 to index
        %get3A_888 = arith.constant 48 : index
        %get3A_889 = tpu.vector_load %arg10[%get3A_887, %get3A_888] {strides = array<i32>} : memref<512x64xf32, #tpu.memory_space<vmem>>, vector<16xf32>,
        %mul3A_890 = arith.mulf %get3A_889, %get3A_70 : vector<16xf32>
        %add3A_891 = arith.addf %add3A_884, %mul3A_890 : vector<16xf32>
        %reduce_sum3A_892 = arith.constant true
        %reduce_sum3A_893 = vector.broadcast %reduce_sum3A_892 : i1 to vector<16xi1>
        %reduce_sum3A_894 = tpu.scan <sum>, %add3A_891 masked %reduce_sum3A_893 : vector<16xf32>, vector<16xi1> -> vector<16xf32>
        %reduce_sum3A_895 = vector.extract %reduce_sum3A_894[15] : f32 from vector<16xf32>
        %eq3A_896 = arith.constant 6 : i32
        %eq3A_897 = vector.broadcast %eq3A_896 : i32 to vector<16xi32>
        %eq3A_898 = arith.cmpi eq, %iota3A, %eq3A_897 : vector<16xi32>
        %broadcast_in_dim3A_899 = vector.broadcast %reduce_sum3A_895 : f32 to vector<16xf32>
        %select_n3A_900 = arith.select %eq3A_898, %broadcast_in_dim3A_899, %select_n3A_864 : vector<16xi1>, vector<16xf32>
        %add3A_901 = arith.constant 23 : i32
        %add3A_902 = arith.addi %mul3A_59, %add3A_901 : i32
        %get3A_903 = arith.index_cast %add3A_902 : i32 to index
        %get3A_904 = arith.constant 0 : index
        %get3A_905 = tpu.vector_load %arg10[%get3A_903, %get3A_904] {strides = array<i32>} : memref<512x64xf32, #tpu.memory_space<vmem>>, vector<16xf32>,
        %mul3A_906 = arith.mulf %get3A_905, %get3A_61 : vector<16xf32>
        %add3A_907 = arith.constant 23 : i32
        %add3A_908 = arith.addi %mul3A_59, %add3A_907 : i32
        %get3A_909 = arith.index_cast %add3A_908 : i32 to index
        %get3A_910 = arith.constant 16 : index
        %get3A_911 = tpu.vector_load %arg10[%get3A_909, %get3A_910] {strides = array<i32>} : memref<512x64xf32, #tpu.memory_space<vmem>>, vector<16xf32>,
        %mul3A_912 = arith.mulf %get3A_911, %get3A_64 : vector<16xf32>
        %add3A_913 = arith.addf %mul3A_906, %mul3A_912 : vector<16xf32>
        %add3A_914 = arith.constant 23 : i32
        %add3A_915 = arith.addi %mul3A_59, %add3A_914 : i32
        %get3A_916 = arith.index_cast %add3A_915 : i32 to index
        %get3A_917 = arith.constant 32 : index
        %get3A_918 = tpu.vector_load %arg10[%get3A_916, %get3A_917] {strides = array<i32>} : memref<512x64xf32, #tpu.memory_space<vmem>>, vector<16xf32>,
        %mul3A_919 = arith.mulf %get3A_918, %get3A_67 : vector<16xf32>
        %add3A_920 = arith.addf %add3A_913, %mul3A_919 : vector<16xf32>
        %add3A_921 = arith.constant 23 : i32
        %add3A_922 = arith.addi %mul3A_59, %add3A_921 : i32
        %get3A_923 = arith.index_cast %add3A_922 : i32 to index
        %get3A_924 = arith.constant 48 : index
        %get3A_925 = tpu.vector_load %arg10[%get3A_923, %get3A_924] {strides = array<i32>} : memref<512x64xf32, #tpu.memory_space<vmem>>, vector<16xf32>,
        %mul3A_926 = arith.mulf %get3A_925, %get3A_70 : vector<16xf32>
        %add3A_927 = arith.addf %add3A_920, %mul3A_926 : vector<16xf32>
        %reduce_sum3A_928 = arith.constant true
        %reduce_sum3A_929 = vector.broadcast %reduce_sum3A_928 : i1 to vector<16xi1>
        %reduce_sum3A_930 = tpu.scan <sum>, %add3A_927 masked %reduce_sum3A_929 : vector<16xf32>, vector<16xi1> -> vector<16xf32>
        %reduce_sum3A_931 = vector.extract %reduce_sum3A_930[15] : f32 from vector<16xf32>
        %eq3A_932 = arith.constant 7 : i32
        %eq3A_933 = vector.broadcast %eq3A_932 : i32 to vector<16xi32>
        %eq3A_934 = arith.cmpi eq, %iota3A, %eq3A_933 : vector<16xi32>
        %broadcast_in_dim3A_935 = vector.broadcast %reduce_sum3A_931 : f32 to vector<16xf32>
        %select_n3A_936 = arith.select %eq3A_934, %broadcast_in_dim3A_935, %select_n3A_900 : vector<16xi1>, vector<16xf32>
        %add3A_937 = arith.constant 24 : i32
        %add3A_938 = arith.addi %mul3A_59, %add3A_937 : i32
        %get3A_939 = arith.index_cast %add3A_938 : i32 to index
        %get3A_940 = arith.constant 0 : index
        %get3A_941 = tpu.vector_load %arg10[%get3A_939, %get3A_940] {strides = array<i32>} : memref<512x64xf32, #tpu.memory_space<vmem>>, vector<16xf32>,
        %mul3A_942 = arith.mulf %get3A_941, %get3A_61 : vector<16xf32>
        %add3A_943 = arith.constant 24 : i32
        %add3A_944 = arith.addi %mul3A_59, %add3A_943 : i32
        %get3A_945 = arith.index_cast %add3A_944 : i32 to index
        %get3A_946 = arith.constant 16 : index
        %get3A_947 = tpu.vector_load %arg10[%get3A_945, %get3A_946] {strides = array<i32>} : memref<512x64xf32, #tpu.memory_space<vmem>>, vector<16xf32>,
        %mul3A_948 = arith.mulf %get3A_947, %get3A_64 : vector<16xf32>
        %add3A_949 = arith.addf %mul3A_942, %mul3A_948 : vector<16xf32>
        %add3A_950 = arith.constant 24 : i32
        %add3A_951 = arith.addi %mul3A_59, %add3A_950 : i32
        %get3A_952 = arith.index_cast %add3A_951 : i32 to index
        %get3A_953 = arith.constant 32 : index
        %get3A_954 = tpu.vector_load %arg10[%get3A_952, %get3A_953] {strides = array<i32>} : memref<512x64xf32, #tpu.memory_space<vmem>>, vector<16xf32>,
        %mul3A_955 = arith.mulf %get3A_954, %get3A_67 : vector<16xf32>
        %add3A_956 = arith.addf %add3A_949, %mul3A_955 : vector<16xf32>
        %add3A_957 = arith.constant 24 : i32
        %add3A_958 = arith.addi %mul3A_59, %add3A_957 : i32
        %get3A_959 = arith.index_cast %add3A_958 : i32 to index
        %get3A_960 = arith.constant 48 : index
        %get3A_961 = tpu.vector_load %arg10[%get3A_959, %get3A_960] {strides = array<i32>} : memref<512x64xf32, #tpu.memory_space<vmem>>, vector<16xf32>,
        %mul3A_962 = arith.mulf %get3A_961, %get3A_70 : vector<16xf32>
        %add3A_963 = arith.addf %add3A_956, %mul3A_962 : vector<16xf32>
        %reduce_sum3A_964 = arith.constant true
        %reduce_sum3A_965 = vector.broadcast %reduce_sum3A_964 : i1 to vector<16xi1>
        %reduce_sum3A_966 = tpu.scan <sum>, %add3A_963 masked %reduce_sum3A_965 : vector<16xf32>, vector<16xi1> -> vector<16xf32>
        %reduce_sum3A_967 = vector.extract %reduce_sum3A_966[15] : f32 from vector<16xf32>
        %eq3A_968 = arith.constant 8 : i32
        %eq3A_969 = vector.broadcast %eq3A_968 : i32 to vector<16xi32>
        %eq3A_970 = arith.cmpi eq, %iota3A, %eq3A_969 : vector<16xi32>
        %broadcast_in_dim3A_971 = vector.broadcast %reduce_sum3A_967 : f32 to vector<16xf32>
        %select_n3A_972 = arith.select %eq3A_970, %broadcast_in_dim3A_971, %select_n3A_936 : vector<16xi1>, vector<16xf32>
        %add3A_973 = arith.constant 25 : i32
        %add3A_974 = arith.addi %mul3A_59, %add3A_973 : i32
        %get3A_975 = arith.index_cast %add3A_974 : i32 to index
        %get3A_976 = arith.constant 0 : index
        %get3A_977 = tpu.vector_load %arg10[%get3A_975, %get3A_976] {strides = array<i32>} : memref<512x64xf32, #tpu.memory_space<vmem>>, vector<16xf32>,
        %mul3A_978 = arith.mulf %get3A_977, %get3A_61 : vector<16xf32>
        %add3A_979 = arith.constant 25 : i32
        %add3A_980 = arith.addi %mul3A_59, %add3A_979 : i32
        %get3A_981 = arith.index_cast %add3A_980 : i32 to index
        %get3A_982 = arith.constant 16 : index
        %get3A_983 = tpu.vector_load %arg10[%get3A_981, %get3A_982] {strides = array<i32>} : memref<512x64xf32, #tpu.memory_space<vmem>>, vector<16xf32>,
        %mul3A_984 = arith.mulf %get3A_983, %get3A_64 : vector<16xf32>
        %add3A_985 = arith.addf %mul3A_978, %mul3A_984 : vector<16xf32>
        %add3A_986 = arith.constant 25 : i32
        %add3A_987 = arith.addi %mul3A_59, %add3A_986 : i32
        %get3A_988 = arith.index_cast %add3A_987 : i32 to index
        %get3A_989 = arith.constant 32 : index
        %get3A_990 = tpu.vector_load %arg10[%get3A_988, %get3A_989] {strides = array<i32>} : memref<512x64xf32, #tpu.memory_space<vmem>>, vector<16xf32>,
        %mul3A_991 = arith.mulf %get3A_990, %get3A_67 : vector<16xf32>
        %add3A_992 = arith.addf %add3A_985, %mul3A_991 : vector<16xf32>
        %add3A_993 = arith.constant 25 : i32
        %add3A_994 = arith.addi %mul3A_59, %add3A_993 : i32
        %get3A_995 = arith.index_cast %add3A_994 : i32 to index
        %get3A_996 = arith.constant 48 : index
        %get3A_997 = tpu.vector_load %arg10[%get3A_995, %get3A_996] {strides = array<i32>} : memref<512x64xf32, #tpu.memory_space<vmem>>, vector<16xf32>,
        %mul3A_998 = arith.mulf %get3A_997, %get3A_70 : vector<16xf32>
        %add3A_999 = arith.addf %add3A_992, %mul3A_998 : vector<16xf32>
        %reduce_sum3A_1000 = arith.constant true
        %reduce_sum3A_1001 = vector.broadcast %reduce_sum3A_1000 : i1 to vector<16xi1>
        %reduce_sum3A_1002 = tpu.scan <sum>, %add3A_999 masked %reduce_sum3A_1001 : vector<16xf32>, vector<16xi1> -> vector<16xf32>
        %reduce_sum3A_1003 = vector.extract %reduce_sum3A_1002[15] : f32 from vector<16xf32>
        %eq3A_1004 = arith.constant 9 : i32
        %eq3A_1005 = vector.broadcast %eq3A_1004 : i32 to vector<16xi32>
        %eq3A_1006 = arith.cmpi eq, %iota3A, %eq3A_1005 : vector<16xi32>
        %broadcast_in_dim3A_1007 = vector.broadcast %reduce_sum3A_1003 : f32 to vector<16xf32>
        %select_n3A_1008 = arith.select %eq3A_1006, %broadcast_in_dim3A_1007, %select_n3A_972 : vector<16xi1>, vector<16xf32>
        %add3A_1009 = arith.constant 26 : i32
        %add3A_1010 = arith.addi %mul3A_59, %add3A_1009 : i32
        %get3A_1011 = arith.index_cast %add3A_1010 : i32 to index
        %get3A_1012 = arith.constant 0 : index
        %get3A_1013 = tpu.vector_load %arg10[%get3A_1011, %get3A_1012] {strides = array<i32>} : memref<512x64xf32, #tpu.memory_space<vmem>>, vector<16xf32>,
        %mul3A_1014 = arith.mulf %get3A_1013, %get3A_61 : vector<16xf32>
        %add3A_1015 = arith.constant 26 : i32
        %add3A_1016 = arith.addi %mul3A_59, %add3A_1015 : i32
        %get3A_1017 = arith.index_cast %add3A_1016 : i32 to index
        %get3A_1018 = arith.constant 16 : index
        %get3A_1019 = tpu.vector_load %arg10[%get3A_1017, %get3A_1018] {strides = array<i32>} : memref<512x64xf32, #tpu.memory_space<vmem>>, vector<16xf32>,
        %mul3A_1020 = arith.mulf %get3A_1019, %get3A_64 : vector<16xf32>
        %add3A_1021 = arith.addf %mul3A_1014, %mul3A_1020 : vector<16xf32>
        %add3A_1022 = arith.constant 26 : i32
        %add3A_1023 = arith.addi %mul3A_59, %add3A_1022 : i32
        %get3A_1024 = arith.index_cast %add3A_1023 : i32 to index
        %get3A_1025 = arith.constant 32 : index
        %get3A_1026 = tpu.vector_load %arg10[%get3A_1024, %get3A_1025] {strides = array<i32>} : memref<512x64xf32, #tpu.memory_space<vmem>>, vector<16xf32>,
        %mul3A_1027 = arith.mulf %get3A_1026, %get3A_67 : vector<16xf32>
        %add3A_1028 = arith.addf %add3A_1021, %mul3A_1027 : vector<16xf32>
        %add3A_1029 = arith.constant 26 : i32
        %add3A_1030 = arith.addi %mul3A_59, %add3A_1029 : i32
        %get3A_1031 = arith.index_cast %add3A_1030 : i32 to index
        %get3A_1032 = arith.constant 48 : index
        %get3A_1033 = tpu.vector_load %arg10[%get3A_1031, %get3A_1032] {strides = array<i32>} : memref<512x64xf32, #tpu.memory_space<vmem>>, vector<16xf32>,
        %mul3A_1034 = arith.mulf %get3A_1033, %get3A_70 : vector<16xf32>
        %add3A_1035 = arith.addf %add3A_1028, %mul3A_1034 : vector<16xf32>
        %reduce_sum3A_1036 = arith.constant true
        %reduce_sum3A_1037 = vector.broadcast %reduce_sum3A_1036 : i1 to vector<16xi1>
        %reduce_sum3A_1038 = tpu.scan <sum>, %add3A_1035 masked %reduce_sum3A_1037 : vector<16xf32>, vector<16xi1> -> vector<16xf32>
        %reduce_sum3A_1039 = vector.extract %reduce_sum3A_1038[15] : f32 from vector<16xf32>
        %eq3A_1040 = arith.constant 10 : i32
        %eq3A_1041 = vector.broadcast %eq3A_1040 : i32 to vector<16xi32>
        %eq3A_1042 = arith.cmpi eq, %iota3A, %eq3A_1041 : vector<16xi32>
        %broadcast_in_dim3A_1043 = vector.broadcast %reduce_sum3A_1039 : f32 to vector<16xf32>
        %select_n3A_1044 = arith.select %eq3A_1042, %broadcast_in_dim3A_1043, %select_n3A_1008 : vector<16xi1>, vector<16xf32>
        %add3A_1045 = arith.constant 27 : i32
        %add3A_1046 = arith.addi %mul3A_59, %add3A_1045 : i32
        %get3A_1047 = arith.index_cast %add3A_1046 : i32 to index
        %get3A_1048 = arith.constant 0 : index
        %get3A_1049 = tpu.vector_load %arg10[%get3A_1047, %get3A_1048] {strides = array<i32>} : memref<512x64xf32, #tpu.memory_space<vmem>>, vector<16xf32>,
        %mul3A_1050 = arith.mulf %get3A_1049, %get3A_61 : vector<16xf32>
        %add3A_1051 = arith.constant 27 : i32
        %add3A_1052 = arith.addi %mul3A_59, %add3A_1051 : i32
        %get3A_1053 = arith.index_cast %add3A_1052 : i32 to index
        %get3A_1054 = arith.constant 16 : index
        %get3A_1055 = tpu.vector_load %arg10[%get3A_1053, %get3A_1054] {strides = array<i32>} : memref<512x64xf32, #tpu.memory_space<vmem>>, vector<16xf32>,
        %mul3A_1056 = arith.mulf %get3A_1055, %get3A_64 : vector<16xf32>
        %add3A_1057 = arith.addf %mul3A_1050, %mul3A_1056 : vector<16xf32>
        %add3A_1058 = arith.constant 27 : i32
        %add3A_1059 = arith.addi %mul3A_59, %add3A_1058 : i32
        %get3A_1060 = arith.index_cast %add3A_1059 : i32 to index
        %get3A_1061 = arith.constant 32 : index
        %get3A_1062 = tpu.vector_load %arg10[%get3A_1060, %get3A_1061] {strides = array<i32>} : memref<512x64xf32, #tpu.memory_space<vmem>>, vector<16xf32>,
        %mul3A_1063 = arith.mulf %get3A_1062, %get3A_67 : vector<16xf32>
        %add3A_1064 = arith.addf %add3A_1057, %mul3A_1063 : vector<16xf32>
        %add3A_1065 = arith.constant 27 : i32
        %add3A_1066 = arith.addi %mul3A_59, %add3A_1065 : i32
        %get3A_1067 = arith.index_cast %add3A_1066 : i32 to index
        %get3A_1068 = arith.constant 48 : index
        %get3A_1069 = tpu.vector_load %arg10[%get3A_1067, %get3A_1068] {strides = array<i32>} : memref<512x64xf32, #tpu.memory_space<vmem>>, vector<16xf32>,
        %mul3A_1070 = arith.mulf %get3A_1069, %get3A_70 : vector<16xf32>
        %add3A_1071 = arith.addf %add3A_1064, %mul3A_1070 : vector<16xf32>
        %reduce_sum3A_1072 = arith.constant true
        %reduce_sum3A_1073 = vector.broadcast %reduce_sum3A_1072 : i1 to vector<16xi1>
        %reduce_sum3A_1074 = tpu.scan <sum>, %add3A_1071 masked %reduce_sum3A_1073 : vector<16xf32>, vector<16xi1> -> vector<16xf32>
        %reduce_sum3A_1075 = vector.extract %reduce_sum3A_1074[15] : f32 from vector<16xf32>
        %eq3A_1076 = arith.constant 11 : i32
        %eq3A_1077 = vector.broadcast %eq3A_1076 : i32 to vector<16xi32>
        %eq3A_1078 = arith.cmpi eq, %iota3A, %eq3A_1077 : vector<16xi32>
        %broadcast_in_dim3A_1079 = vector.broadcast %reduce_sum3A_1075 : f32 to vector<16xf32>
        %select_n3A_1080 = arith.select %eq3A_1078, %broadcast_in_dim3A_1079, %select_n3A_1044 : vector<16xi1>, vector<16xf32>
        %add3A_1081 = arith.constant 28 : i32
        %add3A_1082 = arith.addi %mul3A_59, %add3A_1081 : i32
        %get3A_1083 = arith.index_cast %add3A_1082 : i32 to index
        %get3A_1084 = arith.constant 0 : index
        %get3A_1085 = tpu.vector_load %arg10[%get3A_1083, %get3A_1084] {strides = array<i32>} : memref<512x64xf32, #tpu.memory_space<vmem>>, vector<16xf32>,
        %mul3A_1086 = arith.mulf %get3A_1085, %get3A_61 : vector<16xf32>
        %add3A_1087 = arith.constant 28 : i32
        %add3A_1088 = arith.addi %mul3A_59, %add3A_1087 : i32
        %get3A_1089 = arith.index_cast %add3A_1088 : i32 to index
        %get3A_1090 = arith.constant 16 : index
        %get3A_1091 = tpu.vector_load %arg10[%get3A_1089, %get3A_1090] {strides = array<i32>} : memref<512x64xf32, #tpu.memory_space<vmem>>, vector<16xf32>,
        %mul3A_1092 = arith.mulf %get3A_1091, %get3A_64 : vector<16xf32>
        %add3A_1093 = arith.addf %mul3A_1086, %mul3A_1092 : vector<16xf32>
        %add3A_1094 = arith.constant 28 : i32
        %add3A_1095 = arith.addi %mul3A_59, %add3A_1094 : i32
        %get3A_1096 = arith.index_cast %add3A_1095 : i32 to index
        %get3A_1097 = arith.constant 32 : index
        %get3A_1098 = tpu.vector_load %arg10[%get3A_1096, %get3A_1097] {strides = array<i32>} : memref<512x64xf32, #tpu.memory_space<vmem>>, vector<16xf32>,
        %mul3A_1099 = arith.mulf %get3A_1098, %get3A_67 : vector<16xf32>
        %add3A_1100 = arith.addf %add3A_1093, %mul3A_1099 : vector<16xf32>
        %add3A_1101 = arith.constant 28 : i32
        %add3A_1102 = arith.addi %mul3A_59, %add3A_1101 : i32
        %get3A_1103 = arith.index_cast %add3A_1102 : i32 to index
        %get3A_1104 = arith.constant 48 : index
        %get3A_1105 = tpu.vector_load %arg10[%get3A_1103, %get3A_1104] {strides = array<i32>} : memref<512x64xf32, #tpu.memory_space<vmem>>, vector<16xf32>,
        %mul3A_1106 = arith.mulf %get3A_1105, %get3A_70 : vector<16xf32>
        %add3A_1107 = arith.addf %add3A_1100, %mul3A_1106 : vector<16xf32>
        %reduce_sum3A_1108 = arith.constant true
        %reduce_sum3A_1109 = vector.broadcast %reduce_sum3A_1108 : i1 to vector<16xi1>
        %reduce_sum3A_1110 = tpu.scan <sum>, %add3A_1107 masked %reduce_sum3A_1109 : vector<16xf32>, vector<16xi1> -> vector<16xf32>
        %reduce_sum3A_1111 = vector.extract %reduce_sum3A_1110[15] : f32 from vector<16xf32>
        %eq3A_1112 = arith.constant 12 : i32
        %eq3A_1113 = vector.broadcast %eq3A_1112 : i32 to vector<16xi32>
        %eq3A_1114 = arith.cmpi eq, %iota3A, %eq3A_1113 : vector<16xi32>
        %broadcast_in_dim3A_1115 = vector.broadcast %reduce_sum3A_1111 : f32 to vector<16xf32>
        %select_n3A_1116 = arith.select %eq3A_1114, %broadcast_in_dim3A_1115, %select_n3A_1080 : vector<16xi1>, vector<16xf32>
        %add3A_1117 = arith.constant 29 : i32
        %add3A_1118 = arith.addi %mul3A_59, %add3A_1117 : i32
        %get3A_1119 = arith.index_cast %add3A_1118 : i32 to index
        %get3A_1120 = arith.constant 0 : index
        %get3A_1121 = tpu.vector_load %arg10[%get3A_1119, %get3A_1120] {strides = array<i32>} : memref<512x64xf32, #tpu.memory_space<vmem>>, vector<16xf32>,
        %mul3A_1122 = arith.mulf %get3A_1121, %get3A_61 : vector<16xf32>
        %add3A_1123 = arith.constant 29 : i32
        %add3A_1124 = arith.addi %mul3A_59, %add3A_1123 : i32
        %get3A_1125 = arith.index_cast %add3A_1124 : i32 to index
        %get3A_1126 = arith.constant 16 : index
        %get3A_1127 = tpu.vector_load %arg10[%get3A_1125, %get3A_1126] {strides = array<i32>} : memref<512x64xf32, #tpu.memory_space<vmem>>, vector<16xf32>,
        %mul3A_1128 = arith.mulf %get3A_1127, %get3A_64 : vector<16xf32>
        %add3A_1129 = arith.addf %mul3A_1122, %mul3A_1128 : vector<16xf32>
        %add3A_1130 = arith.constant 29 : i32
        %add3A_1131 = arith.addi %mul3A_59, %add3A_1130 : i32
        %get3A_1132 = arith.index_cast %add3A_1131 : i32 to index
        %get3A_1133 = arith.constant 32 : index
        %get3A_1134 = tpu.vector_load %arg10[%get3A_1132, %get3A_1133] {strides = array<i32>} : memref<512x64xf32, #tpu.memory_space<vmem>>, vector<16xf32>,
        %mul3A_1135 = arith.mulf %get3A_1134, %get3A_67 : vector<16xf32>
        %add3A_1136 = arith.addf %add3A_1129, %mul3A_1135 : vector<16xf32>
        %add3A_1137 = arith.constant 29 : i32
        %add3A_1138 = arith.addi %mul3A_59, %add3A_1137 : i32
        %get3A_1139 = arith.index_cast %add3A_1138 : i32 to index
        %get3A_1140 = arith.constant 48 : index
        %get3A_1141 = tpu.vector_load %arg10[%get3A_1139, %get3A_1140] {strides = array<i32>} : memref<512x64xf32, #tpu.memory_space<vmem>>, vector<16xf32>,
        %mul3A_1142 = arith.mulf %get3A_1141, %get3A_70 : vector<16xf32>
        %add3A_1143 = arith.addf %add3A_1136, %mul3A_1142 : vector<16xf32>
        %reduce_sum3A_1144 = arith.constant true
        %reduce_sum3A_1145 = vector.broadcast %reduce_sum3A_1144 : i1 to vector<16xi1>
        %reduce_sum3A_1146 = tpu.scan <sum>, %add3A_1143 masked %reduce_sum3A_1145 : vector<16xf32>, vector<16xi1> -> vector<16xf32>
        %reduce_sum3A_1147 = vector.extract %reduce_sum3A_1146[15] : f32 from vector<16xf32>
        %eq3A_1148 = arith.constant 13 : i32
        %eq3A_1149 = vector.broadcast %eq3A_1148 : i32 to vector<16xi32>
        %eq3A_1150 = arith.cmpi eq, %iota3A, %eq3A_1149 : vector<16xi32>
        %broadcast_in_dim3A_1151 = vector.broadcast %reduce_sum3A_1147 : f32 to vector<16xf32>
        %select_n3A_1152 = arith.select %eq3A_1150, %broadcast_in_dim3A_1151, %select_n3A_1116 : vector<16xi1>, vector<16xf32>
        %add3A_1153 = arith.constant 30 : i32
        %add3A_1154 = arith.addi %mul3A_59, %add3A_1153 : i32
        %get3A_1155 = arith.index_cast %add3A_1154 : i32 to index
        %get3A_1156 = arith.constant 0 : index
        %get3A_1157 = tpu.vector_load %arg10[%get3A_1155, %get3A_1156] {strides = array<i32>} : memref<512x64xf32, #tpu.memory_space<vmem>>, vector<16xf32>,
        %mul3A_1158 = arith.mulf %get3A_1157, %get3A_61 : vector<16xf32>
        %add3A_1159 = arith.constant 30 : i32
        %add3A_1160 = arith.addi %mul3A_59, %add3A_1159 : i32
        %get3A_1161 = arith.index_cast %add3A_1160 : i32 to index
        %get3A_1162 = arith.constant 16 : index
        %get3A_1163 = tpu.vector_load %arg10[%get3A_1161, %get3A_1162] {strides = array<i32>} : memref<512x64xf32, #tpu.memory_space<vmem>>, vector<16xf32>,
        %mul3A_1164 = arith.mulf %get3A_1163, %get3A_64 : vector<16xf32>
        %add3A_1165 = arith.addf %mul3A_1158, %mul3A_1164 : vector<16xf32>
        %add3A_1166 = arith.constant 30 : i32
        %add3A_1167 = arith.addi %mul3A_59, %add3A_1166 : i32
        %get3A_1168 = arith.index_cast %add3A_1167 : i32 to index
        %get3A_1169 = arith.constant 32 : index
        %get3A_1170 = tpu.vector_load %arg10[%get3A_1168, %get3A_1169] {strides = array<i32>} : memref<512x64xf32, #tpu.memory_space<vmem>>, vector<16xf32>,
        %mul3A_1171 = arith.mulf %get3A_1170, %get3A_67 : vector<16xf32>
        %add3A_1172 = arith.addf %add3A_1165, %mul3A_1171 : vector<16xf32>
        %add3A_1173 = arith.constant 30 : i32
        %add3A_1174 = arith.addi %mul3A_59, %add3A_1173 : i32
        %get3A_1175 = arith.index_cast %add3A_1174 : i32 to index
        %get3A_1176 = arith.constant 48 : index
        %get3A_1177 = tpu.vector_load %arg10[%get3A_1175, %get3A_1176] {strides = array<i32>} : memref<512x64xf32, #tpu.memory_space<vmem>>, vector<16xf32>,
        %mul3A_1178 = arith.mulf %get3A_1177, %get3A_70 : vector<16xf32>
        %add3A_1179 = arith.addf %add3A_1172, %mul3A_1178 : vector<16xf32>
        %reduce_sum3A_1180 = arith.constant true
        %reduce_sum3A_1181 = vector.broadcast %reduce_sum3A_1180 : i1 to vector<16xi1>
        %reduce_sum3A_1182 = tpu.scan <sum>, %add3A_1179 masked %reduce_sum3A_1181 : vector<16xf32>, vector<16xi1> -> vector<16xf32>
        %reduce_sum3A_1183 = vector.extract %reduce_sum3A_1182[15] : f32 from vector<16xf32>
        %eq3A_1184 = arith.constant 14 : i32
        %eq3A_1185 = vector.broadcast %eq3A_1184 : i32 to vector<16xi32>
        %eq3A_1186 = arith.cmpi eq, %iota3A, %eq3A_1185 : vector<16xi32>
        %broadcast_in_dim3A_1187 = vector.broadcast %reduce_sum3A_1183 : f32 to vector<16xf32>
        %select_n3A_1188 = arith.select %eq3A_1186, %broadcast_in_dim3A_1187, %select_n3A_1152 : vector<16xi1>, vector<16xf32>
        %add3A_1189 = arith.constant 31 : i32
        %add3A_1190 = arith.addi %mul3A_59, %add3A_1189 : i32
        %get3A_1191 = arith.index_cast %add3A_1190 : i32 to index
        %get3A_1192 = arith.constant 0 : index
        %get3A_1193 = tpu.vector_load %arg10[%get3A_1191, %get3A_1192] {strides = array<i32>} : memref<512x64xf32, #tpu.memory_space<vmem>>, vector<16xf32>,
        %mul3A_1194 = arith.mulf %get3A_1193, %get3A_61 : vector<16xf32>
        %add3A_1195 = arith.constant 31 : i32
        %add3A_1196 = arith.addi %mul3A_59, %add3A_1195 : i32
        %get3A_1197 = arith.index_cast %add3A_1196 : i32 to index
        %get3A_1198 = arith.constant 16 : index
        %get3A_1199 = tpu.vector_load %arg10[%get3A_1197, %get3A_1198] {strides = array<i32>} : memref<512x64xf32, #tpu.memory_space<vmem>>, vector<16xf32>,
        %mul3A_1200 = arith.mulf %get3A_1199, %get3A_64 : vector<16xf32>
        %add3A_1201 = arith.addf %mul3A_1194, %mul3A_1200 : vector<16xf32>
        %add3A_1202 = arith.constant 31 : i32
        %add3A_1203 = arith.addi %mul3A_59, %add3A_1202 : i32
        %get3A_1204 = arith.index_cast %add3A_1203 : i32 to index
        %get3A_1205 = arith.constant 32 : index
        %get3A_1206 = tpu.vector_load %arg10[%get3A_1204, %get3A_1205] {strides = array<i32>} : memref<512x64xf32, #tpu.memory_space<vmem>>, vector<16xf32>,
        %mul3A_1207 = arith.mulf %get3A_1206, %get3A_67 : vector<16xf32>
        %add3A_1208 = arith.addf %add3A_1201, %mul3A_1207 : vector<16xf32>
        %add3A_1209 = arith.constant 31 : i32
        %add3A_1210 = arith.addi %mul3A_59, %add3A_1209 : i32
        %get3A_1211 = arith.index_cast %add3A_1210 : i32 to index
        %get3A_1212 = arith.constant 48 : index
        %get3A_1213 = tpu.vector_load %arg10[%get3A_1211, %get3A_1212] {strides = array<i32>} : memref<512x64xf32, #tpu.memory_space<vmem>>, vector<16xf32>,
        %mul3A_1214 = arith.mulf %get3A_1213, %get3A_70 : vector<16xf32>
        %add3A_1215 = arith.addf %add3A_1208, %mul3A_1214 : vector<16xf32>
        %reduce_sum3A_1216 = arith.constant true
        %reduce_sum3A_1217 = vector.broadcast %reduce_sum3A_1216 : i1 to vector<16xi1>
        %reduce_sum3A_1218 = tpu.scan <sum>, %add3A_1215 masked %reduce_sum3A_1217 : vector<16xf32>, vector<16xi1> -> vector<16xf32>
        %reduce_sum3A_1219 = vector.extract %reduce_sum3A_1218[15] : f32 from vector<16xf32>
        %eq3A_1220 = arith.constant 15 : i32
        %eq3A_1221 = vector.broadcast %eq3A_1220 : i32 to vector<16xi32>
        %eq3A_1222 = arith.cmpi eq, %iota3A, %eq3A_1221 : vector<16xi32>
        %broadcast_in_dim3A_1223 = vector.broadcast %reduce_sum3A_1219 : f32 to vector<16xf32>
        %select_n3A_1224 = arith.select %eq3A_1222, %broadcast_in_dim3A_1223, %select_n3A_1188 : vector<16xi1>, vector<16xf32>
        %swap3A_1225 = arith.index_cast %scan3A_56 : i32 to index
        %swap3A_1226 = arith.constant 16 : index
        %swap3A_1227 = tpu.vector_load %arg11[%swap3A_1225, %swap3A_1226] {strides = array<i32>} : memref<8x64xf32, #tpu.memory_space<vmem>>, vector<16xf32>,
        tpu.vector_store %arg11[%swap3A_1225, %swap3A_1226], %select_n3A_1224 {strides = array<i32>} : memref<8x64xf32, #tpu.memory_space<vmem>>, vector<16xf32>,
        %broadcast_in_dim3A_1228 = arith.constant 0.000000e+00 : f32
        %broadcast_in_dim3A_1229 = vector.broadcast %broadcast_in_dim3A_1228 : f32 to vector<16xf32>
        %add3A_1230 = arith.constant 32 : i32
        %add3A_1231 = arith.addi %mul3A_59, %add3A_1230 : i32
        %get3A_1232 = arith.index_cast %add3A_1231 : i32 to index
        %get3A_1233 = arith.constant 0 : index
        %get3A_1234 = tpu.vector_load %arg10[%get3A_1232, %get3A_1233] {strides = array<i32>} : memref<512x64xf32, #tpu.memory_space<vmem>>, vector<16xf32>,
        %mul3A_1235 = arith.mulf %get3A_1234, %get3A_61 : vector<16xf32>
        %add3A_1236 = arith.constant 32 : i32
        %add3A_1237 = arith.addi %mul3A_59, %add3A_1236 : i32
        %get3A_1238 = arith.index_cast %add3A_1237 : i32 to index
        %get3A_1239 = arith.constant 16 : index
        %get3A_1240 = tpu.vector_load %arg10[%get3A_1238, %get3A_1239] {strides = array<i32>} : memref<512x64xf32, #tpu.memory_space<vmem>>, vector<16xf32>,
        %mul3A_1241 = arith.mulf %get3A_1240, %get3A_64 : vector<16xf32>
        %add3A_1242 = arith.addf %mul3A_1235, %mul3A_1241 : vector<16xf32>
        %add3A_1243 = arith.constant 32 : i32
        %add3A_1244 = arith.addi %mul3A_59, %add3A_1243 : i32
        %get3A_1245 = arith.index_cast %add3A_1244 : i32 to index
        %get3A_1246 = arith.constant 32 : index
        %get3A_1247 = tpu.vector_load %arg10[%get3A_1245, %get3A_1246] {strides = array<i32>} : memref<512x64xf32, #tpu.memory_space<vmem>>, vector<16xf32>,
        %mul3A_1248 = arith.mulf %get3A_1247, %get3A_67 : vector<16xf32>
        %add3A_1249 = arith.addf %add3A_1242, %mul3A_1248 : vector<16xf32>
        %add3A_1250 = arith.constant 32 : i32
        %add3A_1251 = arith.addi %mul3A_59, %add3A_1250 : i32
        %get3A_1252 = arith.index_cast %add3A_1251 : i32 to index
        %get3A_1253 = arith.constant 48 : index
        %get3A_1254 = tpu.vector_load %arg10[%get3A_1252, %get3A_1253] {strides = array<i32>} : memref<512x64xf32, #tpu.memory_space<vmem>>, vector<16xf32>,
        %mul3A_1255 = arith.mulf %get3A_1254, %get3A_70 : vector<16xf32>
        %add3A_1256 = arith.addf %add3A_1249, %mul3A_1255 : vector<16xf32>
        %reduce_sum3A_1257 = arith.constant true
        %reduce_sum3A_1258 = vector.broadcast %reduce_sum3A_1257 : i1 to vector<16xi1>
        %reduce_sum3A_1259 = tpu.scan <sum>, %add3A_1256 masked %reduce_sum3A_1258 : vector<16xf32>, vector<16xi1> -> vector<16xf32>
        %reduce_sum3A_1260 = vector.extract %reduce_sum3A_1259[15] : f32 from vector<16xf32>
        %eq3A_1261 = arith.constant 0 : i32
        %eq3A_1262 = vector.broadcast %eq3A_1261 : i32 to vector<16xi32>
        %eq3A_1263 = arith.cmpi eq, %iota3A, %eq3A_1262 : vector<16xi32>
        %broadcast_in_dim3A_1264 = vector.broadcast %reduce_sum3A_1260 : f32 to vector<16xf32>
        %select_n3A_1265 = arith.select %eq3A_1263, %broadcast_in_dim3A_1264, %broadcast_in_dim3A_1229 : vector<16xi1>, vector<16xf32>
        %add3A_1266 = arith.constant 33 : i32
        %add3A_1267 = arith.addi %mul3A_59, %add3A_1266 : i32
        %get3A_1268 = arith.index_cast %add3A_1267 : i32 to index
        %get3A_1269 = arith.constant 0 : index
        %get3A_1270 = tpu.vector_load %arg10[%get3A_1268, %get3A_1269] {strides = array<i32>} : memref<512x64xf32, #tpu.memory_space<vmem>>, vector<16xf32>,
        %mul3A_1271 = arith.mulf %get3A_1270, %get3A_61 : vector<16xf32>
        %add3A_1272 = arith.constant 33 : i32
        %add3A_1273 = arith.addi %mul3A_59, %add3A_1272 : i32
        %get3A_1274 = arith.index_cast %add3A_1273 : i32 to index
        %get3A_1275 = arith.constant 16 : index
        %get3A_1276 = tpu.vector_load %arg10[%get3A_1274, %get3A_1275] {strides = array<i32>} : memref<512x64xf32, #tpu.memory_space<vmem>>, vector<16xf32>,
        %mul3A_1277 = arith.mulf %get3A_1276, %get3A_64 : vector<16xf32>
        %add3A_1278 = arith.addf %mul3A_1271, %mul3A_1277 : vector<16xf32>
        %add3A_1279 = arith.constant 33 : i32
        %add3A_1280 = arith.addi %mul3A_59, %add3A_1279 : i32
        %get3A_1281 = arith.index_cast %add3A_1280 : i32 to index
        %get3A_1282 = arith.constant 32 : index
        %get3A_1283 = tpu.vector_load %arg10[%get3A_1281, %get3A_1282] {strides = array<i32>} : memref<512x64xf32, #tpu.memory_space<vmem>>, vector<16xf32>,
        %mul3A_1284 = arith.mulf %get3A_1283, %get3A_67 : vector<16xf32>
        %add3A_1285 = arith.addf %add3A_1278, %mul3A_1284 : vector<16xf32>
        %add3A_1286 = arith.constant 33 : i32
        %add3A_1287 = arith.addi %mul3A_59, %add3A_1286 : i32
        %get3A_1288 = arith.index_cast %add3A_1287 : i32 to index
        %get3A_1289 = arith.constant 48 : index
        %get3A_1290 = tpu.vector_load %arg10[%get3A_1288, %get3A_1289] {strides = array<i32>} : memref<512x64xf32, #tpu.memory_space<vmem>>, vector<16xf32>,
        %mul3A_1291 = arith.mulf %get3A_1290, %get3A_70 : vector<16xf32>
        %add3A_1292 = arith.addf %add3A_1285, %mul3A_1291 : vector<16xf32>
        %reduce_sum3A_1293 = arith.constant true
        %reduce_sum3A_1294 = vector.broadcast %reduce_sum3A_1293 : i1 to vector<16xi1>
        %reduce_sum3A_1295 = tpu.scan <sum>, %add3A_1292 masked %reduce_sum3A_1294 : vector<16xf32>, vector<16xi1> -> vector<16xf32>
        %reduce_sum3A_1296 = vector.extract %reduce_sum3A_1295[15] : f32 from vector<16xf32>
        %eq3A_1297 = arith.constant 1 : i32
        %eq3A_1298 = vector.broadcast %eq3A_1297 : i32 to vector<16xi32>
        %eq3A_1299 = arith.cmpi eq, %iota3A, %eq3A_1298 : vector<16xi32>
        %broadcast_in_dim3A_1300 = vector.broadcast %reduce_sum3A_1296 : f32 to vector<16xf32>
        %select_n3A_1301 = arith.select %eq3A_1299, %broadcast_in_dim3A_1300, %select_n3A_1265 : vector<16xi1>, vector<16xf32>
        %add3A_1302 = arith.constant 34 : i32
        %add3A_1303 = arith.addi %mul3A_59, %add3A_1302 : i32
        %get3A_1304 = arith.index_cast %add3A_1303 : i32 to index
        %get3A_1305 = arith.constant 0 : index
        %get3A_1306 = tpu.vector_load %arg10[%get3A_1304, %get3A_1305] {strides = array<i32>} : memref<512x64xf32, #tpu.memory_space<vmem>>, vector<16xf32>,
        %mul3A_1307 = arith.mulf %get3A_1306, %get3A_61 : vector<16xf32>
        %add3A_1308 = arith.constant 34 : i32
        %add3A_1309 = arith.addi %mul3A_59, %add3A_1308 : i32
        %get3A_1310 = arith.index_cast %add3A_1309 : i32 to index
        %get3A_1311 = arith.constant 16 : index
        %get3A_1312 = tpu.vector_load %arg10[%get3A_1310, %get3A_1311] {strides = array<i32>} : memref<512x64xf32, #tpu.memory_space<vmem>>, vector<16xf32>,
        %mul3A_1313 = arith.mulf %get3A_1312, %get3A_64 : vector<16xf32>
        %add3A_1314 = arith.addf %mul3A_1307, %mul3A_1313 : vector<16xf32>
        %add3A_1315 = arith.constant 34 : i32
        %add3A_1316 = arith.addi %mul3A_59, %add3A_1315 : i32
        %get3A_1317 = arith.index_cast %add3A_1316 : i32 to index
        %get3A_1318 = arith.constant 32 : index
        %get3A_1319 = tpu.vector_load %arg10[%get3A_1317, %get3A_1318] {strides = array<i32>} : memref<512x64xf32, #tpu.memory_space<vmem>>, vector<16xf32>,
        %mul3A_1320 = arith.mulf %get3A_1319, %get3A_67 : vector<16xf32>
        %add3A_1321 = arith.addf %add3A_1314, %mul3A_1320 : vector<16xf32>
        %add3A_1322 = arith.constant 34 : i32
        %add3A_1323 = arith.addi %mul3A_59, %add3A_1322 : i32
        %get3A_1324 = arith.index_cast %add3A_1323 : i32 to index
        %get3A_1325 = arith.constant 48 : index
        %get3A_1326 = tpu.vector_load %arg10[%get3A_1324, %get3A_1325] {strides = array<i32>} : memref<512x64xf32, #tpu.memory_space<vmem>>, vector<16xf32>,
        %mul3A_1327 = arith.mulf %get3A_1326, %get3A_70 : vector<16xf32>
        %add3A_1328 = arith.addf %add3A_1321, %mul3A_1327 : vector<16xf32>
        %reduce_sum3A_1329 = arith.constant true
        %reduce_sum3A_1330 = vector.broadcast %reduce_sum3A_1329 : i1 to vector<16xi1>
        %reduce_sum3A_1331 = tpu.scan <sum>, %add3A_1328 masked %reduce_sum3A_1330 : vector<16xf32>, vector<16xi1> -> vector<16xf32>
        %reduce_sum3A_1332 = vector.extract %reduce_sum3A_1331[15] : f32 from vector<16xf32>
        %eq3A_1333 = arith.constant 2 : i32
        %eq3A_1334 = vector.broadcast %eq3A_1333 : i32 to vector<16xi32>
        %eq3A_1335 = arith.cmpi eq, %iota3A, %eq3A_1334 : vector<16xi32>
        %broadcast_in_dim3A_1336 = vector.broadcast %reduce_sum3A_1332 : f32 to vector<16xf32>
        %select_n3A_1337 = arith.select %eq3A_1335, %broadcast_in_dim3A_1336, %select_n3A_1301 : vector<16xi1>, vector<16xf32>
        %add3A_1338 = arith.constant 35 : i32
        %add3A_1339 = arith.addi %mul3A_59, %add3A_1338 : i32
        %get3A_1340 = arith.index_cast %add3A_1339 : i32 to index
        %get3A_1341 = arith.constant 0 : index
        %get3A_1342 = tpu.vector_load %arg10[%get3A_1340, %get3A_1341] {strides = array<i32>} : memref<512x64xf32, #tpu.memory_space<vmem>>, vector<16xf32>,
        %mul3A_1343 = arith.mulf %get3A_1342, %get3A_61 : vector<16xf32>
        %add3A_1344 = arith.constant 35 : i32
        %add3A_1345 = arith.addi %mul3A_59, %add3A_1344 : i32
        %get3A_1346 = arith.index_cast %add3A_1345 : i32 to index
        %get3A_1347 = arith.constant 16 : index
        %get3A_1348 = tpu.vector_load %arg10[%get3A_1346, %get3A_1347] {strides = array<i32>} : memref<512x64xf32, #tpu.memory_space<vmem>>, vector<16xf32>,
        %mul3A_1349 = arith.mulf %get3A_1348, %get3A_64 : vector<16xf32>
        %add3A_1350 = arith.addf %mul3A_1343, %mul3A_1349 : vector<16xf32>
        %add3A_1351 = arith.constant 35 : i32
        %add3A_1352 = arith.addi %mul3A_59, %add3A_1351 : i32
        %get3A_1353 = arith.index_cast %add3A_1352 : i32 to index
        %get3A_1354 = arith.constant 32 : index
        %get3A_1355 = tpu.vector_load %arg10[%get3A_1353, %get3A_1354] {strides = array<i32>} : memref<512x64xf32, #tpu.memory_space<vmem>>, vector<16xf32>,
        %mul3A_1356 = arith.mulf %get3A_1355, %get3A_67 : vector<16xf32>
        %add3A_1357 = arith.addf %add3A_1350, %mul3A_1356 : vector<16xf32>
        %add3A_1358 = arith.constant 35 : i32
        %add3A_1359 = arith.addi %mul3A_59, %add3A_1358 : i32
        %get3A_1360 = arith.index_cast %add3A_1359 : i32 to index
        %get3A_1361 = arith.constant 48 : index
        %get3A_1362 = tpu.vector_load %arg10[%get3A_1360, %get3A_1361] {strides = array<i32>} : memref<512x64xf32, #tpu.memory_space<vmem>>, vector<16xf32>,
        %mul3A_1363 = arith.mulf %get3A_1362, %get3A_70 : vector<16xf32>
        %add3A_1364 = arith.addf %add3A_1357, %mul3A_1363 : vector<16xf32>
        %reduce_sum3A_1365 = arith.constant true
        %reduce_sum3A_1366 = vector.broadcast %reduce_sum3A_1365 : i1 to vector<16xi1>
        %reduce_sum3A_1367 = tpu.scan <sum>, %add3A_1364 masked %reduce_sum3A_1366 : vector<16xf32>, vector<16xi1> -> vector<16xf32>
        %reduce_sum3A_1368 = vector.extract %reduce_sum3A_1367[15] : f32 from vector<16xf32>
        %eq3A_1369 = arith.constant 3 : i32
        %eq3A_1370 = vector.broadcast %eq3A_1369 : i32 to vector<16xi32>
        %eq3A_1371 = arith.cmpi eq, %iota3A, %eq3A_1370 : vector<16xi32>
        %broadcast_in_dim3A_1372 = vector.broadcast %reduce_sum3A_1368 : f32 to vector<16xf32>
        %select_n3A_1373 = arith.select %eq3A_1371, %broadcast_in_dim3A_1372, %select_n3A_1337 : vector<16xi1>, vector<16xf32>
        %add3A_1374 = arith.constant 36 : i32
        %add3A_1375 = arith.addi %mul3A_59, %add3A_1374 : i32
        %get3A_1376 = arith.index_cast %add3A_1375 : i32 to index
        %get3A_1377 = arith.constant 0 : index
        %get3A_1378 = tpu.vector_load %arg10[%get3A_1376, %get3A_1377] {strides = array<i32>} : memref<512x64xf32, #tpu.memory_space<vmem>>, vector<16xf32>,
        %mul3A_1379 = arith.mulf %get3A_1378, %get3A_61 : vector<16xf32>
        %add3A_1380 = arith.constant 36 : i32
        %add3A_1381 = arith.addi %mul3A_59, %add3A_1380 : i32
        %get3A_1382 = arith.index_cast %add3A_1381 : i32 to index
        %get3A_1383 = arith.constant 16 : index
        %get3A_1384 = tpu.vector_load %arg10[%get3A_1382, %get3A_1383] {strides = array<i32>} : memref<512x64xf32, #tpu.memory_space<vmem>>, vector<16xf32>,
        %mul3A_1385 = arith.mulf %get3A_1384, %get3A_64 : vector<16xf32>
        %add3A_1386 = arith.addf %mul3A_1379, %mul3A_1385 : vector<16xf32>
        %add3A_1387 = arith.constant 36 : i32
        %add3A_1388 = arith.addi %mul3A_59, %add3A_1387 : i32
        %get3A_1389 = arith.index_cast %add3A_1388 : i32 to index
        %get3A_1390 = arith.constant 32 : index
        %get3A_1391 = tpu.vector_load %arg10[%get3A_1389, %get3A_1390] {strides = array<i32>} : memref<512x64xf32, #tpu.memory_space<vmem>>, vector<16xf32>,
        %mul3A_1392 = arith.mulf %get3A_1391, %get3A_67 : vector<16xf32>
        %add3A_1393 = arith.addf %add3A_1386, %mul3A_1392 : vector<16xf32>
        %add3A_1394 = arith.constant 36 : i32
        %add3A_1395 = arith.addi %mul3A_59, %add3A_1394 : i32
        %get3A_1396 = arith.index_cast %add3A_1395 : i32 to index
        %get3A_1397 = arith.constant 48 : index
        %get3A_1398 = tpu.vector_load %arg10[%get3A_1396, %get3A_1397] {strides = array<i32>} : memref<512x64xf32, #tpu.memory_space<vmem>>, vector<16xf32>,
        %mul3A_1399 = arith.mulf %get3A_1398, %get3A_70 : vector<16xf32>
        %add3A_1400 = arith.addf %add3A_1393, %mul3A_1399 : vector<16xf32>
        %reduce_sum3A_1401 = arith.constant true
        %reduce_sum3A_1402 = vector.broadcast %reduce_sum3A_1401 : i1 to vector<16xi1>
        %reduce_sum3A_1403 = tpu.scan <sum>, %add3A_1400 masked %reduce_sum3A_1402 : vector<16xf32>, vector<16xi1> -> vector<16xf32>
        %reduce_sum3A_1404 = vector.extract %reduce_sum3A_1403[15] : f32 from vector<16xf32>
        %eq3A_1405 = arith.constant 4 : i32
        %eq3A_1406 = vector.broadcast %eq3A_1405 : i32 to vector<16xi32>
        %eq3A_1407 = arith.cmpi eq, %iota3A, %eq3A_1406 : vector<16xi32>
        %broadcast_in_dim3A_1408 = vector.broadcast %reduce_sum3A_1404 : f32 to vector<16xf32>
        %select_n3A_1409 = arith.select %eq3A_1407, %broadcast_in_dim3A_1408, %select_n3A_1373 : vector<16xi1>, vector<16xf32>
        %add3A_1410 = arith.constant 37 : i32
        %add3A_1411 = arith.addi %mul3A_59, %add3A_1410 : i32
        %get3A_1412 = arith.index_cast %add3A_1411 : i32 to index
        %get3A_1413 = arith.constant 0 : index
        %get3A_1414 = tpu.vector_load %arg10[%get3A_1412, %get3A_1413] {strides = array<i32>} : memref<512x64xf32, #tpu.memory_space<vmem>>, vector<16xf32>,
        %mul3A_1415 = arith.mulf %get3A_1414, %get3A_61 : vector<16xf32>
        %add3A_1416 = arith.constant 37 : i32
        %add3A_1417 = arith.addi %mul3A_59, %add3A_1416 : i32
        %get3A_1418 = arith.index_cast %add3A_1417 : i32 to index
        %get3A_1419 = arith.constant 16 : index
        %get3A_1420 = tpu.vector_load %arg10[%get3A_1418, %get3A_1419] {strides = array<i32>} : memref<512x64xf32, #tpu.memory_space<vmem>>, vector<16xf32>,
        %mul3A_1421 = arith.mulf %get3A_1420, %get3A_64 : vector<16xf32>
        %add3A_1422 = arith.addf %mul3A_1415, %mul3A_1421 : vector<16xf32>
        %add3A_1423 = arith.constant 37 : i32
        %add3A_1424 = arith.addi %mul3A_59, %add3A_1423 : i32
        %get3A_1425 = arith.index_cast %add3A_1424 : i32 to index
        %get3A_1426 = arith.constant 32 : index
        %get3A_1427 = tpu.vector_load %arg10[%get3A_1425, %get3A_1426] {strides = array<i32>} : memref<512x64xf32, #tpu.memory_space<vmem>>, vector<16xf32>,
        %mul3A_1428 = arith.mulf %get3A_1427, %get3A_67 : vector<16xf32>
        %add3A_1429 = arith.addf %add3A_1422, %mul3A_1428 : vector<16xf32>
        %add3A_1430 = arith.constant 37 : i32
        %add3A_1431 = arith.addi %mul3A_59, %add3A_1430 : i32
        %get3A_1432 = arith.index_cast %add3A_1431 : i32 to index
        %get3A_1433 = arith.constant 48 : index
        %get3A_1434 = tpu.vector_load %arg10[%get3A_1432, %get3A_1433] {strides = array<i32>} : memref<512x64xf32, #tpu.memory_space<vmem>>, vector<16xf32>,
        %mul3A_1435 = arith.mulf %get3A_1434, %get3A_70 : vector<16xf32>
        %add3A_1436 = arith.addf %add3A_1429, %mul3A_1435 : vector<16xf32>
        %reduce_sum3A_1437 = arith.constant true
        %reduce_sum3A_1438 = vector.broadcast %reduce_sum3A_1437 : i1 to vector<16xi1>
        %reduce_sum3A_1439 = tpu.scan <sum>, %add3A_1436 masked %reduce_sum3A_1438 : vector<16xf32>, vector<16xi1> -> vector<16xf32>
        %reduce_sum3A_1440 = vector.extract %reduce_sum3A_1439[15] : f32 from vector<16xf32>
        %eq3A_1441 = arith.constant 5 : i32
        %eq3A_1442 = vector.broadcast %eq3A_1441 : i32 to vector<16xi32>
        %eq3A_1443 = arith.cmpi eq, %iota3A, %eq3A_1442 : vector<16xi32>
        %broadcast_in_dim3A_1444 = vector.broadcast %reduce_sum3A_1440 : f32 to vector<16xf32>
        %select_n3A_1445 = arith.select %eq3A_1443, %broadcast_in_dim3A_1444, %select_n3A_1409 : vector<16xi1>, vector<16xf32>
        %add3A_1446 = arith.constant 38 : i32
        %add3A_1447 = arith.addi %mul3A_59, %add3A_1446 : i32
        %get3A_1448 = arith.index_cast %add3A_1447 : i32 to index
        %get3A_1449 = arith.constant 0 : index
        %get3A_1450 = tpu.vector_load %arg10[%get3A_1448, %get3A_1449] {strides = array<i32>} : memref<512x64xf32, #tpu.memory_space<vmem>>, vector<16xf32>,
        %mul3A_1451 = arith.mulf %get3A_1450, %get3A_61 : vector<16xf32>
        %add3A_1452 = arith.constant 38 : i32
        %add3A_1453 = arith.addi %mul3A_59, %add3A_1452 : i32
        %get3A_1454 = arith.index_cast %add3A_1453 : i32 to index
        %get3A_1455 = arith.constant 16 : index
        %get3A_1456 = tpu.vector_load %arg10[%get3A_1454, %get3A_1455] {strides = array<i32>} : memref<512x64xf32, #tpu.memory_space<vmem>>, vector<16xf32>,
        %mul3A_1457 = arith.mulf %get3A_1456, %get3A_64 : vector<16xf32>
        %add3A_1458 = arith.addf %mul3A_1451, %mul3A_1457 : vector<16xf32>
        %add3A_1459 = arith.constant 38 : i32
        %add3A_1460 = arith.addi %mul3A_59, %add3A_1459 : i32
        %get3A_1461 = arith.index_cast %add3A_1460 : i32 to index
        %get3A_1462 = arith.constant 32 : index
        %get3A_1463 = tpu.vector_load %arg10[%get3A_1461, %get3A_1462] {strides = array<i32>} : memref<512x64xf32, #tpu.memory_space<vmem>>, vector<16xf32>,
        %mul3A_1464 = arith.mulf %get3A_1463, %get3A_67 : vector<16xf32>
        %add3A_1465 = arith.addf %add3A_1458, %mul3A_1464 : vector<16xf32>
        %add3A_1466 = arith.constant 38 : i32
        %add3A_1467 = arith.addi %mul3A_59, %add3A_1466 : i32
        %get3A_1468 = arith.index_cast %add3A_1467 : i32 to index
        %get3A_1469 = arith.constant 48 : index
        %get3A_1470 = tpu.vector_load %arg10[%get3A_1468, %get3A_1469] {strides = array<i32>} : memref<512x64xf32, #tpu.memory_space<vmem>>, vector<16xf32>,
        %mul3A_1471 = arith.mulf %get3A_1470, %get3A_70 : vector<16xf32>
        %add3A_1472 = arith.addf %add3A_1465, %mul3A_1471 : vector<16xf32>
        %reduce_sum3A_1473 = arith.constant true
        %reduce_sum3A_1474 = vector.broadcast %reduce_sum3A_1473 : i1 to vector<16xi1>
        %reduce_sum3A_1475 = tpu.scan <sum>, %add3A_1472 masked %reduce_sum3A_1474 : vector<16xf32>, vector<16xi1> -> vector<16xf32>
        %reduce_sum3A_1476 = vector.extract %reduce_sum3A_1475[15] : f32 from vector<16xf32>
        %eq3A_1477 = arith.constant 6 : i32
        %eq3A_1478 = vector.broadcast %eq3A_1477 : i32 to vector<16xi32>
        %eq3A_1479 = arith.cmpi eq, %iota3A, %eq3A_1478 : vector<16xi32>
        %broadcast_in_dim3A_1480 = vector.broadcast %reduce_sum3A_1476 : f32 to vector<16xf32>
        %select_n3A_1481 = arith.select %eq3A_1479, %broadcast_in_dim3A_1480, %select_n3A_1445 : vector<16xi1>, vector<16xf32>
        %add3A_1482 = arith.constant 39 : i32
        %add3A_1483 = arith.addi %mul3A_59, %add3A_1482 : i32
        %get3A_1484 = arith.index_cast %add3A_1483 : i32 to index
        %get3A_1485 = arith.constant 0 : index
        %get3A_1486 = tpu.vector_load %arg10[%get3A_1484, %get3A_1485] {strides = array<i32>} : memref<512x64xf32, #tpu.memory_space<vmem>>, vector<16xf32>,
        %mul3A_1487 = arith.mulf %get3A_1486, %get3A_61 : vector<16xf32>
        %add3A_1488 = arith.constant 39 : i32
        %add3A_1489 = arith.addi %mul3A_59, %add3A_1488 : i32
        %get3A_1490 = arith.index_cast %add3A_1489 : i32 to index
        %get3A_1491 = arith.constant 16 : index
        %get3A_1492 = tpu.vector_load %arg10[%get3A_1490, %get3A_1491] {strides = array<i32>} : memref<512x64xf32, #tpu.memory_space<vmem>>, vector<16xf32>,
        %mul3A_1493 = arith.mulf %get3A_1492, %get3A_64 : vector<16xf32>
        %add3A_1494 = arith.addf %mul3A_1487, %mul3A_1493 : vector<16xf32>
        %add3A_1495 = arith.constant 39 : i32
        %add3A_1496 = arith.addi %mul3A_59, %add3A_1495 : i32
        %get3A_1497 = arith.index_cast %add3A_1496 : i32 to index
        %get3A_1498 = arith.constant 32 : index
        %get3A_1499 = tpu.vector_load %arg10[%get3A_1497, %get3A_1498] {strides = array<i32>} : memref<512x64xf32, #tpu.memory_space<vmem>>, vector<16xf32>,
        %mul3A_1500 = arith.mulf %get3A_1499, %get3A_67 : vector<16xf32>
        %add3A_1501 = arith.addf %add3A_1494, %mul3A_1500 : vector<16xf32>
        %add3A_1502 = arith.constant 39 : i32
        %add3A_1503 = arith.addi %mul3A_59, %add3A_1502 : i32
        %get3A_1504 = arith.index_cast %add3A_1503 : i32 to index
        %get3A_1505 = arith.constant 48 : index
        %get3A_1506 = tpu.vector_load %arg10[%get3A_1504, %get3A_1505] {strides = array<i32>} : memref<512x64xf32, #tpu.memory_space<vmem>>, vector<16xf32>,
        %mul3A_1507 = arith.mulf %get3A_1506, %get3A_70 : vector<16xf32>
        %add3A_1508 = arith.addf %add3A_1501, %mul3A_1507 : vector<16xf32>
        %reduce_sum3A_1509 = arith.constant true
        %reduce_sum3A_1510 = vector.broadcast %reduce_sum3A_1509 : i1 to vector<16xi1>
        %reduce_sum3A_1511 = tpu.scan <sum>, %add3A_1508 masked %reduce_sum3A_1510 : vector<16xf32>, vector<16xi1> -> vector<16xf32>
        %reduce_sum3A_1512 = vector.extract %reduce_sum3A_1511[15] : f32 from vector<16xf32>
        %eq3A_1513 = arith.constant 7 : i32
        %eq3A_1514 = vector.broadcast %eq3A_1513 : i32 to vector<16xi32>
        %eq3A_1515 = arith.cmpi eq, %iota3A, %eq3A_1514 : vector<16xi32>
        %broadcast_in_dim3A_1516 = vector.broadcast %reduce_sum3A_1512 : f32 to vector<16xf32>
        %select_n3A_1517 = arith.select %eq3A_1515, %broadcast_in_dim3A_1516, %select_n3A_1481 : vector<16xi1>, vector<16xf32>
        %add3A_1518 = arith.constant 40 : i32
        %add3A_1519 = arith.addi %mul3A_59, %add3A_1518 : i32
        %get3A_1520 = arith.index_cast %add3A_1519 : i32 to index
        %get3A_1521 = arith.constant 0 : index
        %get3A_1522 = tpu.vector_load %arg10[%get3A_1520, %get3A_1521] {strides = array<i32>} : memref<512x64xf32, #tpu.memory_space<vmem>>, vector<16xf32>,
        %mul3A_1523 = arith.mulf %get3A_1522, %get3A_61 : vector<16xf32>
        %add3A_1524 = arith.constant 40 : i32
        %add3A_1525 = arith.addi %mul3A_59, %add3A_1524 : i32
        %get3A_1526 = arith.index_cast %add3A_1525 : i32 to index
        %get3A_1527 = arith.constant 16 : index
        %get3A_1528 = tpu.vector_load %arg10[%get3A_1526, %get3A_1527] {strides = array<i32>} : memref<512x64xf32, #tpu.memory_space<vmem>>, vector<16xf32>,
        %mul3A_1529 = arith.mulf %get3A_1528, %get3A_64 : vector<16xf32>
        %add3A_1530 = arith.addf %mul3A_1523, %mul3A_1529 : vector<16xf32>
        %add3A_1531 = arith.constant 40 : i32
        %add3A_1532 = arith.addi %mul3A_59, %add3A_1531 : i32
        %get3A_1533 = arith.index_cast %add3A_1532 : i32 to index
        %get3A_1534 = arith.constant 32 : index
        %get3A_1535 = tpu.vector_load %arg10[%get3A_1533, %get3A_1534] {strides = array<i32>} : memref<512x64xf32, #tpu.memory_space<vmem>>, vector<16xf32>,
        %mul3A_1536 = arith.mulf %get3A_1535, %get3A_67 : vector<16xf32>
        %add3A_1537 = arith.addf %add3A_1530, %mul3A_1536 : vector<16xf32>
        %add3A_1538 = arith.constant 40 : i32
        %add3A_1539 = arith.addi %mul3A_59, %add3A_1538 : i32
        %get3A_1540 = arith.index_cast %add3A_1539 : i32 to index
        %get3A_1541 = arith.constant 48 : index
        %get3A_1542 = tpu.vector_load %arg10[%get3A_1540, %get3A_1541] {strides = array<i32>} : memref<512x64xf32, #tpu.memory_space<vmem>>, vector<16xf32>,
        %mul3A_1543 = arith.mulf %get3A_1542, %get3A_70 : vector<16xf32>
        %add3A_1544 = arith.addf %add3A_1537, %mul3A_1543 : vector<16xf32>
        %reduce_sum3A_1545 = arith.constant true
        %reduce_sum3A_1546 = vector.broadcast %reduce_sum3A_1545 : i1 to vector<16xi1>
        %reduce_sum3A_1547 = tpu.scan <sum>, %add3A_1544 masked %reduce_sum3A_1546 : vector<16xf32>, vector<16xi1> -> vector<16xf32>
        %reduce_sum3A_1548 = vector.extract %reduce_sum3A_1547[15] : f32 from vector<16xf32>
        %eq3A_1549 = arith.constant 8 : i32
        %eq3A_1550 = vector.broadcast %eq3A_1549 : i32 to vector<16xi32>
        %eq3A_1551 = arith.cmpi eq, %iota3A, %eq3A_1550 : vector<16xi32>
        %broadcast_in_dim3A_1552 = vector.broadcast %reduce_sum3A_1548 : f32 to vector<16xf32>
        %select_n3A_1553 = arith.select %eq3A_1551, %broadcast_in_dim3A_1552, %select_n3A_1517 : vector<16xi1>, vector<16xf32>
        %add3A_1554 = arith.constant 41 : i32
        %add3A_1555 = arith.addi %mul3A_59, %add3A_1554 : i32
        %get3A_1556 = arith.index_cast %add3A_1555 : i32 to index
        %get3A_1557 = arith.constant 0 : index
        %get3A_1558 = tpu.vector_load %arg10[%get3A_1556, %get3A_1557] {strides = array<i32>} : memref<512x64xf32, #tpu.memory_space<vmem>>, vector<16xf32>,
        %mul3A_1559 = arith.mulf %get3A_1558, %get3A_61 : vector<16xf32>
        %add3A_1560 = arith.constant 41 : i32
        %add3A_1561 = arith.addi %mul3A_59, %add3A_1560 : i32
        %get3A_1562 = arith.index_cast %add3A_1561 : i32 to index
        %get3A_1563 = arith.constant 16 : index
        %get3A_1564 = tpu.vector_load %arg10[%get3A_1562, %get3A_1563] {strides = array<i32>} : memref<512x64xf32, #tpu.memory_space<vmem>>, vector<16xf32>,
        %mul3A_1565 = arith.mulf %get3A_1564, %get3A_64 : vector<16xf32>
        %add3A_1566 = arith.addf %mul3A_1559, %mul3A_1565 : vector<16xf32>
        %add3A_1567 = arith.constant 41 : i32
        %add3A_1568 = arith.addi %mul3A_59, %add3A_1567 : i32
        %get3A_1569 = arith.index_cast %add3A_1568 : i32 to index
        %get3A_1570 = arith.constant 32 : index
        %get3A_1571 = tpu.vector_load %arg10[%get3A_1569, %get3A_1570] {strides = array<i32>} : memref<512x64xf32, #tpu.memory_space<vmem>>, vector<16xf32>,
        %mul3A_1572 = arith.mulf %get3A_1571, %get3A_67 : vector<16xf32>
        %add3A_1573 = arith.addf %add3A_1566, %mul3A_1572 : vector<16xf32>
        %add3A_1574 = arith.constant 41 : i32
        %add3A_1575 = arith.addi %mul3A_59, %add3A_1574 : i32
        %get3A_1576 = arith.index_cast %add3A_1575 : i32 to index
        %get3A_1577 = arith.constant 48 : index
        %get3A_1578 = tpu.vector_load %arg10[%get3A_1576, %get3A_1577] {strides = array<i32>} : memref<512x64xf32, #tpu.memory_space<vmem>>, vector<16xf32>,
        %mul3A_1579 = arith.mulf %get3A_1578, %get3A_70 : vector<16xf32>
        %add3A_1580 = arith.addf %add3A_1573, %mul3A_1579 : vector<16xf32>
        %reduce_sum3A_1581 = arith.constant true
        %reduce_sum3A_1582 = vector.broadcast %reduce_sum3A_1581 : i1 to vector<16xi1>
        %reduce_sum3A_1583 = tpu.scan <sum>, %add3A_1580 masked %reduce_sum3A_1582 : vector<16xf32>, vector<16xi1> -> vector<16xf32>
        %reduce_sum3A_1584 = vector.extract %reduce_sum3A_1583[15] : f32 from vector<16xf32>
        %eq3A_1585 = arith.constant 9 : i32
        %eq3A_1586 = vector.broadcast %eq3A_1585 : i32 to vector<16xi32>
        %eq3A_1587 = arith.cmpi eq, %iota3A, %eq3A_1586 : vector<16xi32>
        %broadcast_in_dim3A_1588 = vector.broadcast %reduce_sum3A_1584 : f32 to vector<16xf32>
        %select_n3A_1589 = arith.select %eq3A_1587, %broadcast_in_dim3A_1588, %select_n3A_1553 : vector<16xi1>, vector<16xf32>
        %add3A_1590 = arith.constant 42 : i32
        %add3A_1591 = arith.addi %mul3A_59, %add3A_1590 : i32
        %get3A_1592 = arith.index_cast %add3A_1591 : i32 to index
        %get3A_1593 = arith.constant 0 : index
        %get3A_1594 = tpu.vector_load %arg10[%get3A_1592, %get3A_1593] {strides = array<i32>} : memref<512x64xf32, #tpu.memory_space<vmem>>, vector<16xf32>,
        %mul3A_1595 = arith.mulf %get3A_1594, %get3A_61 : vector<16xf32>
        %add3A_1596 = arith.constant 42 : i32
        %add3A_1597 = arith.addi %mul3A_59, %add3A_1596 : i32
        %get3A_1598 = arith.index_cast %add3A_1597 : i32 to index
        %get3A_1599 = arith.constant 16 : index
        %get3A_1600 = tpu.vector_load %arg10[%get3A_1598, %get3A_1599] {strides = array<i32>} : memref<512x64xf32, #tpu.memory_space<vmem>>, vector<16xf32>,
        %mul3A_1601 = arith.mulf %get3A_1600, %get3A_64 : vector<16xf32>
        %add3A_1602 = arith.addf %mul3A_1595, %mul3A_1601 : vector<16xf32>
        %add3A_1603 = arith.constant 42 : i32
        %add3A_1604 = arith.addi %mul3A_59, %add3A_1603 : i32
        %get3A_1605 = arith.index_cast %add3A_1604 : i32 to index
        %get3A_1606 = arith.constant 32 : index
        %get3A_1607 = tpu.vector_load %arg10[%get3A_1605, %get3A_1606] {strides = array<i32>} : memref<512x64xf32, #tpu.memory_space<vmem>>, vector<16xf32>,
        %mul3A_1608 = arith.mulf %get3A_1607, %get3A_67 : vector<16xf32>
        %add3A_1609 = arith.addf %add3A_1602, %mul3A_1608 : vector<16xf32>
        %add3A_1610 = arith.constant 42 : i32
        %add3A_1611 = arith.addi %mul3A_59, %add3A_1610 : i32
        %get3A_1612 = arith.index_cast %add3A_1611 : i32 to index
        %get3A_1613 = arith.constant 48 : index
        %get3A_1614 = tpu.vector_load %arg10[%get3A_1612, %get3A_1613] {strides = array<i32>} : memref<512x64xf32, #tpu.memory_space<vmem>>, vector<16xf32>,
        %mul3A_1615 = arith.mulf %get3A_1614, %get3A_70 : vector<16xf32>
        %add3A_1616 = arith.addf %add3A_1609, %mul3A_1615 : vector<16xf32>
        %reduce_sum3A_1617 = arith.constant true
        %reduce_sum3A_1618 = vector.broadcast %reduce_sum3A_1617 : i1 to vector<16xi1>
        %reduce_sum3A_1619 = tpu.scan <sum>, %add3A_1616 masked %reduce_sum3A_1618 : vector<16xf32>, vector<16xi1> -> vector<16xf32>
        %reduce_sum3A_1620 = vector.extract %reduce_sum3A_1619[15] : f32 from vector<16xf32>
        %eq3A_1621 = arith.constant 10 : i32
        %eq3A_1622 = vector.broadcast %eq3A_1621 : i32 to vector<16xi32>
        %eq3A_1623 = arith.cmpi eq, %iota3A, %eq3A_1622 : vector<16xi32>
        %broadcast_in_dim3A_1624 = vector.broadcast %reduce_sum3A_1620 : f32 to vector<16xf32>
        %select_n3A_1625 = arith.select %eq3A_1623, %broadcast_in_dim3A_1624, %select_n3A_1589 : vector<16xi1>, vector<16xf32>
        %add3A_1626 = arith.constant 43 : i32
        %add3A_1627 = arith.addi %mul3A_59, %add3A_1626 : i32
        %get3A_1628 = arith.index_cast %add3A_1627 : i32 to index
        %get3A_1629 = arith.constant 0 : index
        %get3A_1630 = tpu.vector_load %arg10[%get3A_1628, %get3A_1629] {strides = array<i32>} : memref<512x64xf32, #tpu.memory_space<vmem>>, vector<16xf32>,
        %mul3A_1631 = arith.mulf %get3A_1630, %get3A_61 : vector<16xf32>
        %add3A_1632 = arith.constant 43 : i32
        %add3A_1633 = arith.addi %mul3A_59, %add3A_1632 : i32
        %get3A_1634 = arith.index_cast %add3A_1633 : i32 to index
        %get3A_1635 = arith.constant 16 : index
        %get3A_1636 = tpu.vector_load %arg10[%get3A_1634, %get3A_1635] {strides = array<i32>} : memref<512x64xf32, #tpu.memory_space<vmem>>, vector<16xf32>,
        %mul3A_1637 = arith.mulf %get3A_1636, %get3A_64 : vector<16xf32>
        %add3A_1638 = arith.addf %mul3A_1631, %mul3A_1637 : vector<16xf32>
        %add3A_1639 = arith.constant 43 : i32
        %add3A_1640 = arith.addi %mul3A_59, %add3A_1639 : i32
        %get3A_1641 = arith.index_cast %add3A_1640 : i32 to index
        %get3A_1642 = arith.constant 32 : index
        %get3A_1643 = tpu.vector_load %arg10[%get3A_1641, %get3A_1642] {strides = array<i32>} : memref<512x64xf32, #tpu.memory_space<vmem>>, vector<16xf32>,
        %mul3A_1644 = arith.mulf %get3A_1643, %get3A_67 : vector<16xf32>
        %add3A_1645 = arith.addf %add3A_1638, %mul3A_1644 : vector<16xf32>
        %add3A_1646 = arith.constant 43 : i32
        %add3A_1647 = arith.addi %mul3A_59, %add3A_1646 : i32
        %get3A_1648 = arith.index_cast %add3A_1647 : i32 to index
        %get3A_1649 = arith.constant 48 : index
        %get3A_1650 = tpu.vector_load %arg10[%get3A_1648, %get3A_1649] {strides = array<i32>} : memref<512x64xf32, #tpu.memory_space<vmem>>, vector<16xf32>,
        %mul3A_1651 = arith.mulf %get3A_1650, %get3A_70 : vector<16xf32>
        %add3A_1652 = arith.addf %add3A_1645, %mul3A_1651 : vector<16xf32>
        %reduce_sum3A_1653 = arith.constant true
        %reduce_sum3A_1654 = vector.broadcast %reduce_sum3A_1653 : i1 to vector<16xi1>
        %reduce_sum3A_1655 = tpu.scan <sum>, %add3A_1652 masked %reduce_sum3A_1654 : vector<16xf32>, vector<16xi1> -> vector<16xf32>
        %reduce_sum3A_1656 = vector.extract %reduce_sum3A_1655[15] : f32 from vector<16xf32>
        %eq3A_1657 = arith.constant 11 : i32
        %eq3A_1658 = vector.broadcast %eq3A_1657 : i32 to vector<16xi32>
        %eq3A_1659 = arith.cmpi eq, %iota3A, %eq3A_1658 : vector<16xi32>
        %broadcast_in_dim3A_1660 = vector.broadcast %reduce_sum3A_1656 : f32 to vector<16xf32>
        %select_n3A_1661 = arith.select %eq3A_1659, %broadcast_in_dim3A_1660, %select_n3A_1625 : vector<16xi1>, vector<16xf32>
        %add3A_1662 = arith.constant 44 : i32
        %add3A_1663 = arith.addi %mul3A_59, %add3A_1662 : i32
        %get3A_1664 = arith.index_cast %add3A_1663 : i32 to index
        %get3A_1665 = arith.constant 0 : index
        %get3A_1666 = tpu.vector_load %arg10[%get3A_1664, %get3A_1665] {strides = array<i32>} : memref<512x64xf32, #tpu.memory_space<vmem>>, vector<16xf32>,
        %mul3A_1667 = arith.mulf %get3A_1666, %get3A_61 : vector<16xf32>
        %add3A_1668 = arith.constant 44 : i32
        %add3A_1669 = arith.addi %mul3A_59, %add3A_1668 : i32
        %get3A_1670 = arith.index_cast %add3A_1669 : i32 to index
        %get3A_1671 = arith.constant 16 : index
        %get3A_1672 = tpu.vector_load %arg10[%get3A_1670, %get3A_1671] {strides = array<i32>} : memref<512x64xf32, #tpu.memory_space<vmem>>, vector<16xf32>,
        %mul3A_1673 = arith.mulf %get3A_1672, %get3A_64 : vector<16xf32>
        %add3A_1674 = arith.addf %mul3A_1667, %mul3A_1673 : vector<16xf32>
        %add3A_1675 = arith.constant 44 : i32
        %add3A_1676 = arith.addi %mul3A_59, %add3A_1675 : i32
        %get3A_1677 = arith.index_cast %add3A_1676 : i32 to index
        %get3A_1678 = arith.constant 32 : index
        %get3A_1679 = tpu.vector_load %arg10[%get3A_1677, %get3A_1678] {strides = array<i32>} : memref<512x64xf32, #tpu.memory_space<vmem>>, vector<16xf32>,
        %mul3A_1680 = arith.mulf %get3A_1679, %get3A_67 : vector<16xf32>
        %add3A_1681 = arith.addf %add3A_1674, %mul3A_1680 : vector<16xf32>
        %add3A_1682 = arith.constant 44 : i32
        %add3A_1683 = arith.addi %mul3A_59, %add3A_1682 : i32
        %get3A_1684 = arith.index_cast %add3A_1683 : i32 to index
        %get3A_1685 = arith.constant 48 : index
        %get3A_1686 = tpu.vector_load %arg10[%get3A_1684, %get3A_1685] {strides = array<i32>} : memref<512x64xf32, #tpu.memory_space<vmem>>, vector<16xf32>,
        %mul3A_1687 = arith.mulf %get3A_1686, %get3A_70 : vector<16xf32>
        %add3A_1688 = arith.addf %add3A_1681, %mul3A_1687 : vector<16xf32>
        %reduce_sum3A_1689 = arith.constant true
        %reduce_sum3A_1690 = vector.broadcast %reduce_sum3A_1689 : i1 to vector<16xi1>
        %reduce_sum3A_1691 = tpu.scan <sum>, %add3A_1688 masked %reduce_sum3A_1690 : vector<16xf32>, vector<16xi1> -> vector<16xf32>
        %reduce_sum3A_1692 = vector.extract %reduce_sum3A_1691[15] : f32 from vector<16xf32>
        %eq3A_1693 = arith.constant 12 : i32
        %eq3A_1694 = vector.broadcast %eq3A_1693 : i32 to vector<16xi32>
        %eq3A_1695 = arith.cmpi eq, %iota3A, %eq3A_1694 : vector<16xi32>
        %broadcast_in_dim3A_1696 = vector.broadcast %reduce_sum3A_1692 : f32 to vector<16xf32>
        %select_n3A_1697 = arith.select %eq3A_1695, %broadcast_in_dim3A_1696, %select_n3A_1661 : vector<16xi1>, vector<16xf32>
        %add3A_1698 = arith.constant 45 : i32
        %add3A_1699 = arith.addi %mul3A_59, %add3A_1698 : i32
        %get3A_1700 = arith.index_cast %add3A_1699 : i32 to index
        %get3A_1701 = arith.constant 0 : index
        %get3A_1702 = tpu.vector_load %arg10[%get3A_1700, %get3A_1701] {strides = array<i32>} : memref<512x64xf32, #tpu.memory_space<vmem>>, vector<16xf32>,
        %mul3A_1703 = arith.mulf %get3A_1702, %get3A_61 : vector<16xf32>
        %add3A_1704 = arith.constant 45 : i32
        %add3A_1705 = arith.addi %mul3A_59, %add3A_1704 : i32
        %get3A_1706 = arith.index_cast %add3A_1705 : i32 to index
        %get3A_1707 = arith.constant 16 : index
        %get3A_1708 = tpu.vector_load %arg10[%get3A_1706, %get3A_1707] {strides = array<i32>} : memref<512x64xf32, #tpu.memory_space<vmem>>, vector<16xf32>,
        %mul3A_1709 = arith.mulf %get3A_1708, %get3A_64 : vector<16xf32>
        %add3A_1710 = arith.addf %mul3A_1703, %mul3A_1709 : vector<16xf32>
        %add3A_1711 = arith.constant 45 : i32
        %add3A_1712 = arith.addi %mul3A_59, %add3A_1711 : i32
        %get3A_1713 = arith.index_cast %add3A_1712 : i32 to index
        %get3A_1714 = arith.constant 32 : index
        %get3A_1715 = tpu.vector_load %arg10[%get3A_1713, %get3A_1714] {strides = array<i32>} : memref<512x64xf32, #tpu.memory_space<vmem>>, vector<16xf32>,
        %mul3A_1716 = arith.mulf %get3A_1715, %get3A_67 : vector<16xf32>
        %add3A_1717 = arith.addf %add3A_1710, %mul3A_1716 : vector<16xf32>
        %add3A_1718 = arith.constant 45 : i32
        %add3A_1719 = arith.addi %mul3A_59, %add3A_1718 : i32
        %get3A_1720 = arith.index_cast %add3A_1719 : i32 to index
        %get3A_1721 = arith.constant 48 : index
        %get3A_1722 = tpu.vector_load %arg10[%get3A_1720, %get3A_1721] {strides = array<i32>} : memref<512x64xf32, #tpu.memory_space<vmem>>, vector<16xf32>,
        %mul3A_1723 = arith.mulf %get3A_1722, %get3A_70 : vector<16xf32>
        %add3A_1724 = arith.addf %add3A_1717, %mul3A_1723 : vector<16xf32>
        %reduce_sum3A_1725 = arith.constant true
        %reduce_sum3A_1726 = vector.broadcast %reduce_sum3A_1725 : i1 to vector<16xi1>
        %reduce_sum3A_1727 = tpu.scan <sum>, %add3A_1724 masked %reduce_sum3A_1726 : vector<16xf32>, vector<16xi1> -> vector<16xf32>
        %reduce_sum3A_1728 = vector.extract %reduce_sum3A_1727[15] : f32 from vector<16xf32>
        %eq3A_1729 = arith.constant 13 : i32
        %eq3A_1730 = vector.broadcast %eq3A_1729 : i32 to vector<16xi32>
        %eq3A_1731 = arith.cmpi eq, %iota3A, %eq3A_1730 : vector<16xi32>
        %broadcast_in_dim3A_1732 = vector.broadcast %reduce_sum3A_1728 : f32 to vector<16xf32>
        %select_n3A_1733 = arith.select %eq3A_1731, %broadcast_in_dim3A_1732, %select_n3A_1697 : vector<16xi1>, vector<16xf32>
        %add3A_1734 = arith.constant 46 : i32
        %add3A_1735 = arith.addi %mul3A_59, %add3A_1734 : i32
        %get3A_1736 = arith.index_cast %add3A_1735 : i32 to index
        %get3A_1737 = arith.constant 0 : index
        %get3A_1738 = tpu.vector_load %arg10[%get3A_1736, %get3A_1737] {strides = array<i32>} : memref<512x64xf32, #tpu.memory_space<vmem>>, vector<16xf32>,
        %mul3A_1739 = arith.mulf %get3A_1738, %get3A_61 : vector<16xf32>
        %add3A_1740 = arith.constant 46 : i32
        %add3A_1741 = arith.addi %mul3A_59, %add3A_1740 : i32
        %get3A_1742 = arith.index_cast %add3A_1741 : i32 to index
        %get3A_1743 = arith.constant 16 : index
        %get3A_1744 = tpu.vector_load %arg10[%get3A_1742, %get3A_1743] {strides = array<i32>} : memref<512x64xf32, #tpu.memory_space<vmem>>, vector<16xf32>,
        %mul3A_1745 = arith.mulf %get3A_1744, %get3A_64 : vector<16xf32>
        %add3A_1746 = arith.addf %mul3A_1739, %mul3A_1745 : vector<16xf32>
        %add3A_1747 = arith.constant 46 : i32
        %add3A_1748 = arith.addi %mul3A_59, %add3A_1747 : i32
        %get3A_1749 = arith.index_cast %add3A_1748 : i32 to index
        %get3A_1750 = arith.constant 32 : index
        %get3A_1751 = tpu.vector_load %arg10[%get3A_1749, %get3A_1750] {strides = array<i32>} : memref<512x64xf32, #tpu.memory_space<vmem>>, vector<16xf32>,
        %mul3A_1752 = arith.mulf %get3A_1751, %get3A_67 : vector<16xf32>
        %add3A_1753 = arith.addf %add3A_1746, %mul3A_1752 : vector<16xf32>
        %add3A_1754 = arith.constant 46 : i32
        %add3A_1755 = arith.addi %mul3A_59, %add3A_1754 : i32
        %get3A_1756 = arith.index_cast %add3A_1755 : i32 to index
        %get3A_1757 = arith.constant 48 : index
        %get3A_1758 = tpu.vector_load %arg10[%get3A_1756, %get3A_1757] {strides = array<i32>} : memref<512x64xf32, #tpu.memory_space<vmem>>, vector<16xf32>,
        %mul3A_1759 = arith.mulf %get3A_1758, %get3A_70 : vector<16xf32>
        %add3A_1760 = arith.addf %add3A_1753, %mul3A_1759 : vector<16xf32>
        %reduce_sum3A_1761 = arith.constant true
        %reduce_sum3A_1762 = vector.broadcast %reduce_sum3A_1761 : i1 to vector<16xi1>
        %reduce_sum3A_1763 = tpu.scan <sum>, %add3A_1760 masked %reduce_sum3A_1762 : vector<16xf32>, vector<16xi1> -> vector<16xf32>
        %reduce_sum3A_1764 = vector.extract %reduce_sum3A_1763[15] : f32 from vector<16xf32>
        %eq3A_1765 = arith.constant 14 : i32
        %eq3A_1766 = vector.broadcast %eq3A_1765 : i32 to vector<16xi32>
        %eq3A_1767 = arith.cmpi eq, %iota3A, %eq3A_1766 : vector<16xi32>
        %broadcast_in_dim3A_1768 = vector.broadcast %reduce_sum3A_1764 : f32 to vector<16xf32>
        %select_n3A_1769 = arith.select %eq3A_1767, %broadcast_in_dim3A_1768, %select_n3A_1733 : vector<16xi1>, vector<16xf32>
        %add3A_1770 = arith.constant 47 : i32
        %add3A_1771 = arith.addi %mul3A_59, %add3A_1770 : i32
        %get3A_1772 = arith.index_cast %add3A_1771 : i32 to index
        %get3A_1773 = arith.constant 0 : index
        %get3A_1774 = tpu.vector_load %arg10[%get3A_1772, %get3A_1773] {strides = array<i32>} : memref<512x64xf32, #tpu.memory_space<vmem>>, vector<16xf32>,
        %mul3A_1775 = arith.mulf %get3A_1774, %get3A_61 : vector<16xf32>
        %add3A_1776 = arith.constant 47 : i32
        %add3A_1777 = arith.addi %mul3A_59, %add3A_1776 : i32
        %get3A_1778 = arith.index_cast %add3A_1777 : i32 to index
        %get3A_1779 = arith.constant 16 : index
        %get3A_1780 = tpu.vector_load %arg10[%get3A_1778, %get3A_1779] {strides = array<i32>} : memref<512x64xf32, #tpu.memory_space<vmem>>, vector<16xf32>,
        %mul3A_1781 = arith.mulf %get3A_1780, %get3A_64 : vector<16xf32>
        %add3A_1782 = arith.addf %mul3A_1775, %mul3A_1781 : vector<16xf32>
        %add3A_1783 = arith.constant 47 : i32
        %add3A_1784 = arith.addi %mul3A_59, %add3A_1783 : i32
        %get3A_1785 = arith.index_cast %add3A_1784 : i32 to index
        %get3A_1786 = arith.constant 32 : index
        %get3A_1787 = tpu.vector_load %arg10[%get3A_1785, %get3A_1786] {strides = array<i32>} : memref<512x64xf32, #tpu.memory_space<vmem>>, vector<16xf32>,
        %mul3A_1788 = arith.mulf %get3A_1787, %get3A_67 : vector<16xf32>
        %add3A_1789 = arith.addf %add3A_1782, %mul3A_1788 : vector<16xf32>
        %add3A_1790 = arith.constant 47 : i32
        %add3A_1791 = arith.addi %mul3A_59, %add3A_1790 : i32
        %get3A_1792 = arith.index_cast %add3A_1791 : i32 to index
        %get3A_1793 = arith.constant 48 : index
        %get3A_1794 = tpu.vector_load %arg10[%get3A_1792, %get3A_1793] {strides = array<i32>} : memref<512x64xf32, #tpu.memory_space<vmem>>, vector<16xf32>,
        %mul3A_1795 = arith.mulf %get3A_1794, %get3A_70 : vector<16xf32>
        %add3A_1796 = arith.addf %add3A_1789, %mul3A_1795 : vector<16xf32>
        %reduce_sum3A_1797 = arith.constant true
        %reduce_sum3A_1798 = vector.broadcast %reduce_sum3A_1797 : i1 to vector<16xi1>
        %reduce_sum3A_1799 = tpu.scan <sum>, %add3A_1796 masked %reduce_sum3A_1798 : vector<16xf32>, vector<16xi1> -> vector<16xf32>
        %reduce_sum3A_1800 = vector.extract %reduce_sum3A_1799[15] : f32 from vector<16xf32>
        %eq3A_1801 = arith.constant 15 : i32
        %eq3A_1802 = vector.broadcast %eq3A_1801 : i32 to vector<16xi32>
        %eq3A_1803 = arith.cmpi eq, %iota3A, %eq3A_1802 : vector<16xi32>
        %broadcast_in_dim3A_1804 = vector.broadcast %reduce_sum3A_1800 : f32 to vector<16xf32>
        %select_n3A_1805 = arith.select %eq3A_1803, %broadcast_in_dim3A_1804, %select_n3A_1769 : vector<16xi1>, vector<16xf32>
        %swap3A_1806 = arith.index_cast %scan3A_56 : i32 to index
        %swap3A_1807 = arith.constant 32 : index
        %swap3A_1808 = tpu.vector_load %arg11[%swap3A_1806, %swap3A_1807] {strides = array<i32>} : memref<8x64xf32, #tpu.memory_space<vmem>>, vector<16xf32>,
        tpu.vector_store %arg11[%swap3A_1806, %swap3A_1807], %select_n3A_1805 {strides = array<i32>} : memref<8x64xf32, #tpu.memory_space<vmem>>, vector<16xf32>,
        %broadcast_in_dim3A_1809 = arith.constant 0.000000e+00 : f32
        %broadcast_in_dim3A_1810 = vector.broadcast %broadcast_in_dim3A_1809 : f32 to vector<16xf32>
        %add3A_1811 = arith.constant 48 : i32
        %add3A_1812 = arith.addi %mul3A_59, %add3A_1811 : i32
        %get3A_1813 = arith.index_cast %add3A_1812 : i32 to index
        %get3A_1814 = arith.constant 0 : index
        %get3A_1815 = tpu.vector_load %arg10[%get3A_1813, %get3A_1814] {strides = array<i32>} : memref<512x64xf32, #tpu.memory_space<vmem>>, vector<16xf32>,
        %mul3A_1816 = arith.mulf %get3A_1815, %get3A_61 : vector<16xf32>
        %add3A_1817 = arith.constant 48 : i32
        %add3A_1818 = arith.addi %mul3A_59, %add3A_1817 : i32
        %get3A_1819 = arith.index_cast %add3A_1818 : i32 to index
        %get3A_1820 = arith.constant 16 : index
        %get3A_1821 = tpu.vector_load %arg10[%get3A_1819, %get3A_1820] {strides = array<i32>} : memref<512x64xf32, #tpu.memory_space<vmem>>, vector<16xf32>,
        %mul3A_1822 = arith.mulf %get3A_1821, %get3A_64 : vector<16xf32>
        %add3A_1823 = arith.addf %mul3A_1816, %mul3A_1822 : vector<16xf32>
        %add3A_1824 = arith.constant 48 : i32
        %add3A_1825 = arith.addi %mul3A_59, %add3A_1824 : i32
        %get3A_1826 = arith.index_cast %add3A_1825 : i32 to index
        %get3A_1827 = arith.constant 32 : index
        %get3A_1828 = tpu.vector_load %arg10[%get3A_1826, %get3A_1827] {strides = array<i32>} : memref<512x64xf32, #tpu.memory_space<vmem>>, vector<16xf32>,
        %mul3A_1829 = arith.mulf %get3A_1828, %get3A_67 : vector<16xf32>
        %add3A_1830 = arith.addf %add3A_1823, %mul3A_1829 : vector<16xf32>
        %add3A_1831 = arith.constant 48 : i32
        %add3A_1832 = arith.addi %mul3A_59, %add3A_1831 : i32
        %get3A_1833 = arith.index_cast %add3A_1832 : i32 to index
        %get3A_1834 = arith.constant 48 : index
        %get3A_1835 = tpu.vector_load %arg10[%get3A_1833, %get3A_1834] {strides = array<i32>} : memref<512x64xf32, #tpu.memory_space<vmem>>, vector<16xf32>,
        %mul3A_1836 = arith.mulf %get3A_1835, %get3A_70 : vector<16xf32>
        %add3A_1837 = arith.addf %add3A_1830, %mul3A_1836 : vector<16xf32>
        %reduce_sum3A_1838 = arith.constant true
        %reduce_sum3A_1839 = vector.broadcast %reduce_sum3A_1838 : i1 to vector<16xi1>
        %reduce_sum3A_1840 = tpu.scan <sum>, %add3A_1837 masked %reduce_sum3A_1839 : vector<16xf32>, vector<16xi1> -> vector<16xf32>
        %reduce_sum3A_1841 = vector.extract %reduce_sum3A_1840[15] : f32 from vector<16xf32>
        %eq3A_1842 = arith.constant 0 : i32
        %eq3A_1843 = vector.broadcast %eq3A_1842 : i32 to vector<16xi32>
        %eq3A_1844 = arith.cmpi eq, %iota3A, %eq3A_1843 : vector<16xi32>
        %broadcast_in_dim3A_1845 = vector.broadcast %reduce_sum3A_1841 : f32 to vector<16xf32>
        %select_n3A_1846 = arith.select %eq3A_1844, %broadcast_in_dim3A_1845, %broadcast_in_dim3A_1810 : vector<16xi1>, vector<16xf32>
        %add3A_1847 = arith.constant 49 : i32
        %add3A_1848 = arith.addi %mul3A_59, %add3A_1847 : i32
        %get3A_1849 = arith.index_cast %add3A_1848 : i32 to index
        %get3A_1850 = arith.constant 0 : index
        %get3A_1851 = tpu.vector_load %arg10[%get3A_1849, %get3A_1850] {strides = array<i32>} : memref<512x64xf32, #tpu.memory_space<vmem>>, vector<16xf32>,
        %mul3A_1852 = arith.mulf %get3A_1851, %get3A_61 : vector<16xf32>
        %add3A_1853 = arith.constant 49 : i32
        %add3A_1854 = arith.addi %mul3A_59, %add3A_1853 : i32
        %get3A_1855 = arith.index_cast %add3A_1854 : i32 to index
        %get3A_1856 = arith.constant 16 : index
        %get3A_1857 = tpu.vector_load %arg10[%get3A_1855, %get3A_1856] {strides = array<i32>} : memref<512x64xf32, #tpu.memory_space<vmem>>, vector<16xf32>,
        %mul3A_1858 = arith.mulf %get3A_1857, %get3A_64 : vector<16xf32>
        %add3A_1859 = arith.addf %mul3A_1852, %mul3A_1858 : vector<16xf32>
        %add3A_1860 = arith.constant 49 : i32
        %add3A_1861 = arith.addi %mul3A_59, %add3A_1860 : i32
        %get3A_1862 = arith.index_cast %add3A_1861 : i32 to index
        %get3A_1863 = arith.constant 32 : index
        %get3A_1864 = tpu.vector_load %arg10[%get3A_1862, %get3A_1863] {strides = array<i32>} : memref<512x64xf32, #tpu.memory_space<vmem>>, vector<16xf32>,
        %mul3A_1865 = arith.mulf %get3A_1864, %get3A_67 : vector<16xf32>
        %add3A_1866 = arith.addf %add3A_1859, %mul3A_1865 : vector<16xf32>
        %add3A_1867 = arith.constant 49 : i32
        %add3A_1868 = arith.addi %mul3A_59, %add3A_1867 : i32
        %get3A_1869 = arith.index_cast %add3A_1868 : i32 to index
        %get3A_1870 = arith.constant 48 : index
        %get3A_1871 = tpu.vector_load %arg10[%get3A_1869, %get3A_1870] {strides = array<i32>} : memref<512x64xf32, #tpu.memory_space<vmem>>, vector<16xf32>,
        %mul3A_1872 = arith.mulf %get3A_1871, %get3A_70 : vector<16xf32>
        %add3A_1873 = arith.addf %add3A_1866, %mul3A_1872 : vector<16xf32>
        %reduce_sum3A_1874 = arith.constant true
        %reduce_sum3A_1875 = vector.broadcast %reduce_sum3A_1874 : i1 to vector<16xi1>
        %reduce_sum3A_1876 = tpu.scan <sum>, %add3A_1873 masked %reduce_sum3A_1875 : vector<16xf32>, vector<16xi1> -> vector<16xf32>
        %reduce_sum3A_1877 = vector.extract %reduce_sum3A_1876[15] : f32 from vector<16xf32>
        %eq3A_1878 = arith.constant 1 : i32
        %eq3A_1879 = vector.broadcast %eq3A_1878 : i32 to vector<16xi32>
        %eq3A_1880 = arith.cmpi eq, %iota3A, %eq3A_1879 : vector<16xi32>
        %broadcast_in_dim3A_1881 = vector.broadcast %reduce_sum3A_1877 : f32 to vector<16xf32>
        %select_n3A_1882 = arith.select %eq3A_1880, %broadcast_in_dim3A_1881, %select_n3A_1846 : vector<16xi1>, vector<16xf32>
        %add3A_1883 = arith.constant 50 : i32
        %add3A_1884 = arith.addi %mul3A_59, %add3A_1883 : i32
        %get3A_1885 = arith.index_cast %add3A_1884 : i32 to index
        %get3A_1886 = arith.constant 0 : index
        %get3A_1887 = tpu.vector_load %arg10[%get3A_1885, %get3A_1886] {strides = array<i32>} : memref<512x64xf32, #tpu.memory_space<vmem>>, vector<16xf32>,
        %mul3A_1888 = arith.mulf %get3A_1887, %get3A_61 : vector<16xf32>
        %add3A_1889 = arith.constant 50 : i32
        %add3A_1890 = arith.addi %mul3A_59, %add3A_1889 : i32
        %get3A_1891 = arith.index_cast %add3A_1890 : i32 to index
        %get3A_1892 = arith.constant 16 : index
        %get3A_1893 = tpu.vector_load %arg10[%get3A_1891, %get3A_1892] {strides = array<i32>} : memref<512x64xf32, #tpu.memory_space<vmem>>, vector<16xf32>,
        %mul3A_1894 = arith.mulf %get3A_1893, %get3A_64 : vector<16xf32>
        %add3A_1895 = arith.addf %mul3A_1888, %mul3A_1894 : vector<16xf32>
        %add3A_1896 = arith.constant 50 : i32
        %add3A_1897 = arith.addi %mul3A_59, %add3A_1896 : i32
        %get3A_1898 = arith.index_cast %add3A_1897 : i32 to index
        %get3A_1899 = arith.constant 32 : index
        %get3A_1900 = tpu.vector_load %arg10[%get3A_1898, %get3A_1899] {strides = array<i32>} : memref<512x64xf32, #tpu.memory_space<vmem>>, vector<16xf32>,
        %mul3A_1901 = arith.mulf %get3A_1900, %get3A_67 : vector<16xf32>
        %add3A_1902 = arith.addf %add3A_1895, %mul3A_1901 : vector<16xf32>
        %add3A_1903 = arith.constant 50 : i32
        %add3A_1904 = arith.addi %mul3A_59, %add3A_1903 : i32
        %get3A_1905 = arith.index_cast %add3A_1904 : i32 to index
        %get3A_1906 = arith.constant 48 : index
        %get3A_1907 = tpu.vector_load %arg10[%get3A_1905, %get3A_1906] {strides = array<i32>} : memref<512x64xf32, #tpu.memory_space<vmem>>, vector<16xf32>,
        %mul3A_1908 = arith.mulf %get3A_1907, %get3A_70 : vector<16xf32>
        %add3A_1909 = arith.addf %add3A_1902, %mul3A_1908 : vector<16xf32>
        %reduce_sum3A_1910 = arith.constant true
        %reduce_sum3A_1911 = vector.broadcast %reduce_sum3A_1910 : i1 to vector<16xi1>
        %reduce_sum3A_1912 = tpu.scan <sum>, %add3A_1909 masked %reduce_sum3A_1911 : vector<16xf32>, vector<16xi1> -> vector<16xf32>
        %reduce_sum3A_1913 = vector.extract %reduce_sum3A_1912[15] : f32 from vector<16xf32>
        %eq3A_1914 = arith.constant 2 : i32
        %eq3A_1915 = vector.broadcast %eq3A_1914 : i32 to vector<16xi32>
        %eq3A_1916 = arith.cmpi eq, %iota3A, %eq3A_1915 : vector<16xi32>
        %broadcast_in_dim3A_1917 = vector.broadcast %reduce_sum3A_1913 : f32 to vector<16xf32>
        %select_n3A_1918 = arith.select %eq3A_1916, %broadcast_in_dim3A_1917, %select_n3A_1882 : vector<16xi1>, vector<16xf32>
        %add3A_1919 = arith.constant 51 : i32
        %add3A_1920 = arith.addi %mul3A_59, %add3A_1919 : i32
        %get3A_1921 = arith.index_cast %add3A_1920 : i32 to index
        %get3A_1922 = arith.constant 0 : index
        %get3A_1923 = tpu.vector_load %arg10[%get3A_1921, %get3A_1922] {strides = array<i32>} : memref<512x64xf32, #tpu.memory_space<vmem>>, vector<16xf32>,
        %mul3A_1924 = arith.mulf %get3A_1923, %get3A_61 : vector<16xf32>
        %add3A_1925 = arith.constant 51 : i32
        %add3A_1926 = arith.addi %mul3A_59, %add3A_1925 : i32
        %get3A_1927 = arith.index_cast %add3A_1926 : i32 to index
        %get3A_1928 = arith.constant 16 : index
        %get3A_1929 = tpu.vector_load %arg10[%get3A_1927, %get3A_1928] {strides = array<i32>} : memref<512x64xf32, #tpu.memory_space<vmem>>, vector<16xf32>,
        %mul3A_1930 = arith.mulf %get3A_1929, %get3A_64 : vector<16xf32>
        %add3A_1931 = arith.addf %mul3A_1924, %mul3A_1930 : vector<16xf32>
        %add3A_1932 = arith.constant 51 : i32
        %add3A_1933 = arith.addi %mul3A_59, %add3A_1932 : i32
        %get3A_1934 = arith.index_cast %add3A_1933 : i32 to index
        %get3A_1935 = arith.constant 32 : index
        %get3A_1936 = tpu.vector_load %arg10[%get3A_1934, %get3A_1935] {strides = array<i32>} : memref<512x64xf32, #tpu.memory_space<vmem>>, vector<16xf32>,
        %mul3A_1937 = arith.mulf %get3A_1936, %get3A_67 : vector<16xf32>
        %add3A_1938 = arith.addf %add3A_1931, %mul3A_1937 : vector<16xf32>
        %add3A_1939 = arith.constant 51 : i32
        %add3A_1940 = arith.addi %mul3A_59, %add3A_1939 : i32
        %get3A_1941 = arith.index_cast %add3A_1940 : i32 to index
        %get3A_1942 = arith.constant 48 : index
        %get3A_1943 = tpu.vector_load %arg10[%get3A_1941, %get3A_1942] {strides = array<i32>} : memref<512x64xf32, #tpu.memory_space<vmem>>, vector<16xf32>,
        %mul3A_1944 = arith.mulf %get3A_1943, %get3A_70 : vector<16xf32>
        %add3A_1945 = arith.addf %add3A_1938, %mul3A_1944 : vector<16xf32>
        %reduce_sum3A_1946 = arith.constant true
        %reduce_sum3A_1947 = vector.broadcast %reduce_sum3A_1946 : i1 to vector<16xi1>
        %reduce_sum3A_1948 = tpu.scan <sum>, %add3A_1945 masked %reduce_sum3A_1947 : vector<16xf32>, vector<16xi1> -> vector<16xf32>
        %reduce_sum3A_1949 = vector.extract %reduce_sum3A_1948[15] : f32 from vector<16xf32>
        %eq3A_1950 = arith.constant 3 : i32
        %eq3A_1951 = vector.broadcast %eq3A_1950 : i32 to vector<16xi32>
        %eq3A_1952 = arith.cmpi eq, %iota3A, %eq3A_1951 : vector<16xi32>
        %broadcast_in_dim3A_1953 = vector.broadcast %reduce_sum3A_1949 : f32 to vector<16xf32>
        %select_n3A_1954 = arith.select %eq3A_1952, %broadcast_in_dim3A_1953, %select_n3A_1918 : vector<16xi1>, vector<16xf32>
        %add3A_1955 = arith.constant 52 : i32
        %add3A_1956 = arith.addi %mul3A_59, %add3A_1955 : i32
        %get3A_1957 = arith.index_cast %add3A_1956 : i32 to index
        %get3A_1958 = arith.constant 0 : index
        %get3A_1959 = tpu.vector_load %arg10[%get3A_1957, %get3A_1958] {strides = array<i32>} : memref<512x64xf32, #tpu.memory_space<vmem>>, vector<16xf32>,
        %mul3A_1960 = arith.mulf %get3A_1959, %get3A_61 : vector<16xf32>
        %add3A_1961 = arith.constant 52 : i32
        %add3A_1962 = arith.addi %mul3A_59, %add3A_1961 : i32
        %get3A_1963 = arith.index_cast %add3A_1962 : i32 to index
        %get3A_1964 = arith.constant 16 : index
        %get3A_1965 = tpu.vector_load %arg10[%get3A_1963, %get3A_1964] {strides = array<i32>} : memref<512x64xf32, #tpu.memory_space<vmem>>, vector<16xf32>,
        %mul3A_1966 = arith.mulf %get3A_1965, %get3A_64 : vector<16xf32>
        %add3A_1967 = arith.addf %mul3A_1960, %mul3A_1966 : vector<16xf32>
        %add3A_1968 = arith.constant 52 : i32
        %add3A_1969 = arith.addi %mul3A_59, %add3A_1968 : i32
        %get3A_1970 = arith.index_cast %add3A_1969 : i32 to index
        %get3A_1971 = arith.constant 32 : index
        %get3A_1972 = tpu.vector_load %arg10[%get3A_1970, %get3A_1971] {strides = array<i32>} : memref<512x64xf32, #tpu.memory_space<vmem>>, vector<16xf32>,
        %mul3A_1973 = arith.mulf %get3A_1972, %get3A_67 : vector<16xf32>
        %add3A_1974 = arith.addf %add3A_1967, %mul3A_1973 : vector<16xf32>
        %add3A_1975 = arith.constant 52 : i32
        %add3A_1976 = arith.addi %mul3A_59, %add3A_1975 : i32
        %get3A_1977 = arith.index_cast %add3A_1976 : i32 to index
        %get3A_1978 = arith.constant 48 : index
        %get3A_1979 = tpu.vector_load %arg10[%get3A_1977, %get3A_1978] {strides = array<i32>} : memref<512x64xf32, #tpu.memory_space<vmem>>, vector<16xf32>,
        %mul3A_1980 = arith.mulf %get3A_1979, %get3A_70 : vector<16xf32>
        %add3A_1981 = arith.addf %add3A_1974, %mul3A_1980 : vector<16xf32>
        %reduce_sum3A_1982 = arith.constant true
        %reduce_sum3A_1983 = vector.broadcast %reduce_sum3A_1982 : i1 to vector<16xi1>
        %reduce_sum3A_1984 = tpu.scan <sum>, %add3A_1981 masked %reduce_sum3A_1983 : vector<16xf32>, vector<16xi1> -> vector<16xf32>
        %reduce_sum3A_1985 = vector.extract %reduce_sum3A_1984[15] : f32 from vector<16xf32>
        %eq3A_1986 = arith.constant 4 : i32
        %eq3A_1987 = vector.broadcast %eq3A_1986 : i32 to vector<16xi32>
        %eq3A_1988 = arith.cmpi eq, %iota3A, %eq3A_1987 : vector<16xi32>
        %broadcast_in_dim3A_1989 = vector.broadcast %reduce_sum3A_1985 : f32 to vector<16xf32>
        %select_n3A_1990 = arith.select %eq3A_1988, %broadcast_in_dim3A_1989, %select_n3A_1954 : vector<16xi1>, vector<16xf32>
        %add3A_1991 = arith.constant 53 : i32
        %add3A_1992 = arith.addi %mul3A_59, %add3A_1991 : i32
        %get3A_1993 = arith.index_cast %add3A_1992 : i32 to index
        %get3A_1994 = arith.constant 0 : index
        %get3A_1995 = tpu.vector_load %arg10[%get3A_1993, %get3A_1994] {strides = array<i32>} : memref<512x64xf32, #tpu.memory_space<vmem>>, vector<16xf32>,
        %mul3A_1996 = arith.mulf %get3A_1995, %get3A_61 : vector<16xf32>
        %add3A_1997 = arith.constant 53 : i32
        %add3A_1998 = arith.addi %mul3A_59, %add3A_1997 : i32
        %get3A_1999 = arith.index_cast %add3A_1998 : i32 to index
        %get3A_2000 = arith.constant 16 : index
        %get3A_2001 = tpu.vector_load %arg10[%get3A_1999, %get3A_2000] {strides = array<i32>} : memref<512x64xf32, #tpu.memory_space<vmem>>, vector<16xf32>,
        %mul3A_2002 = arith.mulf %get3A_2001, %get3A_64 : vector<16xf32>
        %add3A_2003 = arith.addf %mul3A_1996, %mul3A_2002 : vector<16xf32>
        %add3A_2004 = arith.constant 53 : i32
        %add3A_2005 = arith.addi %mul3A_59, %add3A_2004 : i32
        %get3A_2006 = arith.index_cast %add3A_2005 : i32 to index
        %get3A_2007 = arith.constant 32 : index
        %get3A_2008 = tpu.vector_load %arg10[%get3A_2006, %get3A_2007] {strides = array<i32>} : memref<512x64xf32, #tpu.memory_space<vmem>>, vector<16xf32>,
        %mul3A_2009 = arith.mulf %get3A_2008, %get3A_67 : vector<16xf32>
        %add3A_2010 = arith.addf %add3A_2003, %mul3A_2009 : vector<16xf32>
        %add3A_2011 = arith.constant 53 : i32
        %add3A_2012 = arith.addi %mul3A_59, %add3A_2011 : i32
        %get3A_2013 = arith.index_cast %add3A_2012 : i32 to index
        %get3A_2014 = arith.constant 48 : index
        %get3A_2015 = tpu.vector_load %arg10[%get3A_2013, %get3A_2014] {strides = array<i32>} : memref<512x64xf32, #tpu.memory_space<vmem>>, vector<16xf32>,
        %mul3A_2016 = arith.mulf %get3A_2015, %get3A_70 : vector<16xf32>
        %add3A_2017 = arith.addf %add3A_2010, %mul3A_2016 : vector<16xf32>
        %reduce_sum3A_2018 = arith.constant true
        %reduce_sum3A_2019 = vector.broadcast %reduce_sum3A_2018 : i1 to vector<16xi1>
        %reduce_sum3A_2020 = tpu.scan <sum>, %add3A_2017 masked %reduce_sum3A_2019 : vector<16xf32>, vector<16xi1> -> vector<16xf32>
        %reduce_sum3A_2021 = vector.extract %reduce_sum3A_2020[15] : f32 from vector<16xf32>
        %eq3A_2022 = arith.constant 5 : i32
        %eq3A_2023 = vector.broadcast %eq3A_2022 : i32 to vector<16xi32>
        %eq3A_2024 = arith.cmpi eq, %iota3A, %eq3A_2023 : vector<16xi32>
        %broadcast_in_dim3A_2025 = vector.broadcast %reduce_sum3A_2021 : f32 to vector<16xf32>
        %select_n3A_2026 = arith.select %eq3A_2024, %broadcast_in_dim3A_2025, %select_n3A_1990 : vector<16xi1>, vector<16xf32>
        %add3A_2027 = arith.constant 54 : i32
        %add3A_2028 = arith.addi %mul3A_59, %add3A_2027 : i32
        %get3A_2029 = arith.index_cast %add3A_2028 : i32 to index
        %get3A_2030 = arith.constant 0 : index
        %get3A_2031 = tpu.vector_load %arg10[%get3A_2029, %get3A_2030] {strides = array<i32>} : memref<512x64xf32, #tpu.memory_space<vmem>>, vector<16xf32>,
        %mul3A_2032 = arith.mulf %get3A_2031, %get3A_61 : vector<16xf32>
        %add3A_2033 = arith.constant 54 : i32
        %add3A_2034 = arith.addi %mul3A_59, %add3A_2033 : i32
        %get3A_2035 = arith.index_cast %add3A_2034 : i32 to index
        %get3A_2036 = arith.constant 16 : index
        %get3A_2037 = tpu.vector_load %arg10[%get3A_2035, %get3A_2036] {strides = array<i32>} : memref<512x64xf32, #tpu.memory_space<vmem>>, vector<16xf32>,
        %mul3A_2038 = arith.mulf %get3A_2037, %get3A_64 : vector<16xf32>
        %add3A_2039 = arith.addf %mul3A_2032, %mul3A_2038 : vector<16xf32>
        %add3A_2040 = arith.constant 54 : i32
        %add3A_2041 = arith.addi %mul3A_59, %add3A_2040 : i32
        %get3A_2042 = arith.index_cast %add3A_2041 : i32 to index
        %get3A_2043 = arith.constant 32 : index
        %get3A_2044 = tpu.vector_load %arg10[%get3A_2042, %get3A_2043] {strides = array<i32>} : memref<512x64xf32, #tpu.memory_space<vmem>>, vector<16xf32>,
        %mul3A_2045 = arith.mulf %get3A_2044, %get3A_67 : vector<16xf32>
        %add3A_2046 = arith.addf %add3A_2039, %mul3A_2045 : vector<16xf32>
        %add3A_2047 = arith.constant 54 : i32
        %add3A_2048 = arith.addi %mul3A_59, %add3A_2047 : i32
        %get3A_2049 = arith.index_cast %add3A_2048 : i32 to index
        %get3A_2050 = arith.constant 48 : index
        %get3A_2051 = tpu.vector_load %arg10[%get3A_2049, %get3A_2050] {strides = array<i32>} : memref<512x64xf32, #tpu.memory_space<vmem>>, vector<16xf32>,
        %mul3A_2052 = arith.mulf %get3A_2051, %get3A_70 : vector<16xf32>
        %add3A_2053 = arith.addf %add3A_2046, %mul3A_2052 : vector<16xf32>
        %reduce_sum3A_2054 = arith.constant true
        %reduce_sum3A_2055 = vector.broadcast %reduce_sum3A_2054 : i1 to vector<16xi1>
        %reduce_sum3A_2056 = tpu.scan <sum>, %add3A_2053 masked %reduce_sum3A_2055 : vector<16xf32>, vector<16xi1> -> vector<16xf32>
        %reduce_sum3A_2057 = vector.extract %reduce_sum3A_2056[15] : f32 from vector<16xf32>
        %eq3A_2058 = arith.constant 6 : i32
        %eq3A_2059 = vector.broadcast %eq3A_2058 : i32 to vector<16xi32>
        %eq3A_2060 = arith.cmpi eq, %iota3A, %eq3A_2059 : vector<16xi32>
        %broadcast_in_dim3A_2061 = vector.broadcast %reduce_sum3A_2057 : f32 to vector<16xf32>
        %select_n3A_2062 = arith.select %eq3A_2060, %broadcast_in_dim3A_2061, %select_n3A_2026 : vector<16xi1>, vector<16xf32>
        %add3A_2063 = arith.constant 55 : i32
        %add3A_2064 = arith.addi %mul3A_59, %add3A_2063 : i32
        %get3A_2065 = arith.index_cast %add3A_2064 : i32 to index
        %get3A_2066 = arith.constant 0 : index
        %get3A_2067 = tpu.vector_load %arg10[%get3A_2065, %get3A_2066] {strides = array<i32>} : memref<512x64xf32, #tpu.memory_space<vmem>>, vector<16xf32>,
        %mul3A_2068 = arith.mulf %get3A_2067, %get3A_61 : vector<16xf32>
        %add3A_2069 = arith.constant 55 : i32
        %add3A_2070 = arith.addi %mul3A_59, %add3A_2069 : i32
        %get3A_2071 = arith.index_cast %add3A_2070 : i32 to index
        %get3A_2072 = arith.constant 16 : index
        %get3A_2073 = tpu.vector_load %arg10[%get3A_2071, %get3A_2072] {strides = array<i32>} : memref<512x64xf32, #tpu.memory_space<vmem>>, vector<16xf32>,
        %mul3A_2074 = arith.mulf %get3A_2073, %get3A_64 : vector<16xf32>
        %add3A_2075 = arith.addf %mul3A_2068, %mul3A_2074 : vector<16xf32>
        %add3A_2076 = arith.constant 55 : i32
        %add3A_2077 = arith.addi %mul3A_59, %add3A_2076 : i32
        %get3A_2078 = arith.index_cast %add3A_2077 : i32 to index
        %get3A_2079 = arith.constant 32 : index
        %get3A_2080 = tpu.vector_load %arg10[%get3A_2078, %get3A_2079] {strides = array<i32>} : memref<512x64xf32, #tpu.memory_space<vmem>>, vector<16xf32>,
        %mul3A_2081 = arith.mulf %get3A_2080, %get3A_67 : vector<16xf32>
        %add3A_2082 = arith.addf %add3A_2075, %mul3A_2081 : vector<16xf32>
        %add3A_2083 = arith.constant 55 : i32
        %add3A_2084 = arith.addi %mul3A_59, %add3A_2083 : i32
        %get3A_2085 = arith.index_cast %add3A_2084 : i32 to index
        %get3A_2086 = arith.constant 48 : index
        %get3A_2087 = tpu.vector_load %arg10[%get3A_2085, %get3A_2086] {strides = array<i32>} : memref<512x64xf32, #tpu.memory_space<vmem>>, vector<16xf32>,
        %mul3A_2088 = arith.mulf %get3A_2087, %get3A_70 : vector<16xf32>
        %add3A_2089 = arith.addf %add3A_2082, %mul3A_2088 : vector<16xf32>
        %reduce_sum3A_2090 = arith.constant true
        %reduce_sum3A_2091 = vector.broadcast %reduce_sum3A_2090 : i1 to vector<16xi1>
        %reduce_sum3A_2092 = tpu.scan <sum>, %add3A_2089 masked %reduce_sum3A_2091 : vector<16xf32>, vector<16xi1> -> vector<16xf32>
        %reduce_sum3A_2093 = vector.extract %reduce_sum3A_2092[15] : f32 from vector<16xf32>
        %eq3A_2094 = arith.constant 7 : i32
        %eq3A_2095 = vector.broadcast %eq3A_2094 : i32 to vector<16xi32>
        %eq3A_2096 = arith.cmpi eq, %iota3A, %eq3A_2095 : vector<16xi32>
        %broadcast_in_dim3A_2097 = vector.broadcast %reduce_sum3A_2093 : f32 to vector<16xf32>
        %select_n3A_2098 = arith.select %eq3A_2096, %broadcast_in_dim3A_2097, %select_n3A_2062 : vector<16xi1>, vector<16xf32>
        %add3A_2099 = arith.constant 56 : i32
        %add3A_2100 = arith.addi %mul3A_59, %add3A_2099 : i32
        %get3A_2101 = arith.index_cast %add3A_2100 : i32 to index
        %get3A_2102 = arith.constant 0 : index
        %get3A_2103 = tpu.vector_load %arg10[%get3A_2101, %get3A_2102] {strides = array<i32>} : memref<512x64xf32, #tpu.memory_space<vmem>>, vector<16xf32>,
        %mul3A_2104 = arith.mulf %get3A_2103, %get3A_61 : vector<16xf32>
        %add3A_2105 = arith.constant 56 : i32
        %add3A_2106 = arith.addi %mul3A_59, %add3A_2105 : i32
        %get3A_2107 = arith.index_cast %add3A_2106 : i32 to index
        %get3A_2108 = arith.constant 16 : index
        %get3A_2109 = tpu.vector_load %arg10[%get3A_2107, %get3A_2108] {strides = array<i32>} : memref<512x64xf32, #tpu.memory_space<vmem>>, vector<16xf32>,
        %mul3A_2110 = arith.mulf %get3A_2109, %get3A_64 : vector<16xf32>
        %add3A_2111 = arith.addf %mul3A_2104, %mul3A_2110 : vector<16xf32>
        %add3A_2112 = arith.constant 56 : i32
        %add3A_2113 = arith.addi %mul3A_59, %add3A_2112 : i32
        %get3A_2114 = arith.index_cast %add3A_2113 : i32 to index
        %get3A_2115 = arith.constant 32 : index
        %get3A_2116 = tpu.vector_load %arg10[%get3A_2114, %get3A_2115] {strides = array<i32>} : memref<512x64xf32, #tpu.memory_space<vmem>>, vector<16xf32>,
        %mul3A_2117 = arith.mulf %get3A_2116, %get3A_67 : vector<16xf32>
        %add3A_2118 = arith.addf %add3A_2111, %mul3A_2117 : vector<16xf32>
        %add3A_2119 = arith.constant 56 : i32
        %add3A_2120 = arith.addi %mul3A_59, %add3A_2119 : i32
        %get3A_2121 = arith.index_cast %add3A_2120 : i32 to index
        %get3A_2122 = arith.constant 48 : index
        %get3A_2123 = tpu.vector_load %arg10[%get3A_2121, %get3A_2122] {strides = array<i32>} : memref<512x64xf32, #tpu.memory_space<vmem>>, vector<16xf32>,
        %mul3A_2124 = arith.mulf %get3A_2123, %get3A_70 : vector<16xf32>
        %add3A_2125 = arith.addf %add3A_2118, %mul3A_2124 : vector<16xf32>
        %reduce_sum3A_2126 = arith.constant true
        %reduce_sum3A_2127 = vector.broadcast %reduce_sum3A_2126 : i1 to vector<16xi1>
        %reduce_sum3A_2128 = tpu.scan <sum>, %add3A_2125 masked %reduce_sum3A_2127 : vector<16xf32>, vector<16xi1> -> vector<16xf32>
        %reduce_sum3A_2129 = vector.extract %reduce_sum3A_2128[15] : f32 from vector<16xf32>
        %eq3A_2130 = arith.constant 8 : i32
        %eq3A_2131 = vector.broadcast %eq3A_2130 : i32 to vector<16xi32>
        %eq3A_2132 = arith.cmpi eq, %iota3A, %eq3A_2131 : vector<16xi32>
        %broadcast_in_dim3A_2133 = vector.broadcast %reduce_sum3A_2129 : f32 to vector<16xf32>
        %select_n3A_2134 = arith.select %eq3A_2132, %broadcast_in_dim3A_2133, %select_n3A_2098 : vector<16xi1>, vector<16xf32>
        %add3A_2135 = arith.constant 57 : i32
        %add3A_2136 = arith.addi %mul3A_59, %add3A_2135 : i32
        %get3A_2137 = arith.index_cast %add3A_2136 : i32 to index
        %get3A_2138 = arith.constant 0 : index
        %get3A_2139 = tpu.vector_load %arg10[%get3A_2137, %get3A_2138] {strides = array<i32>} : memref<512x64xf32, #tpu.memory_space<vmem>>, vector<16xf32>,
        %mul3A_2140 = arith.mulf %get3A_2139, %get3A_61 : vector<16xf32>
        %add3A_2141 = arith.constant 57 : i32
        %add3A_2142 = arith.addi %mul3A_59, %add3A_2141 : i32
        %get3A_2143 = arith.index_cast %add3A_2142 : i32 to index
        %get3A_2144 = arith.constant 16 : index
        %get3A_2145 = tpu.vector_load %arg10[%get3A_2143, %get3A_2144] {strides = array<i32>} : memref<512x64xf32, #tpu.memory_space<vmem>>, vector<16xf32>,
        %mul3A_2146 = arith.mulf %get3A_2145, %get3A_64 : vector<16xf32>
        %add3A_2147 = arith.addf %mul3A_2140, %mul3A_2146 : vector<16xf32>
        %add3A_2148 = arith.constant 57 : i32
        %add3A_2149 = arith.addi %mul3A_59, %add3A_2148 : i32
        %get3A_2150 = arith.index_cast %add3A_2149 : i32 to index
        %get3A_2151 = arith.constant 32 : index
        %get3A_2152 = tpu.vector_load %arg10[%get3A_2150, %get3A_2151] {strides = array<i32>} : memref<512x64xf32, #tpu.memory_space<vmem>>, vector<16xf32>,
        %mul3A_2153 = arith.mulf %get3A_2152, %get3A_67 : vector<16xf32>
        %add3A_2154 = arith.addf %add3A_2147, %mul3A_2153 : vector<16xf32>
        %add3A_2155 = arith.constant 57 : i32
        %add3A_2156 = arith.addi %mul3A_59, %add3A_2155 : i32
        %get3A_2157 = arith.index_cast %add3A_2156 : i32 to index
        %get3A_2158 = arith.constant 48 : index
        %get3A_2159 = tpu.vector_load %arg10[%get3A_2157, %get3A_2158] {strides = array<i32>} : memref<512x64xf32, #tpu.memory_space<vmem>>, vector<16xf32>,
        %mul3A_2160 = arith.mulf %get3A_2159, %get3A_70 : vector<16xf32>
        %add3A_2161 = arith.addf %add3A_2154, %mul3A_2160 : vector<16xf32>
        %reduce_sum3A_2162 = arith.constant true
        %reduce_sum3A_2163 = vector.broadcast %reduce_sum3A_2162 : i1 to vector<16xi1>
        %reduce_sum3A_2164 = tpu.scan <sum>, %add3A_2161 masked %reduce_sum3A_2163 : vector<16xf32>, vector<16xi1> -> vector<16xf32>
        %reduce_sum3A_2165 = vector.extract %reduce_sum3A_2164[15] : f32 from vector<16xf32>
        %eq3A_2166 = arith.constant 9 : i32
        %eq3A_2167 = vector.broadcast %eq3A_2166 : i32 to vector<16xi32>
        %eq3A_2168 = arith.cmpi eq, %iota3A, %eq3A_2167 : vector<16xi32>
        %broadcast_in_dim3A_2169 = vector.broadcast %reduce_sum3A_2165 : f32 to vector<16xf32>
        %select_n3A_2170 = arith.select %eq3A_2168, %broadcast_in_dim3A_2169, %select_n3A_2134 : vector<16xi1>, vector<16xf32>
        %add3A_2171 = arith.constant 58 : i32
        %add3A_2172 = arith.addi %mul3A_59, %add3A_2171 : i32
        %get3A_2173 = arith.index_cast %add3A_2172 : i32 to index
        %get3A_2174 = arith.constant 0 : index
        %get3A_2175 = tpu.vector_load %arg10[%get3A_2173, %get3A_2174] {strides = array<i32>} : memref<512x64xf32, #tpu.memory_space<vmem>>, vector<16xf32>,
        %mul3A_2176 = arith.mulf %get3A_2175, %get3A_61 : vector<16xf32>
        %add3A_2177 = arith.constant 58 : i32
        %add3A_2178 = arith.addi %mul3A_59, %add3A_2177 : i32
        %get3A_2179 = arith.index_cast %add3A_2178 : i32 to index
        %get3A_2180 = arith.constant 16 : index
        %get3A_2181 = tpu.vector_load %arg10[%get3A_2179, %get3A_2180] {strides = array<i32>} : memref<512x64xf32, #tpu.memory_space<vmem>>, vector<16xf32>,
        %mul3A_2182 = arith.mulf %get3A_2181, %get3A_64 : vector<16xf32>
        %add3A_2183 = arith.addf %mul3A_2176, %mul3A_2182 : vector<16xf32>
        %add3A_2184 = arith.constant 58 : i32
        %add3A_2185 = arith.addi %mul3A_59, %add3A_2184 : i32
        %get3A_2186 = arith.index_cast %add3A_2185 : i32 to index
        %get3A_2187 = arith.constant 32 : index
        %get3A_2188 = tpu.vector_load %arg10[%get3A_2186, %get3A_2187] {strides = array<i32>} : memref<512x64xf32, #tpu.memory_space<vmem>>, vector<16xf32>,
        %mul3A_2189 = arith.mulf %get3A_2188, %get3A_67 : vector<16xf32>
        %add3A_2190 = arith.addf %add3A_2183, %mul3A_2189 : vector<16xf32>
        %add3A_2191 = arith.constant 58 : i32
        %add3A_2192 = arith.addi %mul3A_59, %add3A_2191 : i32
        %get3A_2193 = arith.index_cast %add3A_2192 : i32 to index
        %get3A_2194 = arith.constant 48 : index
        %get3A_2195 = tpu.vector_load %arg10[%get3A_2193, %get3A_2194] {strides = array<i32>} : memref<512x64xf32, #tpu.memory_space<vmem>>, vector<16xf32>,
        %mul3A_2196 = arith.mulf %get3A_2195, %get3A_70 : vector<16xf32>
        %add3A_2197 = arith.addf %add3A_2190, %mul3A_2196 : vector<16xf32>
        %reduce_sum3A_2198 = arith.constant true
        %reduce_sum3A_2199 = vector.broadcast %reduce_sum3A_2198 : i1 to vector<16xi1>
        %reduce_sum3A_2200 = tpu.scan <sum>, %add3A_2197 masked %reduce_sum3A_2199 : vector<16xf32>, vector<16xi1> -> vector<16xf32>
        %reduce_sum3A_2201 = vector.extract %reduce_sum3A_2200[15] : f32 from vector<16xf32>
        %eq3A_2202 = arith.constant 10 : i32
        %eq3A_2203 = vector.broadcast %eq3A_2202 : i32 to vector<16xi32>
        %eq3A_2204 = arith.cmpi eq, %iota3A, %eq3A_2203 : vector<16xi32>
        %broadcast_in_dim3A_2205 = vector.broadcast %reduce_sum3A_2201 : f32 to vector<16xf32>
        %select_n3A_2206 = arith.select %eq3A_2204, %broadcast_in_dim3A_2205, %select_n3A_2170 : vector<16xi1>, vector<16xf32>
        %add3A_2207 = arith.constant 59 : i32
        %add3A_2208 = arith.addi %mul3A_59, %add3A_2207 : i32
        %get3A_2209 = arith.index_cast %add3A_2208 : i32 to index
        %get3A_2210 = arith.constant 0 : index
        %get3A_2211 = tpu.vector_load %arg10[%get3A_2209, %get3A_2210] {strides = array<i32>} : memref<512x64xf32, #tpu.memory_space<vmem>>, vector<16xf32>,
        %mul3A_2212 = arith.mulf %get3A_2211, %get3A_61 : vector<16xf32>
        %add3A_2213 = arith.constant 59 : i32
        %add3A_2214 = arith.addi %mul3A_59, %add3A_2213 : i32
        %get3A_2215 = arith.index_cast %add3A_2214 : i32 to index
        %get3A_2216 = arith.constant 16 : index
        %get3A_2217 = tpu.vector_load %arg10[%get3A_2215, %get3A_2216] {strides = array<i32>} : memref<512x64xf32, #tpu.memory_space<vmem>>, vector<16xf32>,
        %mul3A_2218 = arith.mulf %get3A_2217, %get3A_64 : vector<16xf32>
        %add3A_2219 = arith.addf %mul3A_2212, %mul3A_2218 : vector<16xf32>
        %add3A_2220 = arith.constant 59 : i32
        %add3A_2221 = arith.addi %mul3A_59, %add3A_2220 : i32
        %get3A_2222 = arith.index_cast %add3A_2221 : i32 to index
        %get3A_2223 = arith.constant 32 : index
        %get3A_2224 = tpu.vector_load %arg10[%get3A_2222, %get3A_2223] {strides = array<i32>} : memref<512x64xf32, #tpu.memory_space<vmem>>, vector<16xf32>,
        %mul3A_2225 = arith.mulf %get3A_2224, %get3A_67 : vector<16xf32>
        %add3A_2226 = arith.addf %add3A_2219, %mul3A_2225 : vector<16xf32>
        %add3A_2227 = arith.constant 59 : i32
        %add3A_2228 = arith.addi %mul3A_59, %add3A_2227 : i32
        %get3A_2229 = arith.index_cast %add3A_2228 : i32 to index
        %get3A_2230 = arith.constant 48 : index
        %get3A_2231 = tpu.vector_load %arg10[%get3A_2229, %get3A_2230] {strides = array<i32>} : memref<512x64xf32, #tpu.memory_space<vmem>>, vector<16xf32>,
        %mul3A_2232 = arith.mulf %get3A_2231, %get3A_70 : vector<16xf32>
        %add3A_2233 = arith.addf %add3A_2226, %mul3A_2232 : vector<16xf32>
        %reduce_sum3A_2234 = arith.constant true
        %reduce_sum3A_2235 = vector.broadcast %reduce_sum3A_2234 : i1 to vector<16xi1>
        %reduce_sum3A_2236 = tpu.scan <sum>, %add3A_2233 masked %reduce_sum3A_2235 : vector<16xf32>, vector<16xi1> -> vector<16xf32>
        %reduce_sum3A_2237 = vector.extract %reduce_sum3A_2236[15] : f32 from vector<16xf32>
        %eq3A_2238 = arith.constant 11 : i32
        %eq3A_2239 = vector.broadcast %eq3A_2238 : i32 to vector<16xi32>
        %eq3A_2240 = arith.cmpi eq, %iota3A, %eq3A_2239 : vector<16xi32>
        %broadcast_in_dim3A_2241 = vector.broadcast %reduce_sum3A_2237 : f32 to vector<16xf32>
        %select_n3A_2242 = arith.select %eq3A_2240, %broadcast_in_dim3A_2241, %select_n3A_2206 : vector<16xi1>, vector<16xf32>
        %add3A_2243 = arith.constant 60 : i32
        %add3A_2244 = arith.addi %mul3A_59, %add3A_2243 : i32
        %get3A_2245 = arith.index_cast %add3A_2244 : i32 to index
        %get3A_2246 = arith.constant 0 : index
        %get3A_2247 = tpu.vector_load %arg10[%get3A_2245, %get3A_2246] {strides = array<i32>} : memref<512x64xf32, #tpu.memory_space<vmem>>, vector<16xf32>,
        %mul3A_2248 = arith.mulf %get3A_2247, %get3A_61 : vector<16xf32>
        %add3A_2249 = arith.constant 60 : i32
        %add3A_2250 = arith.addi %mul3A_59, %add3A_2249 : i32
        %get3A_2251 = arith.index_cast %add3A_2250 : i32 to index
        %get3A_2252 = arith.constant 16 : index
        %get3A_2253 = tpu.vector_load %arg10[%get3A_2251, %get3A_2252] {strides = array<i32>} : memref<512x64xf32, #tpu.memory_space<vmem>>, vector<16xf32>,
        %mul3A_2254 = arith.mulf %get3A_2253, %get3A_64 : vector<16xf32>
        %add3A_2255 = arith.addf %mul3A_2248, %mul3A_2254 : vector<16xf32>
        %add3A_2256 = arith.constant 60 : i32
        %add3A_2257 = arith.addi %mul3A_59, %add3A_2256 : i32
        %get3A_2258 = arith.index_cast %add3A_2257 : i32 to index
        %get3A_2259 = arith.constant 32 : index
        %get3A_2260 = tpu.vector_load %arg10[%get3A_2258, %get3A_2259] {strides = array<i32>} : memref<512x64xf32, #tpu.memory_space<vmem>>, vector<16xf32>,
        %mul3A_2261 = arith.mulf %get3A_2260, %get3A_67 : vector<16xf32>
        %add3A_2262 = arith.addf %add3A_2255, %mul3A_2261 : vector<16xf32>
        %add3A_2263 = arith.constant 60 : i32
        %add3A_2264 = arith.addi %mul3A_59, %add3A_2263 : i32
        %get3A_2265 = arith.index_cast %add3A_2264 : i32 to index
        %get3A_2266 = arith.constant 48 : index
        %get3A_2267 = tpu.vector_load %arg10[%get3A_2265, %get3A_2266] {strides = array<i32>} : memref<512x64xf32, #tpu.memory_space<vmem>>, vector<16xf32>,
        %mul3A_2268 = arith.mulf %get3A_2267, %get3A_70 : vector<16xf32>
        %add3A_2269 = arith.addf %add3A_2262, %mul3A_2268 : vector<16xf32>
        %reduce_sum3A_2270 = arith.constant true
        %reduce_sum3A_2271 = vector.broadcast %reduce_sum3A_2270 : i1 to vector<16xi1>
        %reduce_sum3A_2272 = tpu.scan <sum>, %add3A_2269 masked %reduce_sum3A_2271 : vector<16xf32>, vector<16xi1> -> vector<16xf32>
        %reduce_sum3A_2273 = vector.extract %reduce_sum3A_2272[15] : f32 from vector<16xf32>
        %eq3A_2274 = arith.constant 12 : i32
        %eq3A_2275 = vector.broadcast %eq3A_2274 : i32 to vector<16xi32>
        %eq3A_2276 = arith.cmpi eq, %iota3A, %eq3A_2275 : vector<16xi32>
        %broadcast_in_dim3A_2277 = vector.broadcast %reduce_sum3A_2273 : f32 to vector<16xf32>
        %select_n3A_2278 = arith.select %eq3A_2276, %broadcast_in_dim3A_2277, %select_n3A_2242 : vector<16xi1>, vector<16xf32>
        %add3A_2279 = arith.constant 61 : i32
        %add3A_2280 = arith.addi %mul3A_59, %add3A_2279 : i32
        %get3A_2281 = arith.index_cast %add3A_2280 : i32 to index
        %get3A_2282 = arith.constant 0 : index
        %get3A_2283 = tpu.vector_load %arg10[%get3A_2281, %get3A_2282] {strides = array<i32>} : memref<512x64xf32, #tpu.memory_space<vmem>>, vector<16xf32>,
        %mul3A_2284 = arith.mulf %get3A_2283, %get3A_61 : vector<16xf32>
        %add3A_2285 = arith.constant 61 : i32
        %add3A_2286 = arith.addi %mul3A_59, %add3A_2285 : i32
        %get3A_2287 = arith.index_cast %add3A_2286 : i32 to index
        %get3A_2288 = arith.constant 16 : index
        %get3A_2289 = tpu.vector_load %arg10[%get3A_2287, %get3A_2288] {strides = array<i32>} : memref<512x64xf32, #tpu.memory_space<vmem>>, vector<16xf32>,
        %mul3A_2290 = arith.mulf %get3A_2289, %get3A_64 : vector<16xf32>
        %add3A_2291 = arith.addf %mul3A_2284, %mul3A_2290 : vector<16xf32>
        %add3A_2292 = arith.constant 61 : i32
        %add3A_2293 = arith.addi %mul3A_59, %add3A_2292 : i32
        %get3A_2294 = arith.index_cast %add3A_2293 : i32 to index
        %get3A_2295 = arith.constant 32 : index
        %get3A_2296 = tpu.vector_load %arg10[%get3A_2294, %get3A_2295] {strides = array<i32>} : memref<512x64xf32, #tpu.memory_space<vmem>>, vector<16xf32>,
        %mul3A_2297 = arith.mulf %get3A_2296, %get3A_67 : vector<16xf32>
        %add3A_2298 = arith.addf %add3A_2291, %mul3A_2297 : vector<16xf32>
        %add3A_2299 = arith.constant 61 : i32
        %add3A_2300 = arith.addi %mul3A_59, %add3A_2299 : i32
        %get3A_2301 = arith.index_cast %add3A_2300 : i32 to index
        %get3A_2302 = arith.constant 48 : index
        %get3A_2303 = tpu.vector_load %arg10[%get3A_2301, %get3A_2302] {strides = array<i32>} : memref<512x64xf32, #tpu.memory_space<vmem>>, vector<16xf32>,
        %mul3A_2304 = arith.mulf %get3A_2303, %get3A_70 : vector<16xf32>
        %add3A_2305 = arith.addf %add3A_2298, %mul3A_2304 : vector<16xf32>
        %reduce_sum3A_2306 = arith.constant true
        %reduce_sum3A_2307 = vector.broadcast %reduce_sum3A_2306 : i1 to vector<16xi1>
        %reduce_sum3A_2308 = tpu.scan <sum>, %add3A_2305 masked %reduce_sum3A_2307 : vector<16xf32>, vector<16xi1> -> vector<16xf32>
        %reduce_sum3A_2309 = vector.extract %reduce_sum3A_2308[15] : f32 from vector<16xf32>
        %eq3A_2310 = arith.constant 13 : i32
        %eq3A_2311 = vector.broadcast %eq3A_2310 : i32 to vector<16xi32>
        %eq3A_2312 = arith.cmpi eq, %iota3A, %eq3A_2311 : vector<16xi32>
        %broadcast_in_dim3A_2313 = vector.broadcast %reduce_sum3A_2309 : f32 to vector<16xf32>
        %select_n3A_2314 = arith.select %eq3A_2312, %broadcast_in_dim3A_2313, %select_n3A_2278 : vector<16xi1>, vector<16xf32>
        %add3A_2315 = arith.constant 62 : i32
        %add3A_2316 = arith.addi %mul3A_59, %add3A_2315 : i32
        %get3A_2317 = arith.index_cast %add3A_2316 : i32 to index
        %get3A_2318 = arith.constant 0 : index
        %get3A_2319 = tpu.vector_load %arg10[%get3A_2317, %get3A_2318] {strides = array<i32>} : memref<512x64xf32, #tpu.memory_space<vmem>>, vector<16xf32>,
        %mul3A_2320 = arith.mulf %get3A_2319, %get3A_61 : vector<16xf32>
        %add3A_2321 = arith.constant 62 : i32
        %add3A_2322 = arith.addi %mul3A_59, %add3A_2321 : i32
        %get3A_2323 = arith.index_cast %add3A_2322 : i32 to index
        %get3A_2324 = arith.constant 16 : index
        %get3A_2325 = tpu.vector_load %arg10[%get3A_2323, %get3A_2324] {strides = array<i32>} : memref<512x64xf32, #tpu.memory_space<vmem>>, vector<16xf32>,
        %mul3A_2326 = arith.mulf %get3A_2325, %get3A_64 : vector<16xf32>
        %add3A_2327 = arith.addf %mul3A_2320, %mul3A_2326 : vector<16xf32>
        %add3A_2328 = arith.constant 62 : i32
        %add3A_2329 = arith.addi %mul3A_59, %add3A_2328 : i32
        %get3A_2330 = arith.index_cast %add3A_2329 : i32 to index
        %get3A_2331 = arith.constant 32 : index
        %get3A_2332 = tpu.vector_load %arg10[%get3A_2330, %get3A_2331] {strides = array<i32>} : memref<512x64xf32, #tpu.memory_space<vmem>>, vector<16xf32>,
        %mul3A_2333 = arith.mulf %get3A_2332, %get3A_67 : vector<16xf32>
        %add3A_2334 = arith.addf %add3A_2327, %mul3A_2333 : vector<16xf32>
        %add3A_2335 = arith.constant 62 : i32
        %add3A_2336 = arith.addi %mul3A_59, %add3A_2335 : i32
        %get3A_2337 = arith.index_cast %add3A_2336 : i32 to index
        %get3A_2338 = arith.constant 48 : index
        %get3A_2339 = tpu.vector_load %arg10[%get3A_2337, %get3A_2338] {strides = array<i32>} : memref<512x64xf32, #tpu.memory_space<vmem>>, vector<16xf32>,
        %mul3A_2340 = arith.mulf %get3A_2339, %get3A_70 : vector<16xf32>
        %add3A_2341 = arith.addf %add3A_2334, %mul3A_2340 : vector<16xf32>
        %reduce_sum3A_2342 = arith.constant true
        %reduce_sum3A_2343 = vector.broadcast %reduce_sum3A_2342 : i1 to vector<16xi1>
        %reduce_sum3A_2344 = tpu.scan <sum>, %add3A_2341 masked %reduce_sum3A_2343 : vector<16xf32>, vector<16xi1> -> vector<16xf32>
        %reduce_sum3A_2345 = vector.extract %reduce_sum3A_2344[15] : f32 from vector<16xf32>
        %eq3A_2346 = arith.constant 14 : i32
        %eq3A_2347 = vector.broadcast %eq3A_2346 : i32 to vector<16xi32>
        %eq3A_2348 = arith.cmpi eq, %iota3A, %eq3A_2347 : vector<16xi32>
        %broadcast_in_dim3A_2349 = vector.broadcast %reduce_sum3A_2345 : f32 to vector<16xf32>
        %select_n3A_2350 = arith.select %eq3A_2348, %broadcast_in_dim3A_2349, %select_n3A_2314 : vector<16xi1>, vector<16xf32>
        %add3A_2351 = arith.constant 63 : i32
        %add3A_2352 = arith.addi %mul3A_59, %add3A_2351 : i32
        %get3A_2353 = arith.index_cast %add3A_2352 : i32 to index
        %get3A_2354 = arith.constant 0 : index
        %get3A_2355 = tpu.vector_load %arg10[%get3A_2353, %get3A_2354] {strides = array<i32>} : memref<512x64xf32, #tpu.memory_space<vmem>>, vector<16xf32>,
        %mul3A_2356 = arith.mulf %get3A_2355, %get3A_61 : vector<16xf32>
        %add3A_2357 = arith.constant 63 : i32
        %add3A_2358 = arith.addi %mul3A_59, %add3A_2357 : i32
        %get3A_2359 = arith.index_cast %add3A_2358 : i32 to index
        %get3A_2360 = arith.constant 16 : index
        %get3A_2361 = tpu.vector_load %arg10[%get3A_2359, %get3A_2360] {strides = array<i32>} : memref<512x64xf32, #tpu.memory_space<vmem>>, vector<16xf32>,
        %mul3A_2362 = arith.mulf %get3A_2361, %get3A_64 : vector<16xf32>
        %add3A_2363 = arith.addf %mul3A_2356, %mul3A_2362 : vector<16xf32>
        %add3A_2364 = arith.constant 63 : i32
        %add3A_2365 = arith.addi %mul3A_59, %add3A_2364 : i32
        %get3A_2366 = arith.index_cast %add3A_2365 : i32 to index
        %get3A_2367 = arith.constant 32 : index
        %get3A_2368 = tpu.vector_load %arg10[%get3A_2366, %get3A_2367] {strides = array<i32>} : memref<512x64xf32, #tpu.memory_space<vmem>>, vector<16xf32>,
        %mul3A_2369 = arith.mulf %get3A_2368, %get3A_67 : vector<16xf32>
        %add3A_2370 = arith.addf %add3A_2363, %mul3A_2369 : vector<16xf32>
        %add3A_2371 = arith.constant 63 : i32
        %add3A_2372 = arith.addi %mul3A_59, %add3A_2371 : i32
        %get3A_2373 = arith.index_cast %add3A_2372 : i32 to index
        %get3A_2374 = arith.constant 48 : index
        %get3A_2375 = tpu.vector_load %arg10[%get3A_2373, %get3A_2374] {strides = array<i32>} : memref<512x64xf32, #tpu.memory_space<vmem>>, vector<16xf32>,
        %mul3A_2376 = arith.mulf %get3A_2375, %get3A_70 : vector<16xf32>
        %add3A_2377 = arith.addf %add3A_2370, %mul3A_2376 : vector<16xf32>
        %reduce_sum3A_2378 = arith.constant true
        %reduce_sum3A_2379 = vector.broadcast %reduce_sum3A_2378 : i1 to vector<16xi1>
        %reduce_sum3A_2380 = tpu.scan <sum>, %add3A_2377 masked %reduce_sum3A_2379 : vector<16xf32>, vector<16xi1> -> vector<16xf32>
        %reduce_sum3A_2381 = vector.extract %reduce_sum3A_2380[15] : f32 from vector<16xf32>
        %eq3A_2382 = arith.constant 15 : i32
        %eq3A_2383 = vector.broadcast %eq3A_2382 : i32 to vector<16xi32>
        %eq3A_2384 = arith.cmpi eq, %iota3A, %eq3A_2383 : vector<16xi32>
        %broadcast_in_dim3A_2385 = vector.broadcast %reduce_sum3A_2381 : f32 to vector<16xf32>
        %select_n3A_2386 = arith.select %eq3A_2384, %broadcast_in_dim3A_2385, %select_n3A_2350 : vector<16xi1>, vector<16xf32>
        %swap3A_2387 = arith.index_cast %scan3A_56 : i32 to index
        %swap3A_2388 = arith.constant 48 : index
        %swap3A_2389 = tpu.vector_load %arg11[%swap3A_2387, %swap3A_2388] {strides = array<i32>} : memref<8x64xf32, #tpu.memory_space<vmem>>, vector<16xf32>,
        tpu.vector_store %arg11[%swap3A_2387, %swap3A_2388], %select_n3A_2386 {strides = array<i32>} : memref<8x64xf32, #tpu.memory_space<vmem>>, vector<16xf32>,
      }
      %scan3A_55 = arith.constant 8 : i32
      "tpu.region"() ({
        %run_scoped3A = tpu.sem_alloc : memref<!tpu.dma_semaphore, #tpu.memory_space<semaphore_mem>>
        %dma_start3A_56 = arith.constant 0 : i32
        %dma_start3A_57 = tpu.memref_slice %arg5[%add3A_46, %dma_start3A_56] : memref<16384x64xf32, #tpu.memory_space<hbm>> -> memref<8x64xf32, #tpu.memory_space<hbm>>
        %dma_start3A_58 = arith.constant 0 : i32
        %dma_start3A_59 = tpu.memref_slice %arg5[%add3A_46, %dma_start3A_58] : memref<16384x64xf32, #tpu.memory_space<hbm>> -> memref<8x64xf32, #tpu.memory_space<hbm>>
        tpu.enqueue_dma source(%arg11 : memref<8x64xf32, #tpu.memory_space<vmem>>) target(%dma_start3A_59 : memref<8x64xf32, #tpu.memory_space<hbm>>) target_semaphore(%run_scoped3A : memref<!tpu.dma_semaphore, #tpu.memory_space<semaphore_mem>>)
        %dma_wait3A_60 = arith.constant 0 : i32
        %dma_wait3A_61 = tpu.memref_slice %arg5[%add3A_46, %dma_wait3A_60] : memref<16384x64xf32, #tpu.memory_space<hbm>> -> memref<8x64xf32, #tpu.memory_space<hbm>>
        %dma_wait3A_62 = arith.constant 0 : i32
        %dma_wait3A_63 = tpu.memref_slice %arg5[%add3A_46, %dma_wait3A_62] : memref<16384x64xf32, #tpu.memory_space<hbm>> -> memref<8x64xf32, #tpu.memory_space<hbm>>
        tpu.wait_dma2 semaphore(%run_scoped3A : memref<!tpu.dma_semaphore, #tpu.memory_space<semaphore_mem>>) src(%arg11 : memref<8x64xf32, #tpu.memory_space<vmem>>) dst(%dma_wait3A_63 : memref<8x64xf32, #tpu.memory_space<hbm>>)
        tpu.yield
      }) : () -> ()
    }
    %scan3A_13 = arith.constant 32 : i32
    return
  }
}

module attributes {stable_mosaic.version = 14 : i64} {
  func.func @_tc_loss_body(%arg0: i32, %arg1: memref<2048x64xf32, #tpu.memory_space<vmem>>, %arg2: memref<2048xf32, #tpu.memory_space<vmem>>) attributes {dimension_semantics = [#tpu.dimension_semantics<arbitrary>], iteration_bounds = array<i64: 8>, scalar_prefetch = 0 : i64, scratch_operands = 0 : i64, tpu.core_type = #tpu.core_type<tc>, window_params = [{transform_indices = @transform_0, window_bounds = array<i64: 2048, 64>}, {transform_indices = @transform_1, window_bounds = array<i64: 2048>}]} {
    %get3A = arith.constant 0 : index
    %get3A_0 = arith.constant 0 : index
    %get3A_1 = vector.load %arg1[%get3A, %get3A_0] : memref<2048x64xf32, #tpu.memory_space<vmem>>, vector<2048x64xf32>
    %iota3A = tpu.iota {dimensions = array<i32: 1>} : vector<2048x64xi32>
    %lt3A = arith.constant 10 : i32
    %lt3A_2 = vector.broadcast %lt3A : i32 to vector<2048x64xi32>
    %lt3A_3 = arith.cmpi slt, %iota3A, %lt3A_2 : vector<2048x64xi32>
    %neg3A = arith.constant 0.000000e+00 : f32
    %neg3A_4 = vector.broadcast %neg3A : f32 to vector<2048x64xf32>
    %neg3A_5 = arith.subf %neg3A_4, %get3A_1 : vector<2048x64xf32>
    %select_n3A = arith.select %lt3A_3, %get3A_1, %neg3A_5 : vector<2048x64xi1>, vector<2048x64xf32>
    %neg3A_6 = arith.constant 0.000000e+00 : f32
    %neg3A_7 = vector.broadcast %neg3A_6 : f32 to vector<2048x64xf32>
    %neg3A_8 = arith.subf %neg3A_7, %select_n3A : vector<2048x64xf32>
    %custom_jvp_call3A = arith.constant 0.000000e+00 : f32
    %max3A = vector.broadcast %custom_jvp_call3A : f32 to vector<2048x64xf32>
    %max3A_9 = arith.maximumf %neg3A_8, %max3A : vector<2048x64xf32>
    %sub3A = vector.broadcast %custom_jvp_call3A : f32 to vector<2048x64xf32>
    %sub3A_10 = arith.subf %neg3A_8, %sub3A : vector<2048x64xf32>
    %ne3A = arith.cmpf one, %sub3A_10, %sub3A_10 : vector<2048x64xf32>
    %add3A = vector.broadcast %custom_jvp_call3A : f32 to vector<2048x64xf32>
    %add3A_11 = arith.addf %neg3A_8, %add3A : vector<2048x64xf32>
    %abs3A = math.absf %sub3A_10 : vector<2048x64xf32>
    %neg3A_12 = arith.constant 0.000000e+00 : f32
    %neg3A_13 = vector.broadcast %neg3A_12 : f32 to vector<2048x64xf32>
    %neg3A_14 = arith.subf %neg3A_13, %abs3A : vector<2048x64xf32>
    %exp3A = math.exp %neg3A_14 : vector<2048x64xf32>
    %log1p3A = math.log1p %exp3A : vector<2048x64xf32>
    %add3A_15 = arith.addf %max3A_9, %log1p3A : vector<2048x64xf32>
    %select_n3A_16 = arith.select %ne3A, %add3A_11, %add3A_15 : vector<2048x64xi1>, vector<2048x64xf32>
    %neg3A_17 = arith.constant 0.000000e+00 : f32
    %neg3A_18 = vector.broadcast %neg3A_17 : f32 to vector<2048x64xf32>
    %neg3A_19 = arith.subf %neg3A_18, %select_n3A_16 : vector<2048x64xf32>
    %lt3A_20 = arith.constant 60 : i32
    %lt3A_21 = vector.broadcast %lt3A_20 : i32 to vector<2048x64xi32>
    %lt3A_22 = arith.cmpi slt, %iota3A, %lt3A_21 : vector<2048x64xi32>
    %jit3A = arith.constant 0.000000e+00 : f32
    %broadcast_in_dim3A = vector.broadcast %jit3A : f32 to vector<2048x64xf32>
    %select_n3A_23 = arith.select %lt3A_22, %neg3A_19, %broadcast_in_dim3A : vector<2048x64xi1>, vector<2048x64xf32>
    %reduce_sum3A = arith.constant dense<0.000000e+00> : vector<2048xf32>
    %reduce_sum3A_24 = vector.multi_reduction <add>, %select_n3A_23, %reduce_sum3A [1] : vector<2048x64xf32> to vector<2048xf32>
    %neg3A_25 = arith.constant 0.000000e+00 : f32
    %neg3A_26 = vector.broadcast %neg3A_25 : f32 to vector<2048xf32>
    %neg3A_27 = arith.subf %neg3A_26, %reduce_sum3A_24 : vector<2048xf32>
    %swap3A = arith.constant 0 : index
    %swap3A_28 = vector.load %arg2[%swap3A] : memref<2048xf32, #tpu.memory_space<vmem>>, vector<2048xf32>
    tpu.vector_store %arg2[%swap3A], %neg3A_27 {strides = array<i32>} : memref<2048xf32, #tpu.memory_space<vmem>>, vector<2048xf32>,
    return
  }
  func.func @transform_0(%arg0: i32) -> (i32, i32) {
    %c0_i32 = arith.constant 0 : i32
    %c0_i32_0 = arith.constant 0 : i32
    return %arg0, %c0_i32 : i32, i32
  }
  func.func @transform_1(%arg0: i32) -> i32 {
    %c0_i32 = arith.constant 0 : i32
    return %arg0 : i32
  }
}

</mosaic_0001>

<sc_bundles>
// kernel: gather_offload_async_start
scs
__scs_entry_jumppad:
0x0: {  	(pc) =	sbr.rel $0x88, $3  }
0x1: {  	(tag) =	ssettag $0x0;
	lr =	simm.s32 $0x1  }
0x2: {  	[smem:$0x3F9C] =	sst lr;
	_ =	strace $0xD0000000  }
0x3: {  	_ = 	snop  }
0x4: {  	_ = 	snop  }
0x5: {  	_ = 	snop  }
0x6: {  	_ = 	snop  }
0x7: {  	_ = 	snop  }
__scs_overlays_trampoline_lowered:
0x8: {  	[smem:$0x3FAB] =	sst s0  }
0x9: {  	[smem:$0x3FAC] =	sst s1  }
0xa: {  	[smem:$0x3FAD] =	sst s2  }
0xb: {  	[smem:$0x3FAE] =	sst s3  }
0xc: {  	[smem:$0x3FAF] =	sst s4  }
0xd: {  	[smem:$0x3FB0] =	sst s5  }
0xe: {  	[smem:$0x3FB1] =	sst s6  }
0xf: {  	[smem:$0x3FB2] =	sst s7  }
0x10: {  	[smem:$0x3FB3] =	sst s8  }
0x11: {  	[smem:$0x3FB4] =	sst s9;
	s0 =	simm.s32 @!p0 $0x0  }
0x12: {  	s1 =	sld [smem:$0x3F9A];
	s0 =	simm.s32 @p0 $0x1  }
0x13: {  	[smem:$0x3FB5] =	sst s0;
	s0 =	simm.s32 @!p1 $0x0  }
0x14: {  	s2 =	sld [smem:$0x3F99];
	s0 =	simm.s32 @p1 $0x1  }
0x15: {  	[smem:$0x3FB6] =	sst s0;
	s0 =	simm.s32 @!p2 $0x0  }
0x16: {  	s3 =	sld [smem:$0x3FDB];
	s0 =	simm.s32 @p2 $0x1  }
0x17: {  	s4 =	simm.s32 $0x1BF5;
	[smem:$0x3FB8] =	sst s0  }
0x18: {  	s0 =	sld [smem:$0x3F9B];
	_ =	swait.ge [sflag:s4], $0x0  }
0x19: {  	s7 =	sld [smem:$0x3F9C]  }
0x1a: {  	s8 =	sadd.s32 $0xFFFFE003, lr  }
0x1b: {  	s9 =	sadd.s32 $0xFFFFFEF7, lr;
	s5 =	simm.s32 $0xFFFFFFFF;
	p2 =	slt.u32 s8, $0xFFFFF086  }
0x1c: {  	p1 =	slt.u32 s9, $0xF7A;
	s5 =	simm.s32 @!p2 $0x0  }
0x1d: {  	s5 =	simm.s32 @p1 $0x1;
	p0 =	seq.s32 s7, s2  }
0x1e: {  	s7 =	smul.u32 @!p0 $0xF7A, s2;
	p2 =	seq.s32 @!p0 s5, $0x0  }
0x1f: {  	s9 =	smul.u32 $0xF7A, s1;
	s8 =	simm.s32 @!p0 $0x1BF5;
	p2 =	por !p2, p0  }
0x20: {  	[sflag:s8] =	ssyncset.s32 @!p0 $0xFFFFF086;
	s6 =	sadd.s32 @!p0 s3, s7;
	s7 =	simm.s32 @!p0 $0x108  }
0x21: {  	s3 =	sadd.s32 s3, s9;
	s6 =	sadd.s32 @!p0 $0x88, s6;
	s7 =	simm.s32 @p2 $0x1082  }
0x22: {  	[simem:s7], [sflag:s8] =	dma.local @!p0 [hbm:s6], $0xF7A  }
0x23: {  	s9 =	sor.u32 $0xD0000000, s2;
	s6 =	simm.s32 $0x108;
	_ =	swait.ge @!p0 [sflag:s8], $0x0  }
0x24: {  	s3 =	sadd.s32 $0x88, s3;
	s6 =	simm.s32 @!p1 $0x1082;
	[sflag:s4] =	ssyncset.s32 $0xFFFFF086  }
0x25: {  	[simem:s6], [sflag:s4] =	dma.local [hbm:s3], $0xF7A  }
0x26: {  	[smem:$0x3F9C] =	sst s1;
	(tag) =	ssettag s2;
	_ =	strace s9  }
0x27: {  	s1 =	sld [smem:$0x3FAC]  }
0x28: {  	s2 =	sld [smem:$0x3FAD]  }
0x29: {  	s4 =	sld [smem:$0x3FAF]  }
0x2a: {  	p0 =	seq.s32 s5, $0x0;
	s5 =	sld [smem:$0x3FB0]  }
0x2b: {  	s6 =	sld [smem:$0x3FB1]  }
0x2c: {  	s7 =	sld [smem:$0x3FB2]  }
0x2d: {  	s3 =	simm.s32 $0x108;
	s8 =	sld [smem:$0x3FB3]  }
0x2e: {  	s3 =	simm.s32 @!p0 $0x1082;
	s9 =	sld [smem:$0x3FB4]  }
0x2f: {  	lr =	sadd.s32 s0, s3;
	s0 =	sld [smem:$0x3FAB]  }
0x30: {  	s3 =	sld [smem:$0x3FAE]  }
0x31: {  	[smem:$0x3FB7] =	sst s10  }
0x32: {  	s10 =	sld [smem:$0x3FB5];
	_ =	sdelay $0x3  }
0x33: {  	p0 =	seq.s32 s10, $0x1;
	s10 =	sld [smem:$0x3FB7];
	_ =	sdelay $0x3  }
0x34: {  	[smem:$0x3FB7] =	sst s10  }
0x35: {  	s10 =	sld [smem:$0x3FB6];
	_ =	sdelay $0x3  }
0x36: {  	p1 =	seq.s32 s10, $0x1;
	s10 =	sld [smem:$0x3FB7];
	_ =	sdelay $0x3  }
0x37: {  	[smem:$0x3FB7] =	sst s10  }
0x38: {  	s10 =	sld [smem:$0x3FB8]  }
0x39: {  	_ = 	snop;
	(pc) =	sbr.ind lr, $3  }
0x3a: {  	_ = 	snop  }
0x3b: {  	_ = 	snop  }
0x3c: {  	p2 =	seq.s32 s10, $0x1;
	s10 =	sld [smem:$0x3FB7]  }
0x3d: {  	_ =	shalt  }
0x3e: {  	_ =	shalt  }
0x3f: {  	_ =	shalt  }
0x40: {  	_ =	shalt  }
0x41: {  	_ =	shalt  }
0x42: {  	_ =	shalt  }
0x43: {  	_ =	shalt  }
0x44: {  	_ =	shalt  }
0x45: {  	_ =	shalt  }
0x46: {  	_ =	shalt  }
0x47: {  	_ =	shalt  }
0x48: {  	_ =	shalt  }
0x49: {  	_ =	shalt  }
0x4a: {  	_ =	shalt  }
0x4b: {  	_ =	shalt  }
0x4c: {  	_ =	shalt  }
0x4d: {  	_ =	shalt  }
0x4e: {  	_ =	shalt  }
0x4f: {  	_ =	shalt  }
0x50: {  	_ =	shalt  }
0x51: {  	_ =	shalt  }
0x52: {  	_ =	shalt  }
0x53: {  	_ =	shalt  }
0x54: {  	_ =	shalt  }
0x55: {  	_ =	shalt  }
0x56: {  	_ =	shalt  }
0x57: {  	_ =	shalt  }
0x58: {  	_ =	shalt  }
0x59: {  	_ =	shalt  }
0x5a: {  	_ =	shalt  }
0x5b: {  	_ =	shalt  }
0x5c: {  	_ =	shalt  }
0x5d: {  	_ =	shalt  }
0x5e: {  	_ =	shalt  }
0x5f: {  	_ =	shalt  }
0x60: {  	_ =	shalt  }
0x61: {  	_ =	shalt  }
0x62: {  	_ =	shalt  }
0x63: {  	_ =	shalt  }
0x64: {  	_ =	shalt  }
0x65: {  	_ =	shalt  }
0x66: {  	_ =	shalt  }
0x67: {  	_ =	shalt  }
0x68: {  	_ =	shalt  }
0x69: {  	_ =	shalt  }
0x6a: {  	_ =	shalt  }
0x6b: {  	_ =	shalt  }
0x6c: {  	_ =	shalt  }
0x6d: {  	_ =	shalt  }
0x6e: {  	_ =	shalt  }
0x6f: {  	_ =	shalt  }
0x70: {  	_ =	shalt  }
0x71: {  	_ =	shalt  }
0x72: {  	_ =	shalt  }
0x73: {  	_ =	shalt  }
0x74: {  	_ =	shalt  }
0x75: {  	_ =	shalt  }
0x76: {  	_ =	shalt  }
0x77: {  	_ =	shalt  }
0x78: {  	_ =	shalt  }
0x79: {  	_ =	shalt  }
0x7a: {  	_ =	shalt  }
0x7b: {  	_ =	shalt  }
0x7c: {  	_ =	shalt  }
0x7d: {  	_ =	shalt  }
0x7e: {  	_ =	shalt  }
0x7f: {  	_ =	shalt  }
0x80: {  	_ =	shalt  }
0x81: {  	_ =	shalt  }
0x82: {  	_ =	shalt  }
0x83: {  	_ =	shalt  }
0x84: {  	_ =	shalt  }
0x85: {  	_ =	shalt  }
0x86: {  	_ =	shalt  }
0x87: {  	_ =	shalt  }
.Lfunc_end0:
.L_simem_size_0:
called_computation_lowered:
.L_overlay_start_0:
0x88: {  	s2 =	sld [smem:$0x3FD9]  }
0x89: {  	s3 =	sld [smem:$0x3FFE];
	_ =	sdelay $0x1  }
0x8a: {  	s1 =	srdreg.scid  }
0x8b: {  	s0 =	sand.u32 $0x1, s1  }
0x8c: {  	s17 =	sshll.u32 s0, $0xA;
	s2 =	sadd.s32 s3, s2  }
0x8d: {  	s2 =	sadd.s32 s2, s17  }
0x8e: {  	[smem:$0x3FC3] =	sst s2  }
0x8f: {  	_ = 	snop  }
0x90: {  	s2 =	sld [smem:$0x3FD0];
	(tm) =	ssettm $0x1  }
0x91: {  	s18 =	sld [smem:$0x3FFB];
	_ =	sdelay $0x3  }
0x92: {  	_ =	strace s18  }
0x93: {  	s3 =	sld [smem:$0x3FFC];
	_ =	sdelay $0x3  }
0x94: {  	_ =	strace s3  }
0x95: {  	s3 =	sld [smem:$0x3FFD];
	_ =	sdelay $0x3  }
0x96: {  	_ =	strace s3  }
0x97: {  	_ =	strace $0x8FFFFFFF  }
0x98: {  	s19 =	sld [smem:$0x3FDB];
	_ =	sdelay $0x1  }
0x99: {  	s4 =	simm.s32 $_scs_section_size  }
0x9a: {  	s5 =	simm.s32 $_size__tile_overlayer_lowered;
	s6 =	simm.s32 $_tile_overlayer_lowered  }
0x9b: {  	s22 =	simm.s32 $0x1BFF;
	s21 =	sshll.u32 s6, $0x1;
	s3 =	sadd.s32 s4, s19  }
0x9c: {  	s7 =	simm.s32 $0x0;
	s20 =	sshll.u32 s5, $0x1;
	s5 =	sadd.s32 s21, s3  }
0x9d: {  	[timem:s7], [sflag:s22] =	dma.local [hbm:s5], s20  }
0x9e: {  	_ =	swait.ge [sflag:s22], s20  }
0x9f: {  	s4 =	ssub.s32 $0x0, s20;
	[sflag:s22] =	ssyncset.done $0x0  }
0xa0: {  	[sflag:s22] =	ssyncadd.s32 s4;
	_ =	sdelay $0x1  }
0xa1: {  	s23 =	simm.s32 $0x1B8B  }
0xa2: {  	_ =	swait.ge [sflag:s23], $0x1  }
0xa3: {  	[sflag:s23] =	ssyncset.done $0x0  }
0xa4: {  	s25 =	simm.s32 $0x1B8E;
	s24 =	sld [smem:$0x3FFE];
	[sflag:s23] =	ssyncadd.s32 $0xFFFFFFFF  }
0xa5: {  	s26 =	simm.s32 $execute0_lowered;
	[smem:$0x3FD2] =	sst s25  }
0xa6: {  	s5 =	sshll.u32 s26, $0x1;
	_ =	strace $0x80000046;
	[dreg:$0x1] =	wrdreg $0xFFFFFFFF  }
0xa7: {  	s28 =	simm.s32 $_size_execute0_lowered;
	s3 =	sadd.s32 s3, s5;
	[dreg:$0x0] =	wrdreg $0x0  }
0xa8: {  	s5 =	sshll.u32 s28, $0x1;
	[dreg:$0x2] =	wrdreg s3  }
0xa9: {  	[dreg:$0x3] =	wrdreg s5  }
0xaa: {  	[dreg:$0x4] =	wrdreg $0xC0  }
0xab: {  	_ =	task [dreg:s7], $0x5FFFF  }
0xac: {  	[dreg:$0x1] =	wrdreg $0xFFFFFFFF  }
0xad: {  	[dreg:$0x0] =	wrdreg $0x60  }
0xae: {  	[dreg:$0x2] =	wrdreg s24  }
0xaf: {  	[dreg:$0x3] =	wrdreg s2  }
0xb0: {  	[dreg:$0x4] =	wrdreg $0x9  }
0xb1: {  	_ =	task.clear_ibuf [dreg:s7], $0x5FFFF;
	_ =	strace $0x90000046  }
0xb2: {  	s29 =	simm.s32 $0x9;
	_ =	strace $0x80000048  }
0xb3: {  	_ =	swait.ge [sflag:s29], $0x1  }
0xb4: {  	[sflag:s29] =	ssyncadd.s32 $0xFFFFFFFF  }
0xb5: {  	_ =	strace $0x90000048  }
0xb6: {  	_ =	sfence  }
0xb7: {  	s30 =	sld [smem:$0x0];
	_ =	sdelay $0x2  }
0xb8: {  	s31 =	sshll.u32 s1, $0xD;
	s1 =	sshrl.u32 s1, $0x2  }
0xb9: {  	s3 =	sand.u32 $0x4000, s31;
	s1 =	sadd.s32 s1, s30  }
0xba: {  	s0 =	sor.u32 s3, s0;
	s1 =	sshll.u32 s1, $0x11  }
0xbb: {  	s0 =	sor.u32 s1, s0  }
0xbc: {  	s0 =	sadd.s32 $0x8F2B, s0  }
0xbd: {  	[sflag:s0] =	ssyncadd.remote.s32 $0x1  }
0xbe: {  	_ =	sfence.sel $0xFFFF  }
0xbf: {  	[dreg:$0x0] =	wrdreg $0xFFFFFFFF;
	(pc) =	sbr.abs _section_cstart, $3  }
0xc0: {  	[dreg:$0x1] =	wrdreg $0xFFFFFFFF  }
0xc1: {  	_ =	task.clear_ibuf [dreg:s7], $0x2FFFF;
	_ =	strace $0x9FFFFFFF  }
0xc2: {  	(tm) =	ssettm $0x7FFFFFFF  }
0xc3: {  	_ =	shalt  }
tec
execute0_lowered:
.L_overlay_start_1:
0x0: {  	(tag) =	ssettag $0x1  }
0x1: {  	s7 =	rddreg [dreg:$0x0]  }
0x2: {  	s2 =	rddreg [dreg:$0x1]  }
0x3: {  	s0 =	rddreg [dreg:$0x2]  }
0x4: {  	s1 =	srdreg.scid;
	_ =	strace $0x80000047;
	s4 =	simm.s32 $0x1  }
0x5: {  	s9 =	simm.s32 $0x3;
	s11 =	simm.s32 $0x0;
	s5 =	sshll.u32 s1, $0x4  }
.Ltmp0:
0x6: {  	s1 =	stileid.u32;
	s5 =	sand.u32 $0x10, s5;
	(pc) =	sbr.rel .LBB2_1-.Ltmp0, $4  }
0x7: {  	p0 =	por $0x0, $0x0;
	s3 =	sadd.s32 $0x2E00, s7;
	s6 =	sor.u32 s1, s5  }
0x8: {  	[sflag:s4] =	ssyncpa.u1 $0x0;
	s5 =	simm.s32 $0x2;
	s6 =	sshll.u32 s6, $0x9  }
0x9: {  	s7 =	sadd.s32 $0xF45200, s7;
	[sflag:s5] =	ssyncpa.u1 $0x0;
	s8 =	sadd.s32 $0x200, s6  }
0xa: {  	vm0 =	vmmov $0xff;
	vm1 =	vcmask $0x3F20;
	[sflag:s9] =	ssyncpa.u1 $0x0;
	s10 =	smov.u32 s6;
	s9 =	simm.s32 $0x0  }
.LBB2_7:
0xb: {  	p1 =	slt.u32 s9, $0x2;
	s11 =	sadd.s32 $0x100, s10  }
0xc: {  	s13 =	smov.u32 s6;
	s9 =	sadd.s32 $0x1, s9;
	p2 =	slt.s32 s11, s8  }
0xd: {  	s13 =	smov.u32 @p2 s11;
	p2 =	sne.s32 s9, $0x4  }
.Ltmp1:
0xe: {  	_ = 	snop;
	(pc) =	sbr.rel @!p2 .LBB2_8-.Ltmp1, $4  }
0xf: {  	s12 =	simm.s32 @!p1 $0x3  }
0x10: {  	_ =	swait.ge @!p1 [sflag:s12], $0x8000  }
0x11: {  	p0 =	por !p0, !p0;
	[sflag:s12] =	ssyncset.done @!p1 $0x0  }
0x12: {  	s11 =	smov.u32 s10;
	s10 =	smov.u32 s13;
	[sflag:s12] =	ssyncadd.s32 @!p1 $0xFFFF8000  }
.LBB2_1:
0x13: {  	p1 =	sgt.u32 s9, $0x1  }
0x14: {  	s12 =	sshll.u32 @!p1 s9, $0x8;
	s13 =	sshrl.u32 @!p1 s10, $0x3  }
0x15: {  	s14 =	sand.u32 @!p1 $0x7, s10;
	s12 =	sxor.u32 @!p1 $0x100, s12;
	s13 =	sadd.s32 @!p1 s2, s13  }
0x16: {  	[tilespmem:s12], [sflag:$0x2] =	stream.linear.gather @!p1 [hbm4b:s13+s14], $0x100, $0x38;
	[tilespmem:$0x10200] =	vst v63  }
0x17: {  	p1 =	seq.s32 s9, $0x0  }
0x18: {  	p2 =	seq.s32 @!p1 s9, $0x3  }
0x19: {  	p1 =	por p1, p2  }
.Ltmp2:
0x1a: {  	_ = 	snop;
	(pc) =	sbr.rel @p1 .LBB2_7-.Ltmp2, $1  }
0x1b: {  	_ =	sdelay $0x3  }
0x1c: {  	s12 =	simm.s32 $0x1  }
0x1d: {  	_ =	swait.ge [sflag:s5], $0x100;
	s12 =	simm.s32 @!p0 $0x0  }
0x1e: {  	[sflag:s5] =	ssyncset.done $0x0;
	s14 =	sshll.u32 s12, $0x8  }
0x1f: {  	[sflag:s5] =	ssyncadd.s32 $0xFFFFFF00;
	s13 =	sadd.s32 $0x0, s14  }
0x20: {  	v0 =	vld.msk [tilespmem:s13+$0x0 ss:$0x1], $0xffff;
	_ =	sdelay $0x4  }
0x21: {  	vm2 =	vgt.s32 v0, $0x0  }
0x22: {  	v0 =	vnsel vm2, $0x0, v0  }
0x23: {  	v0 =	vmin.u32 v0, $0xF423F  }
0x24: {  	v0 =	vshll.u32 v0, $0x4;
	_ =	sdelay $0x2  }
0x25: {  	s12 =	sshll.u32 s12, $0xF  }
0x26: {  	s12 =	sor.u32 $0x200, s12  }
0x27: {  	[tilespmem:s12], [sflag:$0x1] =	stream.indirect_vreg.gather [hbm:s3], $0x80, v0, vm0, $0x38;
	[tilespmem:$0x10200] =	vst v63  }
0x28: {  	s15 =	sadd.s32 $0x10, s14;
	s13 =	sadd.s32 $0x400, s12  }
0x29: {  	[tilespmem:s13], [sflag:$0x1] =	stream.indirect_vreg.gather [hbm:s3], $0x80, v0, vm1, $0x38;
	[tilespmem:$0x10200] =	vst v63  }
0x2a: {  	s16 =	simm.s32 $0x80;
	v0 =	vld.msk [tilespmem:s15+$0x0 ss:$0x1], $0xffff;
	s15 =	smov.u32 s12  }
.LBB2_3:
0x2b: {  	p1 =	sne.s32 s16, $0x3C0;
	_ =	sdelay $0x4  }
0x2c: {  	vm2 =	vgt.s32 v0, $0x0  }
0x2d: {  	v0 =	vnsel vm2, $0x0, v0  }
0x2e: {  	v0 =	vmin.u32 v0, $0xF423F  }
0x2f: {  	v0 =	vshll.u32 v0, $0x4;
	_ =	sdelay $0x3  }
.Ltmp3:
0x30: {  	s17 =	sshra.s32 s16, $0x2;
	s15 =	sadd.s32 $0x800, s15;
	(pc) =	sbr.rel @p1 .LBB2_3-.Ltmp3, $4  }
0x31: {  	[tilespmem:s15], [sflag:$0x1] =	stream.indirect_vreg.gather [hbm:s3], $0x80, v0, vm0, $0x38;
	[tilespmem:$0x10200] =	vst v63  }
0x32: {  	s17 =	sadd.s32 s17, s14;
	s18 =	sadd.s32 $0x400, s15  }
0x33: {  	[tilespmem:s18], [sflag:$0x1] =	stream.indirect_vreg.gather [hbm:s3], $0x80, v0, vm1, $0x38;
	[tilespmem:$0x10200] =	vst v63  }
0x34: {  	s16 =	sadd.s32 $0x40, s16;
	v0 =	vld.msk [tilespmem:s17+$0x0 ss:$0x1], $0xffff  }
0x35: {  	_ =	sdelay $0x3  }
0x36: {  	vm2 =	vgt.s32 v0, $0x0  }
0x37: {  	v0 =	vnsel vm2, $0x0, v0  }
0x38: {  	v0 =	vmin.u32 v0, $0xF423F  }
0x39: {  	v0 =	vshll.u32 v0, $0x4;
	_ =	sdelay $0x3  }
0x3a: {  	s14 =	sadd.s32 $0x800, s15  }
0x3b: {  	[tilespmem:s14], [sflag:$0x1] =	stream.indirect_vreg.gather [hbm:s3], $0x80, v0, vm0, $0x38;
	[tilespmem:$0x10200] =	vst v63  }
0x3c: {  	s14 =	sadd.s32 $0x400, s14  }
0x3d: {  	[tilespmem:s14], [sflag:$0x1] =	stream.indirect_vreg.gather [hbm:s3], $0x80, v0, vm1, $0x38;
	[tilespmem:$0x10200] =	vst v63  }
0x3e: {  	s11 =	sshll.u32 s11, $0x4;
	_ =	swait.ge [sflag:s4], $0x8000  }
0x3f: {  	s11 =	sadd.s32 s11, s7;
	[sflag:s4] =	ssyncset.done $0x0  }
0x40: {  	s15 =	sadd.s32 $0x0, s11;
	s14 =	simm.s32 $0x80;
	[sflag:s4] =	ssyncadd.s32 $0xFFFF8000  }
.LBB2_5:
0x41: {  	[hbm:s15] =	stream.linear.scatter [tilespmem:s12], [sflag:$0x3], $0x400, $0x38;
	[tilespmem:$0x10200] =	vst v63  }
0x42: {  	s15 =	smov.u32 s14;
	s12 =	smov.u32 s13;
	p1 =	sne.s32 s14, $0xF80  }
.Ltmp4:
0x43: {  	s14 =	sadd.s32 $0x80, s14;
	(pc) =	sbr.rel @p1 .LBB2_5-.Ltmp4, $2  }
0x44: {  	_ =	sdelay $0x2  }
0x45: {  	s13 =	sadd.s32 $0x400, s13;
	s15 =	sadd.s32 s15, s11  }
.Ltmp5:
0x46: {  	(pc) =	sbr.rel .LBB2_7-.Ltmp5, $2  }
0x47: {  	_ =	sdelay $0x2  }
0x48: {  	[hbm:s15] =	stream.linear.scatter [tilespmem:s12], [sflag:$0x3], $0x400, $0x38;
	[tilespmem:$0x10200] =	vst v63  }
.LBB2_8:
0x49: {  	_ =	sfence.sel $0x180000  }
0x4a: {  	s2 =	simm.s32 $0x2;
	[bflag:$0x0] =	sbarrier.arrive $0xFFFF  }
0x4b: {  	s30 =	simm.s32 $0x3;
	[sflag:s2] =	ssyncpa.u1 $0x1  }
0x4c: {  	s31 =	simm.s32 $0x1;
	[sflag:s30] =	ssyncpa.u1 $0x1  }
0x4d: {  	[sflag:s31] =	ssyncpa.u1 $0x1  }
0x4e: {  	p0 =	sne.s32 s1, $0x0;
	_ =	strace $0x90000047  }
0x4f: {  	s0 =	sadd.s32 @!p0 $0x100000, s0;
	[bflag:$0x2] =	sbarrier.arrive $0xFFFF  }
0x50: {  	[sflag:s0] =	ssyncadd.tile.s32 @!p0 $0x1;
	_ =	shalt  }
.Lfunc_end2:
_tile_overlayer_lowered:
.L_overlay_start_2:
0x51: {  	(tag) =	ssettag $0x2  }
0x52: {  	s0 =	rddreg [dreg:$0x0];
	s2 =	stileid.u32  }
0x53: {  	s1 =	rddreg [dreg:$0x1];
	p0 =	sne.s32 s2, $0x0  }
0x54: {  	s3 =	rddreg [dreg:$0x2];
	[bflag:$0x3] =	sbarrier.arrive $0xFFFF;
	s2 =	simm.s32 @!p0 $0x1C01  }
0x55: {  	[timem:s3], [sflag:s2] =	dma.local @!p0 [hbm:s0], s1  }
0x56: {  	s0 =	simm.s32 @!p0 $0x1  }
0x57: {  	_ =	swait.ge @!p0 [sflag:s0], s1  }
0x58: {  	s1 =	ssub.s32 @!p0 $0x0, s1;
	[sflag:s0] =	ssyncset.done @!p0 $0x0  }
0x59: {  	[sflag:s0] =	ssyncadd.s32 @!p0 s1  }
0x5a: {  	[bflag:$0x3] =	sbarrier.arrive $0xFFFF  }
0x5b: {  	_ =	shalt  }

// kernel: kernel.4.cloned.1.call-start
scs
__scs_entry_jumppad:
0x0: {  	(pc) =	sbr.rel $0x88, $3  }
0x1: {  	(tag) =	ssettag $0x0;
	lr =	simm.s32 $0x1  }
0x2: {  	[smem:$0x3F9C] =	sst lr;
	_ =	strace $0xD0000000  }
0x3: {  	_ = 	snop  }
0x4: {  	_ = 	snop  }
0x5: {  	_ = 	snop  }
0x6: {  	_ = 	snop  }
0x7: {  	_ = 	snop  }
__scs_overlays_trampoline_lowered:
0x8: {  	[smem:$0x3FAB] =	sst s0  }
0x9: {  	[smem:$0x3FAC] =	sst s1  }
0xa: {  	[smem:$0x3FAD] =	sst s2  }
0xb: {  	[smem:$0x3FAE] =	sst s3  }
0xc: {  	[smem:$0x3FAF] =	sst s4  }
0xd: {  	[smem:$0x3FB0] =	sst s5  }
0xe: {  	[smem:$0x3FB1] =	sst s6  }
0xf: {  	[smem:$0x3FB2] =	sst s7  }
0x10: {  	[smem:$0x3FB3] =	sst s8  }
0x11: {  	[smem:$0x3FB4] =	sst s9;
	s0 =	simm.s32 @!p0 $0x0  }
0x12: {  	s1 =	sld [smem:$0x3F9A];
	s0 =	simm.s32 @p0 $0x1  }
0x13: {  	[smem:$0x3FB5] =	sst s0;
	s0 =	simm.s32 @!p1 $0x0  }
0x14: {  	s2 =	sld [smem:$0x3F99];
	s0 =	simm.s32 @p1 $0x1  }
0x15: {  	[smem:$0x3FB6] =	sst s0;
	s0 =	simm.s32 @!p2 $0x0  }
0x16: {  	s3 =	sld [smem:$0x3FDB];
	s0 =	simm.s32 @p2 $0x1  }
0x17: {  	s4 =	simm.s32 $0x1BF5;
	[smem:$0x3FB8] =	sst s0  }
0x18: {  	s0 =	sld [smem:$0x3F9B];
	_ =	swait.ge [sflag:s4], $0x0  }
0x19: {  	s7 =	sld [smem:$0x3F9C]  }
0x1a: {  	s8 =	sadd.s32 $0xFFFFE003, lr  }
0x1b: {  	s9 =	sadd.s32 $0xFFFFFEF7, lr;
	s5 =	simm.s32 $0xFFFFFFFF;
	p2 =	slt.u32 s8, $0xFFFFF086  }
0x1c: {  	p1 =	slt.u32 s9, $0xF7A;
	s5 =	simm.s32 @!p2 $0x0  }
0x1d: {  	s5 =	simm.s32 @p1 $0x1;
	p0 =	seq.s32 s7, s2  }
0x1e: {  	s7 =	smul.u32 @!p0 $0xF7A, s2;
	p2 =	seq.s32 @!p0 s5, $0x0  }
0x1f: {  	s9 =	smul.u32 $0xF7A, s1;
	s8 =	simm.s32 @!p0 $0x1BF5;
	p2 =	por !p2, p0  }
0x20: {  	[sflag:s8] =	ssyncset.s32 @!p0 $0xFFFFF086;
	s6 =	sadd.s32 @!p0 s3, s7;
	s7 =	simm.s32 @!p0 $0x108  }
0x21: {  	s3 =	sadd.s32 s3, s9;
	s6 =	sadd.s32 @!p0 $0x88, s6;
	s7 =	simm.s32 @p2 $0x1082  }
0x22: {  	[simem:s7], [sflag:s8] =	dma.local @!p0 [hbm:s6], $0xF7A  }
0x23: {  	s9 =	sor.u32 $0xD0000000, s2;
	s6 =	simm.s32 $0x108;
	_ =	swait.ge @!p0 [sflag:s8], $0x0  }
0x24: {  	s3 =	sadd.s32 $0x88, s3;
	s6 =	simm.s32 @!p1 $0x1082;
	[sflag:s4] =	ssyncset.s32 $0xFFFFF086  }
0x25: {  	[simem:s6], [sflag:s4] =	dma.local [hbm:s3], $0xF7A  }
0x26: {  	[smem:$0x3F9C] =	sst s1;
	(tag) =	ssettag s2;
	_ =	strace s9  }
0x27: {  	s1 =	sld [smem:$0x3FAC]  }
0x28: {  	s2 =	sld [smem:$0x3FAD]  }
0x29: {  	s4 =	sld [smem:$0x3FAF]  }
0x2a: {  	p0 =	seq.s32 s5, $0x0;
	s5 =	sld [smem:$0x3FB0]  }
0x2b: {  	s6 =	sld [smem:$0x3FB1]  }
0x2c: {  	s7 =	sld [smem:$0x3FB2]  }
0x2d: {  	s3 =	simm.s32 $0x108;
	s8 =	sld [smem:$0x3FB3]  }
0x2e: {  	s3 =	simm.s32 @!p0 $0x1082;
	s9 =	sld [smem:$0x3FB4]  }
0x2f: {  	lr =	sadd.s32 s0, s3;
	s0 =	sld [smem:$0x3FAB]  }
0x30: {  	s3 =	sld [smem:$0x3FAE]  }
0x31: {  	[smem:$0x3FB7] =	sst s10  }
0x32: {  	s10 =	sld [smem:$0x3FB5];
	_ =	sdelay $0x3  }
0x33: {  	p0 =	seq.s32 s10, $0x1;
	s10 =	sld [smem:$0x3FB7];
	_ =	sdelay $0x3  }
0x34: {  	[smem:$0x3FB7] =	sst s10  }
0x35: {  	s10 =	sld [smem:$0x3FB6];
	_ =	sdelay $0x3  }
0x36: {  	p1 =	seq.s32 s10, $0x1;
	s10 =	sld [smem:$0x3FB7];
	_ =	sdelay $0x3  }
0x37: {  	[smem:$0x3FB7] =	sst s10  }
0x38: {  	s10 =	sld [smem:$0x3FB8]  }
0x39: {  	_ = 	snop;
	(pc) =	sbr.ind lr, $3  }
0x3a: {  	_ = 	snop  }
0x3b: {  	_ = 	snop  }
0x3c: {  	p2 =	seq.s32 s10, $0x1;
	s10 =	sld [smem:$0x3FB7]  }
0x3d: {  	_ =	shalt  }
0x3e: {  	_ =	shalt  }
0x3f: {  	_ =	shalt  }
0x40: {  	_ =	shalt  }
0x41: {  	_ =	shalt  }
0x42: {  	_ =	shalt  }
0x43: {  	_ =	shalt  }
0x44: {  	_ =	shalt  }
0x45: {  	_ =	shalt  }
0x46: {  	_ =	shalt  }
0x47: {  	_ =	shalt  }
0x48: {  	_ =	shalt  }
0x49: {  	_ =	shalt  }
0x4a: {  	_ =	shalt  }
0x4b: {  	_ =	shalt  }
0x4c: {  	_ =	shalt  }
0x4d: {  	_ =	shalt  }
0x4e: {  	_ =	shalt  }
0x4f: {  	_ =	shalt  }
0x50: {  	_ =	shalt  }
0x51: {  	_ =	shalt  }
0x52: {  	_ =	shalt  }
0x53: {  	_ =	shalt  }
0x54: {  	_ =	shalt  }
0x55: {  	_ =	shalt  }
0x56: {  	_ =	shalt  }
0x57: {  	_ =	shalt  }
0x58: {  	_ =	shalt  }
0x59: {  	_ =	shalt  }
0x5a: {  	_ =	shalt  }
0x5b: {  	_ =	shalt  }
0x5c: {  	_ =	shalt  }
0x5d: {  	_ =	shalt  }
0x5e: {  	_ =	shalt  }
0x5f: {  	_ =	shalt  }
0x60: {  	_ =	shalt  }
0x61: {  	_ =	shalt  }
0x62: {  	_ =	shalt  }
0x63: {  	_ =	shalt  }
0x64: {  	_ =	shalt  }
0x65: {  	_ =	shalt  }
0x66: {  	_ =	shalt  }
0x67: {  	_ =	shalt  }
0x68: {  	_ =	shalt  }
0x69: {  	_ =	shalt  }
0x6a: {  	_ =	shalt  }
0x6b: {  	_ =	shalt  }
0x6c: {  	_ =	shalt  }
0x6d: {  	_ =	shalt  }
0x6e: {  	_ =	shalt  }
0x6f: {  	_ =	shalt  }
0x70: {  	_ =	shalt  }
0x71: {  	_ =	shalt  }
0x72: {  	_ =	shalt  }
0x73: {  	_ =	shalt  }
0x74: {  	_ =	shalt  }
0x75: {  	_ =	shalt  }
0x76: {  	_ =	shalt  }
0x77: {  	_ =	shalt  }
0x78: {  	_ =	shalt  }
0x79: {  	_ =	shalt  }
0x7a: {  	_ =	shalt  }
0x7b: {  	_ =	shalt  }
0x7c: {  	_ =	shalt  }
0x7d: {  	_ =	shalt  }
0x7e: {  	_ =	shalt  }
0x7f: {  	_ =	shalt  }
0x80: {  	_ =	shalt  }
0x81: {  	_ =	shalt  }
0x82: {  	_ =	shalt  }
0x83: {  	_ =	shalt  }
0x84: {  	_ =	shalt  }
0x85: {  	_ =	shalt  }
0x86: {  	_ =	shalt  }
0x87: {  	_ =	shalt  }
.Lfunc_end0:
.L_simem_size_0:
called_computation.1_lowered:
.L_overlay_start_0:
0x88: {  	s2 =	sld [smem:$0x3FD9]  }
0x89: {  	s3 =	sld [smem:$0x3FFE];
	_ =	sdelay $0x1  }
0x8a: {  	s1 =	srdreg.scid  }
0x8b: {  	s0 =	sand.u32 $0x1, s1  }
0x8c: {  	s16 =	sshll.u32 s0, $0xA;
	s2 =	sadd.s32 s3, s2  }
0x8d: {  	s2 =	sadd.s32 s2, s16  }
0x8e: {  	[smem:$0x3FC3] =	sst s2  }
0x8f: {  	_ = 	snop  }
0x90: {  	(tm) =	ssettm $0x1  }
0x91: {  	s17 =	sld [smem:$0x3FFB];
	_ =	sdelay $0x3  }
0x92: {  	_ =	strace s17  }
0x93: {  	s2 =	sld [smem:$0x3FFC];
	_ =	sdelay $0x3  }
0x94: {  	_ =	strace s2  }
0x95: {  	s2 =	sld [smem:$0x3FFD];
	_ =	sdelay $0x3  }
0x96: {  	_ =	strace s2  }
0x97: {  	_ =	strace $0x8FFFFFFF  }
0x98: {  	s18 =	sld [smem:$0x3FDB];
	_ =	sdelay $0x1  }
0x99: {  	s19 =	simm.s32 $_scs_section_size  }
0x9a: {  	s4 =	simm.s32 $_size__tile_overlayer_lowered;
	s5 =	simm.s32 $_tile_overlayer_lowered  }
0x9b: {  	s22 =	simm.s32 $0x1BFF;
	s21 =	sshll.u32 s5, $0x1;
	s2 =	sadd.s32 s19, s18  }
0x9c: {  	s6 =	simm.s32 $0x0;
	s20 =	sshll.u32 s4, $0x1;
	s4 =	sadd.s32 s21, s2  }
0x9d: {  	[timem:s6], [sflag:s22] =	dma.local [hbm:s4], s20  }
0x9e: {  	_ =	swait.ge [sflag:s22], s20  }
0x9f: {  	s3 =	ssub.s32 $0x0, s20;
	[sflag:s22] =	ssyncset.done $0x0  }
0xa0: {  	[sflag:s22] =	ssyncadd.s32 s3;
	_ =	sdelay $0x1  }
0xa1: {  	s23 =	simm.s32 $0x1B8B  }
0xa2: {  	_ =	swait.ge [sflag:s23], $0x1  }
0xa3: {  	[sflag:s23] =	ssyncset.done $0x0  }
0xa4: {  	s25 =	simm.s32 $0x1B8E;
	s24 =	sld [smem:$0x3FFE];
	[sflag:s23] =	ssyncadd.s32 $0xFFFFFFFF  }
0xa5: {  	s26 =	simm.s32 $execute0_lowered;
	[smem:$0x3FD2] =	sst s25  }
0xa6: {  	s4 =	sshll.u32 s26, $0x1;
	_ =	strace $0x80000049;
	[dreg:$0x1] =	wrdreg $0xFFFFFFFF  }
0xa7: {  	s28 =	simm.s32 $_size_execute0_lowered;
	s2 =	sadd.s32 s2, s4;
	[dreg:$0x0] =	wrdreg $0x0  }
0xa8: {  	s4 =	sshll.u32 s28, $0x1;
	[dreg:$0x2] =	wrdreg s2  }
0xa9: {  	[dreg:$0x3] =	wrdreg s4  }
0xaa: {  	[dreg:$0x4] =	wrdreg $0xC0  }
0xab: {  	_ =	task [dreg:s6], $0x5FFFF  }
0xac: {  	[dreg:$0x1] =	wrdreg $0xFFFFFFFF  }
0xad: {  	[dreg:$0x0] =	wrdreg $0x60  }
0xae: {  	[dreg:$0x2] =	wrdreg s24  }
0xaf: {  	[dreg:$0x3] =	wrdreg $0x9  }
0xb0: {  	_ =	task.clear_ibuf [dreg:s6], $0x4FFFF;
	_ =	strace $0x90000049  }
0xb1: {  	s29 =	simm.s32 $0x9;
	_ =	strace $0x8000004B  }
0xb2: {  	_ =	swait.ge [sflag:s29], $0x1  }
0xb3: {  	[sflag:s29] =	ssyncadd.s32 $0xFFFFFFFF  }
0xb4: {  	_ =	strace $0x9000004B  }
0xb5: {  	_ =	sfence  }
0xb6: {  	s30 =	sld [smem:$0x0];
	_ =	sdelay $0x2  }
0xb7: {  	s31 =	sshll.u32 s1, $0xD;
	s1 =	sshrl.u32 s1, $0x2  }
0xb8: {  	s3 =	sand.u32 $0x4000, s31;
	s1 =	sadd.s32 s1, s30  }
0xb9: {  	s0 =	sor.u32 s3, s0;
	s1 =	sshll.u32 s1, $0x11  }
0xba: {  	s0 =	sor.u32 s1, s0  }
0xbb: {  	s0 =	sadd.s32 $0x8F2B, s0  }
0xbc: {  	[sflag:s0] =	ssyncadd.remote.s32 $0x1  }
0xbd: {  	_ =	sfence.sel $0xFFFF  }
0xbe: {  	[dreg:$0x0] =	wrdreg $0xFFFFFFFF;
	(pc) =	sbr.abs _section_cstart, $3  }
0xbf: {  	[dreg:$0x1] =	wrdreg $0xFFFFFFFF  }
0xc0: {  	_ =	task.clear_ibuf [dreg:s6], $0x2FFFF;
	_ =	strace $0x9FFFFFFF  }
0xc1: {  	(tm) =	ssettm $0x7FFFFFFF  }
tec
execute0_lowered:
.L_overlay_start_1:
0x0: {  	(tag) =	ssettag $0x1  }
0x1: {  	s5 =	rddreg [dreg:$0x0]  }
0x2: {  	s0 =	rddreg [dreg:$0x1];
	s3 =	srdreg.scid  }
0x3: {  	s1 =	stileid.u32;
	s2 =	simm.s32 $0x0;
	s11 =	simm.s32 $0x3  }
0x4: {  	s12 =	simm.s32 $0x8000;
	s13 =	simm.s32 $0x200;
	s14 =	simm.s32 $0x8400  }
0x5: {  	s15 =	simm.s32 $0x8200;
	s16 =	simm.s32 $0x10400;
	s17 =	simm.s32 $0x1  }
0x6: {  	s18 =	simm.s32 $0x18400;
	s3 =	sand.u32 $0x1, s3;
	s4 =	sshll.u32 s1, $0x1  }
0x7: {  	s19 =	simm.s32 $0x2;
	[smem:$0x7FF] =	sst s2;
	s6 =	sor.u32 s3, s4  }
0x8: {  	vm0 =	vmmov $0x1;
	vm1 =	vmmov $0x3;
	vm2 =	vmmov $0x7;
	_ =	strace $0x8000004A;
	s7 =	ssub.s32 $0x2, s3;
	s3 =	sadd.s32 $0xF85200, s5  }
0x9: {  	vm3 =	vmmov $0xf;
	vm4 =	vmmov $0x1f;
	vm5 =	vmmov $0x3f;
	s20 =	simm.s32 $0x0;
	s4 =	sadd.s32 $0x1EE7600, s5;
	s8 =	sshll.u32 s6, $0xC  }
0xa: {  	vm6 =	vmmov $0x7f;
	vm7 =	vmmov $0xff;
	vm8 =	vmmov $0x1ff;
	s10 =	sshrl.u32 s7, $0x1;
	s6 =	sshll.u32 s6, $0x9;
	s9 =	sadd.s32 s8, s5  }
0xb: {  	vm9 =	vmmov $0x3ff;
	vm10 =	vmmov $0x7ff;
	vm11 =	vmmov $0xfff;
	s5 =	sadd.s32 $0xFC5200, s5;
	s10 =	ssub.s32 s7, s10;
	s8 =	sadd.s32 s3, s8  }
0xc: {  	vm12 =	vmmov $0x1fff;
	vm13 =	vmmov $0x3fff;
	vm14 =	vmmov $0x7fff;
	s7 =	sadd.s32 $0xFA5200, s9;
	s9 =	sor.u32 $0x10, s6;
	s10 =	smax.u32 s10, $0x1  }
.LBB2_1:
0xd: {  	[tilespmem:s2], [sflag:$0x3] =	stream.linear.gather [hbm4b:s7+s2], $0x8000, $0x38;
	[tilespmem:$0x18600] =	vst v63  }
0xe: {  	_ =	swait.ge [sflag:s11], $0x8000  }
0xf: {  	[sflag:s11] =	ssyncset.done $0x0  }
0x10: {  	[sflag:s11] =	ssyncadd.s32 $0xFFFF8000  }
0x11: {  	[tilespmem:s12], [sflag:$0x3] =	stream.linear.gather [hbm4b:s8+s2], $0x200, $0x38;
	[tilespmem:$0x18600] =	vst v63  }
0x12: {  	_ =	swait.ge [sflag:s11], $0x200  }
0x13: {  	[sflag:s11] =	ssyncset.done $0x0  }
0x14: {  	s23 =	simm.s32 $0x0;
	[sflag:s11] =	ssyncadd.s32 $0xFFFFFE00  }
0x15: {  	[tilespmem:s14], [sflag:$0x1] =	stream.indirect.gather [hbm4b:s4+s13], $0x40, s12, s13, $0xb8;
	[tilespmem:$0x18600] =	vst v63  }
.LBB2_2:
0x16: {  	s24 =	sshll.u32 s23, $0x4  }
0x17: {  	s21 =	sor.u32 $0x8, s24  }
0x18: {  	s22 =	sor.u32 s6, s21  }
0x19: {  	s22 =	sshll.u32 s22, $0x3  }
0x1a: {  	s25 =	simm.s32 $0x0;
	s26 =	sadd.s32 s3, s22  }
0x1b: {  	[tilespmem:s15], [sflag:$0x3] =	stream.linear.gather [hbm4b:s26+s25], $0x200, $0x38;
	[tilespmem:$0x18600] =	vst v63  }
0x1c: {  	_ =	swait.ge [sflag:s11], $0x200  }
0x1d: {  	[sflag:s11] =	ssyncset.done $0x0  }
0x1e: {  	[sflag:s11] =	ssyncadd.s32 $0xFFFFFE00  }
0x1f: {  	[tilespmem:s16], [sflag:$0x2] =	stream.indirect.gather [hbm4b:s4+s13], $0x40, s15, s13, $0xb8;
	[tilespmem:$0x18600] =	vst v63  }
0x20: {  	_ =	swait.ge [sflag:s17], $0x8000  }
0x21: {  	[sflag:s17] =	ssyncset.done $0x0  }
0x22: {  	[sflag:s17] =	ssyncadd.s32 $0xFFFF8000  }
.LBB2_3:
0x23: {  	s26 =	sadd.s32 s24, s25  }
0x24: {  	s26 =	sshll.u32 s26, $0x6  }
0x25: {  	s26 =	sand.u32 $0x3FFFFFC0, s26  }
0x26: {  	v3 =	vld [tilespmem:s26+$0x0]  }
0x27: {  	v2 =	vld [tilespmem:s26+$0x10]  }
0x28: {  	s29 =	sshll.u32 s25, $0xC;
	v1 =	vld [tilespmem:s26+$0x20]  }
0x29: {  	v0 =	vld [tilespmem:s26+$0x30];
	s26 =	sand.u32 $0x3FFFF000, s29  }
0x2a: {  	v4 =	vld [tilespmem:s26+$0x8400]  }
0x2b: {  	v5 =	vld [tilespmem:s26+$0x8410]  }
0x2c: {  	v6 =	vld [tilespmem:s26+$0x8420]  }
0x2d: {  	v7 =	vld [tilespmem:s26+$0x8430]  }
0x2e: {  	v8 =	vld [tilespmem:s26+$0x8440]  }
0x2f: {  	v9 =	vld [tilespmem:s26+$0x8450]  }
0x30: {  	v10 =	vld [tilespmem:s26+$0x8460]  }
0x31: {  	v11 =	vld [tilespmem:s26+$0x8470]  }
0x32: {  	v12 =	vld [tilespmem:s26+$0x8480]  }
0x33: {  	v13 =	vld [tilespmem:s26+$0x8490]  }
0x34: {  	v14 =	vld [tilespmem:s26+$0x84A0]  }
0x35: {  	v15 =	vld [tilespmem:s26+$0x84B0]  }
0x36: {  	v16 =	vld [tilespmem:s26+$0x84C0]  }
0x37: {  	v17 =	vld [tilespmem:s26+$0x84D0]  }
0x38: {  	v18 =	vld [tilespmem:s26+$0x84E0]  }
0x39: {  	v19 =	vld [tilespmem:s26+$0x84F0]  }
0x3a: {  	v20 =	vld [tilespmem:s26+$0x8500]  }
0x3b: {  	v21 =	vld [tilespmem:s26+$0x8510]  }
0x3c: {  	v22 =	vld [tilespmem:s26+$0x8520]  }
0x3d: {  	v23 =	vld [tilespmem:s26+$0x8530]  }
0x3e: {  	v24 =	vld [tilespmem:s26+$0x8540]  }
0x3f: {  	v25 =	vld [tilespmem:s26+$0x8550]  }
0x40: {  	v26 =	vld [tilespmem:s26+$0x8560]  }
0x41: {  	v27 =	vld [tilespmem:s26+$0x8570]  }
0x42: {  	v28 =	vld [tilespmem:s26+$0x8580]  }
0x43: {  	v29 =	vld [tilespmem:s26+$0x8590]  }
0x44: {  	v30 =	vld [tilespmem:s26+$0x85A0]  }
0x45: {  	v31 =	vld [tilespmem:s26+$0x85B0];
	v4 =	vmul.f32 v4, v3;
	v5 =	vmul.f32 v5, v2  }
0x46: {  	v32 =	vld [tilespmem:s26+$0x85C0];
	v41 =	vmul.f32 v6, v1;
	v8 =	vmul.f32 v8, v3  }
0x47: {  	v33 =	vld [tilespmem:s26+$0x85D0];
	v9 =	vmul.f32 v9, v2;
	v43 =	vmul.f32 v12, v3  }
0x48: {  	v34 =	vld [tilespmem:s26+$0x85E0];
	v44 =	vmul.f32 v13, v2;
	v7 =	vmul.f32 v7, v0  }
0x49: {  	v35 =	vld [tilespmem:s26+$0x85F0];
	v45 =	vmul.f32 v10, v1;
	v11 =	vmul.f32 v11, v0  }
0x4a: {  	v42 =	vld [tilespmem:s26+$0x8600];
	v46 =	vmul.f32 v14, v1;
	v47 =	vmul.f32 v16, v3  }
0x4b: {  	v36 =	vld [tilespmem:s26+$0x8610];
	v48 =	vmul.f32 v17, v2;
	v49 =	vmul.f32 v15, v0  }
0x4c: {  	v53 =	vld [tilespmem:s26+$0x8680];
	v50 =	vmul.f32 v18, v1;
	v51 =	vmul.f32 v20, v3  }
0x4d: {  	v56 =	vld [tilespmem:s26+$0x8690];
	v52 =	vmul.f32 v21, v2;
	v54 =	vmul.f32 v24, v3  }
0x4e: {  	v61 =	vld [tilespmem:s26+$0x86C0];
	v55 =	vmul.f32 v25, v2;
	v19 =	vmul.f32 v19, v0  }
0x4f: {  	v63 =	vld [tilespmem:s26+$0x86D0];
	v57 =	vmul.f32 v22, v1;
	v23 =	vmul.f32 v23, v0  }
0x50: {  	v38 =	vld [tilespmem:s26+$0x86E0];
	v58 =	vmul.f32 v26, v1;
	v59 =	vmul.f32 v28, v3  }
0x51: {  	v13 =	vld [tilespmem:s26+$0x8620];
	v60 =	vmul.f32 v29, v2;
	v62 =	vmul.f32 v27, v0  }
0x52: {  	v10 =	vld [tilespmem:s26+$0x8630];
	v37 =	vmul.f32 v30, v1;
	v39 =	vmul.f32 v32, v3  }
0x53: {  	v14 =	vld [tilespmem:s26+$0x8640];
	v40 =	vmul.f32 v33, v2;
	v6 =	vmul.f32 v42, v3  }
0x54: {  	v17 =	vld [tilespmem:s26+$0x8650];
	v42 =	vmul.f32 v36, v2;
	v4 =	vadd.f32 v5, v4;
	v8 =	vadd.f32 v9, v8  }
0x55: {  	v12 =	vld [tilespmem:s26+$0x8660];
	v20 =	vmul.f32 v63, v2;
	v5 =	vadd.f32 v44, v43;
	v9 =	vadd.f32 v48, v47  }
0x56: {  	v15 =	vld [tilespmem:s26+$0x8670];
	v16 =	vadd.f32 v60, v59;
	v44 =	vmul.f32 v31, v0;
	v6 =	vadd.f32 v42, v6  }
0x57: {  	v24 =	vld [tilespmem:s26+$0x86B0];
	v47 =	vmul.f32 v35, v0;
	v4 =	vadd.f32 v41, v4;
	v8 =	vadd.f32 v45, v8  }
0x58: {  	v22 =	vld [tilespmem:s26+$0x86A0];
	v5 =	vadd.f32 v46, v5;
	v9 =	vadd.f32 v50, v9;
	v45 =	vmul.f32 v34, v1  }
0x59: {  	v36 =	vld [tilespmem:s26+$0x87C0];
	v16 =	vadd.f32 v37, v16;
	v13 =	vmul.f32 v13, v1;
	v14 =	vmul.f32 v14, v3  }
0x5a: {  	v43 =	vld [tilespmem:s26+$0x8700];
	v17 =	vmul.f32 v17, v2;
	v10 =	vmul.f32 v10, v0;
	v4 =	vadd.f32 v7, v4  }
0x5b: {  	v48 =	vld [tilespmem:s26+$0x8720];
	v12 =	vmul.f32 v12, v1;
	v8 =	vadd.f32 v11, v8;
	v5 =	vadd.f32 v49, v5  }
0x5c: {  	v59 =	vld [tilespmem:s26+$0x8780];
	v60 =	vmul.f32 v24, v0;
	v7 =	vadd.f32 v52, v51;
	v11 =	vadd.f32 v55, v54  }
0x5d: {  	v41 =	vld [tilespmem:s26+$0x86F0];
	v9 =	vadd.f32 v19, v9;
	v19 =	vadd.f32 v40, v39;
	v52 =	vmul.f32 v53, v3  }
0x5e: {  	v46 =	vld [tilespmem:s26+$0x8710];
	v16 =	vadd.f32 v44, v16;
	v53 =	vmul.f32 v56, v2;
	v55 =	vmul.f32 v61, v3  }
0x5f: {  	v50 =	vld [tilespmem:s26+$0x8740];
	v61 =	vmul.f32 v38, v1;
	v6 =	vadd.f32 v13, v6;
	v14 =	vadd.f32 v17, v14  }
0x60: {  	v49 =	vld [tilespmem:s26+$0x8730];
	v30 =	vmul.f32 v43, v3;
	v38 =	vmul.f32 v48, v1;
	v7 =	vadd.f32 v57, v7  }
0x61: {  	v51 =	vld [tilespmem:s26+$0x8750];
	v43 =	vmul.f32 v59, v3;
	v11 =	vadd.f32 v58, v11;
	v19 =	vadd.f32 v45, v19  }
0x62: {  	v54 =	vld [tilespmem:s26+$0x8760];
	(xrf2) =	vadd.scan.msk.f32 $0xffff, v4;
	v57 =	vmul.f32 v15, v0;
	v6 =	vadd.f32 v10, v6;
	v12 =	vadd.f32 v12, v14  }
0x63: {  	v58 =	vmul.f32 v22, v1;
	v10 =	vadd.f32 v53, v52;
	(xrf2) =	vadd.scan.msk.f32 $0xffff, v8;
	v11 =	vadd.f32 v62, v11;
	v62 =	vld [tilespmem:s26+$0x8790]  }
0x64: {  	v56 =	vld [tilespmem:s26+$0x8770];
	v14 =	vadd.f32 v20, v55;
	v32 =	vmul.f32 v46, v2;
	v7 =	vadd.f32 v23, v7;
	(xrf2) =	vadd.scan.msk.f32 $0xffff, v5  }
0x65: {  	v33 =	vld [tilespmem:s26+$0x87A0];
	v35 =	vmul.f32 v41, v0;
	v40 =	vmul.f32 v50, v3;
	v19 =	vadd.f32 v47, v19;
	(xrf2) =	vadd.scan.msk.f32 $0xffff, v9  }
0x66: {  	v39 =	vld [tilespmem:s26+$0x87D0];
	v52 =	vmul.f32 v36, v3;
	v63 =	vadd.f32 v58, v10;
	v4 =	vadd.f32 v57, v12;
	(xrf2) =	vadd.scan.msk.f32 $0xffff, v7  }
0x67: {  	v42 =	vld [tilespmem:s26+$0x87B0];
	v34 =	vadd.f32 v61, v14;
	v41 =	vmul.f32 v51, v2;
	v46 =	vmul.f32 v49, v0;
	(xrf2) =	vadd.scan.msk.f32 $0xffff, v11  }
0x68: {  	v45 =	vld [tilespmem:s26+$0x87E0];
	v37 =	vadd.f32 v32, v30;
	v47 =	vmul.f32 v54, v1;
	(xrf2) =	vadd.scan.msk.f32 $0xffff, v16;
	v44 =	vmul.f32 v62, v2  }
0x69: {  	v48 =	vmul.f32 v56, v0;
	v5 =	vadd.f32 v60, v63;
	v11 =	vadd.f32 v41, v40;
	(xrf2) =	vadd.scan.msk.f32 $0xffff, v19  }
0x6a: {  	v50 =	vld [tilespmem:s26+$0x87F0];
	v49 =	vmul.f32 v33, v1;
	v7 =	vadd.f32 v38, v37;
	(xrf2) =	vadd.scan.msk.f32 $0xffff, v6;
	v8 =	vadd.f32 v44, v43  }
0x6b: {  	v10 =	vmul.f32 v39, v2;
	v9 =	vadd.f32 v35, v34;
	v51 =	vadd.f32 v47, v11;
	(xrf2) =	vadd.scan.msk.f32 $0xffff, v4  }
0x6c: {  	v56 =	vmul.f32 v42, v0;
	v54 =	vadd.f32 v46, v7;
	v53, _, _ =	vpop (xrf2);
	(xrf2) =	vadd.scan.msk.f32 $0xffff, v5;
	v55 =	vadd.f32 v49, v8  }
0x6d: {  	v58 =	vadd.f32 v10, v52;
	v59 =	vmul.f32 v45, v1;
	v4 =	vadd.f32 v48, v51;
	v57, _, _ =	vpop (xrf2);
	(xrf2) =	vadd.scan.msk.f32 $0xffff, v9  }
0x6e: {  	v60 =	vbroadcast v53, $0xF;
	v61 =	vbroadcast v57, $0xF;
	v62, _, _ =	vpop (xrf2);
	(xrf2) =	vadd.scan.msk.f32 $0xffff, v54;
	v63 =	vadd.f32 v56, v55  }
0x6f: {  	v16 =	vmul.f32 v50, v0;
	v15 =	vadd.f32 v59, v58;
	v13 =	vbroadcast v62, $0xF;
	v14, _, _ =	vpop (xrf2);
	(xrf2) =	vadd.scan.msk.f32 $0xffff, v4  }
0x70: {  	v17 =	vsel vm0, v60, v61;
	v8 =	vbroadcast v14, $0xF;
	v18, _, _ =	vpop (xrf2);
	(xrf2) =	vadd.scan.msk.f32 $0xffff, v63  }
0x71: {  	v4 =	vadd.f32 v16, v15;
	v19 =	vsel vm1, v17, v13;
	v20 =	vbroadcast v18, $0xF;
	v21, _, _ =	vpop (xrf2)  }
0x72: {  	v5 =	vsel vm2, v19, v8;
	v22 =	vbroadcast v21, $0xF;
	v23, _, _ =	vpop (xrf2)  }
0x73: {  	v5 =	vsel vm3, v5, v20;
	v24 =	vbroadcast v23, $0xF;
	v25, _, _ =	vpop (xrf2);
	(xrf2) =	vadd.scan.msk.f32 $0xffff, v4  }
0x74: {  	v26 =	vsel vm4, v5, v22;
	v27 =	vbroadcast v25, $0xF;
	v28, _, _ =	vpop (xrf2)  }
0x75: {  	v4 =	vsel vm5, v26, v24;
	v6 =	vbroadcast v28, $0xF;
	v29, _, _ =	vpop (xrf2)  }
0x76: {  	v4 =	vsel vm6, v4, v27;
	v30 =	vbroadcast v29, $0xF;
	v31, _, _ =	vpop (xrf2)  }
0x77: {  	v4 =	vsel vm7, v4, v6;
	v32 =	vbroadcast v31, $0xF;
	v33, _, _ =	vpop (xrf2)  }
0x78: {  	v4 =	vsel vm8, v4, v30;
	v34 =	vbroadcast v33, $0xF;
	v35, _, _ =	vpop (xrf2)  }
0x79: {  	v4 =	vsel vm9, v4, v32;
	v36 =	vbroadcast v35, $0xF;
	v37, _, _ =	vpop (xrf2)  }
0x7a: {  	v4 =	vsel vm10, v4, v34;
	v38 =	vbroadcast v37, $0xF;
	v39, _, _ =	vpop (xrf2)  }
0x7b: {  	v4 =	vsel vm11, v4, v36;
	v40 =	vbroadcast v39, $0xF  }
0x7c: {  	v4 =	vsel vm12, v4, v38  }
0x7d: {  	v41, _, _ =	vpop (xrf2);
	v4 =	vsel vm13, v4, v40  }
0x7e: {  	s28 =	sshll.u32 s25, $0x6;
	s30 =	sor.u32 $0x400, s29;
	v4 =	vsel vm14, v4, v41  }
0x7f: {  	s30 =	sand.u32 $0x3FFFF400, s30;
	[tilespmem:s28+$0x18400] =	vst v4  }
0x80: {  	v4 =	vld [tilespmem:s30+$0x8400]  }
0x81: {  	v42 =	vld [tilespmem:s30+$0x8410]  }
0x82: {  	v43 =	vld [tilespmem:s30+$0x8420]  }
0x83: {  	v7 =	vld [tilespmem:s30+$0x8430]  }
0x84: {  	v44 =	vld [tilespmem:s26+$0x8840]  }
0x85: {  	v45 =	vld [tilespmem:s26+$0x8850]  }
0x86: {  	v46 =	vld [tilespmem:s26+$0x8860]  }
0x87: {  	v47 =	vld [tilespmem:s26+$0x8870]  }
0x88: {  	v48 =	vld [tilespmem:s26+$0x8880]  }
0x89: {  	v49 =	vld [tilespmem:s26+$0x8890]  }
0x8a: {  	v50 =	vld [tilespmem:s26+$0x88A0]  }
0x8b: {  	v51 =	vld [tilespmem:s26+$0x88B0]  }
0x8c: {  	v52 =	vld [tilespmem:s26+$0x88C0]  }
0x8d: {  	v53 =	vld [tilespmem:s26+$0x88D0]  }
0x8e: {  	v54 =	vld [tilespmem:s26+$0x88E0]  }
0x8f: {  	v19 =	vld [tilespmem:s26+$0x88F0]  }
0x90: {  	v55 =	vld [tilespmem:s26+$0x8900]  }
0x91: {  	v56 =	vld [tilespmem:s26+$0x8910]  }
0x92: {  	v57 =	vld [tilespmem:s26+$0x8920]  }
0x93: {  	v58 =	vld [tilespmem:s26+$0x8930]  }
0x94: {  	v59 =	vld [tilespmem:s26+$0x8940]  }
0x95: {  	v60 =	vld [tilespmem:s26+$0x8950]  }
0x96: {  	v61 =	vld [tilespmem:s26+$0x8960]  }
0x97: {  	v27 =	vld [tilespmem:s26+$0x8970]  }
0x98: {  	v62 =	vld [tilespmem:s26+$0x8980]  }
0x99: {  	v63 =	vld [tilespmem:s26+$0x8990]  }
0x9a: {  	v30 =	vld [tilespmem:s26+$0x89A0]  }
0x9b: {  	v31 =	vld [tilespmem:s26+$0x89B0];
	v4 =	vmul.f32 v4, v3;
	v5 =	vmul.f32 v42, v2  }
0x9c: {  	v32 =	vld [tilespmem:s26+$0x89C0];
	v41 =	vmul.f32 v43, v1;
	v8 =	vmul.f32 v44, v3  }
0x9d: {  	v40 =	vld [tilespmem:s26+$0x89D0];
	v9 =	vmul.f32 v45, v2;
	v43 =	vmul.f32 v48, v3  }
0x9e: {  	v34 =	vld [tilespmem:s26+$0x89E0];
	v44 =	vmul.f32 v49, v2;
	v7 =	vmul.f32 v7, v0  }
0x9f: {  	v35 =	vld [tilespmem:s26+$0x89F0];
	v45 =	vmul.f32 v46, v1;
	v11 =	vmul.f32 v47, v0  }
0xa0: {  	v6 =	vld [tilespmem:s26+$0x8A00];
	v46 =	vmul.f32 v50, v1;
	v47 =	vmul.f32 v52, v3  }
0xa1: {  	v13 =	vld [tilespmem:s26+$0x8A20];
	v48 =	vmul.f32 v53, v2;
	v49 =	vmul.f32 v51, v0  }
0xa2: {  	v10 =	vld [tilespmem:s26+$0x8A30];
	v50 =	vmul.f32 v54, v1;
	v51 =	vmul.f32 v55, v3  }
0xa3: {  	v14 =	vld [tilespmem:s26+$0x8A40];
	v52 =	vmul.f32 v56, v2;
	v54 =	vmul.f32 v59, v3  }
0xa4: {  	v17 =	vld [tilespmem:s26+$0x8A50];
	v55 =	vmul.f32 v60, v2;
	v19 =	vmul.f32 v19, v0  }
0xa5: {  	v12 =	vld [tilespmem:s26+$0x8A60];
	v57 =	vmul.f32 v57, v1;
	v23 =	vmul.f32 v58, v0  }
0xa6: {  	v15 =	vld [tilespmem:s26+$0x8A70];
	v58 =	vmul.f32 v61, v1;
	v59 =	vmul.f32 v62, v3  }
0xa7: {  	v22 =	vld [tilespmem:s26+$0x8AA0];
	v60 =	vmul.f32 v63, v2;
	v62 =	vmul.f32 v27, v0  }
0xa8: {  	v24 =	vld [tilespmem:s26+$0x8AB0];
	v37 =	vmul.f32 v30, v1;
	v39 =	vmul.f32 v32, v3  }
0xa9: {  	v38 =	vld [tilespmem:s26+$0x8AE0];
	v40 =	vmul.f32 v40, v2;
	v6 =	vmul.f32 v6, v3  }
0xaa: {  	v42 =	vld [tilespmem:s26+$0x8A10];
	v13 =	vmul.f32 v13, v1;
	v14 =	vmul.f32 v14, v3;
	v4 =	vadd.f32 v5, v4  }
0xab: {  	v53 =	vld [tilespmem:s26+$0x8A80];
	v17 =	vmul.f32 v17, v2;
	v8 =	vadd.f32 v9, v8;
	v5 =	vadd.f32 v44, v43  }
0xac: {  	v56 =	vld [tilespmem:s26+$0x8A90];
	v10 =	vmul.f32 v10, v0;
	v9 =	vadd.f32 v48, v47;
	v16 =	vadd.f32 v60, v59  }
0xad: {  	v61 =	vld [tilespmem:s26+$0x8AC0];
	v12 =	vmul.f32 v12, v1;
	v14 =	vadd.f32 v17, v14;
	v4 =	vadd.f32 v41, v4  }
0xae: {  	v63 =	vld [tilespmem:s26+$0x8AD0];
	v44 =	vmul.f32 v31, v0;
	v8 =	vadd.f32 v45, v8;
	v5 =	vadd.f32 v46, v5  }
0xaf: {  	v43 =	vld [tilespmem:s26+$0x8B00];
	v47 =	vmul.f32 v35, v0;
	v9 =	vadd.f32 v50, v9;
	v16 =	vadd.f32 v37, v16  }
0xb0: {  	v48 =	vld [tilespmem:s26+$0x8B20];
	v60 =	vmul.f32 v24, v0;
	v12 =	vadd.f32 v12, v14;
	v4 =	vadd.f32 v7, v4  }
0xb1: {  	v59 =	vld [tilespmem:s26+$0x8B80];
	v45 =	vmul.f32 v34, v1;
	v8 =	vadd.f32 v11, v8;
	v5 =	vadd.f32 v49, v5  }
0xb2: {  	v41 =	vld [tilespmem:s26+$0x8AF0];
	v42 =	vmul.f32 v42, v2;
	v7 =	vadd.f32 v52, v51;
	v11 =	vadd.f32 v55, v54  }
0xb3: {  	v46 =	vld [tilespmem:s26+$0x8B10];
	v20 =	vmul.f32 v63, v2;
	v9 =	vadd.f32 v19, v9;
	v19 =	vadd.f32 v40, v39  }
0xb4: {  	v50 =	vld [tilespmem:s26+$0x8B40];
	v16 =	vadd.f32 v44, v16;
	v52 =	vmul.f32 v53, v3;
	v53 =	vmul.f32 v56, v2  }
0xb5: {  	v49 =	vld [tilespmem:s26+$0x8B30];
	v55 =	vmul.f32 v61, v3;
	v61 =	vmul.f32 v38, v1;
	v6 =	vadd.f32 v42, v6  }
0xb6: {  	v51 =	vld [tilespmem:s26+$0x8B50];
	v30 =	vmul.f32 v43, v3;
	v38 =	vmul.f32 v48, v1;
	v7 =	vadd.f32 v57, v7  }
0xb7: {  	v54 =	vld [tilespmem:s26+$0x8B60];
	v43 =	vmul.f32 v59, v3;
	v11 =	vadd.f32 v58, v11;
	v19 =	vadd.f32 v45, v19  }
0xb8: {  	v56 =	vld [tilespmem:s26+$0x8B70];
	(xrf2) =	vadd.scan.msk.f32 $0xffff, v4;
	v57 =	vmul.f32 v15, v0;
	v58 =	vmul.f32 v22, v1;
	v14 =	vadd.f32 v20, v55  }
0xb9: {  	v6 =	vadd.f32 v13, v6;
	(xrf2) =	vadd.scan.msk.f32 $0xffff, v8;
	v32 =	vmul.f32 v46, v2;
	v11 =	vadd.f32 v62, v11;
	v62 =	vld [tilespmem:s26+$0x8B90]  }
0xba: {  	v33 =	vld [tilespmem:s26+$0x8BA0];
	v35 =	vmul.f32 v41, v0;
	v7 =	vadd.f32 v23, v7;
	v19 =	vadd.f32 v47, v19;
	(xrf2) =	vadd.scan.msk.f32 $0xffff, v5  }
0xbb: {  	v36 =	vld [tilespmem:s26+$0x8BC0];
	v40 =	vmul.f32 v50, v3;
	v4 =	vadd.f32 v57, v12;
	v34 =	vadd.f32 v61, v14;
	(xrf2) =	vadd.scan.msk.f32 $0xffff, v9  }
0xbc: {  	v39 =	vld [tilespmem:s26+$0x8BD0];
	v6 =	vadd.f32 v10, v6;
	v10 =	vadd.f32 v53, v52;
	v41 =	vmul.f32 v51, v2;
	(xrf2) =	vadd.scan.msk.f32 $0xffff, v7  }
0xbd: {  	v42 =	vld [tilespmem:s26+$0x8BB0];
	v37 =	vadd.f32 v32, v30;
	v46 =	vmul.f32 v49, v0;
	v47 =	vmul.f32 v54, v1;
	(xrf2) =	vadd.scan.msk.f32 $0xffff, v11  }
0xbe: {  	v45 =	vld [tilespmem:s26+$0x8BE0];
	v48 =	vmul.f32 v56, v0;
	v63 =	vadd.f32 v58, v10;
	(xrf2) =	vadd.scan.msk.f32 $0xffff, v16;
	v44 =	vmul.f32 v62, v2  }
0xbf: {  	v49 =	vmul.f32 v33, v1;
	v7 =	vadd.f32 v38, v37;
	v11 =	vadd.f32 v41, v40;
	(xrf2) =	vadd.scan.msk.f32 $0xffff, v19  }
0xc0: {  	v50 =	vld [tilespmem:s26+$0x8BF0];
	v52 =	vmul.f32 v36, v3;
	v5 =	vadd.f32 v60, v63;
	(xrf2) =	vadd.scan.msk.f32 $0xffff, v6;
	v8 =	vadd.f32 v44, v43  }
0xc1: {  	v9 =	vadd.f32 v35, v34;
	v10 =	vmul.f32 v39, v2;
	v51 =	vadd.f32 v47, v11;
	(xrf2) =	vadd.scan.msk.f32 $0xffff, v4  }
0xc2: {  	v56 =	vmul.f32 v42, v0;
	v54 =	vadd.f32 v46, v7;
	v53, _, _ =	vpop (xrf2);
	(xrf2) =	vadd.scan.msk.f32 $0xffff, v5;
	v55 =	vadd.f32 v49, v8  }
0xc3: {  	v59 =	vmul.f32 v45, v1;
	v58 =	vadd.f32 v10, v52;
	v4 =	vadd.f32 v48, v51;
	v57, _, _ =	vpop (xrf2);
	(xrf2) =	vadd.scan.msk.f32 $0xffff, v9  }
0xc4: {  	v60 =	vbroadcast v53, $0xF;
	v61 =	vbroadcast v57, $0xF;
	v62, _, _ =	vpop (xrf2);
	(xrf2) =	vadd.scan.msk.f32 $0xffff, v54;
	v63 =	vadd.f32 v56, v55  }
0xc5: {  	v16 =	vmul.f32 v50, v0;
	v15 =	vadd.f32 v59, v58;
	v13 =	vbroadcast v62, $0xF;
	v14, _, _ =	vpop (xrf2);
	(xrf2) =	vadd.scan.msk.f32 $0xffff, v4  }
0xc6: {  	v17 =	vsel vm0, v60, v61;
	v8 =	vbroadcast v14, $0xF;
	v18, _, _ =	vpop (xrf2);
	(xrf2) =	vadd.scan.msk.f32 $0xffff, v63  }
0xc7: {  	v4 =	vadd.f32 v16, v15;
	v19 =	vsel vm1, v17, v13;
	v20 =	vbroadcast v18, $0xF;
	v21, _, _ =	vpop (xrf2)  }
0xc8: {  	v5 =	vsel vm2, v19, v8;
	v22 =	vbroadcast v21, $0xF;
	v23, _, _ =	vpop (xrf2)  }
0xc9: {  	(xrf2) =	vadd.scan.msk.f32 $0xffff, v4;
	v5 =	vsel vm3, v5, v20;
	v24 =	vbroadcast v23, $0xF;
	v25, _, _ =	vpop (xrf2)  }
0xca: {  	v26 =	vsel vm4, v5, v22;
	v27 =	vbroadcast v25, $0xF;
	v28, _, _ =	vpop (xrf2)  }
0xcb: {  	v4 =	vsel vm5, v26, v24;
	v6 =	vbroadcast v28, $0xF;
	v29, _, _ =	vpop (xrf2)  }
0xcc: {  	v4 =	vsel vm6, v4, v27;
	v30 =	vbroadcast v29, $0xF;
	v31, _, _ =	vpop (xrf2)  }
0xcd: {  	v4 =	vsel vm7, v4, v6;
	v32 =	vbroadcast v31, $0xF;
	v33, _, _ =	vpop (xrf2)  }
0xce: {  	v4 =	vsel vm8, v4, v30;
	v34 =	vbroadcast v33, $0xF;
	v35, _, _ =	vpop (xrf2)  }
0xcf: {  	v4 =	vsel vm9, v4, v32;
	v36 =	vbroadcast v35, $0xF;
	v37, _, _ =	vpop (xrf2)  }
0xd0: {  	v4 =	vsel vm10, v4, v34;
	v38 =	vbroadcast v37, $0xF;
	v39, _, _ =	vpop (xrf2)  }
0xd1: {  	v4 =	vsel vm11, v4, v36;
	v40 =	vbroadcast v39, $0xF  }
0xd2: {  	v4 =	vsel vm12, v4, v38  }
0xd3: {  	v41, _, _ =	vpop (xrf2);
	v4 =	vsel vm13, v4, v40  }
0xd4: {  	s31 =	sor.u32 $0x800, s29;
	v4 =	vsel vm14, v4, v41  }
0xd5: {  	s30 =	sand.u32 $0x3FFFF800, s31;
	[tilespmem:s28+$0x18410] =	vst v4  }
0xd6: {  	v4 =	vld [tilespmem:s30+$0x8400]  }
0xd7: {  	v42 =	vld [tilespmem:s30+$0x8410]  }
0xd8: {  	v43 =	vld [tilespmem:s30+$0x8420]  }
0xd9: {  	v7 =	vld [tilespmem:s30+$0x8430]  }
0xda: {  	v44 =	vld [tilespmem:s26+$0x8C40]  }
0xdb: {  	v45 =	vld [tilespmem:s26+$0x8C50]  }
0xdc: {  	v46 =	vld [tilespmem:s26+$0x8C60]  }
0xdd: {  	v47 =	vld [tilespmem:s26+$0x8C70]  }
0xde: {  	v48 =	vld [tilespmem:s26+$0x8C80]  }
0xdf: {  	v49 =	vld [tilespmem:s26+$0x8C90]  }
0xe0: {  	v50 =	vld [tilespmem:s26+$0x8CA0]  }
0xe1: {  	v51 =	vld [tilespmem:s26+$0x8CB0]  }
0xe2: {  	v52 =	vld [tilespmem:s26+$0x8CC0]  }
0xe3: {  	v53 =	vld [tilespmem:s26+$0x8CD0]  }
0xe4: {  	v54 =	vld [tilespmem:s26+$0x8CE0]  }
0xe5: {  	v19 =	vld [tilespmem:s26+$0x8CF0]  }
0xe6: {  	v55 =	vld [tilespmem:s26+$0x8D00]  }
0xe7: {  	v56 =	vld [tilespmem:s26+$0x8D10]  }
0xe8: {  	v57 =	vld [tilespmem:s26+$0x8D20]  }
0xe9: {  	v58 =	vld [tilespmem:s26+$0x8D30]  }
0xea: {  	v59 =	vld [tilespmem:s26+$0x8D40]  }
0xeb: {  	v60 =	vld [tilespmem:s26+$0x8D50]  }
0xec: {  	v61 =	vld [tilespmem:s26+$0x8D60]  }
0xed: {  	v27 =	vld [tilespmem:s26+$0x8D70]  }
0xee: {  	v62 =	vld [tilespmem:s26+$0x8D80]  }
0xef: {  	v63 =	vld [tilespmem:s26+$0x8D90]  }
0xf0: {  	v30 =	vld [tilespmem:s26+$0x8DA0]  }
0xf1: {  	v31 =	vld [tilespmem:s26+$0x8DB0];
	v4 =	vmul.f32 v4, v3;
	v5 =	vmul.f32 v42, v2  }
0xf2: {  	v32 =	vld [tilespmem:s26+$0x8DC0];
	v41 =	vmul.f32 v43, v1;
	v8 =	vmul.f32 v44, v3  }
0xf3: {  	v40 =	vld [tilespmem:s26+$0x8DD0];
	v9 =	vmul.f32 v45, v2;
	v43 =	vmul.f32 v48, v3  }
0xf4: {  	v34 =	vld [tilespmem:s26+$0x8DE0];
	v44 =	vmul.f32 v49, v2;
	v7 =	vmul.f32 v7, v0  }
0xf5: {  	v35 =	vld [tilespmem:s26+$0x8DF0];
	v45 =	vmul.f32 v46, v1;
	v11 =	vmul.f32 v47, v0  }
0xf6: {  	v6 =	vld [tilespmem:s26+$0x8E00];
	v46 =	vmul.f32 v50, v1;
	v47 =	vmul.f32 v52, v3  }
0xf7: {  	v13 =	vld [tilespmem:s26+$0x8E20];
	v48 =	vmul.f32 v53, v2;
	v49 =	vmul.f32 v51, v0  }
0xf8: {  	v10 =	vld [tilespmem:s26+$0x8E30];
	v50 =	vmul.f32 v54, v1;
	v51 =	vmul.f32 v55, v3  }
0xf9: {  	v14 =	vld [tilespmem:s26+$0x8E40];
	v52 =	vmul.f32 v56, v2;
	v54 =	vmul.f32 v59, v3  }
0xfa: {  	v17 =	vld [tilespmem:s26+$0x8E50];
	v55 =	vmul.f32 v60, v2;
	v19 =	vmul.f32 v19, v0  }
0xfb: {  	v12 =	vld [tilespmem:s26+$0x8E60];
	v57 =	vmul.f32 v57, v1;
	v23 =	vmul.f32 v58, v0  }
0xfc: {  	v15 =	vld [tilespmem:s26+$0x8E70];
	v58 =	vmul.f32 v61, v1;
	v59 =	vmul.f32 v62, v3  }
0xfd: {  	v22 =	vld [tilespmem:s26+$0x8EA0];
	v60 =	vmul.f32 v63, v2;
	v62 =	vmul.f32 v27, v0  }
0xfe: {  	v24 =	vld [tilespmem:s26+$0x8EB0];
	v37 =	vmul.f32 v30, v1;
	v39 =	vmul.f32 v32, v3  }
0xff: {  	v38 =	vld [tilespmem:s26+$0x8EE0];
	v40 =	vmul.f32 v40, v2;
	v6 =	vmul.f32 v6, v3  }
0x100: {  	v42 =	vld [tilespmem:s26+$0x8E10];
	v13 =	vmul.f32 v13, v1;
	v14 =	vmul.f32 v14, v3;
	v4 =	vadd.f32 v5, v4  }
0x101: {  	v53 =	vld [tilespmem:s26+$0x8E80];
	v17 =	vmul.f32 v17, v2;
	v8 =	vadd.f32 v9, v8;
	v5 =	vadd.f32 v44, v43  }
0x102: {  	v56 =	vld [tilespmem:s26+$0x8E90];
	v10 =	vmul.f32 v10, v0;
	v9 =	vadd.f32 v48, v47;
	v16 =	vadd.f32 v60, v59  }
0x103: {  	v61 =	vld [tilespmem:s26+$0x8EC0];
	v12 =	vmul.f32 v12, v1;
	v14 =	vadd.f32 v17, v14;
	v4 =	vadd.f32 v41, v4  }
0x104: {  	v63 =	vld [tilespmem:s26+$0x8ED0];
	v44 =	vmul.f32 v31, v0;
	v8 =	vadd.f32 v45, v8;
	v5 =	vadd.f32 v46, v5  }
0x105: {  	v43 =	vld [tilespmem:s26+$0x8F00];
	v47 =	vmul.f32 v35, v0;
	v9 =	vadd.f32 v50, v9;
	v16 =	vadd.f32 v37, v16  }
0x106: {  	v48 =	vld [tilespmem:s26+$0x8F20];
	v60 =	vmul.f32 v24, v0;
	v12 =	vadd.f32 v12, v14;
	v4 =	vadd.f32 v7, v4  }
0x107: {  	v59 =	vld [tilespmem:s26+$0x8F80];
	v45 =	vmul.f32 v34, v1;
	v8 =	vadd.f32 v11, v8;
	v5 =	vadd.f32 v49, v5  }
0x108: {  	v31 =	vld [tilespmem:s26+$0x8FA0];
	v42 =	vmul.f32 v42, v2;
	v7 =	vadd.f32 v52, v51;
	v11 =	vadd.f32 v55, v54  }
0x109: {  	v41 =	vld [tilespmem:s26+$0x8EF0];
	v20 =	vmul.f32 v63, v2;
	v9 =	vadd.f32 v19, v9;
	v19 =	vadd.f32 v40, v39  }
0x10a: {  	v46 =	vld [tilespmem:s26+$0x8F10];
	v16 =	vadd.f32 v44, v16;
	v52 =	vmul.f32 v53, v3;
	v53 =	vmul.f32 v56, v2  }
0x10b: {  	v50 =	vld [tilespmem:s26+$0x8F40];
	v55 =	vmul.f32 v61, v3;
	v61 =	vmul.f32 v38, v1;
	v6 =	vadd.f32 v42, v6  }
0x10c: {  	v34 =	vld [tilespmem:s26+$0x8FC0];
	v29 =	vmul.f32 v43, v3;
	v36 =	vmul.f32 v48, v1;
	v7 =	vadd.f32 v57, v7  }
0x10d: {  	v49 =	vld [tilespmem:s26+$0x8F30];
	v11 =	vadd.f32 v58, v11;
	v19 =	vadd.f32 v45, v19;
	v57 =	vmul.f32 v15, v0  }
0x10e: {  	v51 =	vld [tilespmem:s26+$0x8F50];
	(xrf2) =	vadd.scan.msk.f32 $0xffff, v4;
	v58 =	vmul.f32 v22, v1;
	v14 =	vadd.f32 v20, v55;
	v6 =	vadd.f32 v13, v6  }
0x10f: {  	(xrf2) =	vadd.scan.msk.f32 $0xffff, v8;
	v30 =	vmul.f32 v46, v2;
	v33 =	vmul.f32 v41, v0;
	v11 =	vadd.f32 v62, v11;
	v62 =	vld [tilespmem:s26+$0x8F90]  }
0x110: {  	v54 =	vld [tilespmem:s26+$0x8F60];
	v38 =	vmul.f32 v50, v3;
	v7 =	vadd.f32 v23, v7;
	v19 =	vadd.f32 v47, v19;
	(xrf2) =	vadd.scan.msk.f32 $0xffff, v5  }
0x111: {  	v56 =	vld [tilespmem:s26+$0x8F70];
	v41 =	vmul.f32 v59, v3;
	v4 =	vadd.f32 v57, v12;
	v32 =	vadd.f32 v61, v14;
	(xrf2) =	vadd.scan.msk.f32 $0xffff, v9  }
0x112: {  	v37 =	vld [tilespmem:s26+$0x8FD0];
	v50 =	vmul.f32 v34, v3;
	v6 =	vadd.f32 v10, v6;
	v10 =	vadd.f32 v53, v52;
	(xrf2) =	vadd.scan.msk.f32 $0xffff, v7  }
0x113: {  	v40 =	vld [tilespmem:s26+$0x8FB0];
	v47 =	vmul.f32 v31, v1;
	v35 =	vadd.f32 v30, v29;
	v39 =	vmul.f32 v51, v2;
	(xrf2) =	vadd.scan.msk.f32 $0xffff, v11  }
0x114: {  	v43 =	vld [tilespmem:s26+$0x8FE0];
	v44 =	vmul.f32 v49, v0;
	v63 =	vadd.f32 v58, v10;
	(xrf2) =	vadd.scan.msk.f32 $0xffff, v16;
	v42 =	vmul.f32 v62, v2  }
0x115: {  	v45 =	vmul.f32 v54, v1;
	v7 =	vadd.f32 v36, v35;
	v11 =	vadd.f32 v39, v38;
	(xrf2) =	vadd.scan.msk.f32 $0xffff, v19  }
0x116: {  	v48 =	vld [tilespmem:s26+$0x8FF0];
	v46 =	vmul.f32 v56, v0;
	v5 =	vadd.f32 v60, v63;
	(xrf2) =	vadd.scan.msk.f32 $0xffff, v6;
	v8 =	vadd.f32 v42, v41  }
0x117: {  	v9 =	vadd.f32 v33, v32;
	v10 =	vmul.f32 v37, v2;
	v49 =	vadd.f32 v45, v11;
	(xrf2) =	vadd.scan.msk.f32 $0xffff, v4  }
0x118: {  	v54 =	vmul.f32 v40, v0;
	v52 =	vadd.f32 v44, v7;
	v51, _, _ =	vpop (xrf2);
	(xrf2) =	vadd.scan.msk.f32 $0xffff, v5;
	v53 =	vadd.f32 v47, v8  }
0x119: {  	v57 =	vmul.f32 v43, v1;
	v56 =	vadd.f32 v10, v50;
	v4 =	vadd.f32 v46, v49;
	v55, _, _ =	vpop (xrf2);
	(xrf2) =	vadd.scan.msk.f32 $0xffff, v9  }
0x11a: {  	v58 =	vbroadcast v51, $0xF;
	v59 =	vbroadcast v55, $0xF;
	v60, _, _ =	vpop (xrf2);
	(xrf2) =	vadd.scan.msk.f32 $0xffff, v52;
	v61 =	vadd.f32 v54, v53  }
0x11b: {  	v13 =	vmul.f32 v48, v0;
	v12 =	vadd.f32 v57, v56;
	v62 =	vbroadcast v60, $0xF;
	v63, _, _ =	vpop (xrf2);
	(xrf2) =	vadd.scan.msk.f32 $0xffff, v4  }
0x11c: {  	v14 =	vsel vm0, v58, v59;
	v8 =	vbroadcast v63, $0xF;
	v15, _, _ =	vpop (xrf2);
	(xrf2) =	vadd.scan.msk.f32 $0xffff, v61  }
0x11d: {  	v4 =	vadd.f32 v13, v12;
	v16 =	vsel vm1, v14, v62;
	v17 =	vbroadcast v15, $0xF;
	v18, _, _ =	vpop (xrf2)  }
0x11e: {  	v5 =	vsel vm2, v16, v8;
	v19 =	vbroadcast v18, $0xF;
	v20, _, _ =	vpop (xrf2)  }
0x11f: {  	v5 =	vsel vm3, v5, v17;
	v21 =	vbroadcast v20, $0xF;
	v22, _, _ =	vpop (xrf2);
	(xrf2) =	vadd.scan.msk.f32 $0xffff, v4  }
0x120: {  	v23 =	vsel vm4, v5, v19;
	v24 =	vbroadcast v22, $0xF;
	v25, _, _ =	vpop (xrf2)  }
0x121: {  	v4 =	vsel vm5, v23, v21;
	v6 =	vbroadcast v25, $0xF;
	v26, _, _ =	vpop (xrf2)  }
0x122: {  	v4 =	vsel vm6, v4, v24;
	v27 =	vbroadcast v26, $0xF;
	v28, _, _ =	vpop (xrf2)  }
0x123: {  	v4 =	vsel vm7, v4, v6;
	v29 =	vbroadcast v28, $0xF;
	v30, _, _ =	vpop (xrf2)  }
0x124: {  	v4 =	vsel vm8, v4, v27;
	v31 =	vbroadcast v30, $0xF;
	v32, _, _ =	vpop (xrf2)  }
0x125: {  	v4 =	vsel vm9, v4, v29;
	v33 =	vbroadcast v32, $0xF;
	v34, _, _ =	vpop (xrf2)  }
0x126: {  	v4 =	vsel vm10, v4, v31;
	v35 =	vbroadcast v34, $0xF;
	v36, _, _ =	vpop (xrf2)  }
0x127: {  	v4 =	vsel vm11, v4, v33;
	v37 =	vbroadcast v36, $0xF  }
0x128: {  	v4 =	vsel vm12, v4, v35  }
0x129: {  	v38, _, _ =	vpop (xrf2);
	v4 =	vsel vm13, v4, v37  }
0x12a: {  	s29 =	sor.u32 $0xC00, s29;
	v4 =	vsel vm14, v4, v38  }
0x12b: {  	s29 =	sand.u32 $0x3FFFFC00, s29;
	[tilespmem:s28+$0x18420] =	vst v4  }
0x12c: {  	v4 =	vld [tilespmem:s29+$0x8400]  }
0x12d: {  	v39 =	vld [tilespmem:s29+$0x8410]  }
0x12e: {  	v57 =	vld [tilespmem:s29+$0x8420]  }
0x12f: {  	v7 =	vld [tilespmem:s29+$0x8430]  }
0x130: {  	v58 =	vld [tilespmem:s26+$0x9040]  }
0x131: {  	v59 =	vld [tilespmem:s26+$0x9050]  }
0x132: {  	v60 =	vld [tilespmem:s26+$0x9060]  }
0x133: {  	v11 =	vld [tilespmem:s26+$0x9070]  }
0x134: {  	v61 =	vld [tilespmem:s26+$0x9080]  }
0x135: {  	v62 =	vld [tilespmem:s26+$0x9090]  }
0x136: {  	v63 =	vld [tilespmem:s26+$0x90A0]  }
0x137: {  	v40 =	vld [tilespmem:s26+$0x90B0]  }
0x138: {  	v41 =	vld [tilespmem:s26+$0x90C0]  }
0x139: {  	v42 =	vld [tilespmem:s26+$0x90D0]  }
0x13a: {  	v43 =	vld [tilespmem:s26+$0x90E0]  }
0x13b: {  	v19 =	vld [tilespmem:s26+$0x90F0]  }
0x13c: {  	v44 =	vld [tilespmem:s26+$0x9100]  }
0x13d: {  	v45 =	vld [tilespmem:s26+$0x9110]  }
0x13e: {  	v46 =	vld [tilespmem:s26+$0x9120]  }
0x13f: {  	v47 =	vld [tilespmem:s26+$0x9130]  }
0x140: {  	v48 =	vld [tilespmem:s26+$0x9140]  }
0x141: {  	v49 =	vld [tilespmem:s26+$0x9150]  }
0x142: {  	v50 =	vld [tilespmem:s26+$0x9160]  }
0x143: {  	v51 =	vld [tilespmem:s26+$0x9170]  }
0x144: {  	v52 =	vld [tilespmem:s26+$0x9180]  }
0x145: {  	v53 =	vld [tilespmem:s26+$0x9190]  }
0x146: {  	v54 =	vld [tilespmem:s26+$0x91A0];
	v4 =	vmul.f32 v4, v3  }
0x147: {  	v31 =	vld [tilespmem:s26+$0x91B0];
	v5 =	vmul.f32 v39, v2;
	v57 =	vmul.f32 v57, v1  }
0x148: {  	v55 =	vld [tilespmem:s26+$0x91C0];
	v8 =	vmul.f32 v58, v3;
	v9 =	vmul.f32 v59, v2  }
0x149: {  	v56 =	vld [tilespmem:s26+$0x91D0];
	v58 =	vmul.f32 v61, v3;
	v59 =	vmul.f32 v62, v2  }
0x14a: {  	v34 =	vld [tilespmem:s26+$0x91E0];
	v7 =	vmul.f32 v7, v0;
	v60 =	vmul.f32 v60, v1  }
0x14b: {  	v35 =	vld [tilespmem:s26+$0x91F0];
	v11 =	vmul.f32 v11, v0;
	v61 =	vmul.f32 v63, v1  }
0x14c: {  	v6 =	vld [tilespmem:s26+$0x9200];
	v62 =	vmul.f32 v41, v3;
	v63 =	vmul.f32 v42, v2  }
0x14d: {  	v36 =	vld [tilespmem:s26+$0x9210];
	v37 =	vmul.f32 v40, v0;
	v38 =	vmul.f32 v43, v1  }
0x14e: {  	v13 =	vld [tilespmem:s26+$0x9220];
	v39 =	vmul.f32 v44, v3;
	v40 =	vmul.f32 v45, v2  }
0x14f: {  	v10 =	vld [tilespmem:s26+$0x9230];
	v42 =	vmul.f32 v48, v3;
	v43 =	vmul.f32 v49, v2  }
0x150: {  	v14 =	vld [tilespmem:s26+$0x9240];
	v19 =	vmul.f32 v19, v0;
	v45 =	vmul.f32 v46, v1  }
0x151: {  	v17 =	vld [tilespmem:s26+$0x9250];
	v23 =	vmul.f32 v47, v0;
	v47 =	vmul.f32 v50, v1  }
0x152: {  	v12 =	vld [tilespmem:s26+$0x9260];
	v48 =	vmul.f32 v52, v3;
	v49 =	vmul.f32 v53, v2  }
0x153: {  	v15 =	vld [tilespmem:s26+$0x9270];
	v51 =	vmul.f32 v51, v0;
	v53 =	vmul.f32 v54, v1  }
0x154: {  	v24 =	vld [tilespmem:s26+$0x92B0];
	v55 =	vmul.f32 v55, v3;
	v56 =	vmul.f32 v56, v2  }
0x155: {  	v41 =	vld [tilespmem:s26+$0x9280];
	v6 =	vmul.f32 v6, v3;
	v13 =	vmul.f32 v13, v1  }
0x156: {  	v44 =	vld [tilespmem:s26+$0x9290];
	v14 =	vmul.f32 v14, v3;
	v17 =	vmul.f32 v17, v2  }
0x157: {  	v46 =	vld [tilespmem:s26+$0x92A0];
	v10 =	vmul.f32 v10, v0;
	v4 =	vadd.f32 v5, v4;
	v8 =	vadd.f32 v9, v8  }
0x158: {  	v50 =	vld [tilespmem:s26+$0x92C0];
	v12 =	vmul.f32 v12, v1;
	v5 =	vadd.f32 v59, v58;
	v9 =	vadd.f32 v63, v62  }
0x159: {  	v52 =	vld [tilespmem:s26+$0x92D0];
	v16 =	vadd.f32 v49, v48;
	v58 =	vmul.f32 v36, v2;
	v14 =	vadd.f32 v17, v14  }
0x15a: {  	v54 =	vld [tilespmem:s26+$0x92E0];
	v63 =	vmul.f32 v35, v0;
	v4 =	vadd.f32 v57, v4;
	v8 =	vadd.f32 v60, v8  }
0x15b: {  	v59 =	vld [tilespmem:s26+$0x9300];
	v48 =	vmul.f32 v24, v0;
	v5 =	vadd.f32 v61, v5;
	v9 =	vadd.f32 v38, v9  }
0x15c: {  	v62 =	vld [tilespmem:s26+$0x9310];
	v16 =	vadd.f32 v53, v16;
	v60 =	vmul.f32 v31, v0;
	v6 =	vadd.f32 v58, v6  }
0x15d: {  	v36 =	vld [tilespmem:s26+$0x9320];
	v61 =	vmul.f32 v34, v1;
	v12 =	vadd.f32 v12, v14;
	v4 =	vadd.f32 v7, v4  }
0x15e: {  	v57 =	vld [tilespmem:s26+$0x92F0];
	v20 =	vmul.f32 v52, v2;
	v8 =	vadd.f32 v11, v8;
	v5 =	vadd.f32 v37, v5  }
0x15f: {  	v38 =	vld [tilespmem:s26+$0x9340];
	v46 =	vmul.f32 v46, v1;
	v7 =	vadd.f32 v40, v39;
	v11 =	vadd.f32 v43, v42  }
0x160: {  	v49 =	vmul.f32 v54, v1;
	v54 =	vld [tilespmem:s26+$0x93A0];
	v9 =	vadd.f32 v19, v9;
	v19 =	vadd.f32 v56, v55  }
0x161: {  	v37 =	vld [tilespmem:s26+$0x9330];
	v16 =	vadd.f32 v60, v16;
	v40 =	vmul.f32 v41, v3;
	v41 =	vmul.f32 v44, v2  }
0x162: {  	v6 =	vadd.f32 v13, v6;
	v39 =	vld [tilespmem:s26+$0x9350];
	v43 =	vmul.f32 v50, v3;
	v52 =	vmul.f32 v59, v3  }
0x163: {  	v42 =	vld [tilespmem:s26+$0x9360];
	v53 =	vmul.f32 v62, v2;
	v7 =	vadd.f32 v45, v7;
	v11 =	vadd.f32 v47, v11  }
0x164: {  	v50 =	vld [tilespmem:s26+$0x9390];
	v59 =	vmul.f32 v36, v1;
	v19 =	vadd.f32 v61, v19;
	v6 =	vadd.f32 v10, v6;
	(xrf2) =	vadd.scan.msk.f32 $0xffff, v4  }
0x165: {  	v45 =	vmul.f32 v15, v0;
	v10 =	vadd.f32 v41, v40;
	v47 =	vld [tilespmem:s26+$0x9380];
	v14 =	vadd.f32 v20, v43;
	(xrf2) =	vadd.scan.msk.f32 $0xffff, v8  }
0x166: {  	v44 =	vld [tilespmem:s26+$0x9370];
	v56 =	vmul.f32 v57, v0;
	v58 =	vadd.f32 v53, v52;
	v7 =	vadd.f32 v23, v7;
	(xrf2) =	vadd.scan.msk.f32 $0xffff, v5  }
0x167: {  	v60 =	vld [tilespmem:s26+$0x93D0];
	v61 =	vmul.f32 v38, v3;
	v11 =	vadd.f32 v51, v11;
	v19 =	vadd.f32 v63, v19;
	(xrf2) =	vadd.scan.msk.f32 $0xffff, v9  }
0x168: {  	v57 =	vld [tilespmem:s26+$0x93C0];
	v51 =	vadd.f32 v46, v10;
	v30 =	vmul.f32 v54, v1;
	v62 =	vmul.f32 v39, v2;
	(xrf2) =	vadd.scan.msk.f32 $0xffff, v7  }
0x169: {  	v4 =	vadd.f32 v45, v12;
	v63 =	vld [tilespmem:s26+$0x93B0];
	v23 =	vmul.f32 v50, v2;
	v27 =	vmul.f32 v37, v0;
	(xrf2) =	vadd.scan.msk.f32 $0xffff, v11  }
0x16a: {  	v25 =	vld [tilespmem:s26+$0x93E0];
	v55 =	vadd.f32 v49, v14;
	v28 =	vmul.f32 v42, v1;
	v20 =	vmul.f32 v47, v3;
	(xrf2) =	vadd.scan.msk.f32 $0xffff, v16  }
0x16b: {  	v33 =	vmul.f32 v44, v0;
	v5 =	vadd.f32 v48, v51;
	v11 =	vadd.f32 v62, v61;
	(xrf2) =	vadd.scan.msk.f32 $0xffff, v19  }
0x16c: {  	v31 =	vld [tilespmem:s26+$0x93F0];
	v2 =	vmul.f32 v60, v2;
	v7 =	vadd.f32 v59, v58;
	v29 =	vadd.f32 v23, v20;
	(xrf2) =	vadd.scan.msk.f32 $0xffff, v6  }
0x16d: {  	v9 =	vadd.f32 v56, v55;
	v3 =	vmul.f32 v57, v3;
	v32 =	vadd.f32 v28, v11;
	(xrf2) =	vadd.scan.msk.f32 $0xffff, v4  }
0x16e: {  	v35 =	vadd.f32 v27, v7;
	v36 =	vmul.f32 v63, v0;
	v6 =	vadd.f32 v30, v29;
	v34, _, _ =	vpop (xrf2);
	(xrf2) =	vadd.scan.msk.f32 $0xffff, v5  }
0x16f: {  	v1 =	vmul.f32 v25, v1;
	v2 =	vadd.f32 v2, v3;
	v4 =	vadd.f32 v33, v32;
	v37, _, _ =	vpop (xrf2);
	(xrf2) =	vadd.scan.msk.f32 $0xffff, v9  }
0x170: {  	v39 =	vbroadcast v34, $0xF;
	v6 =	vadd.f32 v36, v6;
	v38, _, _ =	vpop (xrf2);
	(xrf2) =	vadd.scan.msk.f32 $0xffff, v35;
	v8 =	vbroadcast v37, $0xF  }
0x171: {  	v0 =	vmul.f32 v31, v0;
	v1 =	vadd.f32 v1, v2;
	v40, _, _ =	vpop (xrf2);
	(xrf2) =	vadd.scan.msk.f32 $0xffff, v4;
	v41 =	vbroadcast v38, $0xF  }
0x172: {  	v42 =	vsel vm0, v39, v8;
	v43 =	vbroadcast v40, $0xF;
	v44, _, _ =	vpop (xrf2);
	(xrf2) =	vadd.scan.msk.f32 $0xffff, v6  }
0x173: {  	v0 =	vadd.f32 v0, v1;
	v45, _, _ =	vpop (xrf2);
	v2 =	vsel vm1, v42, v41;
	v46 =	vbroadcast v44, $0xF  }
0x174: {  	v47, _, _ =	vpop (xrf2);
	v2 =	vsel vm2, v2, v43;
	v48 =	vbroadcast v45, $0xF  }
0x175: {  	(xrf2) =	vadd.scan.msk.f32 $0xffff, v0;
	v2 =	vsel vm3, v2, v46;
	v1 =	vbroadcast v47, $0xF;
	v49, _, _ =	vpop (xrf2)  }
0x176: {  	v50, _, _ =	vpop (xrf2);
	v2 =	vsel vm4, v2, v48;
	v3 =	vbroadcast v49, $0xF  }
0x177: {  	v51, _, _ =	vpop (xrf2);
	v1 =	vsel vm5, v2, v1;
	v0 =	vbroadcast v50, $0xF  }
0x178: {  	v52, _, _ =	vpop (xrf2);
	v1 =	vsel vm6, v1, v3;
	v53 =	vbroadcast v51, $0xF  }
0x179: {  	v54, _, _ =	vpop (xrf2);
	v0 =	vsel vm7, v1, v0;
	v55 =	vbroadcast v52, $0xF  }
0x17a: {  	v56, _, _ =	vpop (xrf2);
	v0 =	vsel vm8, v0, v53;
	v57 =	vbroadcast v54, $0xF  }
0x17b: {  	v58, _, _ =	vpop (xrf2);
	v0 =	vsel vm9, v0, v55;
	v59 =	vbroadcast v56, $0xF  }
0x17c: {  	p0 =	sne.s32 s25, $0x7;
	v60, _, _ =	vpop (xrf2);
	v0 =	vsel vm10, v0, v57;
	v61 =	vbroadcast v58, $0xF  }
.Ltmp0:
0x17d: {  	v0 =	vsel vm11, v0, v59;
	v62 =	vbroadcast v60, $0xF;
	(pc) =	sbr.rel @p0 .LBB2_3-.Ltmp0, $4  }
0x17e: {  	v0 =	vsel vm12, v0, v61  }
0x17f: {  	v63, _, _ =	vpop (xrf2);
	v0 =	vsel vm13, v0, v62  }
0x180: {  	v0 =	vsel vm14, v0, v63  }
0x181: {  	s25 =	sadd.s32 $0x1, s25;
	[tilespmem:s28+$0x18430] =	vst v0  }
0x182: {  	s25 =	sadd.s32 s6, s24  }
0x183: {  	p0 =	seq.s32 s23, $0x1F;
	s25 =	sshll.u32 s25, $0x3  }
0x184: {  	s24 =	sadd.s32 @!p0 s24, s9;
	s25 =	sadd.s32 s5, s25  }
0x185: {  	[hbm4b:s25+s2] =	stream.linear.scatter [tilespmem:s18], [sflag:$0x3], $0x200, $0x38;
	[tilespmem:$0x18600] =	vst v63  }
0x186: {  	s24 =	sshll.u32 @!p0 s24, $0x3;
	_ =	swait.ge [sflag:s11], $0x200  }
0x187: {  	s26 =	simm.s32 @!p0 $0x8000;
	s24 =	sand.u32 @!p0 $0x1FFFFF80, s24;
	[sflag:s11] =	ssyncset.done $0x0  }
0x188: {  	s25 =	simm.s32 @!p0 $0x0;
	s24 =	sadd.s32 @!p0 s3, s24;
	[sflag:s11] =	ssyncadd.s32 $0xFFFFFE00  }
0x189: {  	[tilespmem:s26], [sflag:$0x3] =	stream.linear.gather @!p0 [hbm4b:s24+s25], $0x200, $0x38;
	[tilespmem:$0x18600] =	vst v63  }
0x18a: {  	s24 =	simm.s32 @!p0 $0x3  }
0x18b: {  	_ =	swait.ge @!p0 [sflag:s24], $0x200  }
0x18c: {  	[sflag:s24] =	ssyncset.done @!p0 $0x0  }
0x18d: {  	s25 =	simm.s32 @!p0 $0x8400;
	[sflag:s24] =	ssyncadd.s32 @!p0 $0xFFFFFE00;
	s24 =	simm.s32 @!p0 $0x200  }
0x18e: {  	[tilespmem:s25], [sflag:$0x1] =	stream.indirect.gather @!p0 [hbm4b:s4+s24], $0x40, s26, s24, $0xb8;
	[tilespmem:$0x18600] =	vst v63  }
0x18f: {  	_ =	swait.ge [sflag:s19], $0x8000  }
0x190: {  	[sflag:s19] =	ssyncset.done $0x0  }
0x191: {  	s23 =	sadd.s32 $0x1, s23;
	s24 =	simm.s32 $0x0;
	[sflag:s19] =	ssyncadd.s32 $0xFFFF8000  }
.LBB2_5:
0x192: {  	s28 =	sshll.u32 s24, $0xC  }
0x193: {  	s30 =	sand.u32 $0x3FFFF000, s28  }
0x194: {  	v4 =	vld [tilespmem:s30+$0x10400]  }
0x195: {  	v5 =	vld [tilespmem:s30+$0x10410]  }
0x196: {  	v6 =	vld [tilespmem:s30+$0x10420]  }
0x197: {  	v7 =	vld [tilespmem:s30+$0x10430]  }
0x198: {  	v8 =	vld [tilespmem:s30+$0x10440]  }
0x199: {  	v9 =	vld [tilespmem:s30+$0x10450]  }
0x19a: {  	v10 =	vld [tilespmem:s30+$0x10460]  }
0x19b: {  	v11 =	vld [tilespmem:s30+$0x10470]  }
0x19c: {  	v12 =	vld [tilespmem:s30+$0x10480]  }
0x19d: {  	v13 =	vld [tilespmem:s30+$0x10490]  }
0x19e: {  	v14 =	vld [tilespmem:s30+$0x104A0]  }
0x19f: {  	v15 =	vld [tilespmem:s30+$0x104B0]  }
0x1a0: {  	v16 =	vld [tilespmem:s30+$0x104C0]  }
0x1a1: {  	v17 =	vld [tilespmem:s30+$0x104D0]  }
0x1a2: {  	v18 =	vld [tilespmem:s30+$0x104E0]  }
0x1a3: {  	v19 =	vld [tilespmem:s30+$0x104F0]  }
0x1a4: {  	v20 =	vld [tilespmem:s30+$0x10500]  }
0x1a5: {  	v21 =	vld [tilespmem:s30+$0x10510]  }
0x1a6: {  	v22 =	vld [tilespmem:s30+$0x10520]  }
0x1a7: {  	v23 =	vld [tilespmem:s30+$0x10530]  }
0x1a8: {  	v24 =	vld [tilespmem:s30+$0x10540]  }
0x1a9: {  	v25 =	vld [tilespmem:s30+$0x10550]  }
0x1aa: {  	s25 =	sadd.s32 s21, s24;
	v26 =	vld [tilespmem:s30+$0x10560]  }
0x1ab: {  	s25 =	sshll.u32 s25, $0x6;
	v27 =	vld [tilespmem:s30+$0x10570]  }
0x1ac: {  	s25 =	sand.u32 $0x3FFFFFC0, s25;
	v28 =	vld [tilespmem:s30+$0x10580]  }
0x1ad: {  	v3 =	vld [tilespmem:s25+$0x0]  }
0x1ae: {  	v2 =	vld [tilespmem:s25+$0x10]  }
0x1af: {  	v1 =	vld [tilespmem:s25+$0x20]  }
0x1b0: {  	v29 =	vld [tilespmem:s30+$0x10590]  }
0x1b1: {  	v0 =	vld [tilespmem:s25+$0x30]  }
0x1b2: {  	v30 =	vld [tilespmem:s30+$0x105A0]  }
0x1b3: {  	v31 =	vld [tilespmem:s30+$0x105B0];
	v4 =	vmul.f32 v4, v3;
	v5 =	vmul.f32 v5, v2  }
0x1b4: {  	v32 =	vld [tilespmem:s30+$0x105C0];
	v41 =	vmul.f32 v6, v1;
	v8 =	vmul.f32 v8, v3  }
0x1b5: {  	v33 =	vld [tilespmem:s30+$0x105D0];
	v9 =	vmul.f32 v9, v2;
	v43 =	vmul.f32 v12, v3  }
0x1b6: {  	v34 =	vld [tilespmem:s30+$0x105E0];
	v44 =	vmul.f32 v13, v2;
	v7 =	vmul.f32 v7, v0  }
0x1b7: {  	v35 =	vld [tilespmem:s30+$0x105F0];
	v45 =	vmul.f32 v10, v1;
	v11 =	vmul.f32 v11, v0  }
0x1b8: {  	v42 =	vld [tilespmem:s30+$0x10600];
	v46 =	vmul.f32 v14, v1;
	v47 =	vmul.f32 v16, v3  }
0x1b9: {  	v36 =	vld [tilespmem:s30+$0x10610];
	v48 =	vmul.f32 v17, v2;
	v49 =	vmul.f32 v15, v0  }
0x1ba: {  	v53 =	vld [tilespmem:s30+$0x10680];
	v50 =	vmul.f32 v18, v1;
	v51 =	vmul.f32 v20, v3  }
0x1bb: {  	v56 =	vld [tilespmem:s30+$0x10690];
	v52 =	vmul.f32 v21, v2;
	v54 =	vmul.f32 v24, v3  }
0x1bc: {  	v61 =	vld [tilespmem:s30+$0x106C0];
	v55 =	vmul.f32 v25, v2;
	v19 =	vmul.f32 v19, v0  }
0x1bd: {  	v63 =	vld [tilespmem:s30+$0x106D0];
	v57 =	vmul.f32 v22, v1;
	v23 =	vmul.f32 v23, v0  }
0x1be: {  	v38 =	vld [tilespmem:s30+$0x106E0];
	v58 =	vmul.f32 v26, v1;
	v59 =	vmul.f32 v28, v3  }
0x1bf: {  	v13 =	vld [tilespmem:s30+$0x10620];
	v60 =	vmul.f32 v29, v2;
	v62 =	vmul.f32 v27, v0  }
0x1c0: {  	v10 =	vld [tilespmem:s30+$0x10630];
	v37 =	vmul.f32 v30, v1;
	v39 =	vmul.f32 v32, v3  }
0x1c1: {  	v14 =	vld [tilespmem:s30+$0x10640];
	v40 =	vmul.f32 v33, v2;
	v6 =	vmul.f32 v42, v3  }
0x1c2: {  	v17 =	vld [tilespmem:s30+$0x10650];
	v42 =	vmul.f32 v36, v2;
	v4 =	vadd.f32 v5, v4;
	v8 =	vadd.f32 v9, v8  }
0x1c3: {  	v12 =	vld [tilespmem:s30+$0x10660];
	v20 =	vmul.f32 v63, v2;
	v5 =	vadd.f32 v44, v43;
	v9 =	vadd.f32 v48, v47  }
0x1c4: {  	v15 =	vld [tilespmem:s30+$0x10670];
	v16 =	vadd.f32 v60, v59;
	v44 =	vmul.f32 v31, v0;
	v6 =	vadd.f32 v42, v6  }
0x1c5: {  	v24 =	vld [tilespmem:s30+$0x106B0];
	v47 =	vmul.f32 v35, v0;
	v4 =	vadd.f32 v41, v4;
	v8 =	vadd.f32 v45, v8  }
0x1c6: {  	v22 =	vld [tilespmem:s30+$0x106A0];
	v5 =	vadd.f32 v46, v5;
	v9 =	vadd.f32 v50, v9;
	v45 =	vmul.f32 v34, v1  }
0x1c7: {  	v36 =	vld [tilespmem:s30+$0x107C0];
	v16 =	vadd.f32 v37, v16;
	v13 =	vmul.f32 v13, v1;
	v14 =	vmul.f32 v14, v3  }
0x1c8: {  	v43 =	vld [tilespmem:s30+$0x10700];
	v17 =	vmul.f32 v17, v2;
	v10 =	vmul.f32 v10, v0;
	v4 =	vadd.f32 v7, v4  }
0x1c9: {  	v48 =	vld [tilespmem:s30+$0x10720];
	v12 =	vmul.f32 v12, v1;
	v8 =	vadd.f32 v11, v8;
	v5 =	vadd.f32 v49, v5  }
0x1ca: {  	v59 =	vld [tilespmem:s30+$0x10780];
	v60 =	vmul.f32 v24, v0;
	v7 =	vadd.f32 v52, v51;
	v11 =	vadd.f32 v55, v54  }
0x1cb: {  	v41 =	vld [tilespmem:s30+$0x106F0];
	v9 =	vadd.f32 v19, v9;
	v19 =	vadd.f32 v40, v39;
	v52 =	vmul.f32 v53, v3  }
0x1cc: {  	v46 =	vld [tilespmem:s30+$0x10710];
	v16 =	vadd.f32 v44, v16;
	v53 =	vmul.f32 v56, v2;
	v55 =	vmul.f32 v61, v3  }
0x1cd: {  	v50 =	vld [tilespmem:s30+$0x10740];
	v61 =	vmul.f32 v38, v1;
	v6 =	vadd.f32 v13, v6;
	v14 =	vadd.f32 v17, v14  }
0x1ce: {  	v49 =	vld [tilespmem:s30+$0x10730];
	v30 =	vmul.f32 v43, v3;
	v38 =	vmul.f32 v48, v1;
	v7 =	vadd.f32 v57, v7  }
0x1cf: {  	v51 =	vld [tilespmem:s30+$0x10750];
	v43 =	vmul.f32 v59, v3;
	v11 =	vadd.f32 v58, v11;
	v19 =	vadd.f32 v45, v19  }
0x1d0: {  	v54 =	vld [tilespmem:s30+$0x10760];
	(xrf2) =	vadd.scan.msk.f32 $0xffff, v4;
	v57 =	vmul.f32 v15, v0;
	v6 =	vadd.f32 v10, v6;
	v12 =	vadd.f32 v12, v14  }
0x1d1: {  	v58 =	vmul.f32 v22, v1;
	v10 =	vadd.f32 v53, v52;
	(xrf2) =	vadd.scan.msk.f32 $0xffff, v8;
	v11 =	vadd.f32 v62, v11;
	v62 =	vld [tilespmem:s30+$0x10790]  }
0x1d2: {  	v56 =	vld [tilespmem:s30+$0x10770];
	v14 =	vadd.f32 v20, v55;
	v32 =	vmul.f32 v46, v2;
	v7 =	vadd.f32 v23, v7;
	(xrf2) =	vadd.scan.msk.f32 $0xffff, v5  }
0x1d3: {  	v33 =	vld [tilespmem:s30+$0x107A0];
	v35 =	vmul.f32 v41, v0;
	v40 =	vmul.f32 v50, v3;
	v19 =	vadd.f32 v47, v19;
	(xrf2) =	vadd.scan.msk.f32 $0xffff, v9  }
0x1d4: {  	v39 =	vld [tilespmem:s30+$0x107D0];
	v52 =	vmul.f32 v36, v3;
	v63 =	vadd.f32 v58, v10;
	v4 =	vadd.f32 v57, v12;
	(xrf2) =	vadd.scan.msk.f32 $0xffff, v7  }
0x1d5: {  	v42 =	vld [tilespmem:s30+$0x107B0];
	v34 =	vadd.f32 v61, v14;
	v41 =	vmul.f32 v51, v2;
	v46 =	vmul.f32 v49, v0;
	(xrf2) =	vadd.scan.msk.f32 $0xffff, v11  }
0x1d6: {  	v45 =	vld [tilespmem:s30+$0x107E0];
	v37 =	vadd.f32 v32, v30;
	v47 =	vmul.f32 v54, v1;
	(xrf2) =	vadd.scan.msk.f32 $0xffff, v16;
	v44 =	vmul.f32 v62, v2  }
0x1d7: {  	v48 =	vmul.f32 v56, v0;
	v5 =	vadd.f32 v60, v63;
	v11 =	vadd.f32 v41, v40;
	(xrf2) =	vadd.scan.msk.f32 $0xffff, v19  }
0x1d8: {  	v50 =	vld [tilespmem:s30+$0x107F0];
	v49 =	vmul.f32 v33, v1;
	v7 =	vadd.f32 v38, v37;
	(xrf2) =	vadd.scan.msk.f32 $0xffff, v6;
	v8 =	vadd.f32 v44, v43  }
0x1d9: {  	v10 =	vmul.f32 v39, v2;
	v9 =	vadd.f32 v35, v34;
	v51 =	vadd.f32 v47, v11;
	(xrf2) =	vadd.scan.msk.f32 $0xffff, v4  }
0x1da: {  	v56 =	vmul.f32 v42, v0;
	v54 =	vadd.f32 v46, v7;
	v53, _, _ =	vpop (xrf2);
	(xrf2) =	vadd.scan.msk.f32 $0xffff, v5;
	v55 =	vadd.f32 v49, v8  }
0x1db: {  	v58 =	vadd.f32 v10, v52;
	v59 =	vmul.f32 v45, v1;
	v4 =	vadd.f32 v48, v51;
	v57, _, _ =	vpop (xrf2);
	(xrf2) =	vadd.scan.msk.f32 $0xffff, v9  }
0x1dc: {  	v60 =	vbroadcast v53, $0xF;
	v61 =	vbroadcast v57, $0xF;
	v62, _, _ =	vpop (xrf2);
	(xrf2) =	vadd.scan.msk.f32 $0xffff, v54;
	v63 =	vadd.f32 v56, v55  }
0x1dd: {  	v16 =	vmul.f32 v50, v0;
	v15 =	vadd.f32 v59, v58;
	v13 =	vbroadcast v62, $0xF;
	v14, _, _ =	vpop (xrf2);
	(xrf2) =	vadd.scan.msk.f32 $0xffff, v4  }
0x1de: {  	v17 =	vsel vm0, v60, v61;
	v8 =	vbroadcast v14, $0xF;
	v18, _, _ =	vpop (xrf2);
	(xrf2) =	vadd.scan.msk.f32 $0xffff, v63  }
0x1df: {  	v4 =	vadd.f32 v16, v15;
	v19 =	vsel vm1, v17, v13;
	v20 =	vbroadcast v18, $0xF;
	v21, _, _ =	vpop (xrf2)  }
0x1e0: {  	v5 =	vsel vm2, v19, v8;
	v22 =	vbroadcast v21, $0xF;
	v23, _, _ =	vpop (xrf2)  }
0x1e1: {  	v5 =	vsel vm3, v5, v20;
	v24 =	vbroadcast v23, $0xF;
	v25, _, _ =	vpop (xrf2);
	(xrf2) =	vadd.scan.msk.f32 $0xffff, v4  }
0x1e2: {  	v26 =	vsel vm4, v5, v22;
	v27 =	vbroadcast v25, $0xF;
	v28, _, _ =	vpop (xrf2)  }
0x1e3: {  	v4 =	vsel vm5, v26, v24;
	v6 =	vbroadcast v28, $0xF;
	v29, _, _ =	vpop (xrf2)  }
0x1e4: {  	v4 =	vsel vm6, v4, v27;
	v30 =	vbroadcast v29, $0xF;
	v31, _, _ =	vpop (xrf2)  }
0x1e5: {  	v4 =	vsel vm7, v4, v6;
	v32 =	vbroadcast v31, $0xF;
	v33, _, _ =	vpop (xrf2)  }
0x1e6: {  	v4 =	vsel vm8, v4, v30;
	v34 =	vbroadcast v33, $0xF;
	v35, _, _ =	vpop (xrf2)  }
0x1e7: {  	v4 =	vsel vm9, v4, v32;
	v36 =	vbroadcast v35, $0xF;
	v37, _, _ =	vpop (xrf2)  }
0x1e8: {  	v4 =	vsel vm10, v4, v34;
	v38 =	vbroadcast v37, $0xF;
	v39, _, _ =	vpop (xrf2)  }
0x1e9: {  	v4 =	vsel vm11, v4, v36;
	v40 =	vbroadcast v39, $0xF  }
0x1ea: {  	v4 =	vsel vm12, v4, v38  }
0x1eb: {  	v41, _, _ =	vpop (xrf2);
	v4 =	vsel vm13, v4, v40  }
0x1ec: {  	s26 =	sshll.u32 s24, $0x6;
	s29 =	sor.u32 $0x400, s28;
	v4 =	vsel vm14, v4, v41  }
0x1ed: {  	s29 =	sand.u32 $0x3FFFF400, s29;
	[tilespmem:s26+$0x18400] =	vst v4  }
0x1ee: {  	v4 =	vld [tilespmem:s29+$0x10400]  }
0x1ef: {  	v42 =	vld [tilespmem:s29+$0x10410]  }
0x1f0: {  	v43 =	vld [tilespmem:s29+$0x10420]  }
0x1f1: {  	v7 =	vld [tilespmem:s29+$0x10430]  }
0x1f2: {  	v44 =	vld [tilespmem:s30+$0x10840]  }
0x1f3: {  	v45 =	vld [tilespmem:s30+$0x10850]  }
0x1f4: {  	v46 =	vld [tilespmem:s30+$0x10860]  }
0x1f5: {  	v47 =	vld [tilespmem:s30+$0x10870]  }
0x1f6: {  	v48 =	vld [tilespmem:s30+$0x10880]  }
0x1f7: {  	v49 =	vld [tilespmem:s30+$0x10890]  }
0x1f8: {  	v50 =	vld [tilespmem:s30+$0x108A0]  }
0x1f9: {  	v51 =	vld [tilespmem:s30+$0x108B0]  }
0x1fa: {  	v52 =	vld [tilespmem:s30+$0x108C0]  }
0x1fb: {  	v53 =	vld [tilespmem:s30+$0x108D0]  }
0x1fc: {  	v54 =	vld [tilespmem:s30+$0x108E0]  }
0x1fd: {  	v19 =	vld [tilespmem:s30+$0x108F0]  }
0x1fe: {  	v55 =	vld [tilespmem:s30+$0x10900]  }
0x1ff: {  	v56 =	vld [tilespmem:s30+$0x10910]  }
0x200: {  	v57 =	vld [tilespmem:s30+$0x10920]  }
0x201: {  	v58 =	vld [tilespmem:s30+$0x10930]  }
0x202: {  	v59 =	vld [tilespmem:s30+$0x10940]  }
0x203: {  	v60 =	vld [tilespmem:s30+$0x10950]  }
0x204: {  	v61 =	vld [tilespmem:s30+$0x10960]  }
0x205: {  	v27 =	vld [tilespmem:s30+$0x10970]  }
0x206: {  	v62 =	vld [tilespmem:s30+$0x10980]  }
0x207: {  	v63 =	vld [tilespmem:s30+$0x10990]  }
0x208: {  	v30 =	vld [tilespmem:s30+$0x109A0]  }
0x209: {  	v31 =	vld [tilespmem:s30+$0x109B0];
	v4 =	vmul.f32 v4, v3;
	v5 =	vmul.f32 v42, v2  }
0x20a: {  	v32 =	vld [tilespmem:s30+$0x109C0];
	v41 =	vmul.f32 v43, v1;
	v8 =	vmul.f32 v44, v3  }
0x20b: {  	v40 =	vld [tilespmem:s30+$0x109D0];
	v9 =	vmul.f32 v45, v2;
	v43 =	vmul.f32 v48, v3  }
0x20c: {  	v34 =	vld [tilespmem:s30+$0x109E0];
	v44 =	vmul.f32 v49, v2;
	v7 =	vmul.f32 v7, v0  }
0x20d: {  	v35 =	vld [tilespmem:s30+$0x109F0];
	v45 =	vmul.f32 v46, v1;
	v11 =	vmul.f32 v47, v0  }
0x20e: {  	v6 =	vld [tilespmem:s30+$0x10A00];
	v46 =	vmul.f32 v50, v1;
	v47 =	vmul.f32 v52, v3  }
0x20f: {  	v13 =	vld [tilespmem:s30+$0x10A20];
	v48 =	vmul.f32 v53, v2;
	v49 =	vmul.f32 v51, v0  }
0x210: {  	v10 =	vld [tilespmem:s30+$0x10A30];
	v50 =	vmul.f32 v54, v1;
	v51 =	vmul.f32 v55, v3  }
0x211: {  	v14 =	vld [tilespmem:s30+$0x10A40];
	v52 =	vmul.f32 v56, v2;
	v54 =	vmul.f32 v59, v3  }
0x212: {  	v17 =	vld [tilespmem:s30+$0x10A50];
	v55 =	vmul.f32 v60, v2;
	v19 =	vmul.f32 v19, v0  }
0x213: {  	v12 =	vld [tilespmem:s30+$0x10A60];
	v57 =	vmul.f32 v57, v1;
	v23 =	vmul.f32 v58, v0  }
0x214: {  	v15 =	vld [tilespmem:s30+$0x10A70];
	v58 =	vmul.f32 v61, v1;
	v59 =	vmul.f32 v62, v3  }
0x215: {  	v22 =	vld [tilespmem:s30+$0x10AA0];
	v60 =	vmul.f32 v63, v2;
	v62 =	vmul.f32 v27, v0  }
0x216: {  	v24 =	vld [tilespmem:s30+$0x10AB0];
	v37 =	vmul.f32 v30, v1;
	v39 =	vmul.f32 v32, v3  }
0x217: {  	v38 =	vld [tilespmem:s30+$0x10AE0];
	v40 =	vmul.f32 v40, v2;
	v6 =	vmul.f32 v6, v3  }
0x218: {  	v42 =	vld [tilespmem:s30+$0x10A10];
	v13 =	vmul.f32 v13, v1;
	v14 =	vmul.f32 v14, v3;
	v4 =	vadd.f32 v5, v4  }
0x219: {  	v53 =	vld [tilespmem:s30+$0x10A80];
	v17 =	vmul.f32 v17, v2;
	v8 =	vadd.f32 v9, v8;
	v5 =	vadd.f32 v44, v43  }
0x21a: {  	v56 =	vld [tilespmem:s30+$0x10A90];
	v10 =	vmul.f32 v10, v0;
	v9 =	vadd.f32 v48, v47;
	v16 =	vadd.f32 v60, v59  }
0x21b: {  	v61 =	vld [tilespmem:s30+$0x10AC0];
	v12 =	vmul.f32 v12, v1;
	v14 =	vadd.f32 v17, v14;
	v4 =	vadd.f32 v41, v4  }
0x21c: {  	v63 =	vld [tilespmem:s30+$0x10AD0];
	v44 =	vmul.f32 v31, v0;
	v8 =	vadd.f32 v45, v8;
	v5 =	vadd.f32 v46, v5  }
0x21d: {  	v43 =	vld [tilespmem:s30+$0x10B00];
	v47 =	vmul.f32 v35, v0;
	v9 =	vadd.f32 v50, v9;
	v16 =	vadd.f32 v37, v16  }
0x21e: {  	v48 =	vld [tilespmem:s30+$0x10B20];
	v60 =	vmul.f32 v24, v0;
	v12 =	vadd.f32 v12, v14;
	v4 =	vadd.f32 v7, v4  }
0x21f: {  	v59 =	vld [tilespmem:s30+$0x10B80];
	v45 =	vmul.f32 v34, v1;
	v8 =	vadd.f32 v11, v8;
	v5 =	vadd.f32 v49, v5  }
0x220: {  	v41 =	vld [tilespmem:s30+$0x10AF0];
	v42 =	vmul.f32 v42, v2;
	v7 =	vadd.f32 v52, v51;
	v11 =	vadd.f32 v55, v54  }
0x221: {  	v46 =	vld [tilespmem:s30+$0x10B10];
	v20 =	vmul.f32 v63, v2;
	v9 =	vadd.f32 v19, v9;
	v19 =	vadd.f32 v40, v39  }
0x222: {  	v50 =	vld [tilespmem:s30+$0x10B40];
	v16 =	vadd.f32 v44, v16;
	v52 =	vmul.f32 v53, v3;
	v53 =	vmul.f32 v56, v2  }
0x223: {  	v49 =	vld [tilespmem:s30+$0x10B30];
	v55 =	vmul.f32 v61, v3;
	v61 =	vmul.f32 v38, v1;
	v6 =	vadd.f32 v42, v6  }
0x224: {  	v51 =	vld [tilespmem:s30+$0x10B50];
	v30 =	vmul.f32 v43, v3;
	v38 =	vmul.f32 v48, v1;
	v7 =	vadd.f32 v57, v7  }
0x225: {  	v54 =	vld [tilespmem:s30+$0x10B60];
	v43 =	vmul.f32 v59, v3;
	v11 =	vadd.f32 v58, v11;
	v19 =	vadd.f32 v45, v19  }
0x226: {  	v56 =	vld [tilespmem:s30+$0x10B70];
	(xrf2) =	vadd.scan.msk.f32 $0xffff, v4;
	v57 =	vmul.f32 v15, v0;
	v58 =	vmul.f32 v22, v1;
	v14 =	vadd.f32 v20, v55  }
0x227: {  	v6 =	vadd.f32 v13, v6;
	(xrf2) =	vadd.scan.msk.f32 $0xffff, v8;
	v32 =	vmul.f32 v46, v2;
	v11 =	vadd.f32 v62, v11;
	v62 =	vld [tilespmem:s30+$0x10B90]  }
0x228: {  	v33 =	vld [tilespmem:s30+$0x10BA0];
	v35 =	vmul.f32 v41, v0;
	v7 =	vadd.f32 v23, v7;
	v19 =	vadd.f32 v47, v19;
	(xrf2) =	vadd.scan.msk.f32 $0xffff, v5  }
0x229: {  	v36 =	vld [tilespmem:s30+$0x10BC0];
	v40 =	vmul.f32 v50, v3;
	v4 =	vadd.f32 v57, v12;
	v34 =	vadd.f32 v61, v14;
	(xrf2) =	vadd.scan.msk.f32 $0xffff, v9  }
0x22a: {  	v39 =	vld [tilespmem:s30+$0x10BD0];
	v6 =	vadd.f32 v10, v6;
	v10 =	vadd.f32 v53, v52;
	v41 =	vmul.f32 v51, v2;
	(xrf2) =	vadd.scan.msk.f32 $0xffff, v7  }
0x22b: {  	v42 =	vld [tilespmem:s30+$0x10BB0];
	v37 =	vadd.f32 v32, v30;
	v46 =	vmul.f32 v49, v0;
	v47 =	vmul.f32 v54, v1;
	(xrf2) =	vadd.scan.msk.f32 $0xffff, v11  }
0x22c: {  	v45 =	vld [tilespmem:s30+$0x10BE0];
	v48 =	vmul.f32 v56, v0;
	v63 =	vadd.f32 v58, v10;
	(xrf2) =	vadd.scan.msk.f32 $0xffff, v16;
	v44 =	vmul.f32 v62, v2  }
0x22d: {  	v49 =	vmul.f32 v33, v1;
	v7 =	vadd.f32 v38, v37;
	v11 =	vadd.f32 v41, v40;
	(xrf2) =	vadd.scan.msk.f32 $0xffff, v19  }
0x22e: {  	v50 =	vld [tilespmem:s30+$0x10BF0];
	v52 =	vmul.f32 v36, v3;
	v5 =	vadd.f32 v60, v63;
	(xrf2) =	vadd.scan.msk.f32 $0xffff, v6;
	v8 =	vadd.f32 v44, v43  }
0x22f: {  	v9 =	vadd.f32 v35, v34;
	v10 =	vmul.f32 v39, v2;
	v51 =	vadd.f32 v47, v11;
	(xrf2) =	vadd.scan.msk.f32 $0xffff, v4  }
0x230: {  	v56 =	vmul.f32 v42, v0;
	v54 =	vadd.f32 v46, v7;
	v53, _, _ =	vpop (xrf2);
	(xrf2) =	vadd.scan.msk.f32 $0xffff, v5;
	v55 =	vadd.f32 v49, v8  }
0x231: {  	v59 =	vmul.f32 v45, v1;
	v58 =	vadd.f32 v10, v52;
	v4 =	vadd.f32 v48, v51;
	v57, _, _ =	vpop (xrf2);
	(xrf2) =	vadd.scan.msk.f32 $0xffff, v9  }
0x232: {  	v60 =	vbroadcast v53, $0xF;
	v61 =	vbroadcast v57, $0xF;
	v62, _, _ =	vpop (xrf2);
	(xrf2) =	vadd.scan.msk.f32 $0xffff, v54;
	v63 =	vadd.f32 v56, v55  }
0x233: {  	v16 =	vmul.f32 v50, v0;
	v15 =	vadd.f32 v59, v58;
	v13 =	vbroadcast v62, $0xF;
	v14, _, _ =	vpop (xrf2);
	(xrf2) =	vadd.scan.msk.f32 $0xffff, v4  }
0x234: {  	v17 =	vsel vm0, v60, v61;
	v8 =	vbroadcast v14, $0xF;
	v18, _, _ =	vpop (xrf2);
	(xrf2) =	vadd.scan.msk.f32 $0xffff, v63  }
0x235: {  	v4 =	vadd.f32 v16, v15;
	v19 =	vsel vm1, v17, v13;
	v20 =	vbroadcast v18, $0xF;
	v21, _, _ =	vpop (xrf2)  }
0x236: {  	v5 =	vsel vm2, v19, v8;
	v22 =	vbroadcast v21, $0xF;
	v23, _, _ =	vpop (xrf2)  }
0x237: {  	(xrf2) =	vadd.scan.msk.f32 $0xffff, v4;
	v5 =	vsel vm3, v5, v20;
	v24 =	vbroadcast v23, $0xF;
	v25, _, _ =	vpop (xrf2)  }
0x238: {  	v26 =	vsel vm4, v5, v22;
	v27 =	vbroadcast v25, $0xF;
	v28, _, _ =	vpop (xrf2)  }
0x239: {  	v4 =	vsel vm5, v26, v24;
	v6 =	vbroadcast v28, $0xF;
	v29, _, _ =	vpop (xrf2)  }
0x23a: {  	v4 =	vsel vm6, v4, v27;
	v30 =	vbroadcast v29, $0xF;
	v31, _, _ =	vpop (xrf2)  }
0x23b: {  	v4 =	vsel vm7, v4, v6;
	v32 =	vbroadcast v31, $0xF;
	v33, _, _ =	vpop (xrf2)  }
0x23c: {  	v4 =	vsel vm8, v4, v30;
	v34 =	vbroadcast v33, $0xF;
	v35, _, _ =	vpop (xrf2)  }
0x23d: {  	v4 =	vsel vm9, v4, v32;
	v36 =	vbroadcast v35, $0xF;
	v37, _, _ =	vpop (xrf2)  }
0x23e: {  	v4 =	vsel vm10, v4, v34;
	v38 =	vbroadcast v37, $0xF;
	v39, _, _ =	vpop (xrf2)  }
0x23f: {  	v4 =	vsel vm11, v4, v36;
	v40 =	vbroadcast v39, $0xF  }
0x240: {  	v4 =	vsel vm12, v4, v38  }
0x241: {  	v41, _, _ =	vpop (xrf2);
	v4 =	vsel vm13, v4, v40  }
0x242: {  	s31 =	sor.u32 $0x800, s28;
	v4 =	vsel vm14, v4, v41  }
0x243: {  	s29 =	sand.u32 $0x3FFFF800, s31;
	[tilespmem:s26+$0x18410] =	vst v4  }
0x244: {  	v4 =	vld [tilespmem:s29+$0x10400]  }
0x245: {  	v42 =	vld [tilespmem:s29+$0x10410]  }
0x246: {  	v43 =	vld [tilespmem:s29+$0x10420]  }
0x247: {  	v7 =	vld [tilespmem:s29+$0x10430]  }
0x248: {  	v44 =	vld [tilespmem:s30+$0x10C40]  }
0x249: {  	v45 =	vld [tilespmem:s30+$0x10C50]  }
0x24a: {  	v46 =	vld [tilespmem:s30+$0x10C60]  }
0x24b: {  	v47 =	vld [tilespmem:s30+$0x10C70]  }
0x24c: {  	v48 =	vld [tilespmem:s30+$0x10C80]  }
0x24d: {  	v49 =	vld [tilespmem:s30+$0x10C90]  }
0x24e: {  	v50 =	vld [tilespmem:s30+$0x10CA0]  }
0x24f: {  	v51 =	vld [tilespmem:s30+$0x10CB0]  }
0x250: {  	v52 =	vld [tilespmem:s30+$0x10CC0]  }
0x251: {  	v53 =	vld [tilespmem:s30+$0x10CD0]  }
0x252: {  	v54 =	vld [tilespmem:s30+$0x10CE0]  }
0x253: {  	v19 =	vld [tilespmem:s30+$0x10CF0]  }
0x254: {  	v55 =	vld [tilespmem:s30+$0x10D00]  }
0x255: {  	v56 =	vld [tilespmem:s30+$0x10D10]  }
0x256: {  	v57 =	vld [tilespmem:s30+$0x10D20]  }
0x257: {  	v58 =	vld [tilespmem:s30+$0x10D30]  }
0x258: {  	v59 =	vld [tilespmem:s30+$0x10D40]  }
0x259: {  	v60 =	vld [tilespmem:s30+$0x10D50]  }
0x25a: {  	v61 =	vld [tilespmem:s30+$0x10D60]  }
0x25b: {  	v27 =	vld [tilespmem:s30+$0x10D70]  }
0x25c: {  	v62 =	vld [tilespmem:s30+$0x10D80]  }
0x25d: {  	v63 =	vld [tilespmem:s30+$0x10D90]  }
0x25e: {  	v30 =	vld [tilespmem:s30+$0x10DA0]  }
0x25f: {  	v31 =	vld [tilespmem:s30+$0x10DB0];
	v4 =	vmul.f32 v4, v3;
	v5 =	vmul.f32 v42, v2  }
0x260: {  	v32 =	vld [tilespmem:s30+$0x10DC0];
	v41 =	vmul.f32 v43, v1;
	v8 =	vmul.f32 v44, v3  }
0x261: {  	v40 =	vld [tilespmem:s30+$0x10DD0];
	v9 =	vmul.f32 v45, v2;
	v43 =	vmul.f32 v48, v3  }
0x262: {  	v34 =	vld [tilespmem:s30+$0x10DE0];
	v44 =	vmul.f32 v49, v2;
	v7 =	vmul.f32 v7, v0  }
0x263: {  	v35 =	vld [tilespmem:s30+$0x10DF0];
	v45 =	vmul.f32 v46, v1;
	v11 =	vmul.f32 v47, v0  }
0x264: {  	v6 =	vld [tilespmem:s30+$0x10E00];
	v46 =	vmul.f32 v50, v1;
	v47 =	vmul.f32 v52, v3  }
0x265: {  	v13 =	vld [tilespmem:s30+$0x10E20];
	v48 =	vmul.f32 v53, v2;
	v49 =	vmul.f32 v51, v0  }
0x266: {  	v10 =	vld [tilespmem:s30+$0x10E30];
	v50 =	vmul.f32 v54, v1;
	v51 =	vmul.f32 v55, v3  }
0x267: {  	v14 =	vld [tilespmem:s30+$0x10E40];
	v52 =	vmul.f32 v56, v2;
	v54 =	vmul.f32 v59, v3  }
0x268: {  	v17 =	vld [tilespmem:s30+$0x10E50];
	v55 =	vmul.f32 v60, v2;
	v19 =	vmul.f32 v19, v0  }
0x269: {  	v12 =	vld [tilespmem:s30+$0x10E60];
	v57 =	vmul.f32 v57, v1;
	v23 =	vmul.f32 v58, v0  }
0x26a: {  	v15 =	vld [tilespmem:s30+$0x10E70];
	v58 =	vmul.f32 v61, v1;
	v59 =	vmul.f32 v62, v3  }
0x26b: {  	v22 =	vld [tilespmem:s30+$0x10EA0];
	v60 =	vmul.f32 v63, v2;
	v62 =	vmul.f32 v27, v0  }
0x26c: {  	v24 =	vld [tilespmem:s30+$0x10EB0];
	v37 =	vmul.f32 v30, v1;
	v39 =	vmul.f32 v32, v3  }
0x26d: {  	v38 =	vld [tilespmem:s30+$0x10EE0];
	v40 =	vmul.f32 v40, v2;
	v6 =	vmul.f32 v6, v3  }
0x26e: {  	v42 =	vld [tilespmem:s30+$0x10E10];
	v13 =	vmul.f32 v13, v1;
	v14 =	vmul.f32 v14, v3;
	v4 =	vadd.f32 v5, v4  }
0x26f: {  	v53 =	vld [tilespmem:s30+$0x10E80];
	v17 =	vmul.f32 v17, v2;
	v8 =	vadd.f32 v9, v8;
	v5 =	vadd.f32 v44, v43  }
0x270: {  	v56 =	vld [tilespmem:s30+$0x10E90];
	v10 =	vmul.f32 v10, v0;
	v9 =	vadd.f32 v48, v47;
	v16 =	vadd.f32 v60, v59  }
0x271: {  	v61 =	vld [tilespmem:s30+$0x10EC0];
	v12 =	vmul.f32 v12, v1;
	v14 =	vadd.f32 v17, v14;
	v4 =	vadd.f32 v41, v4  }
0x272: {  	v63 =	vld [tilespmem:s30+$0x10ED0];
	v44 =	vmul.f32 v31, v0;
	v8 =	vadd.f32 v45, v8;
	v5 =	vadd.f32 v46, v5  }
0x273: {  	v43 =	vld [tilespmem:s30+$0x10F00];
	v47 =	vmul.f32 v35, v0;
	v9 =	vadd.f32 v50, v9;
	v16 =	vadd.f32 v37, v16  }
0x274: {  	v48 =	vld [tilespmem:s30+$0x10F20];
	v60 =	vmul.f32 v24, v0;
	v12 =	vadd.f32 v12, v14;
	v4 =	vadd.f32 v7, v4  }
0x275: {  	v59 =	vld [tilespmem:s30+$0x10F80];
	v45 =	vmul.f32 v34, v1;
	v8 =	vadd.f32 v11, v8;
	v5 =	vadd.f32 v49, v5  }
0x276: {  	v31 =	vld [tilespmem:s30+$0x10FA0];
	v42 =	vmul.f32 v42, v2;
	v7 =	vadd.f32 v52, v51;
	v11 =	vadd.f32 v55, v54  }
0x277: {  	v41 =	vld [tilespmem:s30+$0x10EF0];
	v20 =	vmul.f32 v63, v2;
	v9 =	vadd.f32 v19, v9;
	v19 =	vadd.f32 v40, v39  }
0x278: {  	v46 =	vld [tilespmem:s30+$0x10F10];
	v16 =	vadd.f32 v44, v16;
	v52 =	vmul.f32 v53, v3;
	v53 =	vmul.f32 v56, v2  }
0x279: {  	v50 =	vld [tilespmem:s30+$0x10F40];
	v55 =	vmul.f32 v61, v3;
	v61 =	vmul.f32 v38, v1;
	v6 =	vadd.f32 v42, v6  }
0x27a: {  	v34 =	vld [tilespmem:s30+$0x10FC0];
	v29 =	vmul.f32 v43, v3;
	v36 =	vmul.f32 v48, v1;
	v7 =	vadd.f32 v57, v7  }
0x27b: {  	v49 =	vld [tilespmem:s30+$0x10F30];
	v11 =	vadd.f32 v58, v11;
	v19 =	vadd.f32 v45, v19;
	v57 =	vmul.f32 v15, v0  }
0x27c: {  	v51 =	vld [tilespmem:s30+$0x10F50];
	(xrf2) =	vadd.scan.msk.f32 $0xffff, v4;
	v58 =	vmul.f32 v22, v1;
	v14 =	vadd.f32 v20, v55;
	v6 =	vadd.f32 v13, v6  }
0x27d: {  	(xrf2) =	vadd.scan.msk.f32 $0xffff, v8;
	v30 =	vmul.f32 v46, v2;
	v33 =	vmul.f32 v41, v0;
	v11 =	vadd.f32 v62, v11;
	v62 =	vld [tilespmem:s30+$0x10F90]  }
0x27e: {  	v54 =	vld [tilespmem:s30+$0x10F60];
	v38 =	vmul.f32 v50, v3;
	v7 =	vadd.f32 v23, v7;
	v19 =	vadd.f32 v47, v19;
	(xrf2) =	vadd.scan.msk.f32 $0xffff, v5  }
0x27f: {  	v56 =	vld [tilespmem:s30+$0x10F70];
	v41 =	vmul.f32 v59, v3;
	v4 =	vadd.f32 v57, v12;
	v32 =	vadd.f32 v61, v14;
	(xrf2) =	vadd.scan.msk.f32 $0xffff, v9  }
0x280: {  	v37 =	vld [tilespmem:s30+$0x10FD0];
	v50 =	vmul.f32 v34, v3;
	v6 =	vadd.f32 v10, v6;
	v10 =	vadd.f32 v53, v52;
	(xrf2) =	vadd.scan.msk.f32 $0xffff, v7  }
0x281: {  	v40 =	vld [tilespmem:s30+$0x10FB0];
	v47 =	vmul.f32 v31, v1;
	v35 =	vadd.f32 v30, v29;
	v39 =	vmul.f32 v51, v2;
	(xrf2) =	vadd.scan.msk.f32 $0xffff, v11  }
0x282: {  	v43 =	vld [tilespmem:s30+$0x10FE0];
	v44 =	vmul.f32 v49, v0;
	v63 =	vadd.f32 v58, v10;
	(xrf2) =	vadd.scan.msk.f32 $0xffff, v16;
	v42 =	vmul.f32 v62, v2  }
0x283: {  	v45 =	vmul.f32 v54, v1;
	v7 =	vadd.f32 v36, v35;
	v11 =	vadd.f32 v39, v38;
	(xrf2) =	vadd.scan.msk.f32 $0xffff, v19  }
0x284: {  	v48 =	vld [tilespmem:s30+$0x10FF0];
	v46 =	vmul.f32 v56, v0;
	v5 =	vadd.f32 v60, v63;
	(xrf2) =	vadd.scan.msk.f32 $0xffff, v6;
	v8 =	vadd.f32 v42, v41  }
0x285: {  	v9 =	vadd.f32 v33, v32;
	v10 =	vmul.f32 v37, v2;
	v49 =	vadd.f32 v45, v11;
	(xrf2) =	vadd.scan.msk.f32 $0xffff, v4  }
0x286: {  	v54 =	vmul.f32 v40, v0;
	v52 =	vadd.f32 v44, v7;
	v51, _, _ =	vpop (xrf2);
	(xrf2) =	vadd.scan.msk.f32 $0xffff, v5;
	v53 =	vadd.f32 v47, v8  }
0x287: {  	v57 =	vmul.f32 v43, v1;
	v56 =	vadd.f32 v10, v50;
	v4 =	vadd.f32 v46, v49;
	v55, _, _ =	vpop (xrf2);
	(xrf2) =	vadd.scan.msk.f32 $0xffff, v9  }
0x288: {  	v58 =	vbroadcast v51, $0xF;
	v59 =	vbroadcast v55, $0xF;
	v60, _, _ =	vpop (xrf2);
	(xrf2) =	vadd.scan.msk.f32 $0xffff, v52;
	v61 =	vadd.f32 v54, v53  }
0x289: {  	v13 =	vmul.f32 v48, v0;
	v12 =	vadd.f32 v57, v56;
	v62 =	vbroadcast v60, $0xF;
	v63, _, _ =	vpop (xrf2);
	(xrf2) =	vadd.scan.msk.f32 $0xffff, v4  }
0x28a: {  	v14 =	vsel vm0, v58, v59;
	v8 =	vbroadcast v63, $0xF;
	v15, _, _ =	vpop (xrf2);
	(xrf2) =	vadd.scan.msk.f32 $0xffff, v61  }
0x28b: {  	v4 =	vadd.f32 v13, v12;
	v16 =	vsel vm1, v14, v62;
	v17 =	vbroadcast v15, $0xF;
	v18, _, _ =	vpop (xrf2)  }
0x28c: {  	v5 =	vsel vm2, v16, v8;
	v19 =	vbroadcast v18, $0xF;
	v20, _, _ =	vpop (xrf2)  }
0x28d: {  	v5 =	vsel vm3, v5, v17;
	v21 =	vbroadcast v20, $0xF;
	v22, _, _ =	vpop (xrf2);
	(xrf2) =	vadd.scan.msk.f32 $0xffff, v4  }
0x28e: {  	v23 =	vsel vm4, v5, v19;
	v24 =	vbroadcast v22, $0xF;
	v25, _, _ =	vpop (xrf2)  }
0x28f: {  	v4 =	vsel vm5, v23, v21;
	v6 =	vbroadcast v25, $0xF;
	v26, _, _ =	vpop (xrf2)  }
0x290: {  	v4 =	vsel vm6, v4, v24;
	v27 =	vbroadcast v26, $0xF;
	v28, _, _ =	vpop (xrf2)  }
0x291: {  	v4 =	vsel vm7, v4, v6;
	v29 =	vbroadcast v28, $0xF;
	v30, _, _ =	vpop (xrf2)  }
0x292: {  	v4 =	vsel vm8, v4, v27;
	v31 =	vbroadcast v30, $0xF;
	v32, _, _ =	vpop (xrf2)  }
0x293: {  	v4 =	vsel vm9, v4, v29;
	v33 =	vbroadcast v32, $0xF;
	v34, _, _ =	vpop (xrf2)  }
0x294: {  	v4 =	vsel vm10, v4, v31;
	v35 =	vbroadcast v34, $0xF;
	v36, _, _ =	vpop (xrf2)  }
0x295: {  	v4 =	vsel vm11, v4, v33;
	v37 =	vbroadcast v36, $0xF  }
0x296: {  	v4 =	vsel vm12, v4, v35  }
0x297: {  	v38, _, _ =	vpop (xrf2);
	v4 =	vsel vm13, v4, v37  }
0x298: {  	s28 =	sor.u32 $0xC00, s28;
	v4 =	vsel vm14, v4, v38  }
0x299: {  	s28 =	sand.u32 $0x3FFFFC00, s28;
	[tilespmem:s26+$0x18420] =	vst v4  }
0x29a: {  	v4 =	vld [tilespmem:s28+$0x10400]  }
0x29b: {  	v39 =	vld [tilespmem:s28+$0x10410]  }
0x29c: {  	v57 =	vld [tilespmem:s28+$0x10420]  }
0x29d: {  	v7 =	vld [tilespmem:s28+$0x10430]  }
0x29e: {  	v58 =	vld [tilespmem:s30+$0x11040]  }
0x29f: {  	v59 =	vld [tilespmem:s30+$0x11050]  }
0x2a0: {  	v60 =	vld [tilespmem:s30+$0x11060]  }
0x2a1: {  	v11 =	vld [tilespmem:s30+$0x11070]  }
0x2a2: {  	v61 =	vld [tilespmem:s30+$0x11080]  }
0x2a3: {  	v62 =	vld [tilespmem:s30+$0x11090]  }
0x2a4: {  	v63 =	vld [tilespmem:s30+$0x110A0]  }
0x2a5: {  	v40 =	vld [tilespmem:s30+$0x110B0]  }
0x2a6: {  	v41 =	vld [tilespmem:s30+$0x110C0]  }
0x2a7: {  	v42 =	vld [tilespmem:s30+$0x110D0]  }
0x2a8: {  	v43 =	vld [tilespmem:s30+$0x110E0]  }
0x2a9: {  	v19 =	vld [tilespmem:s30+$0x110F0]  }
0x2aa: {  	v44 =	vld [tilespmem:s30+$0x11100]  }
0x2ab: {  	v45 =	vld [tilespmem:s30+$0x11110]  }
0x2ac: {  	v46 =	vld [tilespmem:s30+$0x11120]  }
0x2ad: {  	v47 =	vld [tilespmem:s30+$0x11130]  }
0x2ae: {  	v48 =	vld [tilespmem:s30+$0x11140]  }
0x2af: {  	v49 =	vld [tilespmem:s30+$0x11150]  }
0x2b0: {  	v50 =	vld [tilespmem:s30+$0x11160]  }
0x2b1: {  	v51 =	vld [tilespmem:s30+$0x11170]  }
0x2b2: {  	v52 =	vld [tilespmem:s30+$0x11180]  }
0x2b3: {  	v53 =	vld [tilespmem:s30+$0x11190]  }
0x2b4: {  	v54 =	vld [tilespmem:s30+$0x111A0];
	v4 =	vmul.f32 v4, v3  }
0x2b5: {  	v31 =	vld [tilespmem:s30+$0x111B0];
	v5 =	vmul.f32 v39, v2;
	v57 =	vmul.f32 v57, v1  }
0x2b6: {  	v55 =	vld [tilespmem:s30+$0x111C0];
	v8 =	vmul.f32 v58, v3;
	v9 =	vmul.f32 v59, v2  }
0x2b7: {  	v56 =	vld [tilespmem:s30+$0x111D0];
	v58 =	vmul.f32 v61, v3;
	v59 =	vmul.f32 v62, v2  }
0x2b8: {  	v34 =	vld [tilespmem:s30+$0x111E0];
	v7 =	vmul.f32 v7, v0;
	v60 =	vmul.f32 v60, v1  }
0x2b9: {  	v35 =	vld [tilespmem:s30+$0x111F0];
	v11 =	vmul.f32 v11, v0;
	v61 =	vmul.f32 v63, v1  }
0x2ba: {  	v6 =	vld [tilespmem:s30+$0x11200];
	v62 =	vmul.f32 v41, v3;
	v63 =	vmul.f32 v42, v2  }
0x2bb: {  	v36 =	vld [tilespmem:s30+$0x11210];
	v37 =	vmul.f32 v40, v0;
	v38 =	vmul.f32 v43, v1  }
0x2bc: {  	v13 =	vld [tilespmem:s30+$0x11220];
	v39 =	vmul.f32 v44, v3;
	v40 =	vmul.f32 v45, v2  }
0x2bd: {  	v10 =	vld [tilespmem:s30+$0x11230];
	v42 =	vmul.f32 v48, v3;
	v43 =	vmul.f32 v49, v2  }
0x2be: {  	v14 =	vld [tilespmem:s30+$0x11240];
	v19 =	vmul.f32 v19, v0;
	v45 =	vmul.f32 v46, v1  }
0x2bf: {  	v17 =	vld [tilespmem:s30+$0x11250];
	v23 =	vmul.f32 v47, v0;
	v47 =	vmul.f32 v50, v1  }
0x2c0: {  	v12 =	vld [tilespmem:s30+$0x11260];
	v48 =	vmul.f32 v52, v3;
	v49 =	vmul.f32 v53, v2  }
0x2c1: {  	v15 =	vld [tilespmem:s30+$0x11270];
	v51 =	vmul.f32 v51, v0;
	v53 =	vmul.f32 v54, v1  }
0x2c2: {  	v24 =	vld [tilespmem:s30+$0x112B0];
	v55 =	vmul.f32 v55, v3;
	v56 =	vmul.f32 v56, v2  }
0x2c3: {  	v41 =	vld [tilespmem:s30+$0x11280];
	v6 =	vmul.f32 v6, v3;
	v13 =	vmul.f32 v13, v1  }
0x2c4: {  	v44 =	vld [tilespmem:s30+$0x11290];
	v14 =	vmul.f32 v14, v3;
	v17 =	vmul.f32 v17, v2  }
0x2c5: {  	v46 =	vld [tilespmem:s30+$0x112A0];
	v10 =	vmul.f32 v10, v0;
	v4 =	vadd.f32 v5, v4;
	v8 =	vadd.f32 v9, v8  }
0x2c6: {  	v50 =	vld [tilespmem:s30+$0x112C0];
	v12 =	vmul.f32 v12, v1;
	v5 =	vadd.f32 v59, v58;
	v9 =	vadd.f32 v63, v62  }
0x2c7: {  	v52 =	vld [tilespmem:s30+$0x112D0];
	v16 =	vadd.f32 v49, v48;
	v58 =	vmul.f32 v36, v2;
	v14 =	vadd.f32 v17, v14  }
0x2c8: {  	v54 =	vld [tilespmem:s30+$0x112E0];
	v63 =	vmul.f32 v35, v0;
	v4 =	vadd.f32 v57, v4;
	v8 =	vadd.f32 v60, v8  }
0x2c9: {  	v59 =	vld [tilespmem:s30+$0x11300];
	v48 =	vmul.f32 v24, v0;
	v5 =	vadd.f32 v61, v5;
	v9 =	vadd.f32 v38, v9  }
0x2ca: {  	v62 =	vld [tilespmem:s30+$0x11310];
	v16 =	vadd.f32 v53, v16;
	v60 =	vmul.f32 v31, v0;
	v6 =	vadd.f32 v58, v6  }
0x2cb: {  	v36 =	vld [tilespmem:s30+$0x11320];
	v61 =	vmul.f32 v34, v1;
	v12 =	vadd.f32 v12, v14;
	v4 =	vadd.f32 v7, v4  }
0x2cc: {  	v57 =	vld [tilespmem:s30+$0x112F0];
	v20 =	vmul.f32 v52, v2;
	v8 =	vadd.f32 v11, v8;
	v5 =	vadd.f32 v37, v5  }
0x2cd: {  	v38 =	vld [tilespmem:s30+$0x11340];
	v46 =	vmul.f32 v46, v1;
	v7 =	vadd.f32 v40, v39;
	v11 =	vadd.f32 v43, v42  }
0x2ce: {  	v49 =	vmul.f32 v54, v1;
	v54 =	vld [tilespmem:s30+$0x113A0];
	v9 =	vadd.f32 v19, v9;
	v19 =	vadd.f32 v56, v55  }
0x2cf: {  	v37 =	vld [tilespmem:s30+$0x11330];
	v16 =	vadd.f32 v60, v16;
	v40 =	vmul.f32 v41, v3;
	v41 =	vmul.f32 v44, v2  }
0x2d0: {  	v6 =	vadd.f32 v13, v6;
	v39 =	vld [tilespmem:s30+$0x11350];
	v43 =	vmul.f32 v50, v3;
	v52 =	vmul.f32 v59, v3  }
0x2d1: {  	v42 =	vld [tilespmem:s30+$0x11360];
	v53 =	vmul.f32 v62, v2;
	v7 =	vadd.f32 v45, v7;
	v11 =	vadd.f32 v47, v11  }
0x2d2: {  	v50 =	vld [tilespmem:s30+$0x11390];
	v59 =	vmul.f32 v36, v1;
	v19 =	vadd.f32 v61, v19;
	v6 =	vadd.f32 v10, v6;
	(xrf2) =	vadd.scan.msk.f32 $0xffff, v4  }
0x2d3: {  	v45 =	vmul.f32 v15, v0;
	v10 =	vadd.f32 v41, v40;
	v47 =	vld [tilespmem:s30+$0x11380];
	v14 =	vadd.f32 v20, v43;
	(xrf2) =	vadd.scan.msk.f32 $0xffff, v8  }
0x2d4: {  	v44 =	vld [tilespmem:s30+$0x11370];
	v56 =	vmul.f32 v57, v0;
	v58 =	vadd.f32 v53, v52;
	v7 =	vadd.f32 v23, v7;
	(xrf2) =	vadd.scan.msk.f32 $0xffff, v5  }
0x2d5: {  	v60 =	vld [tilespmem:s30+$0x113D0];
	v61 =	vmul.f32 v38, v3;
	v11 =	vadd.f32 v51, v11;
	v19 =	vadd.f32 v63, v19;
	(xrf2) =	vadd.scan.msk.f32 $0xffff, v9  }
0x2d6: {  	v57 =	vld [tilespmem:s30+$0x113C0];
	v51 =	vadd.f32 v46, v10;
	v30 =	vmul.f32 v54, v1;
	v62 =	vmul.f32 v39, v2;
	(xrf2) =	vadd.scan.msk.f32 $0xffff, v7  }
0x2d7: {  	v4 =	vadd.f32 v45, v12;
	v63 =	vld [tilespmem:s30+$0x113B0];
	v23 =	vmul.f32 v50, v2;
	v27 =	vmul.f32 v37, v0;
	(xrf2) =	vadd.scan.msk.f32 $0xffff, v11  }
0x2d8: {  	v25 =	vld [tilespmem:s30+$0x113E0];
	v55 =	vadd.f32 v49, v14;
	v28 =	vmul.f32 v42, v1;
	v20 =	vmul.f32 v47, v3;
	(xrf2) =	vadd.scan.msk.f32 $0xffff, v16  }
0x2d9: {  	v33 =	vmul.f32 v44, v0;
	v5 =	vadd.f32 v48, v51;
	v11 =	vadd.f32 v62, v61;
	(xrf2) =	vadd.scan.msk.f32 $0xffff, v19  }
0x2da: {  	v31 =	vld [tilespmem:s30+$0x113F0];
	v2 =	vmul.f32 v60, v2;
	v7 =	vadd.f32 v59, v58;
	v29 =	vadd.f32 v23, v20;
	(xrf2) =	vadd.scan.msk.f32 $0xffff, v6  }
0x2db: {  	v9 =	vadd.f32 v56, v55;
	v3 =	vmul.f32 v57, v3;
	v32 =	vadd.f32 v28, v11;
	(xrf2) =	vadd.scan.msk.f32 $0xffff, v4  }
0x2dc: {  	v35 =	vadd.f32 v27, v7;
	v36 =	vmul.f32 v63, v0;
	v6 =	vadd.f32 v30, v29;
	v34, _, _ =	vpop (xrf2);
	(xrf2) =	vadd.scan.msk.f32 $0xffff, v5  }
0x2dd: {  	v1 =	vmul.f32 v25, v1;
	v2 =	vadd.f32 v2, v3;
	v4 =	vadd.f32 v33, v32;
	v37, _, _ =	vpop (xrf2);
	(xrf2) =	vadd.scan.msk.f32 $0xffff, v9  }
0x2de: {  	v39 =	vbroadcast v34, $0xF;
	v6 =	vadd.f32 v36, v6;
	v38, _, _ =	vpop (xrf2);
	(xrf2) =	vadd.scan.msk.f32 $0xffff, v35;
	v8 =	vbroadcast v37, $0xF  }
0x2df: {  	v0 =	vmul.f32 v31, v0;
	v1 =	vadd.f32 v1, v2;
	v40, _, _ =	vpop (xrf2);
	(xrf2) =	vadd.scan.msk.f32 $0xffff, v4;
	v41 =	vbroadcast v38, $0xF  }
0x2e0: {  	v42 =	vsel vm0, v39, v8;
	v43 =	vbroadcast v40, $0xF;
	v44, _, _ =	vpop (xrf2);
	(xrf2) =	vadd.scan.msk.f32 $0xffff, v6  }
0x2e1: {  	v0 =	vadd.f32 v0, v1;
	v45, _, _ =	vpop (xrf2);
	v2 =	vsel vm1, v42, v41;
	v46 =	vbroadcast v44, $0xF  }
0x2e2: {  	v47, _, _ =	vpop (xrf2);
	v2 =	vsel vm2, v2, v43;
	v48 =	vbroadcast v45, $0xF  }
0x2e3: {  	(xrf2) =	vadd.scan.msk.f32 $0xffff, v0;
	v2 =	vsel vm3, v2, v46;
	v1 =	vbroadcast v47, $0xF;
	v49, _, _ =	vpop (xrf2)  }
0x2e4: {  	v50, _, _ =	vpop (xrf2);
	v2 =	vsel vm4, v2, v48;
	v3 =	vbroadcast v49, $0xF  }
0x2e5: {  	v51, _, _ =	vpop (xrf2);
	v1 =	vsel vm5, v2, v1;
	v0 =	vbroadcast v50, $0xF  }
0x2e6: {  	v52, _, _ =	vpop (xrf2);
	v1 =	vsel vm6, v1, v3;
	v53 =	vbroadcast v51, $0xF  }
0x2e7: {  	v54, _, _ =	vpop (xrf2);
	v0 =	vsel vm7, v1, v0;
	v55 =	vbroadcast v52, $0xF  }
0x2e8: {  	v56, _, _ =	vpop (xrf2);
	v0 =	vsel vm8, v0, v53;
	v57 =	vbroadcast v54, $0xF  }
0x2e9: {  	v58, _, _ =	vpop (xrf2);
	v0 =	vsel vm9, v0, v55;
	v59 =	vbroadcast v56, $0xF  }
0x2ea: {  	p0 =	sne.s32 s24, $0x7;
	v60, _, _ =	vpop (xrf2);
	v0 =	vsel vm10, v0, v57;
	v61 =	vbroadcast v58, $0xF  }
.Ltmp1:
0x2eb: {  	v0 =	vsel vm11, v0, v59;
	v62 =	vbroadcast v60, $0xF;
	(pc) =	sbr.rel @p0 .LBB2_5-.Ltmp1, $4  }
0x2ec: {  	v0 =	vsel vm12, v0, v61  }
0x2ed: {  	v63, _, _ =	vpop (xrf2);
	v0 =	vsel vm13, v0, v62  }
0x2ee: {  	v0 =	vsel vm14, v0, v63  }
0x2ef: {  	s24 =	sadd.s32 $0x1, s24;
	[tilespmem:s26+$0x18430] =	vst v0  }
0x2f0: {  	p0 =	sne.s32 s23, $0x20  }
.Ltmp2:
0x2f1: {  	s21 =	sadd.s32 s5, s22;
	(pc) =	sbr.rel @p0 .LBB2_2-.Ltmp2, $4  }
0x2f2: {  	[hbm4b:s21+s2] =	stream.linear.scatter [tilespmem:s18], [sflag:$0x3], $0x200, $0x38;
	[tilespmem:$0x18600] =	vst v63  }
0x2f3: {  	_ =	swait.ge [sflag:s11], $0x200  }
0x2f4: {  	[sflag:s11] =	ssyncset.done $0x0  }
0x2f5: {  	[sflag:s11] =	ssyncadd.s32 $0xFFFFFE00  }
0x2f6: {  	s20 =	sadd.s32 $0x1, s20  }
0x2f7: {  	p0 =	sne.s32 s20, s10  }
.Ltmp3:
0x2f8: {  	_ = 	snop;
	(pc) =	sbr.rel @p0 .LBB2_1-.Ltmp3, $1  }
0x2f9: {  	_ =	sdelay $0x3  }
0x2fa: {  	_ =	sfence.sel $0x180000  }
0x2fb: {  	[bflag:$0x0] =	sbarrier.arrive $0xFFFF  }
0x2fc: {  	p0 =	sne.s32 s1, $0x0;
	_ =	strace $0x9000004A  }
0x2fd: {  	s0 =	sadd.s32 @!p0 $0x100000, s0;
	[bflag:$0x2] =	sbarrier.arrive $0xFFFF  }
0x2fe: {  	[sflag:s0] =	ssyncadd.tile.s32 @!p0 $0x1;
	_ =	shalt  }
.Lfunc_end2:
_tile_overlayer_lowered:
.L_overlay_start_2:
0x2ff: {  	(tag) =	ssettag $0x2  }
0x300: {  	s0 =	rddreg [dreg:$0x0];
	s2 =	stileid.u32  }
0x301: {  	s1 =	rddreg [dreg:$0x1];
	p0 =	sne.s32 s2, $0x0  }
0x302: {  	s3 =	rddreg [dreg:$0x2];
	[bflag:$0x3] =	sbarrier.arrive $0xFFFF;
	s2 =	simm.s32 @!p0 $0x1C03  }
0x303: {  	[timem:s3], [sflag:s2] =	dma.local @!p0 [hbm:s0], s1  }
0x304: {  	s0 =	simm.s32 @!p0 $0x3  }
0x305: {  	_ =	swait.ge @!p0 [sflag:s0], s1  }
0x306: {  	s1 =	ssub.s32 @!p0 $0x0, s1;
	[sflag:s0] =	ssyncset.done @!p0 $0x0  }
0x307: {  	[sflag:s0] =	ssyncadd.s32 @!p0 s1  }
0x308: {  	[bflag:$0x3] =	sbarrier.arrive $0xFFFF  }
0x309: {  	_ =	shalt  }

</sc_bundles>
